<compile_context>
chip_gen: v7x
topology: tpu7x:2x2x1
jax: 0.10.2.dev20260603
libtpu: 0.0.44.dev20260713+nightly
codegen_flags: <defaults>
</compile_context>

<pallas_src>
import functools

import jax
import jax.numpy as jnp
import numpy as np
from jax import lax
from jax.experimental import pallas as pl
from jax.experimental.pallas import tpu as pltpu
from jax.experimental.pallas import tpu_sc as plsc

_FIELD_DIMS = [100000] * 26
_OFF = np.concatenate([[0], np.cumsum(_FIELD_DIMS)[:-1]]).astype(np.int32)
_B, _F, _E = 16384, 26, 16
_V = int(sum(_FIELD_DIMS))
_NC, _NS = 2, 16
_NW = _NC * _NS
_BPW = _B // _NW
_CB = 128
_NCHUNK = _BPW // _CB

_W = 1024
_VMAIN = (_V // _W) * _W
_NDCHUNK = _VMAIN // _W
_DPW = -(-_NDCHUNK // _NW)
_NBUF = 3
_DTRIP = -(-_DPW // _NBUF)
_TAIL = _V - _VMAIN


@functools.partial(
    pl.kernel,
    out_type=jax.ShapeDtypeStruct((_V * _E // 2,), jnp.int32),
    mesh=plsc.VectorSubcoreMesh(core_axis_name="c", subcore_axis_name="s"),
    compiler_params=pltpu.CompilerParams(
        use_tc_tiling_on_sc=True, needs_layout_passes=False),
    scratch_types=(
        [pltpu.VMEM((_E, _W), jnp.float32)] * _NBUF
        + [pltpu.VMEM((_W * _E // 2,), jnp.int32)] * _NBUF
        + [pltpu.SemaphoreType.DMA] * (2 * _NBUF)
    ),
)
def _detile_sc(emb_t, tail_lin, out_hbm, *bufs):
    wid = lax.axis_index("s") * _NC + lax.axis_index("c")
    chunks = bufs[:_NBUF]
    rows = bufs[_NBUF:2 * _NBUF]
    sems_i = bufs[2 * _NBUF:3 * _NBUF]
    sems_o = bufs[3 * _NBUF:4 * _NBUF]

    def cid_of(k):
        return k * _NW + wid

    def in_copy(k, b):
        return pltpu.make_async_copy(
            emb_t.at[:, pl.ds(cid_of(k) * _W, _W)], chunks[b], sems_i[b])

    def out_copy(k, b):
        off = pl.multiple_of(cid_of(k) * (_W * _E // 2), 8)
        return pltpu.make_async_copy(
            rows[b], out_hbm.at[pl.ds(off, _W * _E // 2)], sems_o[b])

    def transpose(b):
        def tbody(g, carry):
            j16 = g * 16
            pos = (j16 + lax.iota(jnp.int32, 16)) * (_E // 2)
            for e in range(0, _E, 2):
                lo = chunks[b][e, pl.ds(j16, 16)]
                hi = chunks[b][e + 1, pl.ds(j16, 16)]
                pk = plsc.bitcast(
                    plsc.pack(lo, hi, format=plsc.PackFormat.INTERLEAVED),
                    jnp.int32)
                plsc.store_scatter(rows[b], [pos + e // 2], pk)
            return carry

        lax.fori_loop(0, _W // 16, tbody, 0)

    for b in range(_NBUF):
        @pl.when(cid_of(b) < _NDCHUNK)
        def _():
            in_copy(b, b).start()

    def ring_body(m, carry):
        for b in range(_NBUF):
            k = _NBUF * m + b

            @pl.when(cid_of(k) < _NDCHUNK)
            def _():
                in_copy(k, b).wait()

                @pl.when(m > 0)
                def _():
                    out_copy(k - _NBUF, b).wait()

                transpose(b)
                out_copy(k, b).start()

                @pl.when(cid_of(k + _NBUF) < _NDCHUNK)
                def _():
                    in_copy(k + _NBUF, b).start()

        return carry

    lax.fori_loop(0, _DTRIP, ring_body, 0)

    for k in range(max(0, _NBUF * _DTRIP - 2 * _NBUF), _NBUF * _DTRIP):
        @pl.when((cid_of(k) < _NDCHUNK) & (cid_of(k + _NBUF) >= _NDCHUNK))
        def _():
            out_copy(k, k % _NBUF).wait()

    @pl.when(wid == _NW - 1)
    def _():
        pltpu.sync_copy(
            tail_lin, out_hbm.at[pl.ds(_VMAIN * _E // 2, _TAIL * _E // 2)])


@functools.partial(
    pl.kernel,
    out_type=(
        jax.ShapeDtypeStruct((_B * _E,), jnp.float32),
        jax.ShapeDtypeStruct((_B,), jnp.float32),
    ),
    mesh=plsc.VectorSubcoreMesh(core_axis_name="c", subcore_axis_name="s"),
    compiler_params=pltpu.CompilerParams(
        use_tc_tiling_on_sc=False, needs_layout_passes=False),
    scratch_types=(
        [pltpu.VMEM((_CB * _F,), jnp.int32)] * 2
        + [pltpu.VMEM((_CB * _F, _E // 2), jnp.int32)] * 2
        + [pltpu.VMEM((_CB * _F,), jnp.float32)] * 2
        + [
            pltpu.VMEM((_CB * _E,), jnp.float32),
            pltpu.VMEM((_CB,), jnp.float32),
        ]
        + [pltpu.SemaphoreType.DMA] * 4
    ),
)
def _fm_sc(idx_hbm, emb_hbm, fc_hbm, cross_hbm, lin_hbm,
           idx_v0, idx_v1, rows_v0, rows_v1, fc_v0, fc_v1, cross_v, lin_v,
           sem_e0, sem_e1, sem_f0, sem_f1):
    wid = lax.axis_index("s") * _NC + lax.axis_index("c")
    idxs = (idx_v0, idx_v1)
    rows = (rows_v0, rows_v1)
    fcs = (fc_v0, fc_v1)
    sems_e = (sem_e0, sem_e1)
    sems_f = (sem_f0, sem_f1)

    def stage(c, b):
        off = pl.multiple_of((wid * _NCHUNK + c) * _CB * _F, 8)
        pltpu.sync_copy(idx_hbm.at[pl.ds(off, _CB * _F)], idxs[b])
        pltpu.async_copy(emb_hbm.at[idxs[b]], rows[b], sems_e[b])
        pltpu.async_copy(fc_hbm.at[idxs[b]], fcs[b], sems_f[b])

    stage(0, 0)
    for c in range(_NCHUNK):
        b = c % 2
        base = wid * _BPW + c * _CB
        pltpu.make_async_copy(emb_hbm.at[idxs[b]], rows[b], sems_e[b]).wait()
        pltpu.make_async_copy(fc_hbm.at[idxs[b]], fcs[b], sems_f[b]).wait()
        if c + 1 < _NCHUNK:
            stage(c + 1, 1 - b)

        rows_v = rows[b]
        fc_v = fcs[b]
        lane = lax.iota(jnp.int32, 16)
        half = lane // 8
        i1 = lane % 8

        def fm_body(t, carry):
            bb = t * 2
            s_ev = jnp.zeros((16,), jnp.float32)
            s_od = jnp.zeros((16,), jnp.float32)
            sq_ev = jnp.zeros((16,), jnp.float32)
            sq_od = jnp.zeros((16,), jnp.float32)
            base = bb + half
            for f in range(_F):
                v = plsc.load_gather(rows_v, [base + f * _CB, i1])
                ev, od = plsc.unpack(plsc.bitcast(v, jnp.bfloat16),
                                     format=plsc.PackFormat.INTERLEAVED,
                                     preferred_element_type=jnp.float32)
                s_ev = s_ev + ev
                s_od = s_od + od
                sq_ev = sq_ev + ev * ev
                sq_od = sq_od + od * od
            pos = (bb + half) * _E + i1 * 2
            plsc.store_scatter(cross_v, [pos], 0.5 * (s_ev * s_ev - sq_ev))
            plsc.store_scatter(cross_v, [pos + 1], 0.5 * (s_od * s_od - sq_od))
            return carry

        lax.fori_loop(0, _CB // 2, fm_body, 0)

        def lin_body(g, carry):
            b0 = g * 16
            acc = fc_v[pl.ds(b0, 16)]
            for f in range(1, _F):
                acc = acc + fc_v[pl.ds(f * _CB + b0, 16)]
            lin_v[pl.ds(b0, 16)] = acc
            return carry

        lax.fori_loop(0, _CB // 16, lin_body, 0)

        pltpu.sync_copy(
            cross_v,
            cross_hbm.at[pl.ds(pl.multiple_of(base * _E, 8), _CB * _E)])
        pltpu.sync_copy(lin_v, lin_hbm.at[pl.ds(pl.multiple_of(base, 8), _CB)])


_BLK = 2048


def _mlp_tc(cross_ref, lin_ref, w1_ref, b1_ref, w2_ref, b2_ref, w3_ref,
            c_ref, out_ref):
    x = cross_ref[...]
    h = jnp.dot(x, w1_ref[...], preferred_element_type=jnp.float32)
    h = jnp.maximum(h + b1_ref[...][None, :], 0.0)
    h = jnp.dot(h, w2_ref[...], preferred_element_type=jnp.float32)
    h = jnp.maximum(h + b2_ref[...][None, :], 0.0)
    o = jnp.dot(h, w3_ref[...], preferred_element_type=jnp.float32)[:, 0]
    out_ref[...] = jax.nn.sigmoid(o + lin_ref[...] + c_ref[0])


_mlp_call = pl.pallas_call(
    _mlp_tc,
    grid=(_B // _BLK,),
    in_specs=[
        pl.BlockSpec((_BLK, _E), lambda i: (i, 0)),
        pl.BlockSpec((_BLK,), lambda i: (i,)),
        pl.BlockSpec((_E, 128), lambda i: (0, 0)),
        pl.BlockSpec((128,), lambda i: (0,)),
        pl.BlockSpec((128, 64), lambda i: (0, 0)),
        pl.BlockSpec((64,), lambda i: (0,)),
        pl.BlockSpec((64, 1), lambda i: (0, 0)),
        pl.BlockSpec(memory_space=pltpu.SMEM),
    ],
    out_specs=pl.BlockSpec((_BLK,), lambda i: (i,)),
    out_shape=jax.ShapeDtypeStruct((_B,), jnp.float32),
)


def kernel(data, embed_table, fc_table, fc_bias, W1, b1, W2, b2, W3, b3):
    idx = data.astype(jnp.int32) + jnp.asarray(_OFF)[None, :]
    idx_t = idx.reshape(_NW, _NCHUNK, _CB, _F).transpose(0, 1, 3, 2).reshape(-1)
    tail = lax.slice(embed_table, (_VMAIN, 0), (_V, _E)).astype(jnp.bfloat16)
    tail_pk = lax.bitcast_convert_type(
        tail.reshape(_TAIL * _E // 2, 2), jnp.int32)
    emb_pk = _detile_sc(embed_table.T, tail_pk).reshape(_V, _E // 2)
    cross_flat, lin = _fm_sc(idx_t, emb_pk, fc_table.reshape(-1))
    cross = cross_flat.reshape(_B, _E)
    c = (fc_bias + b3).astype(jnp.float32)
    return _mlp_call(cross, lin, W1, b1, W2, b2, W3, c)

# --- scband reference (transcript-rebuilt; emitter-appended) ---
"""Pipeline reference for scband-nfm-1614907703907 (READ-ONLY COPY).

The authoritative reference and input builder live on the scoring server;
editing this copy changes nothing except your own understanding.
"""

import jax, jax.numpy as jnp
import numpy as np

FIELD_DIMS = [100000] * 26
OFFSETS = np.concatenate([[0], np.cumsum(FIELD_DIMS)[:-1]]).astype(np.int32)
TOTAL_ROWS = int(sum(FIELD_DIMS))
B, F, E = 16384, 26, 16
HIDDEN = [128, 64]


def setup_inputs(seed: int = 0) -> dict:
    key = jax.random.key(seed)
    ks = jax.random.split(key, 12)
    data = jax.random.randint(ks[0], (B, F), 0, 100000)
    embed_table = jax.random.normal(ks[1], (TOTAL_ROWS, E), dtype=jnp.float32) * 0.01
    fc_table = jax.random.normal(ks[2], (TOTAL_ROWS, 1), dtype=jnp.float32) * 0.01
    fc_bias = jnp.zeros((1,), dtype=jnp.float32)
    W1 = jax.random.normal(ks[3], (E, HIDDEN[0]), dtype=jnp.float32) * (1.0 / np.sqrt(E))
    b1 = jnp.zeros((HIDDEN[0],), dtype=jnp.float32)
    W2 = jax.random.normal(ks[4], (HIDDEN[0], HIDDEN[1]), dtype=jnp.float32) * (1.0 / np.sqrt(HIDDEN[0]))
    b2 = jnp.zeros((HIDDEN[1],), dtype=jnp.float32)
    W3 = jax.random.normal(ks[5], (HIDDEN[1], 1), dtype=jnp.float32) * (1.0 / np.sqrt(HIDDEN[1]))
    b3 = jnp.zeros((1,), dtype=jnp.float32)
    return {"data": data, "embed_table": embed_table, "fc_table": fc_table,
            "fc_bias": fc_bias, "W1": W1, "b1": b1, "W2": W2, "b2": b2,
            "W3": W3, "b3": b3}


def reference(data, embed_table, fc_table, fc_bias, W1, b1, W2, b2, W3, b3):
    offsets = jnp.asarray(OFFSETS)
    idx = data + offsets[None, :]  # [B, F]
    # Feature_Embedding: gather per-field embeddings
    emb = jnp.take(embed_table, idx, axis=0)  # [B, F, E]
    # FactorizationMachine (reduce_sum=False): 0.5 * ((sum)^2 - sum of squares)
    s = jnp.sum(emb, axis=1)              # [B, E]
    sq = jnp.sum(emb * emb, axis=1)       # [B, E]
    cross = 0.5 * (s * s - sq)            # [B, E]
    # MLP on cross term (dropout inactive at inference)
    h = jnp.dot(cross, W1) + b1
    h = jax.nn.relu(h)
    h = jnp.dot(h, W2) + b2
    h = jax.nn.relu(h)
    h = jnp.dot(h, W3) + b3               # [B, 1]
    # Feature_Embedding_Sum: first-order linear term
    lin = jnp.sum(jnp.take(fc_table, idx, axis=0), axis=1) + fc_bias  # [B, 1]
    out = lin + h
    return jax.nn.sigmoid(jnp.squeeze(out, axis=1))  # [B]

if __name__ == "__main__":
    import jax
    _d = setup_inputs()
    print(jax.jit(kernel)(*tuple(_d.values())))

</pallas_src>

<mosaic_0001>
#map = affine_map<(d0, d1) -> (0, 0)>
#map1 = affine_map<(d0, d1) -> (0)>
module attributes {stable_mosaic.version = 14 : i64} {
  func.func @_detile_sc(%arg0: i32, %arg1: i32, %arg2: memref<16x2600000xf32, #tpu.memory_space<hbm>>, %arg3: memref<512xi32, #tpu.memory_space<hbm>>, %arg4: memref<20800000xi32, #tpu.memory_space<hbm>>, %arg5: memref<16x1024xf32, #tpu.memory_space<vmem>>, %arg6: memref<16x1024xf32, #tpu.memory_space<vmem>>, %arg7: memref<16x1024xf32, #tpu.memory_space<vmem>>, %arg8: memref<8192xi32, #tpu.memory_space<vmem>>, %arg9: memref<8192xi32, #tpu.memory_space<vmem>>, %arg10: memref<8192xi32, #tpu.memory_space<vmem>>, %arg11: memref<!tpu.dma_semaphore, #tpu.memory_space<semaphore_mem>>, %arg12: memref<!tpu.dma_semaphore, #tpu.memory_space<semaphore_mem>>, %arg13: memref<!tpu.dma_semaphore, #tpu.memory_space<semaphore_mem>>, %arg14: memref<!tpu.dma_semaphore, #tpu.memory_space<semaphore_mem>>, %arg15: memref<!tpu.dma_semaphore, #tpu.memory_space<semaphore_mem>>, %arg16: memref<!tpu.dma_semaphore, #tpu.memory_space<semaphore_mem>>) attributes {dimension_semantics = [#tpu.dimension_semantics<core_parallel>, #tpu.dimension_semantics<subcore_parallel>], iteration_bounds = array<i64: 2, 16>, scalar_prefetch = 0 : i64, scratch_operands = 12 : i64, tpu.core_type = #tpu.core_type<sc_vector_subcore>, window_params = [{transform_indices = #map}, {transform_indices = #map1}, {transform_indices = #map1}]} {
    %mul3A = arith.constant 2 : i32
    %mul3A_0 = arith.muli %arg1, %mul3A : i32
    %add3A = arith.addi %mul3A_0, %arg0 : i32
    %add3A_1 = arith.constant 0 : i32
    %add3A_2 = arith.addi %add3A_1, %add3A : i32
    %lt3A = arith.constant 2539 : i32
    %lt3A_3 = arith.cmpi slt, %add3A_2, %lt3A : i32
    %convert_element_type3A = arith.extui %lt3A_3 : i1 to i32
    %cond3A = arith.constant 0 : i32
    %cond3A_4 = arith.cmpi ne, %convert_element_type3A, %cond3A : i32
    scf.if %cond3A_4 {
      %add3A_98 = arith.constant 0 : i32
      %add3A_99 = arith.addi %add3A_98, %add3A : i32
      %mul3A_100 = arith.constant 1024 : i32
      %mul3A_101 = arith.muli %add3A_99, %mul3A_100 : i32
      %dma_start3A = arith.constant 0 : i32
      %dma_start3A_102 = tpu.memref_slice %arg2[%dma_start3A, %mul3A_101] : memref<16x2600000xf32, #tpu.memory_space<hbm>> -> memref<16x1024xf32, #tpu.memory_space<hbm>>
      %dma_start3A_103 = arith.constant 0 : i32
      %dma_start3A_104 = tpu.memref_slice %arg2[%dma_start3A_103, %mul3A_101] : memref<16x2600000xf32, #tpu.memory_space<hbm>> -> memref<16x1024xf32, #tpu.memory_space<hbm>>
      tpu.enqueue_dma source(%dma_start3A_104 : memref<16x1024xf32, #tpu.memory_space<hbm>>) target(%arg5 : memref<16x1024xf32, #tpu.memory_space<vmem>>) target_semaphore(%arg11 : memref<!tpu.dma_semaphore, #tpu.memory_space<semaphore_mem>>)
    } else {
    }
    %add3A_5 = arith.constant 32 : i32
    %add3A_6 = arith.addi %add3A_5, %add3A : i32
    %lt3A_7 = arith.constant 2539 : i32
    %lt3A_8 = arith.cmpi slt, %add3A_6, %lt3A_7 : i32
    %convert_element_type3A_9 = arith.extui %lt3A_8 : i1 to i32
    %cond3A_10 = arith.constant 0 : i32
    %cond3A_11 = arith.cmpi ne, %convert_element_type3A_9, %cond3A_10 : i32
    scf.if %cond3A_11 {
      %add3A_98 = arith.constant 32 : i32
      %add3A_99 = arith.addi %add3A_98, %add3A : i32
      %mul3A_100 = arith.constant 1024 : i32
      %mul3A_101 = arith.muli %add3A_99, %mul3A_100 : i32
      %dma_start3A = arith.constant 0 : i32
      %dma_start3A_102 = tpu.memref_slice %arg2[%dma_start3A, %mul3A_101] : memref<16x2600000xf32, #tpu.memory_space<hbm>> -> memref<16x1024xf32, #tpu.memory_space<hbm>>
      %dma_start3A_103 = arith.constant 0 : i32
      %dma_start3A_104 = tpu.memref_slice %arg2[%dma_start3A_103, %mul3A_101] : memref<16x2600000xf32, #tpu.memory_space<hbm>> -> memref<16x1024xf32, #tpu.memory_space<hbm>>
      tpu.enqueue_dma source(%dma_start3A_104 : memref<16x1024xf32, #tpu.memory_space<hbm>>) target(%arg6 : memref<16x1024xf32, #tpu.memory_space<vmem>>) target_semaphore(%arg12 : memref<!tpu.dma_semaphore, #tpu.memory_space<semaphore_mem>>)
    } else {
    }
    %add3A_12 = arith.constant 64 : i32
    %add3A_13 = arith.addi %add3A_12, %add3A : i32
    %lt3A_14 = arith.constant 2539 : i32
    %lt3A_15 = arith.cmpi slt, %add3A_13, %lt3A_14 : i32
    %convert_element_type3A_16 = arith.extui %lt3A_15 : i1 to i32
    %cond3A_17 = arith.constant 0 : i32
    %cond3A_18 = arith.cmpi ne, %convert_element_type3A_16, %cond3A_17 : i32
    scf.if %cond3A_18 {
      %add3A_98 = arith.constant 64 : i32
      %add3A_99 = arith.addi %add3A_98, %add3A : i32
      %mul3A_100 = arith.constant 1024 : i32
      %mul3A_101 = arith.muli %add3A_99, %mul3A_100 : i32
      %dma_start3A = arith.constant 0 : i32
      %dma_start3A_102 = tpu.memref_slice %arg2[%dma_start3A, %mul3A_101] : memref<16x2600000xf32, #tpu.memory_space<hbm>> -> memref<16x1024xf32, #tpu.memory_space<hbm>>
      %dma_start3A_103 = arith.constant 0 : i32
      %dma_start3A_104 = tpu.memref_slice %arg2[%dma_start3A_103, %mul3A_101] : memref<16x2600000xf32, #tpu.memory_space<hbm>> -> memref<16x1024xf32, #tpu.memory_space<hbm>>
      tpu.enqueue_dma source(%dma_start3A_104 : memref<16x1024xf32, #tpu.memory_space<hbm>>) target(%arg7 : memref<16x1024xf32, #tpu.memory_space<vmem>>) target_semaphore(%arg13 : memref<!tpu.dma_semaphore, #tpu.memory_space<semaphore_mem>>)
    } else {
    }
    %scan3A = arith.constant 0 : i32
    %scan3A_19 = arith.constant 0 : i32
    %scan3A_20 = arith.constant 27 : i32
    %scan3A_21 = arith.addi %scan3A_19, %scan3A_20 : i32
    %scan3A_22 = arith.constant 1 : i32
    scf.for %scan3A_98 = %scan3A_19 to %scan3A_21 step %scan3A_22  : i32 {
      %mul3A_99 = arith.constant 3 : i32
      %mul3A_100 = arith.muli %mul3A_99, %scan3A_98 : i32
      %add3A_101 = arith.constant 0 : i32
      %add3A_102 = arith.addi %mul3A_100, %add3A_101 : i32
      %mul3A_103 = arith.constant 32 : i32
      %mul3A_104 = arith.muli %add3A_102, %mul3A_103 : i32
      %add3A_105 = arith.addi %mul3A_104, %add3A : i32
      %lt3A_106 = arith.constant 2539 : i32
      %lt3A_107 = arith.cmpi slt, %add3A_105, %lt3A_106 : i32
      %convert_element_type3A_108 = arith.extui %lt3A_107 : i1 to i32
      %cond3A_109 = arith.constant 0 : i32
      %cond3A_110 = arith.cmpi ne, %convert_element_type3A_108, %cond3A_109 : i32
      scf.if %cond3A_110 {
        %mul3A_135 = arith.constant 32 : i32
        %mul3A_136 = arith.muli %add3A_102, %mul3A_135 : i32
        %add3A_137 = arith.addi %mul3A_136, %add3A : i32
        %mul3A_138 = arith.constant 1024 : i32
        %mul3A_139 = arith.muli %add3A_137, %mul3A_138 : i32
        %dma_wait3A = arith.constant 0 : i32
        %dma_wait3A_140 = tpu.memref_slice %arg2[%dma_wait3A, %mul3A_139] : memref<16x2600000xf32, #tpu.memory_space<hbm>> -> memref<16x1024xf32, #tpu.memory_space<hbm>>
        %dma_wait3A_141 = arith.constant 0 : i32
        %dma_wait3A_142 = tpu.memref_slice %arg2[%dma_wait3A_141, %mul3A_139] : memref<16x2600000xf32, #tpu.memory_space<hbm>> -> memref<16x1024xf32, #tpu.memory_space<hbm>>
        tpu.wait_dma2 semaphore(%arg11 : memref<!tpu.dma_semaphore, #tpu.memory_space<semaphore_mem>>) src(%dma_wait3A_142 : memref<16x1024xf32, #tpu.memory_space<hbm>>) dst(%arg5 : memref<16x1024xf32, #tpu.memory_space<vmem>>)
        %gt3A = arith.constant 0 : i32
        %gt3A_143 = arith.cmpi sgt, %scan3A_98, %gt3A : i32
        %convert_element_type3A_144 = arith.extui %gt3A_143 : i1 to i32
        %cond3A_145 = arith.constant 0 : i32
        %cond3A_146 = arith.cmpi ne, %convert_element_type3A_144, %cond3A_145 : i32
        scf.if %cond3A_146 {
          %sub3A = arith.constant 3 : i32
          %sub3A_169 = arith.subi %add3A_102, %sub3A : i32
          %mul3A_170 = arith.constant 32 : i32
          %mul3A_171 = arith.muli %sub3A_169, %mul3A_170 : i32
          %add3A_172 = arith.addi %mul3A_171, %add3A : i32
          %mul3A_173 = arith.constant 8192 : i32
          %mul3A_174 = arith.muli %add3A_172, %mul3A_173 : i32
          %multiple_of3A_175 = tpu.assume_multiple %mul3A_174, 8 : i32
          %dma_wait3A_176 = tpu.memref_slice %arg4[%multiple_of3A_175] : memref<20800000xi32, #tpu.memory_space<hbm>> -> memref<8192xi32, #tpu.memory_space<hbm>>
          %dma_wait3A_177 = tpu.memref_slice %arg4[%multiple_of3A_175] : memref<20800000xi32, #tpu.memory_space<hbm>> -> memref<8192xi32, #tpu.memory_space<hbm>>
          tpu.wait_dma2 semaphore(%arg14 : memref<!tpu.dma_semaphore, #tpu.memory_space<semaphore_mem>>) src(%arg8 : memref<8192xi32, #tpu.memory_space<vmem>>) dst(%dma_wait3A_177 : memref<8192xi32, #tpu.memory_space<hbm>>)
        } else {
        }
        %scan3A_147 = arith.constant 0 : i32
        %scan3A_148 = arith.constant 0 : i32
        %scan3A_149 = arith.constant 64 : i32
        %scan3A_150 = arith.addi %scan3A_148, %scan3A_149 : i32
        %scan3A_151 = arith.constant 1 : i32
        scf.for %scan3A_169 = %scan3A_148 to %scan3A_150 step %scan3A_151  : i32 {
          %mul3A_170 = arith.constant 16 : i32
          %mul3A_171 = arith.muli %scan3A_169, %mul3A_170 : i32
          %iota3A = tpu.iota {dimensions = array<i32: 0>} : vector<16xi32>
          %add3A_172 = vector.broadcast %mul3A_171 : i32 to vector<16xi32>
          %add3A_173 = arith.addi %add3A_172, %iota3A : vector<16xi32>
          %mul3A_174 = arith.constant 8 : i32
          %mul3A_175 = vector.broadcast %mul3A_174 : i32 to vector<16xi32>
          %mul3A_176 = arith.muli %add3A_173, %mul3A_175 : vector<16xi32>
          %get3A = arith.constant 0 : i32
          %get3A_177 = arith.index_cast %get3A : i32 to index
          %get3A_178 = arith.index_cast %mul3A_171 : i32 to index
          %get3A_179 = tpu.vector_load %arg5[%get3A_177, %get3A_178] {strides = array<i32>} : memref<16x1024xf32, #tpu.memory_space<vmem>>, vector<16xf32>,
          %get3A_180 = arith.constant 1 : i32
          %get3A_181 = arith.index_cast %get3A_180 : i32 to index
          %get3A_182 = arith.index_cast %mul3A_171 : i32 to index
          %get3A_183 = tpu.vector_load %arg5[%get3A_181, %get3A_182] {strides = array<i32>} : memref<16x1024xf32, #tpu.memory_space<vmem>>, vector<16xf32>,
          %pack3A = tpu.pack_subelements %get3A_179, %get3A_183 {pack_format = #tpu.pack_format<interleaved>, positions = array<i32: 0, 1>} : vector<16xf32>, vector<16xf32> -> vector<32xbf16>
          %bitcast3A = vector.bitcast %pack3A : vector<32xbf16> to vector<16xi32>
          %add3A_184 = arith.constant 0 : i32
          %add3A_185 = vector.broadcast %add3A_184 : i32 to vector<16xi32>
          %add3A_186 = arith.addi %mul3A_176, %add3A_185 : vector<16xi32>
          tpu.vector_store_idx %arg8[%add3A_186], %bitcast3A : memref<8192xi32, #tpu.memory_space<vmem>>[vector<16xi32>], vector<16xi32>,
          %get3A_187 = arith.constant 2 : i32
          %get3A_188 = arith.index_cast %get3A_187 : i32 to index
          %get3A_189 = arith.index_cast %mul3A_171 : i32 to index
          %get3A_190 = tpu.vector_load %arg5[%get3A_188, %get3A_189] {strides = array<i32>} : memref<16x1024xf32, #tpu.memory_space<vmem>>, vector<16xf32>,
          %get3A_191 = arith.constant 3 : i32
          %get3A_192 = arith.index_cast %get3A_191 : i32 to index
          %get3A_193 = arith.index_cast %mul3A_171 : i32 to index
          %get3A_194 = tpu.vector_load %arg5[%get3A_192, %get3A_193] {strides = array<i32>} : memref<16x1024xf32, #tpu.memory_space<vmem>>, vector<16xf32>,
          %pack3A_195 = tpu.pack_subelements %get3A_190, %get3A_194 {pack_format = #tpu.pack_format<interleaved>, positions = array<i32: 0, 1>} : vector<16xf32>, vector<16xf32> -> vector<32xbf16>
          %bitcast3A_196 = vector.bitcast %pack3A_195 : vector<32xbf16> to vector<16xi32>
          %add3A_197 = arith.constant 1 : i32
          %add3A_198 = vector.broadcast %add3A_197 : i32 to vector<16xi32>
          %add3A_199 = arith.addi %mul3A_176, %add3A_198 : vector<16xi32>
          tpu.vector_store_idx %arg8[%add3A_199], %bitcast3A_196 : memref<8192xi32, #tpu.memory_space<vmem>>[vector<16xi32>], vector<16xi32>,
          %get3A_200 = arith.constant 4 : i32
          %get3A_201 = arith.index_cast %get3A_200 : i32 to index
          %get3A_202 = arith.index_cast %mul3A_171 : i32 to index
          %get3A_203 = tpu.vector_load %arg5[%get3A_201, %get3A_202] {strides = array<i32>} : memref<16x1024xf32, #tpu.memory_space<vmem>>, vector<16xf32>,
          %get3A_204 = arith.constant 5 : i32
          %get3A_205 = arith.index_cast %get3A_204 : i32 to index
          %get3A_206 = arith.index_cast %mul3A_171 : i32 to index
          %get3A_207 = tpu.vector_load %arg5[%get3A_205, %get3A_206] {strides = array<i32>} : memref<16x1024xf32, #tpu.memory_space<vmem>>, vector<16xf32>,
          %pack3A_208 = tpu.pack_subelements %get3A_203, %get3A_207 {pack_format = #tpu.pack_format<interleaved>, positions = array<i32: 0, 1>} : vector<16xf32>, vector<16xf32> -> vector<32xbf16>
          %bitcast3A_209 = vector.bitcast %pack3A_208 : vector<32xbf16> to vector<16xi32>
          %add3A_210 = arith.constant 2 : i32
          %add3A_211 = vector.broadcast %add3A_210 : i32 to vector<16xi32>
          %add3A_212 = arith.addi %mul3A_176, %add3A_211 : vector<16xi32>
          tpu.vector_store_idx %arg8[%add3A_212], %bitcast3A_209 : memref<8192xi32, #tpu.memory_space<vmem>>[vector<16xi32>], vector<16xi32>,
          %get3A_213 = arith.constant 6 : i32
          %get3A_214 = arith.index_cast %get3A_213 : i32 to index
          %get3A_215 = arith.index_cast %mul3A_171 : i32 to index
          %get3A_216 = tpu.vector_load %arg5[%get3A_214, %get3A_215] {strides = array<i32>} : memref<16x1024xf32, #tpu.memory_space<vmem>>, vector<16xf32>,
          %get3A_217 = arith.constant 7 : i32
          %get3A_218 = arith.index_cast %get3A_217 : i32 to index
          %get3A_219 = arith.index_cast %mul3A_171 : i32 to index
          %get3A_220 = tpu.vector_load %arg5[%get3A_218, %get3A_219] {strides = array<i32>} : memref<16x1024xf32, #tpu.memory_space<vmem>>, vector<16xf32>,
          %pack3A_221 = tpu.pack_subelements %get3A_216, %get3A_220 {pack_format = #tpu.pack_format<interleaved>, positions = array<i32: 0, 1>} : vector<16xf32>, vector<16xf32> -> vector<32xbf16>
          %bitcast3A_222 = vector.bitcast %pack3A_221 : vector<32xbf16> to vector<16xi32>
          %add3A_223 = arith.constant 3 : i32
          %add3A_224 = vector.broadcast %add3A_223 : i32 to vector<16xi32>
          %add3A_225 = arith.addi %mul3A_176, %add3A_224 : vector<16xi32>
          tpu.vector_store_idx %arg8[%add3A_225], %bitcast3A_222 : memref<8192xi32, #tpu.memory_space<vmem>>[vector<16xi32>], vector<16xi32>,
          %get3A_226 = arith.constant 8 : i32
          %get3A_227 = arith.index_cast %get3A_226 : i32 to index
          %get3A_228 = arith.index_cast %mul3A_171 : i32 to index
          %get3A_229 = tpu.vector_load %arg5[%get3A_227, %get3A_228] {strides = array<i32>} : memref<16x1024xf32, #tpu.memory_space<vmem>>, vector<16xf32>,
          %get3A_230 = arith.constant 9 : i32
          %get3A_231 = arith.index_cast %get3A_230 : i32 to index
          %get3A_232 = arith.index_cast %mul3A_171 : i32 to index
          %get3A_233 = tpu.vector_load %arg5[%get3A_231, %get3A_232] {strides = array<i32>} : memref<16x1024xf32, #tpu.memory_space<vmem>>, vector<16xf32>,
          %pack3A_234 = tpu.pack_subelements %get3A_229, %get3A_233 {pack_format = #tpu.pack_format<interleaved>, positions = array<i32: 0, 1>} : vector<16xf32>, vector<16xf32> -> vector<32xbf16>
          %bitcast3A_235 = vector.bitcast %pack3A_234 : vector<32xbf16> to vector<16xi32>
          %add3A_236 = arith.constant 4 : i32
          %add3A_237 = vector.broadcast %add3A_236 : i32 to vector<16xi32>
          %add3A_238 = arith.addi %mul3A_176, %add3A_237 : vector<16xi32>
          tpu.vector_store_idx %arg8[%add3A_238], %bitcast3A_235 : memref<8192xi32, #tpu.memory_space<vmem>>[vector<16xi32>], vector<16xi32>,
          %get3A_239 = arith.constant 10 : i32
          %get3A_240 = arith.index_cast %get3A_239 : i32 to index
          %get3A_241 = arith.index_cast %mul3A_171 : i32 to index
          %get3A_242 = tpu.vector_load %arg5[%get3A_240, %get3A_241] {strides = array<i32>} : memref<16x1024xf32, #tpu.memory_space<vmem>>, vector<16xf32>,
          %get3A_243 = arith.constant 11 : i32
          %get3A_244 = arith.index_cast %get3A_243 : i32 to index
          %get3A_245 = arith.index_cast %mul3A_171 : i32 to index
          %get3A_246 = tpu.vector_load %arg5[%get3A_244, %get3A_245] {strides = array<i32>} : memref<16x1024xf32, #tpu.memory_space<vmem>>, vector<16xf32>,
          %pack3A_247 = tpu.pack_subelements %get3A_242, %get3A_246 {pack_format = #tpu.pack_format<interleaved>, positions = array<i32: 0, 1>} : vector<16xf32>, vector<16xf32> -> vector<32xbf16>
          %bitcast3A_248 = vector.bitcast %pack3A_247 : vector<32xbf16> to vector<16xi32>
          %add3A_249 = arith.constant 5 : i32
          %add3A_250 = vector.broadcast %add3A_249 : i32 to vector<16xi32>
          %add3A_251 = arith.addi %mul3A_176, %add3A_250 : vector<16xi32>
          tpu.vector_store_idx %arg8[%add3A_251], %bitcast3A_248 : memref<8192xi32, #tpu.memory_space<vmem>>[vector<16xi32>], vector<16xi32>,
          %get3A_252 = arith.constant 12 : i32
          %get3A_253 = arith.index_cast %get3A_252 : i32 to index
          %get3A_254 = arith.index_cast %mul3A_171 : i32 to index
          %get3A_255 = tpu.vector_load %arg5[%get3A_253, %get3A_254] {strides = array<i32>} : memref<16x1024xf32, #tpu.memory_space<vmem>>, vector<16xf32>,
          %get3A_256 = arith.constant 13 : i32
          %get3A_257 = arith.index_cast %get3A_256 : i32 to index
          %get3A_258 = arith.index_cast %mul3A_171 : i32 to index
          %get3A_259 = tpu.vector_load %arg5[%get3A_257, %get3A_258] {strides = array<i32>} : memref<16x1024xf32, #tpu.memory_space<vmem>>, vector<16xf32>,
          %pack3A_260 = tpu.pack_subelements %get3A_255, %get3A_259 {pack_format = #tpu.pack_format<interleaved>, positions = array<i32: 0, 1>} : vector<16xf32>, vector<16xf32> -> vector<32xbf16>
          %bitcast3A_261 = vector.bitcast %pack3A_260 : vector<32xbf16> to vector<16xi32>
          %add3A_262 = arith.constant 6 : i32
          %add3A_263 = vector.broadcast %add3A_262 : i32 to vector<16xi32>
          %add3A_264 = arith.addi %mul3A_176, %add3A_263 : vector<16xi32>
          tpu.vector_store_idx %arg8[%add3A_264], %bitcast3A_261 : memref<8192xi32, #tpu.memory_space<vmem>>[vector<16xi32>], vector<16xi32>,
          %get3A_265 = arith.constant 14 : i32
          %get3A_266 = arith.index_cast %get3A_265 : i32 to index
          %get3A_267 = arith.index_cast %mul3A_171 : i32 to index
          %get3A_268 = tpu.vector_load %arg5[%get3A_266, %get3A_267] {strides = array<i32>} : memref<16x1024xf32, #tpu.memory_space<vmem>>, vector<16xf32>,
          %get3A_269 = arith.constant 15 : i32
          %get3A_270 = arith.index_cast %get3A_269 : i32 to index
          %get3A_271 = arith.index_cast %mul3A_171 : i32 to index
          %get3A_272 = tpu.vector_load %arg5[%get3A_270, %get3A_271] {strides = array<i32>} : memref<16x1024xf32, #tpu.memory_space<vmem>>, vector<16xf32>,
          %pack3A_273 = tpu.pack_subelements %get3A_268, %get3A_272 {pack_format = #tpu.pack_format<interleaved>, positions = array<i32: 0, 1>} : vector<16xf32>, vector<16xf32> -> vector<32xbf16>
          %bitcast3A_274 = vector.bitcast %pack3A_273 : vector<32xbf16> to vector<16xi32>
          %add3A_275 = arith.constant 7 : i32
          %add3A_276 = vector.broadcast %add3A_275 : i32 to vector<16xi32>
          %add3A_277 = arith.addi %mul3A_176, %add3A_276 : vector<16xi32>
          tpu.vector_store_idx %arg8[%add3A_277], %bitcast3A_274 : memref<8192xi32, #tpu.memory_space<vmem>>[vector<16xi32>], vector<16xi32>,
        }
        %scan3A_152 = arith.constant 64 : i32
        %mul3A_153 = arith.constant 32 : i32
        %mul3A_154 = arith.muli %add3A_102, %mul3A_153 : i32
        %add3A_155 = arith.addi %mul3A_154, %add3A : i32
        %mul3A_156 = arith.constant 8192 : i32
        %mul3A_157 = arith.muli %add3A_155, %mul3A_156 : i32
        %multiple_of3A = tpu.assume_multiple %mul3A_157, 8 : i32
        %dma_start3A = tpu.memref_slice %arg4[%multiple_of3A] : memref<20800000xi32, #tpu.memory_space<hbm>> -> memref<8192xi32, #tpu.memory_space<hbm>>
        %dma_start3A_158 = tpu.memref_slice %arg4[%multiple_of3A] : memref<20800000xi32, #tpu.memory_space<hbm>> -> memref<8192xi32, #tpu.memory_space<hbm>>
        tpu.enqueue_dma source(%arg8 : memref<8192xi32, #tpu.memory_space<vmem>>) target(%dma_start3A_158 : memref<8192xi32, #tpu.memory_space<hbm>>) target_semaphore(%arg14 : memref<!tpu.dma_semaphore, #tpu.memory_space<semaphore_mem>>)
        %add3A_159 = arith.constant 3 : i32
        %add3A_160 = arith.addi %add3A_102, %add3A_159 : i32
        %mul3A_161 = arith.constant 32 : i32
        %mul3A_162 = arith.muli %add3A_160, %mul3A_161 : i32
        %add3A_163 = arith.addi %mul3A_162, %add3A : i32
        %lt3A_164 = arith.constant 2539 : i32
        %lt3A_165 = arith.cmpi slt, %add3A_163, %lt3A_164 : i32
        %convert_element_type3A_166 = arith.extui %lt3A_165 : i1 to i32
        %cond3A_167 = arith.constant 0 : i32
        %cond3A_168 = arith.cmpi ne, %convert_element_type3A_166, %cond3A_167 : i32
        scf.if %cond3A_168 {
          %add3A_169 = arith.constant 3 : i32
          %add3A_170 = arith.addi %add3A_102, %add3A_169 : i32
          %mul3A_171 = arith.constant 32 : i32
          %mul3A_172 = arith.muli %add3A_170, %mul3A_171 : i32
          %add3A_173 = arith.addi %mul3A_172, %add3A : i32
          %mul3A_174 = arith.constant 1024 : i32
          %mul3A_175 = arith.muli %add3A_173, %mul3A_174 : i32
          %dma_start3A_176 = arith.constant 0 : i32
          %dma_start3A_177 = tpu.memref_slice %arg2[%dma_start3A_176, %mul3A_175] : memref<16x2600000xf32, #tpu.memory_space<hbm>> -> memref<16x1024xf32, #tpu.memory_space<hbm>>
          %dma_start3A_178 = arith.constant 0 : i32
          %dma_start3A_179 = tpu.memref_slice %arg2[%dma_start3A_178, %mul3A_175] : memref<16x2600000xf32, #tpu.memory_space<hbm>> -> memref<16x1024xf32, #tpu.memory_space<hbm>>
          tpu.enqueue_dma source(%dma_start3A_179 : memref<16x1024xf32, #tpu.memory_space<hbm>>) target(%arg5 : memref<16x1024xf32, #tpu.memory_space<vmem>>) target_semaphore(%arg11 : memref<!tpu.dma_semaphore, #tpu.memory_space<semaphore_mem>>)
        } else {
        }
      } else {
      }
      %mul3A_111 = arith.constant 3 : i32
      %mul3A_112 = arith.muli %mul3A_111, %scan3A_98 : i32
      %add3A_113 = arith.constant 1 : i32
      %add3A_114 = arith.addi %mul3A_112, %add3A_113 : i32
      %mul3A_115 = arith.constant 32 : i32
      %mul3A_116 = arith.muli %add3A_114, %mul3A_115 : i32
      %add3A_117 = arith.addi %mul3A_116, %add3A : i32
      %lt3A_118 = arith.constant 2539 : i32
      %lt3A_119 = arith.cmpi slt, %add3A_117, %lt3A_118 : i32
      %convert_element_type3A_120 = arith.extui %lt3A_119 : i1 to i32
      %cond3A_121 = arith.constant 0 : i32
      %cond3A_122 = arith.cmpi ne, %convert_element_type3A_120, %cond3A_121 : i32
      scf.if %cond3A_122 {
        %mul3A_135 = arith.constant 32 : i32
        %mul3A_136 = arith.muli %add3A_114, %mul3A_135 : i32
        %add3A_137 = arith.addi %mul3A_136, %add3A : i32
        %mul3A_138 = arith.constant 1024 : i32
        %mul3A_139 = arith.muli %add3A_137, %mul3A_138 : i32
        %dma_wait3A = arith.constant 0 : i32
        %dma_wait3A_140 = tpu.memref_slice %arg2[%dma_wait3A, %mul3A_139] : memref<16x2600000xf32, #tpu.memory_space<hbm>> -> memref<16x1024xf32, #tpu.memory_space<hbm>>
        %dma_wait3A_141 = arith.constant 0 : i32
        %dma_wait3A_142 = tpu.memref_slice %arg2[%dma_wait3A_141, %mul3A_139] : memref<16x2600000xf32, #tpu.memory_space<hbm>> -> memref<16x1024xf32, #tpu.memory_space<hbm>>
        tpu.wait_dma2 semaphore(%arg12 : memref<!tpu.dma_semaphore, #tpu.memory_space<semaphore_mem>>) src(%dma_wait3A_142 : memref<16x1024xf32, #tpu.memory_space<hbm>>) dst(%arg6 : memref<16x1024xf32, #tpu.memory_space<vmem>>)
        %gt3A = arith.constant 0 : i32
        %gt3A_143 = arith.cmpi sgt, %scan3A_98, %gt3A : i32
        %convert_element_type3A_144 = arith.extui %gt3A_143 : i1 to i32
        %cond3A_145 = arith.constant 0 : i32
        %cond3A_146 = arith.cmpi ne, %convert_element_type3A_144, %cond3A_145 : i32
        scf.if %cond3A_146 {
          %sub3A = arith.constant 3 : i32
          %sub3A_169 = arith.subi %add3A_114, %sub3A : i32
          %mul3A_170 = arith.constant 32 : i32
          %mul3A_171 = arith.muli %sub3A_169, %mul3A_170 : i32
          %add3A_172 = arith.addi %mul3A_171, %add3A : i32
          %mul3A_173 = arith.constant 8192 : i32
          %mul3A_174 = arith.muli %add3A_172, %mul3A_173 : i32
          %multiple_of3A_175 = tpu.assume_multiple %mul3A_174, 8 : i32
          %dma_wait3A_176 = tpu.memref_slice %arg4[%multiple_of3A_175] : memref<20800000xi32, #tpu.memory_space<hbm>> -> memref<8192xi32, #tpu.memory_space<hbm>>
          %dma_wait3A_177 = tpu.memref_slice %arg4[%multiple_of3A_175] : memref<20800000xi32, #tpu.memory_space<hbm>> -> memref<8192xi32, #tpu.memory_space<hbm>>
          tpu.wait_dma2 semaphore(%arg15 : memref<!tpu.dma_semaphore, #tpu.memory_space<semaphore_mem>>) src(%arg9 : memref<8192xi32, #tpu.memory_space<vmem>>) dst(%dma_wait3A_177 : memref<8192xi32, #tpu.memory_space<hbm>>)
        } else {
        }
        %scan3A_147 = arith.constant 0 : i32
        %scan3A_148 = arith.constant 0 : i32
        %scan3A_149 = arith.constant 64 : i32
        %scan3A_150 = arith.addi %scan3A_148, %scan3A_149 : i32
        %scan3A_151 = arith.constant 1 : i32
        scf.for %scan3A_169 = %scan3A_148 to %scan3A_150 step %scan3A_151  : i32 {
          %mul3A_170 = arith.constant 16 : i32
          %mul3A_171 = arith.muli %scan3A_169, %mul3A_170 : i32
          %iota3A = tpu.iota {dimensions = array<i32: 0>} : vector<16xi32>
          %add3A_172 = vector.broadcast %mul3A_171 : i32 to vector<16xi32>
          %add3A_173 = arith.addi %add3A_172, %iota3A : vector<16xi32>
          %mul3A_174 = arith.constant 8 : i32
          %mul3A_175 = vector.broadcast %mul3A_174 : i32 to vector<16xi32>
          %mul3A_176 = arith.muli %add3A_173, %mul3A_175 : vector<16xi32>
          %get3A = arith.constant 0 : i32
          %get3A_177 = arith.index_cast %get3A : i32 to index
          %get3A_178 = arith.index_cast %mul3A_171 : i32 to index
          %get3A_179 = tpu.vector_load %arg6[%get3A_177, %get3A_178] {strides = array<i32>} : memref<16x1024xf32, #tpu.memory_space<vmem>>, vector<16xf32>,
          %get3A_180 = arith.constant 1 : i32
          %get3A_181 = arith.index_cast %get3A_180 : i32 to index
          %get3A_182 = arith.index_cast %mul3A_171 : i32 to index
          %get3A_183 = tpu.vector_load %arg6[%get3A_181, %get3A_182] {strides = array<i32>} : memref<16x1024xf32, #tpu.memory_space<vmem>>, vector<16xf32>,
          %pack3A = tpu.pack_subelements %get3A_179, %get3A_183 {pack_format = #tpu.pack_format<interleaved>, positions = array<i32: 0, 1>} : vector<16xf32>, vector<16xf32> -> vector<32xbf16>
          %bitcast3A = vector.bitcast %pack3A : vector<32xbf16> to vector<16xi32>
          %add3A_184 = arith.constant 0 : i32
          %add3A_185 = vector.broadcast %add3A_184 : i32 to vector<16xi32>
          %add3A_186 = arith.addi %mul3A_176, %add3A_185 : vector<16xi32>
          tpu.vector_store_idx %arg9[%add3A_186], %bitcast3A : memref<8192xi32, #tpu.memory_space<vmem>>[vector<16xi32>], vector<16xi32>,
          %get3A_187 = arith.constant 2 : i32
          %get3A_188 = arith.index_cast %get3A_187 : i32 to index
          %get3A_189 = arith.index_cast %mul3A_171 : i32 to index
          %get3A_190 = tpu.vector_load %arg6[%get3A_188, %get3A_189] {strides = array<i32>} : memref<16x1024xf32, #tpu.memory_space<vmem>>, vector<16xf32>,
          %get3A_191 = arith.constant 3 : i32
          %get3A_192 = arith.index_cast %get3A_191 : i32 to index
          %get3A_193 = arith.index_cast %mul3A_171 : i32 to index
          %get3A_194 = tpu.vector_load %arg6[%get3A_192, %get3A_193] {strides = array<i32>} : memref<16x1024xf32, #tpu.memory_space<vmem>>, vector<16xf32>,
          %pack3A_195 = tpu.pack_subelements %get3A_190, %get3A_194 {pack_format = #tpu.pack_format<interleaved>, positions = array<i32: 0, 1>} : vector<16xf32>, vector<16xf32> -> vector<32xbf16>
          %bitcast3A_196 = vector.bitcast %pack3A_195 : vector<32xbf16> to vector<16xi32>
          %add3A_197 = arith.constant 1 : i32
          %add3A_198 = vector.broadcast %add3A_197 : i32 to vector<16xi32>
          %add3A_199 = arith.addi %mul3A_176, %add3A_198 : vector<16xi32>
          tpu.vector_store_idx %arg9[%add3A_199], %bitcast3A_196 : memref<8192xi32, #tpu.memory_space<vmem>>[vector<16xi32>], vector<16xi32>,
          %get3A_200 = arith.constant 4 : i32
          %get3A_201 = arith.index_cast %get3A_200 : i32 to index
          %get3A_202 = arith.index_cast %mul3A_171 : i32 to index
          %get3A_203 = tpu.vector_load %arg6[%get3A_201, %get3A_202] {strides = array<i32>} : memref<16x1024xf32, #tpu.memory_space<vmem>>, vector<16xf32>,
          %get3A_204 = arith.constant 5 : i32
          %get3A_205 = arith.index_cast %get3A_204 : i32 to index
          %get3A_206 = arith.index_cast %mul3A_171 : i32 to index
          %get3A_207 = tpu.vector_load %arg6[%get3A_205, %get3A_206] {strides = array<i32>} : memref<16x1024xf32, #tpu.memory_space<vmem>>, vector<16xf32>,
          %pack3A_208 = tpu.pack_subelements %get3A_203, %get3A_207 {pack_format = #tpu.pack_format<interleaved>, positions = array<i32: 0, 1>} : vector<16xf32>, vector<16xf32> -> vector<32xbf16>
          %bitcast3A_209 = vector.bitcast %pack3A_208 : vector<32xbf16> to vector<16xi32>
          %add3A_210 = arith.constant 2 : i32
          %add3A_211 = vector.broadcast %add3A_210 : i32 to vector<16xi32>
          %add3A_212 = arith.addi %mul3A_176, %add3A_211 : vector<16xi32>
          tpu.vector_store_idx %arg9[%add3A_212], %bitcast3A_209 : memref<8192xi32, #tpu.memory_space<vmem>>[vector<16xi32>], vector<16xi32>,
          %get3A_213 = arith.constant 6 : i32
          %get3A_214 = arith.index_cast %get3A_213 : i32 to index
          %get3A_215 = arith.index_cast %mul3A_171 : i32 to index
          %get3A_216 = tpu.vector_load %arg6[%get3A_214, %get3A_215] {strides = array<i32>} : memref<16x1024xf32, #tpu.memory_space<vmem>>, vector<16xf32>,
          %get3A_217 = arith.constant 7 : i32
          %get3A_218 = arith.index_cast %get3A_217 : i32 to index
          %get3A_219 = arith.index_cast %mul3A_171 : i32 to index
          %get3A_220 = tpu.vector_load %arg6[%get3A_218, %get3A_219] {strides = array<i32>} : memref<16x1024xf32, #tpu.memory_space<vmem>>, vector<16xf32>,
          %pack3A_221 = tpu.pack_subelements %get3A_216, %get3A_220 {pack_format = #tpu.pack_format<interleaved>, positions = array<i32: 0, 1>} : vector<16xf32>, vector<16xf32> -> vector<32xbf16>
          %bitcast3A_222 = vector.bitcast %pack3A_221 : vector<32xbf16> to vector<16xi32>
          %add3A_223 = arith.constant 3 : i32
          %add3A_224 = vector.broadcast %add3A_223 : i32 to vector<16xi32>
          %add3A_225 = arith.addi %mul3A_176, %add3A_224 : vector<16xi32>
          tpu.vector_store_idx %arg9[%add3A_225], %bitcast3A_222 : memref<8192xi32, #tpu.memory_space<vmem>>[vector<16xi32>], vector<16xi32>,
          %get3A_226 = arith.constant 8 : i32
          %get3A_227 = arith.index_cast %get3A_226 : i32 to index
          %get3A_228 = arith.index_cast %mul3A_171 : i32 to index
          %get3A_229 = tpu.vector_load %arg6[%get3A_227, %get3A_228] {strides = array<i32>} : memref<16x1024xf32, #tpu.memory_space<vmem>>, vector<16xf32>,
          %get3A_230 = arith.constant 9 : i32
          %get3A_231 = arith.index_cast %get3A_230 : i32 to index
          %get3A_232 = arith.index_cast %mul3A_171 : i32 to index
          %get3A_233 = tpu.vector_load %arg6[%get3A_231, %get3A_232] {strides = array<i32>} : memref<16x1024xf32, #tpu.memory_space<vmem>>, vector<16xf32>,
          %pack3A_234 = tpu.pack_subelements %get3A_229, %get3A_233 {pack_format = #tpu.pack_format<interleaved>, positions = array<i32: 0, 1>} : vector<16xf32>, vector<16xf32> -> vector<32xbf16>
          %bitcast3A_235 = vector.bitcast %pack3A_234 : vector<32xbf16> to vector<16xi32>
          %add3A_236 = arith.constant 4 : i32
          %add3A_237 = vector.broadcast %add3A_236 : i32 to vector<16xi32>
          %add3A_238 = arith.addi %mul3A_176, %add3A_237 : vector<16xi32>
          tpu.vector_store_idx %arg9[%add3A_238], %bitcast3A_235 : memref<8192xi32, #tpu.memory_space<vmem>>[vector<16xi32>], vector<16xi32>,
          %get3A_239 = arith.constant 10 : i32
          %get3A_240 = arith.index_cast %get3A_239 : i32 to index
          %get3A_241 = arith.index_cast %mul3A_171 : i32 to index
          %get3A_242 = tpu.vector_load %arg6[%get3A_240, %get3A_241] {strides = array<i32>} : memref<16x1024xf32, #tpu.memory_space<vmem>>, vector<16xf32>,
          %get3A_243 = arith.constant 11 : i32
          %get3A_244 = arith.index_cast %get3A_243 : i32 to index
          %get3A_245 = arith.index_cast %mul3A_171 : i32 to index
          %get3A_246 = tpu.vector_load %arg6[%get3A_244, %get3A_245] {strides = array<i32>} : memref<16x1024xf32, #tpu.memory_space<vmem>>, vector<16xf32>,
          %pack3A_247 = tpu.pack_subelements %get3A_242, %get3A_246 {pack_format = #tpu.pack_format<interleaved>, positions = array<i32: 0, 1>} : vector<16xf32>, vector<16xf32> -> vector<32xbf16>
          %bitcast3A_248 = vector.bitcast %pack3A_247 : vector<32xbf16> to vector<16xi32>
          %add3A_249 = arith.constant 5 : i32
          %add3A_250 = vector.broadcast %add3A_249 : i32 to vector<16xi32>
          %add3A_251 = arith.addi %mul3A_176, %add3A_250 : vector<16xi32>
          tpu.vector_store_idx %arg9[%add3A_251], %bitcast3A_248 : memref<8192xi32, #tpu.memory_space<vmem>>[vector<16xi32>], vector<16xi32>,
          %get3A_252 = arith.constant 12 : i32
          %get3A_253 = arith.index_cast %get3A_252 : i32 to index
          %get3A_254 = arith.index_cast %mul3A_171 : i32 to index
          %get3A_255 = tpu.vector_load %arg6[%get3A_253, %get3A_254] {strides = array<i32>} : memref<16x1024xf32, #tpu.memory_space<vmem>>, vector<16xf32>,
          %get3A_256 = arith.constant 13 : i32
          %get3A_257 = arith.index_cast %get3A_256 : i32 to index
          %get3A_258 = arith.index_cast %mul3A_171 : i32 to index
          %get3A_259 = tpu.vector_load %arg6[%get3A_257, %get3A_258] {strides = array<i32>} : memref<16x1024xf32, #tpu.memory_space<vmem>>, vector<16xf32>,
          %pack3A_260 = tpu.pack_subelements %get3A_255, %get3A_259 {pack_format = #tpu.pack_format<interleaved>, positions = array<i32: 0, 1>} : vector<16xf32>, vector<16xf32> -> vector<32xbf16>
          %bitcast3A_261 = vector.bitcast %pack3A_260 : vector<32xbf16> to vector<16xi32>
          %add3A_262 = arith.constant 6 : i32
          %add3A_263 = vector.broadcast %add3A_262 : i32 to vector<16xi32>
          %add3A_264 = arith.addi %mul3A_176, %add3A_263 : vector<16xi32>
          tpu.vector_store_idx %arg9[%add3A_264], %bitcast3A_261 : memref<8192xi32, #tpu.memory_space<vmem>>[vector<16xi32>], vector<16xi32>,
          %get3A_265 = arith.constant 14 : i32
          %get3A_266 = arith.index_cast %get3A_265 : i32 to index
          %get3A_267 = arith.index_cast %mul3A_171 : i32 to index
          %get3A_268 = tpu.vector_load %arg6[%get3A_266, %get3A_267] {strides = array<i32>} : memref<16x1024xf32, #tpu.memory_space<vmem>>, vector<16xf32>,
          %get3A_269 = arith.constant 15 : i32
          %get3A_270 = arith.index_cast %get3A_269 : i32 to index
          %get3A_271 = arith.index_cast %mul3A_171 : i32 to index
          %get3A_272 = tpu.vector_load %arg6[%get3A_270, %get3A_271] {strides = array<i32>} : memref<16x1024xf32, #tpu.memory_space<vmem>>, vector<16xf32>,
          %pack3A_273 = tpu.pack_subelements %get3A_268, %get3A_272 {pack_format = #tpu.pack_format<interleaved>, positions = array<i32: 0, 1>} : vector<16xf32>, vector<16xf32> -> vector<32xbf16>
          %bitcast3A_274 = vector.bitcast %pack3A_273 : vector<32xbf16> to vector<16xi32>
          %add3A_275 = arith.constant 7 : i32
          %add3A_276 = vector.broadcast %add3A_275 : i32 to vector<16xi32>
          %add3A_277 = arith.addi %mul3A_176, %add3A_276 : vector<16xi32>
          tpu.vector_store_idx %arg9[%add3A_277], %bitcast3A_274 : memref<8192xi32, #tpu.memory_space<vmem>>[vector<16xi32>], vector<16xi32>,
        }
        %scan3A_152 = arith.constant 64 : i32
        %mul3A_153 = arith.constant 32 : i32
        %mul3A_154 = arith.muli %add3A_114, %mul3A_153 : i32
        %add3A_155 = arith.addi %mul3A_154, %add3A : i32
        %mul3A_156 = arith.constant 8192 : i32
        %mul3A_157 = arith.muli %add3A_155, %mul3A_156 : i32
        %multiple_of3A = tpu.assume_multiple %mul3A_157, 8 : i32
        %dma_start3A = tpu.memref_slice %arg4[%multiple_of3A] : memref<20800000xi32, #tpu.memory_space<hbm>> -> memref<8192xi32, #tpu.memory_space<hbm>>
        %dma_start3A_158 = tpu.memref_slice %arg4[%multiple_of3A] : memref<20800000xi32, #tpu.memory_space<hbm>> -> memref<8192xi32, #tpu.memory_space<hbm>>
        tpu.enqueue_dma source(%arg9 : memref<8192xi32, #tpu.memory_space<vmem>>) target(%dma_start3A_158 : memref<8192xi32, #tpu.memory_space<hbm>>) target_semaphore(%arg15 : memref<!tpu.dma_semaphore, #tpu.memory_space<semaphore_mem>>)
        %add3A_159 = arith.constant 3 : i32
        %add3A_160 = arith.addi %add3A_114, %add3A_159 : i32
        %mul3A_161 = arith.constant 32 : i32
        %mul3A_162 = arith.muli %add3A_160, %mul3A_161 : i32
        %add3A_163 = arith.addi %mul3A_162, %add3A : i32
        %lt3A_164 = arith.constant 2539 : i32
        %lt3A_165 = arith.cmpi slt, %add3A_163, %lt3A_164 : i32
        %convert_element_type3A_166 = arith.extui %lt3A_165 : i1 to i32
        %cond3A_167 = arith.constant 0 : i32
        %cond3A_168 = arith.cmpi ne, %convert_element_type3A_166, %cond3A_167 : i32
        scf.if %cond3A_168 {
          %add3A_169 = arith.constant 3 : i32
          %add3A_170 = arith.addi %add3A_114, %add3A_169 : i32
          %mul3A_171 = arith.constant 32 : i32
          %mul3A_172 = arith.muli %add3A_170, %mul3A_171 : i32
          %add3A_173 = arith.addi %mul3A_172, %add3A : i32
          %mul3A_174 = arith.constant 1024 : i32
          %mul3A_175 = arith.muli %add3A_173, %mul3A_174 : i32
          %dma_start3A_176 = arith.constant 0 : i32
          %dma_start3A_177 = tpu.memref_slice %arg2[%dma_start3A_176, %mul3A_175] : memref<16x2600000xf32, #tpu.memory_space<hbm>> -> memref<16x1024xf32, #tpu.memory_space<hbm>>
          %dma_start3A_178 = arith.constant 0 : i32
          %dma_start3A_179 = tpu.memref_slice %arg2[%dma_start3A_178, %mul3A_175] : memref<16x2600000xf32, #tpu.memory_space<hbm>> -> memref<16x1024xf32, #tpu.memory_space<hbm>>
          tpu.enqueue_dma source(%dma_start3A_179 : memref<16x1024xf32, #tpu.memory_space<hbm>>) target(%arg6 : memref<16x1024xf32, #tpu.memory_space<vmem>>) target_semaphore(%arg12 : memref<!tpu.dma_semaphore, #tpu.memory_space<semaphore_mem>>)
        } else {
        }
      } else {
      }
      %mul3A_123 = arith.constant 3 : i32
      %mul3A_124 = arith.muli %mul3A_123, %scan3A_98 : i32
      %add3A_125 = arith.constant 2 : i32
      %add3A_126 = arith.addi %mul3A_124, %add3A_125 : i32
      %mul3A_127 = arith.constant 32 : i32
      %mul3A_128 = arith.muli %add3A_126, %mul3A_127 : i32
      %add3A_129 = arith.addi %mul3A_128, %add3A : i32
      %lt3A_130 = arith.constant 2539 : i32
      %lt3A_131 = arith.cmpi slt, %add3A_129, %lt3A_130 : i32
      %convert_element_type3A_132 = arith.extui %lt3A_131 : i1 to i32
      %cond3A_133 = arith.constant 0 : i32
      %cond3A_134 = arith.cmpi ne, %convert_element_type3A_132, %cond3A_133 : i32
      scf.if %cond3A_134 {
        %mul3A_135 = arith.constant 32 : i32
        %mul3A_136 = arith.muli %add3A_126, %mul3A_135 : i32
        %add3A_137 = arith.addi %mul3A_136, %add3A : i32
        %mul3A_138 = arith.constant 1024 : i32
        %mul3A_139 = arith.muli %add3A_137, %mul3A_138 : i32
        %dma_wait3A = arith.constant 0 : i32
        %dma_wait3A_140 = tpu.memref_slice %arg2[%dma_wait3A, %mul3A_139] : memref<16x2600000xf32, #tpu.memory_space<hbm>> -> memref<16x1024xf32, #tpu.memory_space<hbm>>
        %dma_wait3A_141 = arith.constant 0 : i32
        %dma_wait3A_142 = tpu.memref_slice %arg2[%dma_wait3A_141, %mul3A_139] : memref<16x2600000xf32, #tpu.memory_space<hbm>> -> memref<16x1024xf32, #tpu.memory_space<hbm>>
        tpu.wait_dma2 semaphore(%arg13 : memref<!tpu.dma_semaphore, #tpu.memory_space<semaphore_mem>>) src(%dma_wait3A_142 : memref<16x1024xf32, #tpu.memory_space<hbm>>) dst(%arg7 : memref<16x1024xf32, #tpu.memory_space<vmem>>)
        %gt3A = arith.constant 0 : i32
        %gt3A_143 = arith.cmpi sgt, %scan3A_98, %gt3A : i32
        %convert_element_type3A_144 = arith.extui %gt3A_143 : i1 to i32
        %cond3A_145 = arith.constant 0 : i32
        %cond3A_146 = arith.cmpi ne, %convert_element_type3A_144, %cond3A_145 : i32
        scf.if %cond3A_146 {
          %sub3A = arith.constant 3 : i32
          %sub3A_169 = arith.subi %add3A_126, %sub3A : i32
          %mul3A_170 = arith.constant 32 : i32
          %mul3A_171 = arith.muli %sub3A_169, %mul3A_170 : i32
          %add3A_172 = arith.addi %mul3A_171, %add3A : i32
          %mul3A_173 = arith.constant 8192 : i32
          %mul3A_174 = arith.muli %add3A_172, %mul3A_173 : i32
          %multiple_of3A_175 = tpu.assume_multiple %mul3A_174, 8 : i32
          %dma_wait3A_176 = tpu.memref_slice %arg4[%multiple_of3A_175] : memref<20800000xi32, #tpu.memory_space<hbm>> -> memref<8192xi32, #tpu.memory_space<hbm>>
          %dma_wait3A_177 = tpu.memref_slice %arg4[%multiple_of3A_175] : memref<20800000xi32, #tpu.memory_space<hbm>> -> memref<8192xi32, #tpu.memory_space<hbm>>
          tpu.wait_dma2 semaphore(%arg16 : memref<!tpu.dma_semaphore, #tpu.memory_space<semaphore_mem>>) src(%arg10 : memref<8192xi32, #tpu.memory_space<vmem>>) dst(%dma_wait3A_177 : memref<8192xi32, #tpu.memory_space<hbm>>)
        } else {
        }
        %scan3A_147 = arith.constant 0 : i32
        %scan3A_148 = arith.constant 0 : i32
        %scan3A_149 = arith.constant 64 : i32
        %scan3A_150 = arith.addi %scan3A_148, %scan3A_149 : i32
        %scan3A_151 = arith.constant 1 : i32
        scf.for %scan3A_169 = %scan3A_148 to %scan3A_150 step %scan3A_151  : i32 {
          %mul3A_170 = arith.constant 16 : i32
          %mul3A_171 = arith.muli %scan3A_169, %mul3A_170 : i32
          %iota3A = tpu.iota {dimensions = array<i32: 0>} : vector<16xi32>
          %add3A_172 = vector.broadcast %mul3A_171 : i32 to vector<16xi32>
          %add3A_173 = arith.addi %add3A_172, %iota3A : vector<16xi32>
          %mul3A_174 = arith.constant 8 : i32
          %mul3A_175 = vector.broadcast %mul3A_174 : i32 to vector<16xi32>
          %mul3A_176 = arith.muli %add3A_173, %mul3A_175 : vector<16xi32>
          %get3A = arith.constant 0 : i32
          %get3A_177 = arith.index_cast %get3A : i32 to index
          %get3A_178 = arith.index_cast %mul3A_171 : i32 to index
          %get3A_179 = tpu.vector_load %arg7[%get3A_177, %get3A_178] {strides = array<i32>} : memref<16x1024xf32, #tpu.memory_space<vmem>>, vector<16xf32>,
          %get3A_180 = arith.constant 1 : i32
          %get3A_181 = arith.index_cast %get3A_180 : i32 to index
          %get3A_182 = arith.index_cast %mul3A_171 : i32 to index
          %get3A_183 = tpu.vector_load %arg7[%get3A_181, %get3A_182] {strides = array<i32>} : memref<16x1024xf32, #tpu.memory_space<vmem>>, vector<16xf32>,
          %pack3A = tpu.pack_subelements %get3A_179, %get3A_183 {pack_format = #tpu.pack_format<interleaved>, positions = array<i32: 0, 1>} : vector<16xf32>, vector<16xf32> -> vector<32xbf16>
          %bitcast3A = vector.bitcast %pack3A : vector<32xbf16> to vector<16xi32>
          %add3A_184 = arith.constant 0 : i32
          %add3A_185 = vector.broadcast %add3A_184 : i32 to vector<16xi32>
          %add3A_186 = arith.addi %mul3A_176, %add3A_185 : vector<16xi32>
          tpu.vector_store_idx %arg10[%add3A_186], %bitcast3A : memref<8192xi32, #tpu.memory_space<vmem>>[vector<16xi32>], vector<16xi32>,
          %get3A_187 = arith.constant 2 : i32
          %get3A_188 = arith.index_cast %get3A_187 : i32 to index
          %get3A_189 = arith.index_cast %mul3A_171 : i32 to index
          %get3A_190 = tpu.vector_load %arg7[%get3A_188, %get3A_189] {strides = array<i32>} : memref<16x1024xf32, #tpu.memory_space<vmem>>, vector<16xf32>,
          %get3A_191 = arith.constant 3 : i32
          %get3A_192 = arith.index_cast %get3A_191 : i32 to index
          %get3A_193 = arith.index_cast %mul3A_171 : i32 to index
          %get3A_194 = tpu.vector_load %arg7[%get3A_192, %get3A_193] {strides = array<i32>} : memref<16x1024xf32, #tpu.memory_space<vmem>>, vector<16xf32>,
          %pack3A_195 = tpu.pack_subelements %get3A_190, %get3A_194 {pack_format = #tpu.pack_format<interleaved>, positions = array<i32: 0, 1>} : vector<16xf32>, vector<16xf32> -> vector<32xbf16>
          %bitcast3A_196 = vector.bitcast %pack3A_195 : vector<32xbf16> to vector<16xi32>
          %add3A_197 = arith.constant 1 : i32
          %add3A_198 = vector.broadcast %add3A_197 : i32 to vector<16xi32>
          %add3A_199 = arith.addi %mul3A_176, %add3A_198 : vector<16xi32>
          tpu.vector_store_idx %arg10[%add3A_199], %bitcast3A_196 : memref<8192xi32, #tpu.memory_space<vmem>>[vector<16xi32>], vector<16xi32>,
          %get3A_200 = arith.constant 4 : i32
          %get3A_201 = arith.index_cast %get3A_200 : i32 to index
          %get3A_202 = arith.index_cast %mul3A_171 : i32 to index
          %get3A_203 = tpu.vector_load %arg7[%get3A_201, %get3A_202] {strides = array<i32>} : memref<16x1024xf32, #tpu.memory_space<vmem>>, vector<16xf32>,
          %get3A_204 = arith.constant 5 : i32
          %get3A_205 = arith.index_cast %get3A_204 : i32 to index
          %get3A_206 = arith.index_cast %mul3A_171 : i32 to index
          %get3A_207 = tpu.vector_load %arg7[%get3A_205, %get3A_206] {strides = array<i32>} : memref<16x1024xf32, #tpu.memory_space<vmem>>, vector<16xf32>,
          %pack3A_208 = tpu.pack_subelements %get3A_203, %get3A_207 {pack_format = #tpu.pack_format<interleaved>, positions = array<i32: 0, 1>} : vector<16xf32>, vector<16xf32> -> vector<32xbf16>
          %bitcast3A_209 = vector.bitcast %pack3A_208 : vector<32xbf16> to vector<16xi32>
          %add3A_210 = arith.constant 2 : i32
          %add3A_211 = vector.broadcast %add3A_210 : i32 to vector<16xi32>
          %add3A_212 = arith.addi %mul3A_176, %add3A_211 : vector<16xi32>
          tpu.vector_store_idx %arg10[%add3A_212], %bitcast3A_209 : memref<8192xi32, #tpu.memory_space<vmem>>[vector<16xi32>], vector<16xi32>,
          %get3A_213 = arith.constant 6 : i32
          %get3A_214 = arith.index_cast %get3A_213 : i32 to index
          %get3A_215 = arith.index_cast %mul3A_171 : i32 to index
          %get3A_216 = tpu.vector_load %arg7[%get3A_214, %get3A_215] {strides = array<i32>} : memref<16x1024xf32, #tpu.memory_space<vmem>>, vector<16xf32>,
          %get3A_217 = arith.constant 7 : i32
          %get3A_218 = arith.index_cast %get3A_217 : i32 to index
          %get3A_219 = arith.index_cast %mul3A_171 : i32 to index
          %get3A_220 = tpu.vector_load %arg7[%get3A_218, %get3A_219] {strides = array<i32>} : memref<16x1024xf32, #tpu.memory_space<vmem>>, vector<16xf32>,
          %pack3A_221 = tpu.pack_subelements %get3A_216, %get3A_220 {pack_format = #tpu.pack_format<interleaved>, positions = array<i32: 0, 1>} : vector<16xf32>, vector<16xf32> -> vector<32xbf16>
          %bitcast3A_222 = vector.bitcast %pack3A_221 : vector<32xbf16> to vector<16xi32>
          %add3A_223 = arith.constant 3 : i32
          %add3A_224 = vector.broadcast %add3A_223 : i32 to vector<16xi32>
          %add3A_225 = arith.addi %mul3A_176, %add3A_224 : vector<16xi32>
          tpu.vector_store_idx %arg10[%add3A_225], %bitcast3A_222 : memref<8192xi32, #tpu.memory_space<vmem>>[vector<16xi32>], vector<16xi32>,
          %get3A_226 = arith.constant 8 : i32
          %get3A_227 = arith.index_cast %get3A_226 : i32 to index
          %get3A_228 = arith.index_cast %mul3A_171 : i32 to index
          %get3A_229 = tpu.vector_load %arg7[%get3A_227, %get3A_228] {strides = array<i32>} : memref<16x1024xf32, #tpu.memory_space<vmem>>, vector<16xf32>,
          %get3A_230 = arith.constant 9 : i32
          %get3A_231 = arith.index_cast %get3A_230 : i32 to index
          %get3A_232 = arith.index_cast %mul3A_171 : i32 to index
          %get3A_233 = tpu.vector_load %arg7[%get3A_231, %get3A_232] {strides = array<i32>} : memref<16x1024xf32, #tpu.memory_space<vmem>>, vector<16xf32>,
          %pack3A_234 = tpu.pack_subelements %get3A_229, %get3A_233 {pack_format = #tpu.pack_format<interleaved>, positions = array<i32: 0, 1>} : vector<16xf32>, vector<16xf32> -> vector<32xbf16>
          %bitcast3A_235 = vector.bitcast %pack3A_234 : vector<32xbf16> to vector<16xi32>
          %add3A_236 = arith.constant 4 : i32
          %add3A_237 = vector.broadcast %add3A_236 : i32 to vector<16xi32>
          %add3A_238 = arith.addi %mul3A_176, %add3A_237 : vector<16xi32>
          tpu.vector_store_idx %arg10[%add3A_238], %bitcast3A_235 : memref<8192xi32, #tpu.memory_space<vmem>>[vector<16xi32>], vector<16xi32>,
          %get3A_239 = arith.constant 10 : i32
          %get3A_240 = arith.index_cast %get3A_239 : i32 to index
          %get3A_241 = arith.index_cast %mul3A_171 : i32 to index
          %get3A_242 = tpu.vector_load %arg7[%get3A_240, %get3A_241] {strides = array<i32>} : memref<16x1024xf32, #tpu.memory_space<vmem>>, vector<16xf32>,
          %get3A_243 = arith.constant 11 : i32
          %get3A_244 = arith.index_cast %get3A_243 : i32 to index
          %get3A_245 = arith.index_cast %mul3A_171 : i32 to index
          %get3A_246 = tpu.vector_load %arg7[%get3A_244, %get3A_245] {strides = array<i32>} : memref<16x1024xf32, #tpu.memory_space<vmem>>, vector<16xf32>,
          %pack3A_247 = tpu.pack_subelements %get3A_242, %get3A_246 {pack_format = #tpu.pack_format<interleaved>, positions = array<i32: 0, 1>} : vector<16xf32>, vector<16xf32> -> vector<32xbf16>
          %bitcast3A_248 = vector.bitcast %pack3A_247 : vector<32xbf16> to vector<16xi32>
          %add3A_249 = arith.constant 5 : i32
          %add3A_250 = vector.broadcast %add3A_249 : i32 to vector<16xi32>
          %add3A_251 = arith.addi %mul3A_176, %add3A_250 : vector<16xi32>
          tpu.vector_store_idx %arg10[%add3A_251], %bitcast3A_248 : memref<8192xi32, #tpu.memory_space<vmem>>[vector<16xi32>], vector<16xi32>,
          %get3A_252 = arith.constant 12 : i32
          %get3A_253 = arith.index_cast %get3A_252 : i32 to index
          %get3A_254 = arith.index_cast %mul3A_171 : i32 to index
          %get3A_255 = tpu.vector_load %arg7[%get3A_253, %get3A_254] {strides = array<i32>} : memref<16x1024xf32, #tpu.memory_space<vmem>>, vector<16xf32>,
          %get3A_256 = arith.constant 13 : i32
          %get3A_257 = arith.index_cast %get3A_256 : i32 to index
          %get3A_258 = arith.index_cast %mul3A_171 : i32 to index
          %get3A_259 = tpu.vector_load %arg7[%get3A_257, %get3A_258] {strides = array<i32>} : memref<16x1024xf32, #tpu.memory_space<vmem>>, vector<16xf32>,
          %pack3A_260 = tpu.pack_subelements %get3A_255, %get3A_259 {pack_format = #tpu.pack_format<interleaved>, positions = array<i32: 0, 1>} : vector<16xf32>, vector<16xf32> -> vector<32xbf16>
          %bitcast3A_261 = vector.bitcast %pack3A_260 : vector<32xbf16> to vector<16xi32>
          %add3A_262 = arith.constant 6 : i32
          %add3A_263 = vector.broadcast %add3A_262 : i32 to vector<16xi32>
          %add3A_264 = arith.addi %mul3A_176, %add3A_263 : vector<16xi32>
          tpu.vector_store_idx %arg10[%add3A_264], %bitcast3A_261 : memref<8192xi32, #tpu.memory_space<vmem>>[vector<16xi32>], vector<16xi32>,
          %get3A_265 = arith.constant 14 : i32
          %get3A_266 = arith.index_cast %get3A_265 : i32 to index
          %get3A_267 = arith.index_cast %mul3A_171 : i32 to index
          %get3A_268 = tpu.vector_load %arg7[%get3A_266, %get3A_267] {strides = array<i32>} : memref<16x1024xf32, #tpu.memory_space<vmem>>, vector<16xf32>,
          %get3A_269 = arith.constant 15 : i32
          %get3A_270 = arith.index_cast %get3A_269 : i32 to index
          %get3A_271 = arith.index_cast %mul3A_171 : i32 to index
          %get3A_272 = tpu.vector_load %arg7[%get3A_270, %get3A_271] {strides = array<i32>} : memref<16x1024xf32, #tpu.memory_space<vmem>>, vector<16xf32>,
          %pack3A_273 = tpu.pack_subelements %get3A_268, %get3A_272 {pack_format = #tpu.pack_format<interleaved>, positions = array<i32: 0, 1>} : vector<16xf32>, vector<16xf32> -> vector<32xbf16>
          %bitcast3A_274 = vector.bitcast %pack3A_273 : vector<32xbf16> to vector<16xi32>
          %add3A_275 = arith.constant 7 : i32
          %add3A_276 = vector.broadcast %add3A_275 : i32 to vector<16xi32>
          %add3A_277 = arith.addi %mul3A_176, %add3A_276 : vector<16xi32>
          tpu.vector_store_idx %arg10[%add3A_277], %bitcast3A_274 : memref<8192xi32, #tpu.memory_space<vmem>>[vector<16xi32>], vector<16xi32>,
        }
        %scan3A_152 = arith.constant 64 : i32
        %mul3A_153 = arith.constant 32 : i32
        %mul3A_154 = arith.muli %add3A_126, %mul3A_153 : i32
        %add3A_155 = arith.addi %mul3A_154, %add3A : i32
        %mul3A_156 = arith.constant 8192 : i32
        %mul3A_157 = arith.muli %add3A_155, %mul3A_156 : i32
        %multiple_of3A = tpu.assume_multiple %mul3A_157, 8 : i32
        %dma_start3A = tpu.memref_slice %arg4[%multiple_of3A] : memref<20800000xi32, #tpu.memory_space<hbm>> -> memref<8192xi32, #tpu.memory_space<hbm>>
        %dma_start3A_158 = tpu.memref_slice %arg4[%multiple_of3A] : memref<20800000xi32, #tpu.memory_space<hbm>> -> memref<8192xi32, #tpu.memory_space<hbm>>
        tpu.enqueue_dma source(%arg10 : memref<8192xi32, #tpu.memory_space<vmem>>) target(%dma_start3A_158 : memref<8192xi32, #tpu.memory_space<hbm>>) target_semaphore(%arg16 : memref<!tpu.dma_semaphore, #tpu.memory_space<semaphore_mem>>)
        %add3A_159 = arith.constant 3 : i32
        %add3A_160 = arith.addi %add3A_126, %add3A_159 : i32
        %mul3A_161 = arith.constant 32 : i32
        %mul3A_162 = arith.muli %add3A_160, %mul3A_161 : i32
        %add3A_163 = arith.addi %mul3A_162, %add3A : i32
        %lt3A_164 = arith.constant 2539 : i32
        %lt3A_165 = arith.cmpi slt, %add3A_163, %lt3A_164 : i32
        %convert_element_type3A_166 = arith.extui %lt3A_165 : i1 to i32
        %cond3A_167 = arith.constant 0 : i32
        %cond3A_168 = arith.cmpi ne, %convert_element_type3A_166, %cond3A_167 : i32
        scf.if %cond3A_168 {
          %add3A_169 = arith.constant 3 : i32
          %add3A_170 = arith.addi %add3A_126, %add3A_169 : i32
          %mul3A_171 = arith.constant 32 : i32
          %mul3A_172 = arith.muli %add3A_170, %mul3A_171 : i32
          %add3A_173 = arith.addi %mul3A_172, %add3A : i32
          %mul3A_174 = arith.constant 1024 : i32
          %mul3A_175 = arith.muli %add3A_173, %mul3A_174 : i32
          %dma_start3A_176 = arith.constant 0 : i32
          %dma_start3A_177 = tpu.memref_slice %arg2[%dma_start3A_176, %mul3A_175] : memref<16x2600000xf32, #tpu.memory_space<hbm>> -> memref<16x1024xf32, #tpu.memory_space<hbm>>
          %dma_start3A_178 = arith.constant 0 : i32
          %dma_start3A_179 = tpu.memref_slice %arg2[%dma_start3A_178, %mul3A_175] : memref<16x2600000xf32, #tpu.memory_space<hbm>> -> memref<16x1024xf32, #tpu.memory_space<hbm>>
          tpu.enqueue_dma source(%dma_start3A_179 : memref<16x1024xf32, #tpu.memory_space<hbm>>) target(%arg7 : memref<16x1024xf32, #tpu.memory_space<vmem>>) target_semaphore(%arg13 : memref<!tpu.dma_semaphore, #tpu.memory_space<semaphore_mem>>)
        } else {
        }
      } else {
      }
    }
    %scan3A_23 = arith.constant 27 : i32
    %add3A_24 = arith.constant 2400 : i32
    %add3A_25 = arith.addi %add3A_24, %add3A : i32
    %lt3A_26 = arith.constant 2539 : i32
    %lt3A_27 = arith.cmpi slt, %add3A_25, %lt3A_26 : i32
    %add3A_28 = arith.constant 2496 : i32
    %add3A_29 = arith.addi %add3A_28, %add3A : i32
    %ge3A = arith.constant 2539 : i32
    %ge3A_30 = arith.cmpi sge, %add3A_29, %ge3A : i32
    %and3A = arith.andi %lt3A_27, %ge3A_30 : i1
    %convert_element_type3A_31 = arith.extui %and3A : i1 to i32
    %cond3A_32 = arith.constant 0 : i32
    %cond3A_33 = arith.cmpi ne, %convert_element_type3A_31, %cond3A_32 : i32
    scf.if %cond3A_33 {
      %add3A_98 = arith.constant 2400 : i32
      %add3A_99 = arith.addi %add3A_98, %add3A : i32
      %mul3A_100 = arith.constant 8192 : i32
      %mul3A_101 = arith.muli %add3A_99, %mul3A_100 : i32
      %multiple_of3A = tpu.assume_multiple %mul3A_101, 8 : i32
      %dma_wait3A = tpu.memref_slice %arg4[%multiple_of3A] : memref<20800000xi32, #tpu.memory_space<hbm>> -> memref<8192xi32, #tpu.memory_space<hbm>>
      %dma_wait3A_102 = tpu.memref_slice %arg4[%multiple_of3A] : memref<20800000xi32, #tpu.memory_space<hbm>> -> memref<8192xi32, #tpu.memory_space<hbm>>
      tpu.wait_dma2 semaphore(%arg14 : memref<!tpu.dma_semaphore, #tpu.memory_space<semaphore_mem>>) src(%arg8 : memref<8192xi32, #tpu.memory_space<vmem>>) dst(%dma_wait3A_102 : memref<8192xi32, #tpu.memory_space<hbm>>)
    } else {
    }
    %add3A_34 = arith.constant 2432 : i32
    %add3A_35 = arith.addi %add3A_34, %add3A : i32
    %lt3A_36 = arith.constant 2539 : i32
    %lt3A_37 = arith.cmpi slt, %add3A_35, %lt3A_36 : i32
    %add3A_38 = arith.constant 2528 : i32
    %add3A_39 = arith.addi %add3A_38, %add3A : i32
    %ge3A_40 = arith.constant 2539 : i32
    %ge3A_41 = arith.cmpi sge, %add3A_39, %ge3A_40 : i32
    %and3A_42 = arith.andi %lt3A_37, %ge3A_41 : i1
    %convert_element_type3A_43 = arith.extui %and3A_42 : i1 to i32
    %cond3A_44 = arith.constant 0 : i32
    %cond3A_45 = arith.cmpi ne, %convert_element_type3A_43, %cond3A_44 : i32
    scf.if %cond3A_45 {
      %add3A_98 = arith.constant 2432 : i32
      %add3A_99 = arith.addi %add3A_98, %add3A : i32
      %mul3A_100 = arith.constant 8192 : i32
      %mul3A_101 = arith.muli %add3A_99, %mul3A_100 : i32
      %multiple_of3A = tpu.assume_multiple %mul3A_101, 8 : i32
      %dma_wait3A = tpu.memref_slice %arg4[%multiple_of3A] : memref<20800000xi32, #tpu.memory_space<hbm>> -> memref<8192xi32, #tpu.memory_space<hbm>>
      %dma_wait3A_102 = tpu.memref_slice %arg4[%multiple_of3A] : memref<20800000xi32, #tpu.memory_space<hbm>> -> memref<8192xi32, #tpu.memory_space<hbm>>
      tpu.wait_dma2 semaphore(%arg15 : memref<!tpu.dma_semaphore, #tpu.memory_space<semaphore_mem>>) src(%arg9 : memref<8192xi32, #tpu.memory_space<vmem>>) dst(%dma_wait3A_102 : memref<8192xi32, #tpu.memory_space<hbm>>)
    } else {
    }
    %add3A_46 = arith.constant 2464 : i32
    %add3A_47 = arith.addi %add3A_46, %add3A : i32
    %lt3A_48 = arith.constant 2539 : i32
    %lt3A_49 = arith.cmpi slt, %add3A_47, %lt3A_48 : i32
    %add3A_50 = arith.constant 2560 : i32
    %add3A_51 = arith.addi %add3A_50, %add3A : i32
    %ge3A_52 = arith.constant 2539 : i32
    %ge3A_53 = arith.cmpi sge, %add3A_51, %ge3A_52 : i32
    %and3A_54 = arith.andi %lt3A_49, %ge3A_53 : i1
    %convert_element_type3A_55 = arith.extui %and3A_54 : i1 to i32
    %cond3A_56 = arith.constant 0 : i32
    %cond3A_57 = arith.cmpi ne, %convert_element_type3A_55, %cond3A_56 : i32
    scf.if %cond3A_57 {
      %add3A_98 = arith.constant 2464 : i32
      %add3A_99 = arith.addi %add3A_98, %add3A : i32
      %mul3A_100 = arith.constant 8192 : i32
      %mul3A_101 = arith.muli %add3A_99, %mul3A_100 : i32
      %multiple_of3A = tpu.assume_multiple %mul3A_101, 8 : i32
      %dma_wait3A = tpu.memref_slice %arg4[%multiple_of3A] : memref<20800000xi32, #tpu.memory_space<hbm>> -> memref<8192xi32, #tpu.memory_space<hbm>>
      %dma_wait3A_102 = tpu.memref_slice %arg4[%multiple_of3A] : memref<20800000xi32, #tpu.memory_space<hbm>> -> memref<8192xi32, #tpu.memory_space<hbm>>
      tpu.wait_dma2 semaphore(%arg16 : memref<!tpu.dma_semaphore, #tpu.memory_space<semaphore_mem>>) src(%arg10 : memref<8192xi32, #tpu.memory_space<vmem>>) dst(%dma_wait3A_102 : memref<8192xi32, #tpu.memory_space<hbm>>)
    } else {
    }
    %add3A_58 = arith.constant 2496 : i32
    %add3A_59 = arith.addi %add3A_58, %add3A : i32
    %lt3A_60 = arith.constant 2539 : i32
    %lt3A_61 = arith.cmpi slt, %add3A_59, %lt3A_60 : i32
    %add3A_62 = arith.constant 2592 : i32
    %add3A_63 = arith.addi %add3A_62, %add3A : i32
    %ge3A_64 = arith.constant 2539 : i32
    %ge3A_65 = arith.cmpi sge, %add3A_63, %ge3A_64 : i32
    %and3A_66 = arith.andi %lt3A_61, %ge3A_65 : i1
    %convert_element_type3A_67 = arith.extui %and3A_66 : i1 to i32
    %cond3A_68 = arith.constant 0 : i32
    %cond3A_69 = arith.cmpi ne, %convert_element_type3A_67, %cond3A_68 : i32
    scf.if %cond3A_69 {
      %add3A_98 = arith.constant 2496 : i32
      %add3A_99 = arith.addi %add3A_98, %add3A : i32
      %mul3A_100 = arith.constant 8192 : i32
      %mul3A_101 = arith.muli %add3A_99, %mul3A_100 : i32
      %multiple_of3A = tpu.assume_multiple %mul3A_101, 8 : i32
      %dma_wait3A = tpu.memref_slice %arg4[%multiple_of3A] : memref<20800000xi32, #tpu.memory_space<hbm>> -> memref<8192xi32, #tpu.memory_space<hbm>>
      %dma_wait3A_102 = tpu.memref_slice %arg4[%multiple_of3A] : memref<20800000xi32, #tpu.memory_space<hbm>> -> memref<8192xi32, #tpu.memory_space<hbm>>
      tpu.wait_dma2 semaphore(%arg14 : memref<!tpu.dma_semaphore, #tpu.memory_space<semaphore_mem>>) src(%arg8 : memref<8192xi32, #tpu.memory_space<vmem>>) dst(%dma_wait3A_102 : memref<8192xi32, #tpu.memory_space<hbm>>)
    } else {
    }
    %add3A_70 = arith.constant 2528 : i32
    %add3A_71 = arith.addi %add3A_70, %add3A : i32
    %lt3A_72 = arith.constant 2539 : i32
    %lt3A_73 = arith.cmpi slt, %add3A_71, %lt3A_72 : i32
    %add3A_74 = arith.constant 2624 : i32
    %add3A_75 = arith.addi %add3A_74, %add3A : i32
    %ge3A_76 = arith.constant 2539 : i32
    %ge3A_77 = arith.cmpi sge, %add3A_75, %ge3A_76 : i32
    %and3A_78 = arith.andi %lt3A_73, %ge3A_77 : i1
    %convert_element_type3A_79 = arith.extui %and3A_78 : i1 to i32
    %cond3A_80 = arith.constant 0 : i32
    %cond3A_81 = arith.cmpi ne, %convert_element_type3A_79, %cond3A_80 : i32
    scf.if %cond3A_81 {
      %add3A_98 = arith.constant 2528 : i32
      %add3A_99 = arith.addi %add3A_98, %add3A : i32
      %mul3A_100 = arith.constant 8192 : i32
      %mul3A_101 = arith.muli %add3A_99, %mul3A_100 : i32
      %multiple_of3A = tpu.assume_multiple %mul3A_101, 8 : i32
      %dma_wait3A = tpu.memref_slice %arg4[%multiple_of3A] : memref<20800000xi32, #tpu.memory_space<hbm>> -> memref<8192xi32, #tpu.memory_space<hbm>>
      %dma_wait3A_102 = tpu.memref_slice %arg4[%multiple_of3A] : memref<20800000xi32, #tpu.memory_space<hbm>> -> memref<8192xi32, #tpu.memory_space<hbm>>
      tpu.wait_dma2 semaphore(%arg15 : memref<!tpu.dma_semaphore, #tpu.memory_space<semaphore_mem>>) src(%arg9 : memref<8192xi32, #tpu.memory_space<vmem>>) dst(%dma_wait3A_102 : memref<8192xi32, #tpu.memory_space<hbm>>)
    } else {
    }
    %add3A_82 = arith.constant 2560 : i32
    %add3A_83 = arith.addi %add3A_82, %add3A : i32
    %lt3A_84 = arith.constant 2539 : i32
    %lt3A_85 = arith.cmpi slt, %add3A_83, %lt3A_84 : i32
    %add3A_86 = arith.constant 2656 : i32
    %add3A_87 = arith.addi %add3A_86, %add3A : i32
    %ge3A_88 = arith.constant 2539 : i32
    %ge3A_89 = arith.cmpi sge, %add3A_87, %ge3A_88 : i32
    %and3A_90 = arith.andi %lt3A_85, %ge3A_89 : i1
    %convert_element_type3A_91 = arith.extui %and3A_90 : i1 to i32
    %cond3A_92 = arith.constant 0 : i32
    %cond3A_93 = arith.cmpi ne, %convert_element_type3A_91, %cond3A_92 : i32
    scf.if %cond3A_93 {
      %add3A_98 = arith.constant 2560 : i32
      %add3A_99 = arith.addi %add3A_98, %add3A : i32
      %mul3A_100 = arith.constant 8192 : i32
      %mul3A_101 = arith.muli %add3A_99, %mul3A_100 : i32
      %multiple_of3A = tpu.assume_multiple %mul3A_101, 8 : i32
      %dma_wait3A = tpu.memref_slice %arg4[%multiple_of3A] : memref<20800000xi32, #tpu.memory_space<hbm>> -> memref<8192xi32, #tpu.memory_space<hbm>>
      %dma_wait3A_102 = tpu.memref_slice %arg4[%multiple_of3A] : memref<20800000xi32, #tpu.memory_space<hbm>> -> memref<8192xi32, #tpu.memory_space<hbm>>
      tpu.wait_dma2 semaphore(%arg16 : memref<!tpu.dma_semaphore, #tpu.memory_space<semaphore_mem>>) src(%arg10 : memref<8192xi32, #tpu.memory_space<vmem>>) dst(%dma_wait3A_102 : memref<8192xi32, #tpu.memory_space<hbm>>)
    } else {
    }
    %eq3A = arith.constant 31 : i32
    %eq3A_94 = arith.cmpi eq, %add3A, %eq3A : i32
    %convert_element_type3A_95 = arith.extui %eq3A_94 : i1 to i32
    %cond3A_96 = arith.constant 0 : i32
    %cond3A_97 = arith.cmpi ne, %convert_element_type3A_95, %cond3A_96 : i32
    scf.if %cond3A_97 {
      "tpu.region"() ({
        %run_scoped3A = tpu.sem_alloc : memref<!tpu.dma_semaphore, #tpu.memory_space<semaphore_mem>>
        %dma_start3A = arith.constant 20799488 : i32
        %dma_start3A_98 = tpu.memref_slice %arg4[%dma_start3A] : memref<20800000xi32, #tpu.memory_space<hbm>> -> memref<512xi32, #tpu.memory_space<hbm>>
        tpu.enqueue_dma source(%arg3 : memref<512xi32, #tpu.memory_space<hbm>>) target(%dma_start3A_98 : memref<512xi32, #tpu.memory_space<hbm>>) target_semaphore(%run_scoped3A : memref<!tpu.dma_semaphore, #tpu.memory_space<semaphore_mem>>)
        %dma_wait3A = arith.constant 20799488 : i32
        %dma_wait3A_99 = tpu.memref_slice %arg4[%dma_wait3A] : memref<20800000xi32, #tpu.memory_space<hbm>> -> memref<512xi32, #tpu.memory_space<hbm>>
        tpu.wait_dma2 semaphore(%run_scoped3A : memref<!tpu.dma_semaphore, #tpu.memory_space<semaphore_mem>>) src(%arg3 : memref<512xi32, #tpu.memory_space<hbm>>) dst(%dma_wait3A_99 : memref<512xi32, #tpu.memory_space<hbm>>)
        tpu.yield
      }) : () -> ()
    } else {
    }
    return
  }
}

#map = affine_map<(d0, d1) -> (0)>
#map1 = affine_map<(d0, d1) -> (0, 0)>
module attributes {stable_mosaic.version = 14 : i64} {
  func.func @_fm_sc(%arg0: i32, %arg1: i32, %arg2: memref<425984xi32, #tpu.memory_space<hbm>>, %arg3: memref<2600000x8xi32, #tpu.memory_space<hbm>>, %arg4: memref<2600000xf32, #tpu.memory_space<hbm>>, %arg5: memref<262144xf32, #tpu.memory_space<hbm>>, %arg6: memref<16384xf32, #tpu.memory_space<hbm>>, %arg7: memref<3328xi32, #tpu.memory_space<vmem>>, %arg8: memref<3328xi32, #tpu.memory_space<vmem>>, %arg9: memref<3328x8xi32, #tpu.memory_space<vmem>>, %arg10: memref<3328x8xi32, #tpu.memory_space<vmem>>, %arg11: memref<3328xf32, #tpu.memory_space<vmem>>, %arg12: memref<3328xf32, #tpu.memory_space<vmem>>, %arg13: memref<2048xf32, #tpu.memory_space<vmem>>, %arg14: memref<128xf32, #tpu.memory_space<vmem>>, %arg15: memref<!tpu.dma_semaphore, #tpu.memory_space<semaphore_mem>>, %arg16: memref<!tpu.dma_semaphore, #tpu.memory_space<semaphore_mem>>, %arg17: memref<!tpu.dma_semaphore, #tpu.memory_space<semaphore_mem>>, %arg18: memref<!tpu.dma_semaphore, #tpu.memory_space<semaphore_mem>>) attributes {dimension_semantics = [#tpu.dimension_semantics<core_parallel>, #tpu.dimension_semantics<subcore_parallel>], iteration_bounds = array<i64: 2, 16>, scalar_prefetch = 0 : i64, scratch_operands = 12 : i64, tpu.core_type = #tpu.core_type<sc_vector_subcore>, window_params = [{transform_indices = #map}, {transform_indices = #map1}, {transform_indices = #map}, {transform_indices = #map}, {transform_indices = #map}]} {
    %mul3A = arith.constant 2 : i32
    %mul3A_0 = arith.muli %arg1, %mul3A : i32
    %add3A = arith.addi %mul3A_0, %arg0 : i32
    %mul3A_1 = arith.constant 4 : i32
    %mul3A_2 = arith.muli %add3A, %mul3A_1 : i32
    %add3A_3 = arith.constant 0 : i32
    %add3A_4 = arith.addi %mul3A_2, %add3A_3 : i32
    %mul3A_5 = arith.constant 128 : i32
    %mul3A_6 = arith.muli %add3A_4, %mul3A_5 : i32
    %mul3A_7 = arith.constant 26 : i32
    %mul3A_8 = arith.muli %mul3A_6, %mul3A_7 : i32
    %multiple_of3A = tpu.assume_multiple %mul3A_8, 8 : i32
    "tpu.region"() ({
      %run_scoped3A = tpu.sem_alloc : memref<!tpu.dma_semaphore, #tpu.memory_space<semaphore_mem>>
      %dma_start3A_358 = tpu.memref_slice %arg2[%multiple_of3A] : memref<425984xi32, #tpu.memory_space<hbm>> -> memref<3328xi32, #tpu.memory_space<hbm>>
      %dma_start3A_359 = tpu.memref_slice %arg2[%multiple_of3A] : memref<425984xi32, #tpu.memory_space<hbm>> -> memref<3328xi32, #tpu.memory_space<hbm>>
      tpu.enqueue_dma source(%dma_start3A_359 : memref<3328xi32, #tpu.memory_space<hbm>>) target(%arg7 : memref<3328xi32, #tpu.memory_space<vmem>>) target_semaphore(%run_scoped3A : memref<!tpu.dma_semaphore, #tpu.memory_space<semaphore_mem>>)
      %dma_wait3A_360 = tpu.memref_slice %arg2[%multiple_of3A] : memref<425984xi32, #tpu.memory_space<hbm>> -> memref<3328xi32, #tpu.memory_space<hbm>>
      %dma_wait3A_361 = tpu.memref_slice %arg2[%multiple_of3A] : memref<425984xi32, #tpu.memory_space<hbm>> -> memref<3328xi32, #tpu.memory_space<hbm>>
      tpu.wait_dma2 semaphore(%run_scoped3A : memref<!tpu.dma_semaphore, #tpu.memory_space<semaphore_mem>>) src(%dma_wait3A_361 : memref<3328xi32, #tpu.memory_space<hbm>>) dst(%arg7 : memref<3328xi32, #tpu.memory_space<vmem>>)
      tpu.yield
    }) : () -> ()
    %dma_start3A = arith.constant 0 : i32
    %dma_start3A_9 = arith.constant 0 : i32
    %dma_start3A_10 = tpu.memref_slice %arg3[%dma_start3A, %dma_start3A_9] : memref<2600000x8xi32, #tpu.memory_space<hbm>> -> memref<2600000x8xi32, #tpu.memory_space<hbm>>
    tpu.enqueue_indirect_dma source(%dma_start3A_10 : memref<2600000x8xi32, #tpu.memory_space<hbm>>) target(%arg9 : memref<3328x8xi32, #tpu.memory_space<vmem>>) offsets(%arg7 : memref<3328xi32, #tpu.memory_space<vmem>>) semaphore(%arg15 : memref<!tpu.dma_semaphore, #tpu.memory_space<semaphore_mem>>)
    %dma_start3A_11 = arith.constant 0 : i32
    %dma_start3A_12 = tpu.memref_slice %arg4[%dma_start3A_11] : memref<2600000xf32, #tpu.memory_space<hbm>> -> memref<2600000xf32, #tpu.memory_space<hbm>>
    tpu.enqueue_indirect_dma source(%dma_start3A_12 : memref<2600000xf32, #tpu.memory_space<hbm>>) target(%arg11 : memref<3328xf32, #tpu.memory_space<vmem>>) offsets(%arg7 : memref<3328xi32, #tpu.memory_space<vmem>>) semaphore(%arg17 : memref<!tpu.dma_semaphore, #tpu.memory_space<semaphore_mem>>)
    %mul3A_13 = arith.constant 512 : i32
    %mul3A_14 = arith.muli %add3A, %mul3A_13 : i32
    %add3A_15 = arith.constant 0 : i32
    %add3A_16 = arith.addi %mul3A_14, %add3A_15 : i32
    %dma_wait3A = arith.constant 0 : i32
    %dma_wait3A_17 = arith.constant 0 : i32
    %dma_wait3A_18 = tpu.memref_slice %arg3[%dma_wait3A, %dma_wait3A_17] : memref<2600000x8xi32, #tpu.memory_space<hbm>> -> memref<2600000x8xi32, #tpu.memory_space<hbm>>
    tpu.wait_indirect_dma semaphore(%arg15 : memref<!tpu.dma_semaphore, #tpu.memory_space<semaphore_mem>>) src(%dma_wait3A_18 : memref<2600000x8xi32, #tpu.memory_space<hbm>>) dst(%arg9 : memref<3328x8xi32, #tpu.memory_space<vmem>>)
    %dma_wait3A_19 = arith.constant 0 : i32
    %dma_wait3A_20 = tpu.memref_slice %arg4[%dma_wait3A_19] : memref<2600000xf32, #tpu.memory_space<hbm>> -> memref<2600000xf32, #tpu.memory_space<hbm>>
    tpu.wait_indirect_dma semaphore(%arg17 : memref<!tpu.dma_semaphore, #tpu.memory_space<semaphore_mem>>) src(%dma_wait3A_20 : memref<2600000xf32, #tpu.memory_space<hbm>>) dst(%arg11 : memref<3328xf32, #tpu.memory_space<vmem>>)
    %mul3A_21 = arith.constant 4 : i32
    %mul3A_22 = arith.muli %add3A, %mul3A_21 : i32
    %add3A_23 = arith.constant 1 : i32
    %add3A_24 = arith.addi %mul3A_22, %add3A_23 : i32
    %mul3A_25 = arith.constant 128 : i32
    %mul3A_26 = arith.muli %add3A_24, %mul3A_25 : i32
    %mul3A_27 = arith.constant 26 : i32
    %mul3A_28 = arith.muli %mul3A_26, %mul3A_27 : i32
    %multiple_of3A_29 = tpu.assume_multiple %mul3A_28, 8 : i32
    "tpu.region"() ({
      %run_scoped3A = tpu.sem_alloc : memref<!tpu.dma_semaphore, #tpu.memory_space<semaphore_mem>>
      %dma_start3A_358 = tpu.memref_slice %arg2[%multiple_of3A_29] : memref<425984xi32, #tpu.memory_space<hbm>> -> memref<3328xi32, #tpu.memory_space<hbm>>
      %dma_start3A_359 = tpu.memref_slice %arg2[%multiple_of3A_29] : memref<425984xi32, #tpu.memory_space<hbm>> -> memref<3328xi32, #tpu.memory_space<hbm>>
      tpu.enqueue_dma source(%dma_start3A_359 : memref<3328xi32, #tpu.memory_space<hbm>>) target(%arg8 : memref<3328xi32, #tpu.memory_space<vmem>>) target_semaphore(%run_scoped3A : memref<!tpu.dma_semaphore, #tpu.memory_space<semaphore_mem>>)
      %dma_wait3A_360 = tpu.memref_slice %arg2[%multiple_of3A_29] : memref<425984xi32, #tpu.memory_space<hbm>> -> memref<3328xi32, #tpu.memory_space<hbm>>
      %dma_wait3A_361 = tpu.memref_slice %arg2[%multiple_of3A_29] : memref<425984xi32, #tpu.memory_space<hbm>> -> memref<3328xi32, #tpu.memory_space<hbm>>
      tpu.wait_dma2 semaphore(%run_scoped3A : memref<!tpu.dma_semaphore, #tpu.memory_space<semaphore_mem>>) src(%dma_wait3A_361 : memref<3328xi32, #tpu.memory_space<hbm>>) dst(%arg8 : memref<3328xi32, #tpu.memory_space<vmem>>)
      tpu.yield
    }) : () -> ()
    %dma_start3A_30 = arith.constant 0 : i32
    %dma_start3A_31 = arith.constant 0 : i32
    %dma_start3A_32 = tpu.memref_slice %arg3[%dma_start3A_30, %dma_start3A_31] : memref<2600000x8xi32, #tpu.memory_space<hbm>> -> memref<2600000x8xi32, #tpu.memory_space<hbm>>
    tpu.enqueue_indirect_dma source(%dma_start3A_32 : memref<2600000x8xi32, #tpu.memory_space<hbm>>) target(%arg10 : memref<3328x8xi32, #tpu.memory_space<vmem>>) offsets(%arg8 : memref<3328xi32, #tpu.memory_space<vmem>>) semaphore(%arg16 : memref<!tpu.dma_semaphore, #tpu.memory_space<semaphore_mem>>)
    %dma_start3A_33 = arith.constant 0 : i32
    %dma_start3A_34 = tpu.memref_slice %arg4[%dma_start3A_33] : memref<2600000xf32, #tpu.memory_space<hbm>> -> memref<2600000xf32, #tpu.memory_space<hbm>>
    tpu.enqueue_indirect_dma source(%dma_start3A_34 : memref<2600000xf32, #tpu.memory_space<hbm>>) target(%arg12 : memref<3328xf32, #tpu.memory_space<vmem>>) offsets(%arg8 : memref<3328xi32, #tpu.memory_space<vmem>>) semaphore(%arg18 : memref<!tpu.dma_semaphore, #tpu.memory_space<semaphore_mem>>)
    %iota3A = tpu.iota {dimensions = array<i32: 0>} : vector<16xi32>
    %jit3A = arith.constant 8 : i32
    %div3A = vector.broadcast %jit3A : i32 to vector<16xi32>
    %div3A_35 = arith.divsi %iota3A, %div3A : vector<16xi32>
    %sign3A = arith.constant 0 : i32
    %sign3A_36 = vector.broadcast %sign3A : i32 to vector<16xi32>
    %sign3A_37 = arith.cmpi sgt, %iota3A, %sign3A_36 : vector<16xi32>
    %sign3A_38 = arith.extui %sign3A_37 : vector<16xi1> to vector<16xi32>
    %sign3A_39 = arith.constant 0 : i32
    %sign3A_40 = vector.broadcast %sign3A_39 : i32 to vector<16xi32>
    %sign3A_41 = arith.cmpi slt, %iota3A, %sign3A_40 : vector<16xi32>
    %sign3A_42 = arith.extui %sign3A_41 : vector<16xi1> to vector<16xi32>
    %sign3A_43 = arith.subi %sign3A_38, %sign3A_42 : vector<16xi32>
    %sign3A_44 = arith.constant 0 : i32
    %sign3A_45 = arith.cmpi sgt, %jit3A, %sign3A_44 : i32
    %sign3A_46 = arith.extui %sign3A_45 : i1 to i32
    %sign3A_47 = arith.constant 0 : i32
    %sign3A_48 = arith.cmpi slt, %jit3A, %sign3A_47 : i32
    %sign3A_49 = arith.extui %sign3A_48 : i1 to i32
    %sign3A_50 = arith.subi %sign3A_46, %sign3A_49 : i32
    %ne3A = vector.broadcast %sign3A_50 : i32 to vector<16xi32>
    %ne3A_51 = arith.cmpi ne, %sign3A_43, %ne3A : vector<16xi32>
    %rem3A = vector.broadcast %jit3A : i32 to vector<16xi32>
    %rem3A_52 = arith.remsi %iota3A, %rem3A : vector<16xi32>
    %ne3A_53 = arith.constant 0 : i32
    %ne3A_54 = vector.broadcast %ne3A_53 : i32 to vector<16xi32>
    %ne3A_55 = arith.cmpi ne, %rem3A_52, %ne3A_54 : vector<16xi32>
    %and3A = arith.andi %ne3A_51, %ne3A_55 : vector<16xi1>
    %sub3A = arith.constant 1 : i32
    %sub3A_56 = vector.broadcast %sub3A : i32 to vector<16xi32>
    %sub3A_57 = arith.subi %div3A_35, %sub3A_56 : vector<16xi32>
    %select_n3A = arith.select %and3A, %sub3A_57, %div3A_35 : vector<16xi1>, vector<16xi32>
    %jit3A_58 = arith.constant 8 : i32
    %eq3A = arith.constant 0 : i32
    %eq3A_59 = arith.cmpi eq, %jit3A_58, %eq3A : i32
    %jit3A_60 = arith.constant 1 : i32
    %select_n3A_61 = arith.select %eq3A_59, %jit3A_60, %jit3A_58 : i32
    %rem3A_62 = vector.broadcast %select_n3A_61 : i32 to vector<16xi32>
    %rem3A_63 = arith.remsi %iota3A, %rem3A_62 : vector<16xi32>
    %ne3A_64 = arith.constant 0 : i32
    %ne3A_65 = vector.broadcast %ne3A_64 : i32 to vector<16xi32>
    %ne3A_66 = arith.cmpi ne, %rem3A_63, %ne3A_65 : vector<16xi32>
    %lt3A = arith.constant 0 : i32
    %lt3A_67 = vector.broadcast %lt3A : i32 to vector<16xi32>
    %lt3A_68 = arith.cmpi slt, %rem3A_63, %lt3A_67 : vector<16xi32>
    %lt3A_69 = arith.constant 0 : i32
    %lt3A_70 = arith.cmpi slt, %select_n3A_61, %lt3A_69 : i32
    %ne3A_71 = vector.broadcast %lt3A_70 : i1 to vector<16xi1>
    %ne3A_72 = vector.broadcast %ne3A_71 : vector<16xi1> to vector<16xi1>
    %ne3A_73 = arith.xori %lt3A_68, %ne3A_72 : vector<16xi1>
    %and3A_74 = arith.andi %ne3A_73, %ne3A_66 : vector<16xi1>
    %add3A_75 = vector.broadcast %select_n3A_61 : i32 to vector<16xi32>
    %add3A_76 = arith.addi %rem3A_63, %add3A_75 : vector<16xi32>
    %select_n3A_77 = arith.select %and3A_74, %add3A_76, %rem3A_63 : vector<16xi1>, vector<16xi32>
    %scan3A = arith.constant 0 : i32
    %scan3A_78 = arith.constant 0 : i32
    %scan3A_79 = arith.constant 64 : i32
    %scan3A_80 = arith.addi %scan3A_78, %scan3A_79 : i32
    %scan3A_81 = arith.constant 1 : i32
    scf.for %scan3A_358 = %scan3A_78 to %scan3A_80 step %scan3A_81  : i32 {
      %mul3A_359 = arith.constant 2 : i32
      %mul3A_360 = arith.muli %scan3A_358, %mul3A_359 : i32
      %broadcast_in_dim3A = arith.constant 0.000000e+00 : f32
      %broadcast_in_dim3A_361 = vector.broadcast %broadcast_in_dim3A : f32 to vector<16xf32>
      %broadcast_in_dim3A_362 = arith.constant 0.000000e+00 : f32
      %broadcast_in_dim3A_363 = vector.broadcast %broadcast_in_dim3A_362 : f32 to vector<16xf32>
      %broadcast_in_dim3A_364 = arith.constant 0.000000e+00 : f32
      %broadcast_in_dim3A_365 = vector.broadcast %broadcast_in_dim3A_364 : f32 to vector<16xf32>
      %broadcast_in_dim3A_366 = arith.constant 0.000000e+00 : f32
      %broadcast_in_dim3A_367 = vector.broadcast %broadcast_in_dim3A_366 : f32 to vector<16xf32>
      %add3A_368 = vector.broadcast %mul3A_360 : i32 to vector<16xi32>
      %add3A_369 = arith.addi %add3A_368, %select_n3A : vector<16xi32>
      %add3A_370 = arith.constant 0 : i32
      %add3A_371 = vector.broadcast %add3A_370 : i32 to vector<16xi32>
      %add3A_372 = arith.addi %add3A_369, %add3A_371 : vector<16xi32>
      %gather3A = tpu.vector_load_idx %arg9[%add3A_372, %select_n3A_77] : memref<3328x8xi32, #tpu.memory_space<vmem>>[vector<16xi32>, vector<16xi32>], vector<16xi32>,
      %bitcast3A = vector.bitcast %gather3A : vector<16xi32> to vector<32xbf16>
      %unpack3A = tpu.unpack_subelements %bitcast3A, 0 {pack_format = #tpu.pack_format<interleaved>} : vector<32xbf16> -> vector<16xf32>
      %unpack3A_373 = tpu.unpack_subelements %bitcast3A, 1 {pack_format = #tpu.pack_format<interleaved>} : vector<32xbf16> -> vector<16xf32>
      %add3A_374 = arith.addf %broadcast_in_dim3A_361, %unpack3A : vector<16xf32>
      %add3A_375 = arith.addf %broadcast_in_dim3A_363, %unpack3A_373 : vector<16xf32>
      %mul3A_376 = arith.mulf %unpack3A, %unpack3A : vector<16xf32>
      %add3A_377 = arith.addf %broadcast_in_dim3A_365, %mul3A_376 : vector<16xf32>
      %mul3A_378 = arith.mulf %unpack3A_373, %unpack3A_373 : vector<16xf32>
      %add3A_379 = arith.addf %broadcast_in_dim3A_367, %mul3A_378 : vector<16xf32>
      %add3A_380 = arith.constant 128 : i32
      %add3A_381 = vector.broadcast %add3A_380 : i32 to vector<16xi32>
      %add3A_382 = arith.addi %add3A_369, %add3A_381 : vector<16xi32>
      %gather3A_383 = tpu.vector_load_idx %arg9[%add3A_382, %select_n3A_77] : memref<3328x8xi32, #tpu.memory_space<vmem>>[vector<16xi32>, vector<16xi32>], vector<16xi32>,
      %bitcast3A_384 = vector.bitcast %gather3A_383 : vector<16xi32> to vector<32xbf16>
      %unpack3A_385 = tpu.unpack_subelements %bitcast3A_384, 0 {pack_format = #tpu.pack_format<interleaved>} : vector<32xbf16> -> vector<16xf32>
      %unpack3A_386 = tpu.unpack_subelements %bitcast3A_384, 1 {pack_format = #tpu.pack_format<interleaved>} : vector<32xbf16> -> vector<16xf32>
      %add3A_387 = arith.addf %add3A_374, %unpack3A_385 : vector<16xf32>
      %add3A_388 = arith.addf %add3A_375, %unpack3A_386 : vector<16xf32>
      %mul3A_389 = arith.mulf %unpack3A_385, %unpack3A_385 : vector<16xf32>
      %add3A_390 = arith.addf %add3A_377, %mul3A_389 : vector<16xf32>
      %mul3A_391 = arith.mulf %unpack3A_386, %unpack3A_386 : vector<16xf32>
      %add3A_392 = arith.addf %add3A_379, %mul3A_391 : vector<16xf32>
      %add3A_393 = arith.constant 256 : i32
      %add3A_394 = vector.broadcast %add3A_393 : i32 to vector<16xi32>
      %add3A_395 = arith.addi %add3A_369, %add3A_394 : vector<16xi32>
      %gather3A_396 = tpu.vector_load_idx %arg9[%add3A_395, %select_n3A_77] : memref<3328x8xi32, #tpu.memory_space<vmem>>[vector<16xi32>, vector<16xi32>], vector<16xi32>,
      %bitcast3A_397 = vector.bitcast %gather3A_396 : vector<16xi32> to vector<32xbf16>
      %unpack3A_398 = tpu.unpack_subelements %bitcast3A_397, 0 {pack_format = #tpu.pack_format<interleaved>} : vector<32xbf16> -> vector<16xf32>
      %unpack3A_399 = tpu.unpack_subelements %bitcast3A_397, 1 {pack_format = #tpu.pack_format<interleaved>} : vector<32xbf16> -> vector<16xf32>
      %add3A_400 = arith.addf %add3A_387, %unpack3A_398 : vector<16xf32>
      %add3A_401 = arith.addf %add3A_388, %unpack3A_399 : vector<16xf32>
      %mul3A_402 = arith.mulf %unpack3A_398, %unpack3A_398 : vector<16xf32>
      %add3A_403 = arith.addf %add3A_390, %mul3A_402 : vector<16xf32>
      %mul3A_404 = arith.mulf %unpack3A_399, %unpack3A_399 : vector<16xf32>
      %add3A_405 = arith.addf %add3A_392, %mul3A_404 : vector<16xf32>
      %add3A_406 = arith.constant 384 : i32
      %add3A_407 = vector.broadcast %add3A_406 : i32 to vector<16xi32>
      %add3A_408 = arith.addi %add3A_369, %add3A_407 : vector<16xi32>
      %gather3A_409 = tpu.vector_load_idx %arg9[%add3A_408, %select_n3A_77] : memref<3328x8xi32, #tpu.memory_space<vmem>>[vector<16xi32>, vector<16xi32>], vector<16xi32>,
      %bitcast3A_410 = vector.bitcast %gather3A_409 : vector<16xi32> to vector<32xbf16>
      %unpack3A_411 = tpu.unpack_subelements %bitcast3A_410, 0 {pack_format = #tpu.pack_format<interleaved>} : vector<32xbf16> -> vector<16xf32>
      %unpack3A_412 = tpu.unpack_subelements %bitcast3A_410, 1 {pack_format = #tpu.pack_format<interleaved>} : vector<32xbf16> -> vector<16xf32>
      %add3A_413 = arith.addf %add3A_400, %unpack3A_411 : vector<16xf32>
      %add3A_414 = arith.addf %add3A_401, %unpack3A_412 : vector<16xf32>
      %mul3A_415 = arith.mulf %unpack3A_411, %unpack3A_411 : vector<16xf32>
      %add3A_416 = arith.addf %add3A_403, %mul3A_415 : vector<16xf32>
      %mul3A_417 = arith.mulf %unpack3A_412, %unpack3A_412 : vector<16xf32>
      %add3A_418 = arith.addf %add3A_405, %mul3A_417 : vector<16xf32>
      %add3A_419 = arith.constant 512 : i32
      %add3A_420 = vector.broadcast %add3A_419 : i32 to vector<16xi32>
      %add3A_421 = arith.addi %add3A_369, %add3A_420 : vector<16xi32>
      %gather3A_422 = tpu.vector_load_idx %arg9[%add3A_421, %select_n3A_77] : memref<3328x8xi32, #tpu.memory_space<vmem>>[vector<16xi32>, vector<16xi32>], vector<16xi32>,
      %bitcast3A_423 = vector.bitcast %gather3A_422 : vector<16xi32> to vector<32xbf16>
      %unpack3A_424 = tpu.unpack_subelements %bitcast3A_423, 0 {pack_format = #tpu.pack_format<interleaved>} : vector<32xbf16> -> vector<16xf32>
      %unpack3A_425 = tpu.unpack_subelements %bitcast3A_423, 1 {pack_format = #tpu.pack_format<interleaved>} : vector<32xbf16> -> vector<16xf32>
      %add3A_426 = arith.addf %add3A_413, %unpack3A_424 : vector<16xf32>
      %add3A_427 = arith.addf %add3A_414, %unpack3A_425 : vector<16xf32>
      %mul3A_428 = arith.mulf %unpack3A_424, %unpack3A_424 : vector<16xf32>
      %add3A_429 = arith.addf %add3A_416, %mul3A_428 : vector<16xf32>
      %mul3A_430 = arith.mulf %unpack3A_425, %unpack3A_425 : vector<16xf32>
      %add3A_431 = arith.addf %add3A_418, %mul3A_430 : vector<16xf32>
      %add3A_432 = arith.constant 640 : i32
      %add3A_433 = vector.broadcast %add3A_432 : i32 to vector<16xi32>
      %add3A_434 = arith.addi %add3A_369, %add3A_433 : vector<16xi32>
      %gather3A_435 = tpu.vector_load_idx %arg9[%add3A_434, %select_n3A_77] : memref<3328x8xi32, #tpu.memory_space<vmem>>[vector<16xi32>, vector<16xi32>], vector<16xi32>,
      %bitcast3A_436 = vector.bitcast %gather3A_435 : vector<16xi32> to vector<32xbf16>
      %unpack3A_437 = tpu.unpack_subelements %bitcast3A_436, 0 {pack_format = #tpu.pack_format<interleaved>} : vector<32xbf16> -> vector<16xf32>
      %unpack3A_438 = tpu.unpack_subelements %bitcast3A_436, 1 {pack_format = #tpu.pack_format<interleaved>} : vector<32xbf16> -> vector<16xf32>
      %add3A_439 = arith.addf %add3A_426, %unpack3A_437 : vector<16xf32>
      %add3A_440 = arith.addf %add3A_427, %unpack3A_438 : vector<16xf32>
      %mul3A_441 = arith.mulf %unpack3A_437, %unpack3A_437 : vector<16xf32>
      %add3A_442 = arith.addf %add3A_429, %mul3A_441 : vector<16xf32>
      %mul3A_443 = arith.mulf %unpack3A_438, %unpack3A_438 : vector<16xf32>
      %add3A_444 = arith.addf %add3A_431, %mul3A_443 : vector<16xf32>
      %add3A_445 = arith.constant 768 : i32
      %add3A_446 = vector.broadcast %add3A_445 : i32 to vector<16xi32>
      %add3A_447 = arith.addi %add3A_369, %add3A_446 : vector<16xi32>
      %gather3A_448 = tpu.vector_load_idx %arg9[%add3A_447, %select_n3A_77] : memref<3328x8xi32, #tpu.memory_space<vmem>>[vector<16xi32>, vector<16xi32>], vector<16xi32>,
      %bitcast3A_449 = vector.bitcast %gather3A_448 : vector<16xi32> to vector<32xbf16>
      %unpack3A_450 = tpu.unpack_subelements %bitcast3A_449, 0 {pack_format = #tpu.pack_format<interleaved>} : vector<32xbf16> -> vector<16xf32>
      %unpack3A_451 = tpu.unpack_subelements %bitcast3A_449, 1 {pack_format = #tpu.pack_format<interleaved>} : vector<32xbf16> -> vector<16xf32>
      %add3A_452 = arith.addf %add3A_439, %unpack3A_450 : vector<16xf32>
      %add3A_453 = arith.addf %add3A_440, %unpack3A_451 : vector<16xf32>
      %mul3A_454 = arith.mulf %unpack3A_450, %unpack3A_450 : vector<16xf32>
      %add3A_455 = arith.addf %add3A_442, %mul3A_454 : vector<16xf32>
      %mul3A_456 = arith.mulf %unpack3A_451, %unpack3A_451 : vector<16xf32>
      %add3A_457 = arith.addf %add3A_444, %mul3A_456 : vector<16xf32>
      %add3A_458 = arith.constant 896 : i32
      %add3A_459 = vector.broadcast %add3A_458 : i32 to vector<16xi32>
      %add3A_460 = arith.addi %add3A_369, %add3A_459 : vector<16xi32>
      %gather3A_461 = tpu.vector_load_idx %arg9[%add3A_460, %select_n3A_77] : memref<3328x8xi32, #tpu.memory_space<vmem>>[vector<16xi32>, vector<16xi32>], vector<16xi32>,
      %bitcast3A_462 = vector.bitcast %gather3A_461 : vector<16xi32> to vector<32xbf16>
      %unpack3A_463 = tpu.unpack_subelements %bitcast3A_462, 0 {pack_format = #tpu.pack_format<interleaved>} : vector<32xbf16> -> vector<16xf32>
      %unpack3A_464 = tpu.unpack_subelements %bitcast3A_462, 1 {pack_format = #tpu.pack_format<interleaved>} : vector<32xbf16> -> vector<16xf32>
      %add3A_465 = arith.addf %add3A_452, %unpack3A_463 : vector<16xf32>
      %add3A_466 = arith.addf %add3A_453, %unpack3A_464 : vector<16xf32>
      %mul3A_467 = arith.mulf %unpack3A_463, %unpack3A_463 : vector<16xf32>
      %add3A_468 = arith.addf %add3A_455, %mul3A_467 : vector<16xf32>
      %mul3A_469 = arith.mulf %unpack3A_464, %unpack3A_464 : vector<16xf32>
      %add3A_470 = arith.addf %add3A_457, %mul3A_469 : vector<16xf32>
      %add3A_471 = arith.constant 1024 : i32
      %add3A_472 = vector.broadcast %add3A_471 : i32 to vector<16xi32>
      %add3A_473 = arith.addi %add3A_369, %add3A_472 : vector<16xi32>
      %gather3A_474 = tpu.vector_load_idx %arg9[%add3A_473, %select_n3A_77] : memref<3328x8xi32, #tpu.memory_space<vmem>>[vector<16xi32>, vector<16xi32>], vector<16xi32>,
      %bitcast3A_475 = vector.bitcast %gather3A_474 : vector<16xi32> to vector<32xbf16>
      %unpack3A_476 = tpu.unpack_subelements %bitcast3A_475, 0 {pack_format = #tpu.pack_format<interleaved>} : vector<32xbf16> -> vector<16xf32>
      %unpack3A_477 = tpu.unpack_subelements %bitcast3A_475, 1 {pack_format = #tpu.pack_format<interleaved>} : vector<32xbf16> -> vector<16xf32>
      %add3A_478 = arith.addf %add3A_465, %unpack3A_476 : vector<16xf32>
      %add3A_479 = arith.addf %add3A_466, %unpack3A_477 : vector<16xf32>
      %mul3A_480 = arith.mulf %unpack3A_476, %unpack3A_476 : vector<16xf32>
      %add3A_481 = arith.addf %add3A_468, %mul3A_480 : vector<16xf32>
      %mul3A_482 = arith.mulf %unpack3A_477, %unpack3A_477 : vector<16xf32>
      %add3A_483 = arith.addf %add3A_470, %mul3A_482 : vector<16xf32>
      %add3A_484 = arith.constant 1152 : i32
      %add3A_485 = vector.broadcast %add3A_484 : i32 to vector<16xi32>
      %add3A_486 = arith.addi %add3A_369, %add3A_485 : vector<16xi32>
      %gather3A_487 = tpu.vector_load_idx %arg9[%add3A_486, %select_n3A_77] : memref<3328x8xi32, #tpu.memory_space<vmem>>[vector<16xi32>, vector<16xi32>], vector<16xi32>,
      %bitcast3A_488 = vector.bitcast %gather3A_487 : vector<16xi32> to vector<32xbf16>
      %unpack3A_489 = tpu.unpack_subelements %bitcast3A_488, 0 {pack_format = #tpu.pack_format<interleaved>} : vector<32xbf16> -> vector<16xf32>
      %unpack3A_490 = tpu.unpack_subelements %bitcast3A_488, 1 {pack_format = #tpu.pack_format<interleaved>} : vector<32xbf16> -> vector<16xf32>
      %add3A_491 = arith.addf %add3A_478, %unpack3A_489 : vector<16xf32>
      %add3A_492 = arith.addf %add3A_479, %unpack3A_490 : vector<16xf32>
      %mul3A_493 = arith.mulf %unpack3A_489, %unpack3A_489 : vector<16xf32>
      %add3A_494 = arith.addf %add3A_481, %mul3A_493 : vector<16xf32>
      %mul3A_495 = arith.mulf %unpack3A_490, %unpack3A_490 : vector<16xf32>
      %add3A_496 = arith.addf %add3A_483, %mul3A_495 : vector<16xf32>
      %add3A_497 = arith.constant 1280 : i32
      %add3A_498 = vector.broadcast %add3A_497 : i32 to vector<16xi32>
      %add3A_499 = arith.addi %add3A_369, %add3A_498 : vector<16xi32>
      %gather3A_500 = tpu.vector_load_idx %arg9[%add3A_499, %select_n3A_77] : memref<3328x8xi32, #tpu.memory_space<vmem>>[vector<16xi32>, vector<16xi32>], vector<16xi32>,
      %bitcast3A_501 = vector.bitcast %gather3A_500 : vector<16xi32> to vector<32xbf16>
      %unpack3A_502 = tpu.unpack_subelements %bitcast3A_501, 0 {pack_format = #tpu.pack_format<interleaved>} : vector<32xbf16> -> vector<16xf32>
      %unpack3A_503 = tpu.unpack_subelements %bitcast3A_501, 1 {pack_format = #tpu.pack_format<interleaved>} : vector<32xbf16> -> vector<16xf32>
      %add3A_504 = arith.addf %add3A_491, %unpack3A_502 : vector<16xf32>
      %add3A_505 = arith.addf %add3A_492, %unpack3A_503 : vector<16xf32>
      %mul3A_506 = arith.mulf %unpack3A_502, %unpack3A_502 : vector<16xf32>
      %add3A_507 = arith.addf %add3A_494, %mul3A_506 : vector<16xf32>
      %mul3A_508 = arith.mulf %unpack3A_503, %unpack3A_503 : vector<16xf32>
      %add3A_509 = arith.addf %add3A_496, %mul3A_508 : vector<16xf32>
      %add3A_510 = arith.constant 1408 : i32
      %add3A_511 = vector.broadcast %add3A_510 : i32 to vector<16xi32>
      %add3A_512 = arith.addi %add3A_369, %add3A_511 : vector<16xi32>
      %gather3A_513 = tpu.vector_load_idx %arg9[%add3A_512, %select_n3A_77] : memref<3328x8xi32, #tpu.memory_space<vmem>>[vector<16xi32>, vector<16xi32>], vector<16xi32>,
      %bitcast3A_514 = vector.bitcast %gather3A_513 : vector<16xi32> to vector<32xbf16>
      %unpack3A_515 = tpu.unpack_subelements %bitcast3A_514, 0 {pack_format = #tpu.pack_format<interleaved>} : vector<32xbf16> -> vector<16xf32>
      %unpack3A_516 = tpu.unpack_subelements %bitcast3A_514, 1 {pack_format = #tpu.pack_format<interleaved>} : vector<32xbf16> -> vector<16xf32>
      %add3A_517 = arith.addf %add3A_504, %unpack3A_515 : vector<16xf32>
      %add3A_518 = arith.addf %add3A_505, %unpack3A_516 : vector<16xf32>
      %mul3A_519 = arith.mulf %unpack3A_515, %unpack3A_515 : vector<16xf32>
      %add3A_520 = arith.addf %add3A_507, %mul3A_519 : vector<16xf32>
      %mul3A_521 = arith.mulf %unpack3A_516, %unpack3A_516 : vector<16xf32>
      %add3A_522 = arith.addf %add3A_509, %mul3A_521 : vector<16xf32>
      %add3A_523 = arith.constant 1536 : i32
      %add3A_524 = vector.broadcast %add3A_523 : i32 to vector<16xi32>
      %add3A_525 = arith.addi %add3A_369, %add3A_524 : vector<16xi32>
      %gather3A_526 = tpu.vector_load_idx %arg9[%add3A_525, %select_n3A_77] : memref<3328x8xi32, #tpu.memory_space<vmem>>[vector<16xi32>, vector<16xi32>], vector<16xi32>,
      %bitcast3A_527 = vector.bitcast %gather3A_526 : vector<16xi32> to vector<32xbf16>
      %unpack3A_528 = tpu.unpack_subelements %bitcast3A_527, 0 {pack_format = #tpu.pack_format<interleaved>} : vector<32xbf16> -> vector<16xf32>
      %unpack3A_529 = tpu.unpack_subelements %bitcast3A_527, 1 {pack_format = #tpu.pack_format<interleaved>} : vector<32xbf16> -> vector<16xf32>
      %add3A_530 = arith.addf %add3A_517, %unpack3A_528 : vector<16xf32>
      %add3A_531 = arith.addf %add3A_518, %unpack3A_529 : vector<16xf32>
      %mul3A_532 = arith.mulf %unpack3A_528, %unpack3A_528 : vector<16xf32>
      %add3A_533 = arith.addf %add3A_520, %mul3A_532 : vector<16xf32>
      %mul3A_534 = arith.mulf %unpack3A_529, %unpack3A_529 : vector<16xf32>
      %add3A_535 = arith.addf %add3A_522, %mul3A_534 : vector<16xf32>
      %add3A_536 = arith.constant 1664 : i32
      %add3A_537 = vector.broadcast %add3A_536 : i32 to vector<16xi32>
      %add3A_538 = arith.addi %add3A_369, %add3A_537 : vector<16xi32>
      %gather3A_539 = tpu.vector_load_idx %arg9[%add3A_538, %select_n3A_77] : memref<3328x8xi32, #tpu.memory_space<vmem>>[vector<16xi32>, vector<16xi32>], vector<16xi32>,
      %bitcast3A_540 = vector.bitcast %gather3A_539 : vector<16xi32> to vector<32xbf16>
      %unpack3A_541 = tpu.unpack_subelements %bitcast3A_540, 0 {pack_format = #tpu.pack_format<interleaved>} : vector<32xbf16> -> vector<16xf32>
      %unpack3A_542 = tpu.unpack_subelements %bitcast3A_540, 1 {pack_format = #tpu.pack_format<interleaved>} : vector<32xbf16> -> vector<16xf32>
      %add3A_543 = arith.addf %add3A_530, %unpack3A_541 : vector<16xf32>
      %add3A_544 = arith.addf %add3A_531, %unpack3A_542 : vector<16xf32>
      %mul3A_545 = arith.mulf %unpack3A_541, %unpack3A_541 : vector<16xf32>
      %add3A_546 = arith.addf %add3A_533, %mul3A_545 : vector<16xf32>
      %mul3A_547 = arith.mulf %unpack3A_542, %unpack3A_542 : vector<16xf32>
      %add3A_548 = arith.addf %add3A_535, %mul3A_547 : vector<16xf32>
      %add3A_549 = arith.constant 1792 : i32
      %add3A_550 = vector.broadcast %add3A_549 : i32 to vector<16xi32>
      %add3A_551 = arith.addi %add3A_369, %add3A_550 : vector<16xi32>
      %gather3A_552 = tpu.vector_load_idx %arg9[%add3A_551, %select_n3A_77] : memref<3328x8xi32, #tpu.memory_space<vmem>>[vector<16xi32>, vector<16xi32>], vector<16xi32>,
      %bitcast3A_553 = vector.bitcast %gather3A_552 : vector<16xi32> to vector<32xbf16>
      %unpack3A_554 = tpu.unpack_subelements %bitcast3A_553, 0 {pack_format = #tpu.pack_format<interleaved>} : vector<32xbf16> -> vector<16xf32>
      %unpack3A_555 = tpu.unpack_subelements %bitcast3A_553, 1 {pack_format = #tpu.pack_format<interleaved>} : vector<32xbf16> -> vector<16xf32>
      %add3A_556 = arith.addf %add3A_543, %unpack3A_554 : vector<16xf32>
      %add3A_557 = arith.addf %add3A_544, %unpack3A_555 : vector<16xf32>
      %mul3A_558 = arith.mulf %unpack3A_554, %unpack3A_554 : vector<16xf32>
      %add3A_559 = arith.addf %add3A_546, %mul3A_558 : vector<16xf32>
      %mul3A_560 = arith.mulf %unpack3A_555, %unpack3A_555 : vector<16xf32>
      %add3A_561 = arith.addf %add3A_548, %mul3A_560 : vector<16xf32>
      %add3A_562 = arith.constant 1920 : i32
      %add3A_563 = vector.broadcast %add3A_562 : i32 to vector<16xi32>
      %add3A_564 = arith.addi %add3A_369, %add3A_563 : vector<16xi32>
      %gather3A_565 = tpu.vector_load_idx %arg9[%add3A_564, %select_n3A_77] : memref<3328x8xi32, #tpu.memory_space<vmem>>[vector<16xi32>, vector<16xi32>], vector<16xi32>,
      %bitcast3A_566 = vector.bitcast %gather3A_565 : vector<16xi32> to vector<32xbf16>
      %unpack3A_567 = tpu.unpack_subelements %bitcast3A_566, 0 {pack_format = #tpu.pack_format<interleaved>} : vector<32xbf16> -> vector<16xf32>
      %unpack3A_568 = tpu.unpack_subelements %bitcast3A_566, 1 {pack_format = #tpu.pack_format<interleaved>} : vector<32xbf16> -> vector<16xf32>
      %add3A_569 = arith.addf %add3A_556, %unpack3A_567 : vector<16xf32>
      %add3A_570 = arith.addf %add3A_557, %unpack3A_568 : vector<16xf32>
      %mul3A_571 = arith.mulf %unpack3A_567, %unpack3A_567 : vector<16xf32>
      %add3A_572 = arith.addf %add3A_559, %mul3A_571 : vector<16xf32>
      %mul3A_573 = arith.mulf %unpack3A_568, %unpack3A_568 : vector<16xf32>
      %add3A_574 = arith.addf %add3A_561, %mul3A_573 : vector<16xf32>
      %add3A_575 = arith.constant 2048 : i32
      %add3A_576 = vector.broadcast %add3A_575 : i32 to vector<16xi32>
      %add3A_577 = arith.addi %add3A_369, %add3A_576 : vector<16xi32>
      %gather3A_578 = tpu.vector_load_idx %arg9[%add3A_577, %select_n3A_77] : memref<3328x8xi32, #tpu.memory_space<vmem>>[vector<16xi32>, vector<16xi32>], vector<16xi32>,
      %bitcast3A_579 = vector.bitcast %gather3A_578 : vector<16xi32> to vector<32xbf16>
      %unpack3A_580 = tpu.unpack_subelements %bitcast3A_579, 0 {pack_format = #tpu.pack_format<interleaved>} : vector<32xbf16> -> vector<16xf32>
      %unpack3A_581 = tpu.unpack_subelements %bitcast3A_579, 1 {pack_format = #tpu.pack_format<interleaved>} : vector<32xbf16> -> vector<16xf32>
      %add3A_582 = arith.addf %add3A_569, %unpack3A_580 : vector<16xf32>
      %add3A_583 = arith.addf %add3A_570, %unpack3A_581 : vector<16xf32>
      %mul3A_584 = arith.mulf %unpack3A_580, %unpack3A_580 : vector<16xf32>
      %add3A_585 = arith.addf %add3A_572, %mul3A_584 : vector<16xf32>
      %mul3A_586 = arith.mulf %unpack3A_581, %unpack3A_581 : vector<16xf32>
      %add3A_587 = arith.addf %add3A_574, %mul3A_586 : vector<16xf32>
      %add3A_588 = arith.constant 2176 : i32
      %add3A_589 = vector.broadcast %add3A_588 : i32 to vector<16xi32>
      %add3A_590 = arith.addi %add3A_369, %add3A_589 : vector<16xi32>
      %gather3A_591 = tpu.vector_load_idx %arg9[%add3A_590, %select_n3A_77] : memref<3328x8xi32, #tpu.memory_space<vmem>>[vector<16xi32>, vector<16xi32>], vector<16xi32>,
      %bitcast3A_592 = vector.bitcast %gather3A_591 : vector<16xi32> to vector<32xbf16>
      %unpack3A_593 = tpu.unpack_subelements %bitcast3A_592, 0 {pack_format = #tpu.pack_format<interleaved>} : vector<32xbf16> -> vector<16xf32>
      %unpack3A_594 = tpu.unpack_subelements %bitcast3A_592, 1 {pack_format = #tpu.pack_format<interleaved>} : vector<32xbf16> -> vector<16xf32>
      %add3A_595 = arith.addf %add3A_582, %unpack3A_593 : vector<16xf32>
      %add3A_596 = arith.addf %add3A_583, %unpack3A_594 : vector<16xf32>
      %mul3A_597 = arith.mulf %unpack3A_593, %unpack3A_593 : vector<16xf32>
      %add3A_598 = arith.addf %add3A_585, %mul3A_597 : vector<16xf32>
      %mul3A_599 = arith.mulf %unpack3A_594, %unpack3A_594 : vector<16xf32>
      %add3A_600 = arith.addf %add3A_587, %mul3A_599 : vector<16xf32>
      %add3A_601 = arith.constant 2304 : i32
      %add3A_602 = vector.broadcast %add3A_601 : i32 to vector<16xi32>
      %add3A_603 = arith.addi %add3A_369, %add3A_602 : vector<16xi32>
      %gather3A_604 = tpu.vector_load_idx %arg9[%add3A_603, %select_n3A_77] : memref<3328x8xi32, #tpu.memory_space<vmem>>[vector<16xi32>, vector<16xi32>], vector<16xi32>,
      %bitcast3A_605 = vector.bitcast %gather3A_604 : vector<16xi32> to vector<32xbf16>
      %unpack3A_606 = tpu.unpack_subelements %bitcast3A_605, 0 {pack_format = #tpu.pack_format<interleaved>} : vector<32xbf16> -> vector<16xf32>
      %unpack3A_607 = tpu.unpack_subelements %bitcast3A_605, 1 {pack_format = #tpu.pack_format<interleaved>} : vector<32xbf16> -> vector<16xf32>
      %add3A_608 = arith.addf %add3A_595, %unpack3A_606 : vector<16xf32>
      %add3A_609 = arith.addf %add3A_596, %unpack3A_607 : vector<16xf32>
      %mul3A_610 = arith.mulf %unpack3A_606, %unpack3A_606 : vector<16xf32>
      %add3A_611 = arith.addf %add3A_598, %mul3A_610 : vector<16xf32>
      %mul3A_612 = arith.mulf %unpack3A_607, %unpack3A_607 : vector<16xf32>
      %add3A_613 = arith.addf %add3A_600, %mul3A_612 : vector<16xf32>
      %add3A_614 = arith.constant 2432 : i32
      %add3A_615 = vector.broadcast %add3A_614 : i32 to vector<16xi32>
      %add3A_616 = arith.addi %add3A_369, %add3A_615 : vector<16xi32>
      %gather3A_617 = tpu.vector_load_idx %arg9[%add3A_616, %select_n3A_77] : memref<3328x8xi32, #tpu.memory_space<vmem>>[vector<16xi32>, vector<16xi32>], vector<16xi32>,
      %bitcast3A_618 = vector.bitcast %gather3A_617 : vector<16xi32> to vector<32xbf16>
      %unpack3A_619 = tpu.unpack_subelements %bitcast3A_618, 0 {pack_format = #tpu.pack_format<interleaved>} : vector<32xbf16> -> vector<16xf32>
      %unpack3A_620 = tpu.unpack_subelements %bitcast3A_618, 1 {pack_format = #tpu.pack_format<interleaved>} : vector<32xbf16> -> vector<16xf32>
      %add3A_621 = arith.addf %add3A_608, %unpack3A_619 : vector<16xf32>
      %add3A_622 = arith.addf %add3A_609, %unpack3A_620 : vector<16xf32>
      %mul3A_623 = arith.mulf %unpack3A_619, %unpack3A_619 : vector<16xf32>
      %add3A_624 = arith.addf %add3A_611, %mul3A_623 : vector<16xf32>
      %mul3A_625 = arith.mulf %unpack3A_620, %unpack3A_620 : vector<16xf32>
      %add3A_626 = arith.addf %add3A_613, %mul3A_625 : vector<16xf32>
      %add3A_627 = arith.constant 2560 : i32
      %add3A_628 = vector.broadcast %add3A_627 : i32 to vector<16xi32>
      %add3A_629 = arith.addi %add3A_369, %add3A_628 : vector<16xi32>
      %gather3A_630 = tpu.vector_load_idx %arg9[%add3A_629, %select_n3A_77] : memref<3328x8xi32, #tpu.memory_space<vmem>>[vector<16xi32>, vector<16xi32>], vector<16xi32>,
      %bitcast3A_631 = vector.bitcast %gather3A_630 : vector<16xi32> to vector<32xbf16>
      %unpack3A_632 = tpu.unpack_subelements %bitcast3A_631, 0 {pack_format = #tpu.pack_format<interleaved>} : vector<32xbf16> -> vector<16xf32>
      %unpack3A_633 = tpu.unpack_subelements %bitcast3A_631, 1 {pack_format = #tpu.pack_format<interleaved>} : vector<32xbf16> -> vector<16xf32>
      %add3A_634 = arith.addf %add3A_621, %unpack3A_632 : vector<16xf32>
      %add3A_635 = arith.addf %add3A_622, %unpack3A_633 : vector<16xf32>
      %mul3A_636 = arith.mulf %unpack3A_632, %unpack3A_632 : vector<16xf32>
      %add3A_637 = arith.addf %add3A_624, %mul3A_636 : vector<16xf32>
      %mul3A_638 = arith.mulf %unpack3A_633, %unpack3A_633 : vector<16xf32>
      %add3A_639 = arith.addf %add3A_626, %mul3A_638 : vector<16xf32>
      %add3A_640 = arith.constant 2688 : i32
      %add3A_641 = vector.broadcast %add3A_640 : i32 to vector<16xi32>
      %add3A_642 = arith.addi %add3A_369, %add3A_641 : vector<16xi32>
      %gather3A_643 = tpu.vector_load_idx %arg9[%add3A_642, %select_n3A_77] : memref<3328x8xi32, #tpu.memory_space<vmem>>[vector<16xi32>, vector<16xi32>], vector<16xi32>,
      %bitcast3A_644 = vector.bitcast %gather3A_643 : vector<16xi32> to vector<32xbf16>
      %unpack3A_645 = tpu.unpack_subelements %bitcast3A_644, 0 {pack_format = #tpu.pack_format<interleaved>} : vector<32xbf16> -> vector<16xf32>
      %unpack3A_646 = tpu.unpack_subelements %bitcast3A_644, 1 {pack_format = #tpu.pack_format<interleaved>} : vector<32xbf16> -> vector<16xf32>
      %add3A_647 = arith.addf %add3A_634, %unpack3A_645 : vector<16xf32>
      %add3A_648 = arith.addf %add3A_635, %unpack3A_646 : vector<16xf32>
      %mul3A_649 = arith.mulf %unpack3A_645, %unpack3A_645 : vector<16xf32>
      %add3A_650 = arith.addf %add3A_637, %mul3A_649 : vector<16xf32>
      %mul3A_651 = arith.mulf %unpack3A_646, %unpack3A_646 : vector<16xf32>
      %add3A_652 = arith.addf %add3A_639, %mul3A_651 : vector<16xf32>
      %add3A_653 = arith.constant 2816 : i32
      %add3A_654 = vector.broadcast %add3A_653 : i32 to vector<16xi32>
      %add3A_655 = arith.addi %add3A_369, %add3A_654 : vector<16xi32>
      %gather3A_656 = tpu.vector_load_idx %arg9[%add3A_655, %select_n3A_77] : memref<3328x8xi32, #tpu.memory_space<vmem>>[vector<16xi32>, vector<16xi32>], vector<16xi32>,
      %bitcast3A_657 = vector.bitcast %gather3A_656 : vector<16xi32> to vector<32xbf16>
      %unpack3A_658 = tpu.unpack_subelements %bitcast3A_657, 0 {pack_format = #tpu.pack_format<interleaved>} : vector<32xbf16> -> vector<16xf32>
      %unpack3A_659 = tpu.unpack_subelements %bitcast3A_657, 1 {pack_format = #tpu.pack_format<interleaved>} : vector<32xbf16> -> vector<16xf32>
      %add3A_660 = arith.addf %add3A_647, %unpack3A_658 : vector<16xf32>
      %add3A_661 = arith.addf %add3A_648, %unpack3A_659 : vector<16xf32>
      %mul3A_662 = arith.mulf %unpack3A_658, %unpack3A_658 : vector<16xf32>
      %add3A_663 = arith.addf %add3A_650, %mul3A_662 : vector<16xf32>
      %mul3A_664 = arith.mulf %unpack3A_659, %unpack3A_659 : vector<16xf32>
      %add3A_665 = arith.addf %add3A_652, %mul3A_664 : vector<16xf32>
      %add3A_666 = arith.constant 2944 : i32
      %add3A_667 = vector.broadcast %add3A_666 : i32 to vector<16xi32>
      %add3A_668 = arith.addi %add3A_369, %add3A_667 : vector<16xi32>
      %gather3A_669 = tpu.vector_load_idx %arg9[%add3A_668, %select_n3A_77] : memref<3328x8xi32, #tpu.memory_space<vmem>>[vector<16xi32>, vector<16xi32>], vector<16xi32>,
      %bitcast3A_670 = vector.bitcast %gather3A_669 : vector<16xi32> to vector<32xbf16>
      %unpack3A_671 = tpu.unpack_subelements %bitcast3A_670, 0 {pack_format = #tpu.pack_format<interleaved>} : vector<32xbf16> -> vector<16xf32>
      %unpack3A_672 = tpu.unpack_subelements %bitcast3A_670, 1 {pack_format = #tpu.pack_format<interleaved>} : vector<32xbf16> -> vector<16xf32>
      %add3A_673 = arith.addf %add3A_660, %unpack3A_671 : vector<16xf32>
      %add3A_674 = arith.addf %add3A_661, %unpack3A_672 : vector<16xf32>
      %mul3A_675 = arith.mulf %unpack3A_671, %unpack3A_671 : vector<16xf32>
      %add3A_676 = arith.addf %add3A_663, %mul3A_675 : vector<16xf32>
      %mul3A_677 = arith.mulf %unpack3A_672, %unpack3A_672 : vector<16xf32>
      %add3A_678 = arith.addf %add3A_665, %mul3A_677 : vector<16xf32>
      %add3A_679 = arith.constant 3072 : i32
      %add3A_680 = vector.broadcast %add3A_679 : i32 to vector<16xi32>
      %add3A_681 = arith.addi %add3A_369, %add3A_680 : vector<16xi32>
      %gather3A_682 = tpu.vector_load_idx %arg9[%add3A_681, %select_n3A_77] : memref<3328x8xi32, #tpu.memory_space<vmem>>[vector<16xi32>, vector<16xi32>], vector<16xi32>,
      %bitcast3A_683 = vector.bitcast %gather3A_682 : vector<16xi32> to vector<32xbf16>
      %unpack3A_684 = tpu.unpack_subelements %bitcast3A_683, 0 {pack_format = #tpu.pack_format<interleaved>} : vector<32xbf16> -> vector<16xf32>
      %unpack3A_685 = tpu.unpack_subelements %bitcast3A_683, 1 {pack_format = #tpu.pack_format<interleaved>} : vector<32xbf16> -> vector<16xf32>
      %add3A_686 = arith.addf %add3A_673, %unpack3A_684 : vector<16xf32>
      %add3A_687 = arith.addf %add3A_674, %unpack3A_685 : vector<16xf32>
      %mul3A_688 = arith.mulf %unpack3A_684, %unpack3A_684 : vector<16xf32>
      %add3A_689 = arith.addf %add3A_676, %mul3A_688 : vector<16xf32>
      %mul3A_690 = arith.mulf %unpack3A_685, %unpack3A_685 : vector<16xf32>
      %add3A_691 = arith.addf %add3A_678, %mul3A_690 : vector<16xf32>
      %add3A_692 = arith.constant 3200 : i32
      %add3A_693 = vector.broadcast %add3A_692 : i32 to vector<16xi32>
      %add3A_694 = arith.addi %add3A_369, %add3A_693 : vector<16xi32>
      %gather3A_695 = tpu.vector_load_idx %arg9[%add3A_694, %select_n3A_77] : memref<3328x8xi32, #tpu.memory_space<vmem>>[vector<16xi32>, vector<16xi32>], vector<16xi32>,
      %bitcast3A_696 = vector.bitcast %gather3A_695 : vector<16xi32> to vector<32xbf16>
      %unpack3A_697 = tpu.unpack_subelements %bitcast3A_696, 0 {pack_format = #tpu.pack_format<interleaved>} : vector<32xbf16> -> vector<16xf32>
      %unpack3A_698 = tpu.unpack_subelements %bitcast3A_696, 1 {pack_format = #tpu.pack_format<interleaved>} : vector<32xbf16> -> vector<16xf32>
      %add3A_699 = arith.addf %add3A_686, %unpack3A_697 : vector<16xf32>
      %add3A_700 = arith.addf %add3A_687, %unpack3A_698 : vector<16xf32>
      %mul3A_701 = arith.mulf %unpack3A_697, %unpack3A_697 : vector<16xf32>
      %add3A_702 = arith.addf %add3A_689, %mul3A_701 : vector<16xf32>
      %mul3A_703 = arith.mulf %unpack3A_698, %unpack3A_698 : vector<16xf32>
      %add3A_704 = arith.addf %add3A_691, %mul3A_703 : vector<16xf32>
      %add3A_705 = vector.broadcast %mul3A_360 : i32 to vector<16xi32>
      %add3A_706 = arith.addi %add3A_705, %select_n3A : vector<16xi32>
      %mul3A_707 = arith.constant 16 : i32
      %mul3A_708 = vector.broadcast %mul3A_707 : i32 to vector<16xi32>
      %mul3A_709 = arith.muli %add3A_706, %mul3A_708 : vector<16xi32>
      %mul3A_710 = arith.constant 2 : i32
      %mul3A_711 = vector.broadcast %mul3A_710 : i32 to vector<16xi32>
      %mul3A_712 = arith.muli %select_n3A_77, %mul3A_711 : vector<16xi32>
      %add3A_713 = arith.addi %mul3A_709, %mul3A_712 : vector<16xi32>
      %mul3A_714 = arith.mulf %add3A_699, %add3A_699 : vector<16xf32>
      %sub3A_715 = arith.subf %mul3A_714, %add3A_702 : vector<16xf32>
      %mul3A_716 = arith.constant 5.000000e-01 : f32
      %mul3A_717 = vector.broadcast %mul3A_716 : f32 to vector<16xf32>
      %mul3A_718 = arith.mulf %mul3A_717, %sub3A_715 : vector<16xf32>
      tpu.vector_store_idx %arg13[%add3A_713], %mul3A_718 : memref<2048xf32, #tpu.memory_space<vmem>>[vector<16xi32>], vector<16xf32>,
      %add3A_719 = arith.constant 1 : i32
      %add3A_720 = vector.broadcast %add3A_719 : i32 to vector<16xi32>
      %add3A_721 = arith.addi %add3A_713, %add3A_720 : vector<16xi32>
      %mul3A_722 = arith.mulf %add3A_700, %add3A_700 : vector<16xf32>
      %sub3A_723 = arith.subf %mul3A_722, %add3A_704 : vector<16xf32>
      %mul3A_724 = arith.constant 5.000000e-01 : f32
      %mul3A_725 = vector.broadcast %mul3A_724 : f32 to vector<16xf32>
      %mul3A_726 = arith.mulf %mul3A_725, %sub3A_723 : vector<16xf32>
      tpu.vector_store_idx %arg13[%add3A_721], %mul3A_726 : memref<2048xf32, #tpu.memory_space<vmem>>[vector<16xi32>], vector<16xf32>,
    }
    %scan3A_82 = arith.constant 64 : i32
    %scan3A_83 = arith.constant 0 : i32
    %scan3A_84 = arith.constant 0 : i32
    %scan3A_85 = arith.constant 8 : i32
    %scan3A_86 = arith.addi %scan3A_84, %scan3A_85 : i32
    %scan3A_87 = arith.constant 1 : i32
    scf.for %scan3A_358 = %scan3A_84 to %scan3A_86 step %scan3A_87  : i32 {
      %mul3A_359 = arith.constant 16 : i32
      %mul3A_360 = arith.muli %scan3A_358, %mul3A_359 : i32
      %get3A = arith.index_cast %mul3A_360 : i32 to index
      %get3A_361 = tpu.vector_load %arg11[%get3A] {strides = array<i32>} : memref<3328xf32, #tpu.memory_space<vmem>>, vector<16xf32>,
      %add3A_362 = arith.constant 128 : i32
      %add3A_363 = arith.addi %add3A_362, %mul3A_360 : i32
      %get3A_364 = arith.index_cast %add3A_363 : i32 to index
      %get3A_365 = tpu.vector_load %arg11[%get3A_364] {strides = array<i32>} : memref<3328xf32, #tpu.memory_space<vmem>>, vector<16xf32>,
      %add3A_366 = arith.addf %get3A_361, %get3A_365 : vector<16xf32>
      %add3A_367 = arith.constant 256 : i32
      %add3A_368 = arith.addi %add3A_367, %mul3A_360 : i32
      %get3A_369 = arith.index_cast %add3A_368 : i32 to index
      %get3A_370 = tpu.vector_load %arg11[%get3A_369] {strides = array<i32>} : memref<3328xf32, #tpu.memory_space<vmem>>, vector<16xf32>,
      %add3A_371 = arith.addf %add3A_366, %get3A_370 : vector<16xf32>
      %add3A_372 = arith.constant 384 : i32
      %add3A_373 = arith.addi %add3A_372, %mul3A_360 : i32
      %get3A_374 = arith.index_cast %add3A_373 : i32 to index
      %get3A_375 = tpu.vector_load %arg11[%get3A_374] {strides = array<i32>} : memref<3328xf32, #tpu.memory_space<vmem>>, vector<16xf32>,
      %add3A_376 = arith.addf %add3A_371, %get3A_375 : vector<16xf32>
      %add3A_377 = arith.constant 512 : i32
      %add3A_378 = arith.addi %add3A_377, %mul3A_360 : i32
      %get3A_379 = arith.index_cast %add3A_378 : i32 to index
      %get3A_380 = tpu.vector_load %arg11[%get3A_379] {strides = array<i32>} : memref<3328xf32, #tpu.memory_space<vmem>>, vector<16xf32>,
      %add3A_381 = arith.addf %add3A_376, %get3A_380 : vector<16xf32>
      %add3A_382 = arith.constant 640 : i32
      %add3A_383 = arith.addi %add3A_382, %mul3A_360 : i32
      %get3A_384 = arith.index_cast %add3A_383 : i32 to index
      %get3A_385 = tpu.vector_load %arg11[%get3A_384] {strides = array<i32>} : memref<3328xf32, #tpu.memory_space<vmem>>, vector<16xf32>,
      %add3A_386 = arith.addf %add3A_381, %get3A_385 : vector<16xf32>
      %add3A_387 = arith.constant 768 : i32
      %add3A_388 = arith.addi %add3A_387, %mul3A_360 : i32
      %get3A_389 = arith.index_cast %add3A_388 : i32 to index
      %get3A_390 = tpu.vector_load %arg11[%get3A_389] {strides = array<i32>} : memref<3328xf32, #tpu.memory_space<vmem>>, vector<16xf32>,
      %add3A_391 = arith.addf %add3A_386, %get3A_390 : vector<16xf32>
      %add3A_392 = arith.constant 896 : i32
      %add3A_393 = arith.addi %add3A_392, %mul3A_360 : i32
      %get3A_394 = arith.index_cast %add3A_393 : i32 to index
      %get3A_395 = tpu.vector_load %arg11[%get3A_394] {strides = array<i32>} : memref<3328xf32, #tpu.memory_space<vmem>>, vector<16xf32>,
      %add3A_396 = arith.addf %add3A_391, %get3A_395 : vector<16xf32>
      %add3A_397 = arith.constant 1024 : i32
      %add3A_398 = arith.addi %add3A_397, %mul3A_360 : i32
      %get3A_399 = arith.index_cast %add3A_398 : i32 to index
      %get3A_400 = tpu.vector_load %arg11[%get3A_399] {strides = array<i32>} : memref<3328xf32, #tpu.memory_space<vmem>>, vector<16xf32>,
      %add3A_401 = arith.addf %add3A_396, %get3A_400 : vector<16xf32>
      %add3A_402 = arith.constant 1152 : i32
      %add3A_403 = arith.addi %add3A_402, %mul3A_360 : i32
      %get3A_404 = arith.index_cast %add3A_403 : i32 to index
      %get3A_405 = tpu.vector_load %arg11[%get3A_404] {strides = array<i32>} : memref<3328xf32, #tpu.memory_space<vmem>>, vector<16xf32>,
      %add3A_406 = arith.addf %add3A_401, %get3A_405 : vector<16xf32>
      %add3A_407 = arith.constant 1280 : i32
      %add3A_408 = arith.addi %add3A_407, %mul3A_360 : i32
      %get3A_409 = arith.index_cast %add3A_408 : i32 to index
      %get3A_410 = tpu.vector_load %arg11[%get3A_409] {strides = array<i32>} : memref<3328xf32, #tpu.memory_space<vmem>>, vector<16xf32>,
      %add3A_411 = arith.addf %add3A_406, %get3A_410 : vector<16xf32>
      %add3A_412 = arith.constant 1408 : i32
      %add3A_413 = arith.addi %add3A_412, %mul3A_360 : i32
      %get3A_414 = arith.index_cast %add3A_413 : i32 to index
      %get3A_415 = tpu.vector_load %arg11[%get3A_414] {strides = array<i32>} : memref<3328xf32, #tpu.memory_space<vmem>>, vector<16xf32>,
      %add3A_416 = arith.addf %add3A_411, %get3A_415 : vector<16xf32>
      %add3A_417 = arith.constant 1536 : i32
      %add3A_418 = arith.addi %add3A_417, %mul3A_360 : i32
      %get3A_419 = arith.index_cast %add3A_418 : i32 to index
      %get3A_420 = tpu.vector_load %arg11[%get3A_419] {strides = array<i32>} : memref<3328xf32, #tpu.memory_space<vmem>>, vector<16xf32>,
      %add3A_421 = arith.addf %add3A_416, %get3A_420 : vector<16xf32>
      %add3A_422 = arith.constant 1664 : i32
      %add3A_423 = arith.addi %add3A_422, %mul3A_360 : i32
      %get3A_424 = arith.index_cast %add3A_423 : i32 to index
      %get3A_425 = tpu.vector_load %arg11[%get3A_424] {strides = array<i32>} : memref<3328xf32, #tpu.memory_space<vmem>>, vector<16xf32>,
      %add3A_426 = arith.addf %add3A_421, %get3A_425 : vector<16xf32>
      %add3A_427 = arith.constant 1792 : i32
      %add3A_428 = arith.addi %add3A_427, %mul3A_360 : i32
      %get3A_429 = arith.index_cast %add3A_428 : i32 to index
      %get3A_430 = tpu.vector_load %arg11[%get3A_429] {strides = array<i32>} : memref<3328xf32, #tpu.memory_space<vmem>>, vector<16xf32>,
      %add3A_431 = arith.addf %add3A_426, %get3A_430 : vector<16xf32>
      %add3A_432 = arith.constant 1920 : i32
      %add3A_433 = arith.addi %add3A_432, %mul3A_360 : i32
      %get3A_434 = arith.index_cast %add3A_433 : i32 to index
      %get3A_435 = tpu.vector_load %arg11[%get3A_434] {strides = array<i32>} : memref<3328xf32, #tpu.memory_space<vmem>>, vector<16xf32>,
      %add3A_436 = arith.addf %add3A_431, %get3A_435 : vector<16xf32>
      %add3A_437 = arith.constant 2048 : i32
      %add3A_438 = arith.addi %add3A_437, %mul3A_360 : i32
      %get3A_439 = arith.index_cast %add3A_438 : i32 to index
      %get3A_440 = tpu.vector_load %arg11[%get3A_439] {strides = array<i32>} : memref<3328xf32, #tpu.memory_space<vmem>>, vector<16xf32>,
      %add3A_441 = arith.addf %add3A_436, %get3A_440 : vector<16xf32>
      %add3A_442 = arith.constant 2176 : i32
      %add3A_443 = arith.addi %add3A_442, %mul3A_360 : i32
      %get3A_444 = arith.index_cast %add3A_443 : i32 to index
      %get3A_445 = tpu.vector_load %arg11[%get3A_444] {strides = array<i32>} : memref<3328xf32, #tpu.memory_space<vmem>>, vector<16xf32>,
      %add3A_446 = arith.addf %add3A_441, %get3A_445 : vector<16xf32>
      %add3A_447 = arith.constant 2304 : i32
      %add3A_448 = arith.addi %add3A_447, %mul3A_360 : i32
      %get3A_449 = arith.index_cast %add3A_448 : i32 to index
      %get3A_450 = tpu.vector_load %arg11[%get3A_449] {strides = array<i32>} : memref<3328xf32, #tpu.memory_space<vmem>>, vector<16xf32>,
      %add3A_451 = arith.addf %add3A_446, %get3A_450 : vector<16xf32>
      %add3A_452 = arith.constant 2432 : i32
      %add3A_453 = arith.addi %add3A_452, %mul3A_360 : i32
      %get3A_454 = arith.index_cast %add3A_453 : i32 to index
      %get3A_455 = tpu.vector_load %arg11[%get3A_454] {strides = array<i32>} : memref<3328xf32, #tpu.memory_space<vmem>>, vector<16xf32>,
      %add3A_456 = arith.addf %add3A_451, %get3A_455 : vector<16xf32>
      %add3A_457 = arith.constant 2560 : i32
      %add3A_458 = arith.addi %add3A_457, %mul3A_360 : i32
      %get3A_459 = arith.index_cast %add3A_458 : i32 to index
      %get3A_460 = tpu.vector_load %arg11[%get3A_459] {strides = array<i32>} : memref<3328xf32, #tpu.memory_space<vmem>>, vector<16xf32>,
      %add3A_461 = arith.addf %add3A_456, %get3A_460 : vector<16xf32>
      %add3A_462 = arith.constant 2688 : i32
      %add3A_463 = arith.addi %add3A_462, %mul3A_360 : i32
      %get3A_464 = arith.index_cast %add3A_463 : i32 to index
      %get3A_465 = tpu.vector_load %arg11[%get3A_464] {strides = array<i32>} : memref<3328xf32, #tpu.memory_space<vmem>>, vector<16xf32>,
      %add3A_466 = arith.addf %add3A_461, %get3A_465 : vector<16xf32>
      %add3A_467 = arith.constant 2816 : i32
      %add3A_468 = arith.addi %add3A_467, %mul3A_360 : i32
      %get3A_469 = arith.index_cast %add3A_468 : i32 to index
      %get3A_470 = tpu.vector_load %arg11[%get3A_469] {strides = array<i32>} : memref<3328xf32, #tpu.memory_space<vmem>>, vector<16xf32>,
      %add3A_471 = arith.addf %add3A_466, %get3A_470 : vector<16xf32>
      %add3A_472 = arith.constant 2944 : i32
      %add3A_473 = arith.addi %add3A_472, %mul3A_360 : i32
      %get3A_474 = arith.index_cast %add3A_473 : i32 to index
      %get3A_475 = tpu.vector_load %arg11[%get3A_474] {strides = array<i32>} : memref<3328xf32, #tpu.memory_space<vmem>>, vector<16xf32>,
      %add3A_476 = arith.addf %add3A_471, %get3A_475 : vector<16xf32>
      %add3A_477 = arith.constant 3072 : i32
      %add3A_478 = arith.addi %add3A_477, %mul3A_360 : i32
      %get3A_479 = arith.index_cast %add3A_478 : i32 to index
      %get3A_480 = tpu.vector_load %arg11[%get3A_479] {strides = array<i32>} : memref<3328xf32, #tpu.memory_space<vmem>>, vector<16xf32>,
      %add3A_481 = arith.addf %add3A_476, %get3A_480 : vector<16xf32>
      %add3A_482 = arith.constant 3200 : i32
      %add3A_483 = arith.addi %add3A_482, %mul3A_360 : i32
      %get3A_484 = arith.index_cast %add3A_483 : i32 to index
      %get3A_485 = tpu.vector_load %arg11[%get3A_484] {strides = array<i32>} : memref<3328xf32, #tpu.memory_space<vmem>>, vector<16xf32>,
      %add3A_486 = arith.addf %add3A_481, %get3A_485 : vector<16xf32>
      %swap3A = arith.index_cast %mul3A_360 : i32 to index
      %swap3A_487 = tpu.vector_load %arg14[%swap3A] {strides = array<i32>} : memref<128xf32, #tpu.memory_space<vmem>>, vector<16xf32>,
      tpu.vector_store %arg14[%swap3A], %add3A_486 {strides = array<i32>} : memref<128xf32, #tpu.memory_space<vmem>>, vector<16xf32>,
    }
    %scan3A_88 = arith.constant 8 : i32
    %mul3A_89 = arith.constant 16 : i32
    %mul3A_90 = arith.muli %add3A_16, %mul3A_89 : i32
    %multiple_of3A_91 = tpu.assume_multiple %mul3A_90, 8 : i32
    "tpu.region"() ({
      %run_scoped3A = tpu.sem_alloc : memref<!tpu.dma_semaphore, #tpu.memory_space<semaphore_mem>>
      %dma_start3A_358 = tpu.memref_slice %arg5[%multiple_of3A_91] : memref<262144xf32, #tpu.memory_space<hbm>> -> memref<2048xf32, #tpu.memory_space<hbm>>
      %dma_start3A_359 = tpu.memref_slice %arg5[%multiple_of3A_91] : memref<262144xf32, #tpu.memory_space<hbm>> -> memref<2048xf32, #tpu.memory_space<hbm>>
      tpu.enqueue_dma source(%arg13 : memref<2048xf32, #tpu.memory_space<vmem>>) target(%dma_start3A_359 : memref<2048xf32, #tpu.memory_space<hbm>>) target_semaphore(%run_scoped3A : memref<!tpu.dma_semaphore, #tpu.memory_space<semaphore_mem>>)
      %dma_wait3A_360 = tpu.memref_slice %arg5[%multiple_of3A_91] : memref<262144xf32, #tpu.memory_space<hbm>> -> memref<2048xf32, #tpu.memory_space<hbm>>
      %dma_wait3A_361 = tpu.memref_slice %arg5[%multiple_of3A_91] : memref<262144xf32, #tpu.memory_space<hbm>> -> memref<2048xf32, #tpu.memory_space<hbm>>
      tpu.wait_dma2 semaphore(%run_scoped3A : memref<!tpu.dma_semaphore, #tpu.memory_space<semaphore_mem>>) src(%arg13 : memref<2048xf32, #tpu.memory_space<vmem>>) dst(%dma_wait3A_361 : memref<2048xf32, #tpu.memory_space<hbm>>)
      tpu.yield
    }) : () -> ()
    %multiple_of3A_92 = tpu.assume_multiple %add3A_16, 8 : i32
    "tpu.region"() ({
      %run_scoped3A = tpu.sem_alloc : memref<!tpu.dma_semaphore, #tpu.memory_space<semaphore_mem>>
      %dma_start3A_358 = tpu.memref_slice %arg6[%multiple_of3A_92] : memref<16384xf32, #tpu.memory_space<hbm>> -> memref<128xf32, #tpu.memory_space<hbm>>
      %dma_start3A_359 = tpu.memref_slice %arg6[%multiple_of3A_92] : memref<16384xf32, #tpu.memory_space<hbm>> -> memref<128xf32, #tpu.memory_space<hbm>>
      tpu.enqueue_dma source(%arg14 : memref<128xf32, #tpu.memory_space<vmem>>) target(%dma_start3A_359 : memref<128xf32, #tpu.memory_space<hbm>>) target_semaphore(%run_scoped3A : memref<!tpu.dma_semaphore, #tpu.memory_space<semaphore_mem>>)
      %dma_wait3A_360 = tpu.memref_slice %arg6[%multiple_of3A_92] : memref<16384xf32, #tpu.memory_space<hbm>> -> memref<128xf32, #tpu.memory_space<hbm>>
      %dma_wait3A_361 = tpu.memref_slice %arg6[%multiple_of3A_92] : memref<16384xf32, #tpu.memory_space<hbm>> -> memref<128xf32, #tpu.memory_space<hbm>>
      tpu.wait_dma2 semaphore(%run_scoped3A : memref<!tpu.dma_semaphore, #tpu.memory_space<semaphore_mem>>) src(%arg14 : memref<128xf32, #tpu.memory_space<vmem>>) dst(%dma_wait3A_361 : memref<128xf32, #tpu.memory_space<hbm>>)
      tpu.yield
    }) : () -> ()
    %mul3A_93 = arith.constant 512 : i32
    %mul3A_94 = arith.muli %add3A, %mul3A_93 : i32
    %add3A_95 = arith.constant 128 : i32
    %add3A_96 = arith.addi %mul3A_94, %add3A_95 : i32
    %dma_wait3A_97 = arith.constant 0 : i32
    %dma_wait3A_98 = arith.constant 0 : i32
    %dma_wait3A_99 = tpu.memref_slice %arg3[%dma_wait3A_97, %dma_wait3A_98] : memref<2600000x8xi32, #tpu.memory_space<hbm>> -> memref<2600000x8xi32, #tpu.memory_space<hbm>>
    tpu.wait_indirect_dma semaphore(%arg16 : memref<!tpu.dma_semaphore, #tpu.memory_space<semaphore_mem>>) src(%dma_wait3A_99 : memref<2600000x8xi32, #tpu.memory_space<hbm>>) dst(%arg10 : memref<3328x8xi32, #tpu.memory_space<vmem>>)
    %dma_wait3A_100 = arith.constant 0 : i32
    %dma_wait3A_101 = tpu.memref_slice %arg4[%dma_wait3A_100] : memref<2600000xf32, #tpu.memory_space<hbm>> -> memref<2600000xf32, #tpu.memory_space<hbm>>
    tpu.wait_indirect_dma semaphore(%arg18 : memref<!tpu.dma_semaphore, #tpu.memory_space<semaphore_mem>>) src(%dma_wait3A_101 : memref<2600000xf32, #tpu.memory_space<hbm>>) dst(%arg12 : memref<3328xf32, #tpu.memory_space<vmem>>)
    %mul3A_102 = arith.constant 4 : i32
    %mul3A_103 = arith.muli %add3A, %mul3A_102 : i32
    %add3A_104 = arith.constant 2 : i32
    %add3A_105 = arith.addi %mul3A_103, %add3A_104 : i32
    %mul3A_106 = arith.constant 128 : i32
    %mul3A_107 = arith.muli %add3A_105, %mul3A_106 : i32
    %mul3A_108 = arith.constant 26 : i32
    %mul3A_109 = arith.muli %mul3A_107, %mul3A_108 : i32
    %multiple_of3A_110 = tpu.assume_multiple %mul3A_109, 8 : i32
    "tpu.region"() ({
      %run_scoped3A = tpu.sem_alloc : memref<!tpu.dma_semaphore, #tpu.memory_space<semaphore_mem>>
      %dma_start3A_358 = tpu.memref_slice %arg2[%multiple_of3A_110] : memref<425984xi32, #tpu.memory_space<hbm>> -> memref<3328xi32, #tpu.memory_space<hbm>>
      %dma_start3A_359 = tpu.memref_slice %arg2[%multiple_of3A_110] : memref<425984xi32, #tpu.memory_space<hbm>> -> memref<3328xi32, #tpu.memory_space<hbm>>
      tpu.enqueue_dma source(%dma_start3A_359 : memref<3328xi32, #tpu.memory_space<hbm>>) target(%arg7 : memref<3328xi32, #tpu.memory_space<vmem>>) target_semaphore(%run_scoped3A : memref<!tpu.dma_semaphore, #tpu.memory_space<semaphore_mem>>)
      %dma_wait3A_360 = tpu.memref_slice %arg2[%multiple_of3A_110] : memref<425984xi32, #tpu.memory_space<hbm>> -> memref<3328xi32, #tpu.memory_space<hbm>>
      %dma_wait3A_361 = tpu.memref_slice %arg2[%multiple_of3A_110] : memref<425984xi32, #tpu.memory_space<hbm>> -> memref<3328xi32, #tpu.memory_space<hbm>>
      tpu.wait_dma2 semaphore(%run_scoped3A : memref<!tpu.dma_semaphore, #tpu.memory_space<semaphore_mem>>) src(%dma_wait3A_361 : memref<3328xi32, #tpu.memory_space<hbm>>) dst(%arg7 : memref<3328xi32, #tpu.memory_space<vmem>>)
      tpu.yield
    }) : () -> ()
    %dma_start3A_111 = arith.constant 0 : i32
    %dma_start3A_112 = arith.constant 0 : i32
    %dma_start3A_113 = tpu.memref_slice %arg3[%dma_start3A_111, %dma_start3A_112] : memref<2600000x8xi32, #tpu.memory_space<hbm>> -> memref<2600000x8xi32, #tpu.memory_space<hbm>>
    tpu.enqueue_indirect_dma source(%dma_start3A_113 : memref<2600000x8xi32, #tpu.memory_space<hbm>>) target(%arg9 : memref<3328x8xi32, #tpu.memory_space<vmem>>) offsets(%arg7 : memref<3328xi32, #tpu.memory_space<vmem>>) semaphore(%arg15 : memref<!tpu.dma_semaphore, #tpu.memory_space<semaphore_mem>>)
    %dma_start3A_114 = arith.constant 0 : i32
    %dma_start3A_115 = tpu.memref_slice %arg4[%dma_start3A_114] : memref<2600000xf32, #tpu.memory_space<hbm>> -> memref<2600000xf32, #tpu.memory_space<hbm>>
    tpu.enqueue_indirect_dma source(%dma_start3A_115 : memref<2600000xf32, #tpu.memory_space<hbm>>) target(%arg11 : memref<3328xf32, #tpu.memory_space<vmem>>) offsets(%arg7 : memref<3328xi32, #tpu.memory_space<vmem>>) semaphore(%arg17 : memref<!tpu.dma_semaphore, #tpu.memory_space<semaphore_mem>>)
    %iota3A_116 = tpu.iota {dimensions = array<i32: 0>} : vector<16xi32>
    %jit3A_117 = arith.constant 8 : i32
    %div3A_118 = vector.broadcast %jit3A_117 : i32 to vector<16xi32>
    %div3A_119 = arith.divsi %iota3A_116, %div3A_118 : vector<16xi32>
    %sign3A_120 = arith.constant 0 : i32
    %sign3A_121 = vector.broadcast %sign3A_120 : i32 to vector<16xi32>
    %sign3A_122 = arith.cmpi sgt, %iota3A_116, %sign3A_121 : vector<16xi32>
    %sign3A_123 = arith.extui %sign3A_122 : vector<16xi1> to vector<16xi32>
    %sign3A_124 = arith.constant 0 : i32
    %sign3A_125 = vector.broadcast %sign3A_124 : i32 to vector<16xi32>
    %sign3A_126 = arith.cmpi slt, %iota3A_116, %sign3A_125 : vector<16xi32>
    %sign3A_127 = arith.extui %sign3A_126 : vector<16xi1> to vector<16xi32>
    %sign3A_128 = arith.subi %sign3A_123, %sign3A_127 : vector<16xi32>
    %sign3A_129 = arith.constant 0 : i32
    %sign3A_130 = arith.cmpi sgt, %jit3A_117, %sign3A_129 : i32
    %sign3A_131 = arith.extui %sign3A_130 : i1 to i32
    %sign3A_132 = arith.constant 0 : i32
    %sign3A_133 = arith.cmpi slt, %jit3A_117, %sign3A_132 : i32
    %sign3A_134 = arith.extui %sign3A_133 : i1 to i32
    %sign3A_135 = arith.subi %sign3A_131, %sign3A_134 : i32
    %ne3A_136 = vector.broadcast %sign3A_135 : i32 to vector<16xi32>
    %ne3A_137 = arith.cmpi ne, %sign3A_128, %ne3A_136 : vector<16xi32>
    %rem3A_138 = vector.broadcast %jit3A_117 : i32 to vector<16xi32>
    %rem3A_139 = arith.remsi %iota3A_116, %rem3A_138 : vector<16xi32>
    %ne3A_140 = arith.constant 0 : i32
    %ne3A_141 = vector.broadcast %ne3A_140 : i32 to vector<16xi32>
    %ne3A_142 = arith.cmpi ne, %rem3A_139, %ne3A_141 : vector<16xi32>
    %and3A_143 = arith.andi %ne3A_137, %ne3A_142 : vector<16xi1>
    %sub3A_144 = arith.constant 1 : i32
    %sub3A_145 = vector.broadcast %sub3A_144 : i32 to vector<16xi32>
    %sub3A_146 = arith.subi %div3A_119, %sub3A_145 : vector<16xi32>
    %select_n3A_147 = arith.select %and3A_143, %sub3A_146, %div3A_119 : vector<16xi1>, vector<16xi32>
    %jit3A_148 = arith.constant 8 : i32
    %eq3A_149 = arith.constant 0 : i32
    %eq3A_150 = arith.cmpi eq, %jit3A_148, %eq3A_149 : i32
    %jit3A_151 = arith.constant 1 : i32
    %select_n3A_152 = arith.select %eq3A_150, %jit3A_151, %jit3A_148 : i32
    %rem3A_153 = vector.broadcast %select_n3A_152 : i32 to vector<16xi32>
    %rem3A_154 = arith.remsi %iota3A_116, %rem3A_153 : vector<16xi32>
    %ne3A_155 = arith.constant 0 : i32
    %ne3A_156 = vector.broadcast %ne3A_155 : i32 to vector<16xi32>
    %ne3A_157 = arith.cmpi ne, %rem3A_154, %ne3A_156 : vector<16xi32>
    %lt3A_158 = arith.constant 0 : i32
    %lt3A_159 = vector.broadcast %lt3A_158 : i32 to vector<16xi32>
    %lt3A_160 = arith.cmpi slt, %rem3A_154, %lt3A_159 : vector<16xi32>
    %lt3A_161 = arith.constant 0 : i32
    %lt3A_162 = arith.cmpi slt, %select_n3A_152, %lt3A_161 : i32
    %ne3A_163 = vector.broadcast %lt3A_162 : i1 to vector<16xi1>
    %ne3A_164 = vector.broadcast %ne3A_163 : vector<16xi1> to vector<16xi1>
    %ne3A_165 = arith.xori %lt3A_160, %ne3A_164 : vector<16xi1>
    %and3A_166 = arith.andi %ne3A_165, %ne3A_157 : vector<16xi1>
    %add3A_167 = vector.broadcast %select_n3A_152 : i32 to vector<16xi32>
    %add3A_168 = arith.addi %rem3A_154, %add3A_167 : vector<16xi32>
    %select_n3A_169 = arith.select %and3A_166, %add3A_168, %rem3A_154 : vector<16xi1>, vector<16xi32>
    %scan3A_170 = arith.constant 0 : i32
    %scan3A_171 = arith.constant 0 : i32
    %scan3A_172 = arith.constant 64 : i32
    %scan3A_173 = arith.addi %scan3A_171, %scan3A_172 : i32
    %scan3A_174 = arith.constant 1 : i32
    scf.for %scan3A_358 = %scan3A_171 to %scan3A_173 step %scan3A_174  : i32 {
      %mul3A_359 = arith.constant 2 : i32
      %mul3A_360 = arith.muli %scan3A_358, %mul3A_359 : i32
      %broadcast_in_dim3A = arith.constant 0.000000e+00 : f32
      %broadcast_in_dim3A_361 = vector.broadcast %broadcast_in_dim3A : f32 to vector<16xf32>
      %broadcast_in_dim3A_362 = arith.constant 0.000000e+00 : f32
      %broadcast_in_dim3A_363 = vector.broadcast %broadcast_in_dim3A_362 : f32 to vector<16xf32>
      %broadcast_in_dim3A_364 = arith.constant 0.000000e+00 : f32
      %broadcast_in_dim3A_365 = vector.broadcast %broadcast_in_dim3A_364 : f32 to vector<16xf32>
      %broadcast_in_dim3A_366 = arith.constant 0.000000e+00 : f32
      %broadcast_in_dim3A_367 = vector.broadcast %broadcast_in_dim3A_366 : f32 to vector<16xf32>
      %add3A_368 = vector.broadcast %mul3A_360 : i32 to vector<16xi32>
      %add3A_369 = arith.addi %add3A_368, %select_n3A_147 : vector<16xi32>
      %add3A_370 = arith.constant 0 : i32
      %add3A_371 = vector.broadcast %add3A_370 : i32 to vector<16xi32>
      %add3A_372 = arith.addi %add3A_369, %add3A_371 : vector<16xi32>
      %gather3A = tpu.vector_load_idx %arg10[%add3A_372, %select_n3A_169] : memref<3328x8xi32, #tpu.memory_space<vmem>>[vector<16xi32>, vector<16xi32>], vector<16xi32>,
      %bitcast3A = vector.bitcast %gather3A : vector<16xi32> to vector<32xbf16>
      %unpack3A = tpu.unpack_subelements %bitcast3A, 0 {pack_format = #tpu.pack_format<interleaved>} : vector<32xbf16> -> vector<16xf32>
      %unpack3A_373 = tpu.unpack_subelements %bitcast3A, 1 {pack_format = #tpu.pack_format<interleaved>} : vector<32xbf16> -> vector<16xf32>
      %add3A_374 = arith.addf %broadcast_in_dim3A_361, %unpack3A : vector<16xf32>
      %add3A_375 = arith.addf %broadcast_in_dim3A_363, %unpack3A_373 : vector<16xf32>
      %mul3A_376 = arith.mulf %unpack3A, %unpack3A : vector<16xf32>
      %add3A_377 = arith.addf %broadcast_in_dim3A_365, %mul3A_376 : vector<16xf32>
      %mul3A_378 = arith.mulf %unpack3A_373, %unpack3A_373 : vector<16xf32>
      %add3A_379 = arith.addf %broadcast_in_dim3A_367, %mul3A_378 : vector<16xf32>
      %add3A_380 = arith.constant 128 : i32
      %add3A_381 = vector.broadcast %add3A_380 : i32 to vector<16xi32>
      %add3A_382 = arith.addi %add3A_369, %add3A_381 : vector<16xi32>
      %gather3A_383 = tpu.vector_load_idx %arg10[%add3A_382, %select_n3A_169] : memref<3328x8xi32, #tpu.memory_space<vmem>>[vector<16xi32>, vector<16xi32>], vector<16xi32>,
      %bitcast3A_384 = vector.bitcast %gather3A_383 : vector<16xi32> to vector<32xbf16>
      %unpack3A_385 = tpu.unpack_subelements %bitcast3A_384, 0 {pack_format = #tpu.pack_format<interleaved>} : vector<32xbf16> -> vector<16xf32>
      %unpack3A_386 = tpu.unpack_subelements %bitcast3A_384, 1 {pack_format = #tpu.pack_format<interleaved>} : vector<32xbf16> -> vector<16xf32>
      %add3A_387 = arith.addf %add3A_374, %unpack3A_385 : vector<16xf32>
      %add3A_388 = arith.addf %add3A_375, %unpack3A_386 : vector<16xf32>
      %mul3A_389 = arith.mulf %unpack3A_385, %unpack3A_385 : vector<16xf32>
      %add3A_390 = arith.addf %add3A_377, %mul3A_389 : vector<16xf32>
      %mul3A_391 = arith.mulf %unpack3A_386, %unpack3A_386 : vector<16xf32>
      %add3A_392 = arith.addf %add3A_379, %mul3A_391 : vector<16xf32>
      %add3A_393 = arith.constant 256 : i32
      %add3A_394 = vector.broadcast %add3A_393 : i32 to vector<16xi32>
      %add3A_395 = arith.addi %add3A_369, %add3A_394 : vector<16xi32>
      %gather3A_396 = tpu.vector_load_idx %arg10[%add3A_395, %select_n3A_169] : memref<3328x8xi32, #tpu.memory_space<vmem>>[vector<16xi32>, vector<16xi32>], vector<16xi32>,
      %bitcast3A_397 = vector.bitcast %gather3A_396 : vector<16xi32> to vector<32xbf16>
      %unpack3A_398 = tpu.unpack_subelements %bitcast3A_397, 0 {pack_format = #tpu.pack_format<interleaved>} : vector<32xbf16> -> vector<16xf32>
      %unpack3A_399 = tpu.unpack_subelements %bitcast3A_397, 1 {pack_format = #tpu.pack_format<interleaved>} : vector<32xbf16> -> vector<16xf32>
      %add3A_400 = arith.addf %add3A_387, %unpack3A_398 : vector<16xf32>
      %add3A_401 = arith.addf %add3A_388, %unpack3A_399 : vector<16xf32>
      %mul3A_402 = arith.mulf %unpack3A_398, %unpack3A_398 : vector<16xf32>
      %add3A_403 = arith.addf %add3A_390, %mul3A_402 : vector<16xf32>
      %mul3A_404 = arith.mulf %unpack3A_399, %unpack3A_399 : vector<16xf32>
      %add3A_405 = arith.addf %add3A_392, %mul3A_404 : vector<16xf32>
      %add3A_406 = arith.constant 384 : i32
      %add3A_407 = vector.broadcast %add3A_406 : i32 to vector<16xi32>
      %add3A_408 = arith.addi %add3A_369, %add3A_407 : vector<16xi32>
      %gather3A_409 = tpu.vector_load_idx %arg10[%add3A_408, %select_n3A_169] : memref<3328x8xi32, #tpu.memory_space<vmem>>[vector<16xi32>, vector<16xi32>], vector<16xi32>,
      %bitcast3A_410 = vector.bitcast %gather3A_409 : vector<16xi32> to vector<32xbf16>
      %unpack3A_411 = tpu.unpack_subelements %bitcast3A_410, 0 {pack_format = #tpu.pack_format<interleaved>} : vector<32xbf16> -> vector<16xf32>
      %unpack3A_412 = tpu.unpack_subelements %bitcast3A_410, 1 {pack_format = #tpu.pack_format<interleaved>} : vector<32xbf16> -> vector<16xf32>
      %add3A_413 = arith.addf %add3A_400, %unpack3A_411 : vector<16xf32>
      %add3A_414 = arith.addf %add3A_401, %unpack3A_412 : vector<16xf32>
      %mul3A_415 = arith.mulf %unpack3A_411, %unpack3A_411 : vector<16xf32>
      %add3A_416 = arith.addf %add3A_403, %mul3A_415 : vector<16xf32>
      %mul3A_417 = arith.mulf %unpack3A_412, %unpack3A_412 : vector<16xf32>
      %add3A_418 = arith.addf %add3A_405, %mul3A_417 : vector<16xf32>
      %add3A_419 = arith.constant 512 : i32
      %add3A_420 = vector.broadcast %add3A_419 : i32 to vector<16xi32>
      %add3A_421 = arith.addi %add3A_369, %add3A_420 : vector<16xi32>
      %gather3A_422 = tpu.vector_load_idx %arg10[%add3A_421, %select_n3A_169] : memref<3328x8xi32, #tpu.memory_space<vmem>>[vector<16xi32>, vector<16xi32>], vector<16xi32>,
      %bitcast3A_423 = vector.bitcast %gather3A_422 : vector<16xi32> to vector<32xbf16>
      %unpack3A_424 = tpu.unpack_subelements %bitcast3A_423, 0 {pack_format = #tpu.pack_format<interleaved>} : vector<32xbf16> -> vector<16xf32>
      %unpack3A_425 = tpu.unpack_subelements %bitcast3A_423, 1 {pack_format = #tpu.pack_format<interleaved>} : vector<32xbf16> -> vector<16xf32>
      %add3A_426 = arith.addf %add3A_413, %unpack3A_424 : vector<16xf32>
      %add3A_427 = arith.addf %add3A_414, %unpack3A_425 : vector<16xf32>
      %mul3A_428 = arith.mulf %unpack3A_424, %unpack3A_424 : vector<16xf32>
      %add3A_429 = arith.addf %add3A_416, %mul3A_428 : vector<16xf32>
      %mul3A_430 = arith.mulf %unpack3A_425, %unpack3A_425 : vector<16xf32>
      %add3A_431 = arith.addf %add3A_418, %mul3A_430 : vector<16xf32>
      %add3A_432 = arith.constant 640 : i32
      %add3A_433 = vector.broadcast %add3A_432 : i32 to vector<16xi32>
      %add3A_434 = arith.addi %add3A_369, %add3A_433 : vector<16xi32>
      %gather3A_435 = tpu.vector_load_idx %arg10[%add3A_434, %select_n3A_169] : memref<3328x8xi32, #tpu.memory_space<vmem>>[vector<16xi32>, vector<16xi32>], vector<16xi32>,
      %bitcast3A_436 = vector.bitcast %gather3A_435 : vector<16xi32> to vector<32xbf16>
      %unpack3A_437 = tpu.unpack_subelements %bitcast3A_436, 0 {pack_format = #tpu.pack_format<interleaved>} : vector<32xbf16> -> vector<16xf32>
      %unpack3A_438 = tpu.unpack_subelements %bitcast3A_436, 1 {pack_format = #tpu.pack_format<interleaved>} : vector<32xbf16> -> vector<16xf32>
      %add3A_439 = arith.addf %add3A_426, %unpack3A_437 : vector<16xf32>
      %add3A_440 = arith.addf %add3A_427, %unpack3A_438 : vector<16xf32>
      %mul3A_441 = arith.mulf %unpack3A_437, %unpack3A_437 : vector<16xf32>
      %add3A_442 = arith.addf %add3A_429, %mul3A_441 : vector<16xf32>
      %mul3A_443 = arith.mulf %unpack3A_438, %unpack3A_438 : vector<16xf32>
      %add3A_444 = arith.addf %add3A_431, %mul3A_443 : vector<16xf32>
      %add3A_445 = arith.constant 768 : i32
      %add3A_446 = vector.broadcast %add3A_445 : i32 to vector<16xi32>
      %add3A_447 = arith.addi %add3A_369, %add3A_446 : vector<16xi32>
      %gather3A_448 = tpu.vector_load_idx %arg10[%add3A_447, %select_n3A_169] : memref<3328x8xi32, #tpu.memory_space<vmem>>[vector<16xi32>, vector<16xi32>], vector<16xi32>,
      %bitcast3A_449 = vector.bitcast %gather3A_448 : vector<16xi32> to vector<32xbf16>
      %unpack3A_450 = tpu.unpack_subelements %bitcast3A_449, 0 {pack_format = #tpu.pack_format<interleaved>} : vector<32xbf16> -> vector<16xf32>
      %unpack3A_451 = tpu.unpack_subelements %bitcast3A_449, 1 {pack_format = #tpu.pack_format<interleaved>} : vector<32xbf16> -> vector<16xf32>
      %add3A_452 = arith.addf %add3A_439, %unpack3A_450 : vector<16xf32>
      %add3A_453 = arith.addf %add3A_440, %unpack3A_451 : vector<16xf32>
      %mul3A_454 = arith.mulf %unpack3A_450, %unpack3A_450 : vector<16xf32>
      %add3A_455 = arith.addf %add3A_442, %mul3A_454 : vector<16xf32>
      %mul3A_456 = arith.mulf %unpack3A_451, %unpack3A_451 : vector<16xf32>
      %add3A_457 = arith.addf %add3A_444, %mul3A_456 : vector<16xf32>
      %add3A_458 = arith.constant 896 : i32
      %add3A_459 = vector.broadcast %add3A_458 : i32 to vector<16xi32>
      %add3A_460 = arith.addi %add3A_369, %add3A_459 : vector<16xi32>
      %gather3A_461 = tpu.vector_load_idx %arg10[%add3A_460, %select_n3A_169] : memref<3328x8xi32, #tpu.memory_space<vmem>>[vector<16xi32>, vector<16xi32>], vector<16xi32>,
      %bitcast3A_462 = vector.bitcast %gather3A_461 : vector<16xi32> to vector<32xbf16>
      %unpack3A_463 = tpu.unpack_subelements %bitcast3A_462, 0 {pack_format = #tpu.pack_format<interleaved>} : vector<32xbf16> -> vector<16xf32>
      %unpack3A_464 = tpu.unpack_subelements %bitcast3A_462, 1 {pack_format = #tpu.pack_format<interleaved>} : vector<32xbf16> -> vector<16xf32>
      %add3A_465 = arith.addf %add3A_452, %unpack3A_463 : vector<16xf32>
      %add3A_466 = arith.addf %add3A_453, %unpack3A_464 : vector<16xf32>
      %mul3A_467 = arith.mulf %unpack3A_463, %unpack3A_463 : vector<16xf32>
      %add3A_468 = arith.addf %add3A_455, %mul3A_467 : vector<16xf32>
      %mul3A_469 = arith.mulf %unpack3A_464, %unpack3A_464 : vector<16xf32>
      %add3A_470 = arith.addf %add3A_457, %mul3A_469 : vector<16xf32>
      %add3A_471 = arith.constant 1024 : i32
      %add3A_472 = vector.broadcast %add3A_471 : i32 to vector<16xi32>
      %add3A_473 = arith.addi %add3A_369, %add3A_472 : vector<16xi32>
      %gather3A_474 = tpu.vector_load_idx %arg10[%add3A_473, %select_n3A_169] : memref<3328x8xi32, #tpu.memory_space<vmem>>[vector<16xi32>, vector<16xi32>], vector<16xi32>,
      %bitcast3A_475 = vector.bitcast %gather3A_474 : vector<16xi32> to vector<32xbf16>
      %unpack3A_476 = tpu.unpack_subelements %bitcast3A_475, 0 {pack_format = #tpu.pack_format<interleaved>} : vector<32xbf16> -> vector<16xf32>
      %unpack3A_477 = tpu.unpack_subelements %bitcast3A_475, 1 {pack_format = #tpu.pack_format<interleaved>} : vector<32xbf16> -> vector<16xf32>
      %add3A_478 = arith.addf %add3A_465, %unpack3A_476 : vector<16xf32>
      %add3A_479 = arith.addf %add3A_466, %unpack3A_477 : vector<16xf32>
      %mul3A_480 = arith.mulf %unpack3A_476, %unpack3A_476 : vector<16xf32>
      %add3A_481 = arith.addf %add3A_468, %mul3A_480 : vector<16xf32>
      %mul3A_482 = arith.mulf %unpack3A_477, %unpack3A_477 : vector<16xf32>
      %add3A_483 = arith.addf %add3A_470, %mul3A_482 : vector<16xf32>
      %add3A_484 = arith.constant 1152 : i32
      %add3A_485 = vector.broadcast %add3A_484 : i32 to vector<16xi32>
      %add3A_486 = arith.addi %add3A_369, %add3A_485 : vector<16xi32>
      %gather3A_487 = tpu.vector_load_idx %arg10[%add3A_486, %select_n3A_169] : memref<3328x8xi32, #tpu.memory_space<vmem>>[vector<16xi32>, vector<16xi32>], vector<16xi32>,
      %bitcast3A_488 = vector.bitcast %gather3A_487 : vector<16xi32> to vector<32xbf16>
      %unpack3A_489 = tpu.unpack_subelements %bitcast3A_488, 0 {pack_format = #tpu.pack_format<interleaved>} : vector<32xbf16> -> vector<16xf32>
      %unpack3A_490 = tpu.unpack_subelements %bitcast3A_488, 1 {pack_format = #tpu.pack_format<interleaved>} : vector<32xbf16> -> vector<16xf32>
      %add3A_491 = arith.addf %add3A_478, %unpack3A_489 : vector<16xf32>
      %add3A_492 = arith.addf %add3A_479, %unpack3A_490 : vector<16xf32>
      %mul3A_493 = arith.mulf %unpack3A_489, %unpack3A_489 : vector<16xf32>
      %add3A_494 = arith.addf %add3A_481, %mul3A_493 : vector<16xf32>
      %mul3A_495 = arith.mulf %unpack3A_490, %unpack3A_490 : vector<16xf32>
      %add3A_496 = arith.addf %add3A_483, %mul3A_495 : vector<16xf32>
      %add3A_497 = arith.constant 1280 : i32
      %add3A_498 = vector.broadcast %add3A_497 : i32 to vector<16xi32>
      %add3A_499 = arith.addi %add3A_369, %add3A_498 : vector<16xi32>
      %gather3A_500 = tpu.vector_load_idx %arg10[%add3A_499, %select_n3A_169] : memref<3328x8xi32, #tpu.memory_space<vmem>>[vector<16xi32>, vector<16xi32>], vector<16xi32>,
      %bitcast3A_501 = vector.bitcast %gather3A_500 : vector<16xi32> to vector<32xbf16>
      %unpack3A_502 = tpu.unpack_subelements %bitcast3A_501, 0 {pack_format = #tpu.pack_format<interleaved>} : vector<32xbf16> -> vector<16xf32>
      %unpack3A_503 = tpu.unpack_subelements %bitcast3A_501, 1 {pack_format = #tpu.pack_format<interleaved>} : vector<32xbf16> -> vector<16xf32>
      %add3A_504 = arith.addf %add3A_491, %unpack3A_502 : vector<16xf32>
      %add3A_505 = arith.addf %add3A_492, %unpack3A_503 : vector<16xf32>
      %mul3A_506 = arith.mulf %unpack3A_502, %unpack3A_502 : vector<16xf32>
      %add3A_507 = arith.addf %add3A_494, %mul3A_506 : vector<16xf32>
      %mul3A_508 = arith.mulf %unpack3A_503, %unpack3A_503 : vector<16xf32>
      %add3A_509 = arith.addf %add3A_496, %mul3A_508 : vector<16xf32>
      %add3A_510 = arith.constant 1408 : i32
      %add3A_511 = vector.broadcast %add3A_510 : i32 to vector<16xi32>
      %add3A_512 = arith.addi %add3A_369, %add3A_511 : vector<16xi32>
      %gather3A_513 = tpu.vector_load_idx %arg10[%add3A_512, %select_n3A_169] : memref<3328x8xi32, #tpu.memory_space<vmem>>[vector<16xi32>, vector<16xi32>], vector<16xi32>,
      %bitcast3A_514 = vector.bitcast %gather3A_513 : vector<16xi32> to vector<32xbf16>
      %unpack3A_515 = tpu.unpack_subelements %bitcast3A_514, 0 {pack_format = #tpu.pack_format<interleaved>} : vector<32xbf16> -> vector<16xf32>
      %unpack3A_516 = tpu.unpack_subelements %bitcast3A_514, 1 {pack_format = #tpu.pack_format<interleaved>} : vector<32xbf16> -> vector<16xf32>
      %add3A_517 = arith.addf %add3A_504, %unpack3A_515 : vector<16xf32>
      %add3A_518 = arith.addf %add3A_505, %unpack3A_516 : vector<16xf32>
      %mul3A_519 = arith.mulf %unpack3A_515, %unpack3A_515 : vector<16xf32>
      %add3A_520 = arith.addf %add3A_507, %mul3A_519 : vector<16xf32>
      %mul3A_521 = arith.mulf %unpack3A_516, %unpack3A_516 : vector<16xf32>
      %add3A_522 = arith.addf %add3A_509, %mul3A_521 : vector<16xf32>
      %add3A_523 = arith.constant 1536 : i32
      %add3A_524 = vector.broadcast %add3A_523 : i32 to vector<16xi32>
      %add3A_525 = arith.addi %add3A_369, %add3A_524 : vector<16xi32>
      %gather3A_526 = tpu.vector_load_idx %arg10[%add3A_525, %select_n3A_169] : memref<3328x8xi32, #tpu.memory_space<vmem>>[vector<16xi32>, vector<16xi32>], vector<16xi32>,
      %bitcast3A_527 = vector.bitcast %gather3A_526 : vector<16xi32> to vector<32xbf16>
      %unpack3A_528 = tpu.unpack_subelements %bitcast3A_527, 0 {pack_format = #tpu.pack_format<interleaved>} : vector<32xbf16> -> vector<16xf32>
      %unpack3A_529 = tpu.unpack_subelements %bitcast3A_527, 1 {pack_format = #tpu.pack_format<interleaved>} : vector<32xbf16> -> vector<16xf32>
      %add3A_530 = arith.addf %add3A_517, %unpack3A_528 : vector<16xf32>
      %add3A_531 = arith.addf %add3A_518, %unpack3A_529 : vector<16xf32>
      %mul3A_532 = arith.mulf %unpack3A_528, %unpack3A_528 : vector<16xf32>
      %add3A_533 = arith.addf %add3A_520, %mul3A_532 : vector<16xf32>
      %mul3A_534 = arith.mulf %unpack3A_529, %unpack3A_529 : vector<16xf32>
      %add3A_535 = arith.addf %add3A_522, %mul3A_534 : vector<16xf32>
      %add3A_536 = arith.constant 1664 : i32
      %add3A_537 = vector.broadcast %add3A_536 : i32 to vector<16xi32>
      %add3A_538 = arith.addi %add3A_369, %add3A_537 : vector<16xi32>
      %gather3A_539 = tpu.vector_load_idx %arg10[%add3A_538, %select_n3A_169] : memref<3328x8xi32, #tpu.memory_space<vmem>>[vector<16xi32>, vector<16xi32>], vector<16xi32>,
      %bitcast3A_540 = vector.bitcast %gather3A_539 : vector<16xi32> to vector<32xbf16>
      %unpack3A_541 = tpu.unpack_subelements %bitcast3A_540, 0 {pack_format = #tpu.pack_format<interleaved>} : vector<32xbf16> -> vector<16xf32>
      %unpack3A_542 = tpu.unpack_subelements %bitcast3A_540, 1 {pack_format = #tpu.pack_format<interleaved>} : vector<32xbf16> -> vector<16xf32>
      %add3A_543 = arith.addf %add3A_530, %unpack3A_541 : vector<16xf32>
      %add3A_544 = arith.addf %add3A_531, %unpack3A_542 : vector<16xf32>
      %mul3A_545 = arith.mulf %unpack3A_541, %unpack3A_541 : vector<16xf32>
      %add3A_546 = arith.addf %add3A_533, %mul3A_545 : vector<16xf32>
      %mul3A_547 = arith.mulf %unpack3A_542, %unpack3A_542 : vector<16xf32>
      %add3A_548 = arith.addf %add3A_535, %mul3A_547 : vector<16xf32>
      %add3A_549 = arith.constant 1792 : i32
      %add3A_550 = vector.broadcast %add3A_549 : i32 to vector<16xi32>
      %add3A_551 = arith.addi %add3A_369, %add3A_550 : vector<16xi32>
      %gather3A_552 = tpu.vector_load_idx %arg10[%add3A_551, %select_n3A_169] : memref<3328x8xi32, #tpu.memory_space<vmem>>[vector<16xi32>, vector<16xi32>], vector<16xi32>,
      %bitcast3A_553 = vector.bitcast %gather3A_552 : vector<16xi32> to vector<32xbf16>
      %unpack3A_554 = tpu.unpack_subelements %bitcast3A_553, 0 {pack_format = #tpu.pack_format<interleaved>} : vector<32xbf16> -> vector<16xf32>
      %unpack3A_555 = tpu.unpack_subelements %bitcast3A_553, 1 {pack_format = #tpu.pack_format<interleaved>} : vector<32xbf16> -> vector<16xf32>
      %add3A_556 = arith.addf %add3A_543, %unpack3A_554 : vector<16xf32>
      %add3A_557 = arith.addf %add3A_544, %unpack3A_555 : vector<16xf32>
      %mul3A_558 = arith.mulf %unpack3A_554, %unpack3A_554 : vector<16xf32>
      %add3A_559 = arith.addf %add3A_546, %mul3A_558 : vector<16xf32>
      %mul3A_560 = arith.mulf %unpack3A_555, %unpack3A_555 : vector<16xf32>
      %add3A_561 = arith.addf %add3A_548, %mul3A_560 : vector<16xf32>
      %add3A_562 = arith.constant 1920 : i32
      %add3A_563 = vector.broadcast %add3A_562 : i32 to vector<16xi32>
      %add3A_564 = arith.addi %add3A_369, %add3A_563 : vector<16xi32>
      %gather3A_565 = tpu.vector_load_idx %arg10[%add3A_564, %select_n3A_169] : memref<3328x8xi32, #tpu.memory_space<vmem>>[vector<16xi32>, vector<16xi32>], vector<16xi32>,
      %bitcast3A_566 = vector.bitcast %gather3A_565 : vector<16xi32> to vector<32xbf16>
      %unpack3A_567 = tpu.unpack_subelements %bitcast3A_566, 0 {pack_format = #tpu.pack_format<interleaved>} : vector<32xbf16> -> vector<16xf32>
      %unpack3A_568 = tpu.unpack_subelements %bitcast3A_566, 1 {pack_format = #tpu.pack_format<interleaved>} : vector<32xbf16> -> vector<16xf32>
      %add3A_569 = arith.addf %add3A_556, %unpack3A_567 : vector<16xf32>
      %add3A_570 = arith.addf %add3A_557, %unpack3A_568 : vector<16xf32>
      %mul3A_571 = arith.mulf %unpack3A_567, %unpack3A_567 : vector<16xf32>
      %add3A_572 = arith.addf %add3A_559, %mul3A_571 : vector<16xf32>
      %mul3A_573 = arith.mulf %unpack3A_568, %unpack3A_568 : vector<16xf32>
      %add3A_574 = arith.addf %add3A_561, %mul3A_573 : vector<16xf32>
      %add3A_575 = arith.constant 2048 : i32
      %add3A_576 = vector.broadcast %add3A_575 : i32 to vector<16xi32>
      %add3A_577 = arith.addi %add3A_369, %add3A_576 : vector<16xi32>
      %gather3A_578 = tpu.vector_load_idx %arg10[%add3A_577, %select_n3A_169] : memref<3328x8xi32, #tpu.memory_space<vmem>>[vector<16xi32>, vector<16xi32>], vector<16xi32>,
      %bitcast3A_579 = vector.bitcast %gather3A_578 : vector<16xi32> to vector<32xbf16>
      %unpack3A_580 = tpu.unpack_subelements %bitcast3A_579, 0 {pack_format = #tpu.pack_format<interleaved>} : vector<32xbf16> -> vector<16xf32>
      %unpack3A_581 = tpu.unpack_subelements %bitcast3A_579, 1 {pack_format = #tpu.pack_format<interleaved>} : vector<32xbf16> -> vector<16xf32>
      %add3A_582 = arith.addf %add3A_569, %unpack3A_580 : vector<16xf32>
      %add3A_583 = arith.addf %add3A_570, %unpack3A_581 : vector<16xf32>
      %mul3A_584 = arith.mulf %unpack3A_580, %unpack3A_580 : vector<16xf32>
      %add3A_585 = arith.addf %add3A_572, %mul3A_584 : vector<16xf32>
      %mul3A_586 = arith.mulf %unpack3A_581, %unpack3A_581 : vector<16xf32>
      %add3A_587 = arith.addf %add3A_574, %mul3A_586 : vector<16xf32>
      %add3A_588 = arith.constant 2176 : i32
      %add3A_589 = vector.broadcast %add3A_588 : i32 to vector<16xi32>
      %add3A_590 = arith.addi %add3A_369, %add3A_589 : vector<16xi32>
      %gather3A_591 = tpu.vector_load_idx %arg10[%add3A_590, %select_n3A_169] : memref<3328x8xi32, #tpu.memory_space<vmem>>[vector<16xi32>, vector<16xi32>], vector<16xi32>,
      %bitcast3A_592 = vector.bitcast %gather3A_591 : vector<16xi32> to vector<32xbf16>
      %unpack3A_593 = tpu.unpack_subelements %bitcast3A_592, 0 {pack_format = #tpu.pack_format<interleaved>} : vector<32xbf16> -> vector<16xf32>
      %unpack3A_594 = tpu.unpack_subelements %bitcast3A_592, 1 {pack_format = #tpu.pack_format<interleaved>} : vector<32xbf16> -> vector<16xf32>
      %add3A_595 = arith.addf %add3A_582, %unpack3A_593 : vector<16xf32>
      %add3A_596 = arith.addf %add3A_583, %unpack3A_594 : vector<16xf32>
      %mul3A_597 = arith.mulf %unpack3A_593, %unpack3A_593 : vector<16xf32>
      %add3A_598 = arith.addf %add3A_585, %mul3A_597 : vector<16xf32>
      %mul3A_599 = arith.mulf %unpack3A_594, %unpack3A_594 : vector<16xf32>
      %add3A_600 = arith.addf %add3A_587, %mul3A_599 : vector<16xf32>
      %add3A_601 = arith.constant 2304 : i32
      %add3A_602 = vector.broadcast %add3A_601 : i32 to vector<16xi32>
      %add3A_603 = arith.addi %add3A_369, %add3A_602 : vector<16xi32>
      %gather3A_604 = tpu.vector_load_idx %arg10[%add3A_603, %select_n3A_169] : memref<3328x8xi32, #tpu.memory_space<vmem>>[vector<16xi32>, vector<16xi32>], vector<16xi32>,
      %bitcast3A_605 = vector.bitcast %gather3A_604 : vector<16xi32> to vector<32xbf16>
      %unpack3A_606 = tpu.unpack_subelements %bitcast3A_605, 0 {pack_format = #tpu.pack_format<interleaved>} : vector<32xbf16> -> vector<16xf32>
      %unpack3A_607 = tpu.unpack_subelements %bitcast3A_605, 1 {pack_format = #tpu.pack_format<interleaved>} : vector<32xbf16> -> vector<16xf32>
      %add3A_608 = arith.addf %add3A_595, %unpack3A_606 : vector<16xf32>
      %add3A_609 = arith.addf %add3A_596, %unpack3A_607 : vector<16xf32>
      %mul3A_610 = arith.mulf %unpack3A_606, %unpack3A_606 : vector<16xf32>
      %add3A_611 = arith.addf %add3A_598, %mul3A_610 : vector<16xf32>
      %mul3A_612 = arith.mulf %unpack3A_607, %unpack3A_607 : vector<16xf32>
      %add3A_613 = arith.addf %add3A_600, %mul3A_612 : vector<16xf32>
      %add3A_614 = arith.constant 2432 : i32
      %add3A_615 = vector.broadcast %add3A_614 : i32 to vector<16xi32>
      %add3A_616 = arith.addi %add3A_369, %add3A_615 : vector<16xi32>
      %gather3A_617 = tpu.vector_load_idx %arg10[%add3A_616, %select_n3A_169] : memref<3328x8xi32, #tpu.memory_space<vmem>>[vector<16xi32>, vector<16xi32>], vector<16xi32>,
      %bitcast3A_618 = vector.bitcast %gather3A_617 : vector<16xi32> to vector<32xbf16>
      %unpack3A_619 = tpu.unpack_subelements %bitcast3A_618, 0 {pack_format = #tpu.pack_format<interleaved>} : vector<32xbf16> -> vector<16xf32>
      %unpack3A_620 = tpu.unpack_subelements %bitcast3A_618, 1 {pack_format = #tpu.pack_format<interleaved>} : vector<32xbf16> -> vector<16xf32>
      %add3A_621 = arith.addf %add3A_608, %unpack3A_619 : vector<16xf32>
      %add3A_622 = arith.addf %add3A_609, %unpack3A_620 : vector<16xf32>
      %mul3A_623 = arith.mulf %unpack3A_619, %unpack3A_619 : vector<16xf32>
      %add3A_624 = arith.addf %add3A_611, %mul3A_623 : vector<16xf32>
      %mul3A_625 = arith.mulf %unpack3A_620, %unpack3A_620 : vector<16xf32>
      %add3A_626 = arith.addf %add3A_613, %mul3A_625 : vector<16xf32>
      %add3A_627 = arith.constant 2560 : i32
      %add3A_628 = vector.broadcast %add3A_627 : i32 to vector<16xi32>
      %add3A_629 = arith.addi %add3A_369, %add3A_628 : vector<16xi32>
      %gather3A_630 = tpu.vector_load_idx %arg10[%add3A_629, %select_n3A_169] : memref<3328x8xi32, #tpu.memory_space<vmem>>[vector<16xi32>, vector<16xi32>], vector<16xi32>,
      %bitcast3A_631 = vector.bitcast %gather3A_630 : vector<16xi32> to vector<32xbf16>
      %unpack3A_632 = tpu.unpack_subelements %bitcast3A_631, 0 {pack_format = #tpu.pack_format<interleaved>} : vector<32xbf16> -> vector<16xf32>
      %unpack3A_633 = tpu.unpack_subelements %bitcast3A_631, 1 {pack_format = #tpu.pack_format<interleaved>} : vector<32xbf16> -> vector<16xf32>
      %add3A_634 = arith.addf %add3A_621, %unpack3A_632 : vector<16xf32>
      %add3A_635 = arith.addf %add3A_622, %unpack3A_633 : vector<16xf32>
      %mul3A_636 = arith.mulf %unpack3A_632, %unpack3A_632 : vector<16xf32>
      %add3A_637 = arith.addf %add3A_624, %mul3A_636 : vector<16xf32>
      %mul3A_638 = arith.mulf %unpack3A_633, %unpack3A_633 : vector<16xf32>
      %add3A_639 = arith.addf %add3A_626, %mul3A_638 : vector<16xf32>
      %add3A_640 = arith.constant 2688 : i32
      %add3A_641 = vector.broadcast %add3A_640 : i32 to vector<16xi32>
      %add3A_642 = arith.addi %add3A_369, %add3A_641 : vector<16xi32>
      %gather3A_643 = tpu.vector_load_idx %arg10[%add3A_642, %select_n3A_169] : memref<3328x8xi32, #tpu.memory_space<vmem>>[vector<16xi32>, vector<16xi32>], vector<16xi32>,
      %bitcast3A_644 = vector.bitcast %gather3A_643 : vector<16xi32> to vector<32xbf16>
      %unpack3A_645 = tpu.unpack_subelements %bitcast3A_644, 0 {pack_format = #tpu.pack_format<interleaved>} : vector<32xbf16> -> vector<16xf32>
      %unpack3A_646 = tpu.unpack_subelements %bitcast3A_644, 1 {pack_format = #tpu.pack_format<interleaved>} : vector<32xbf16> -> vector<16xf32>
      %add3A_647 = arith.addf %add3A_634, %unpack3A_645 : vector<16xf32>
      %add3A_648 = arith.addf %add3A_635, %unpack3A_646 : vector<16xf32>
      %mul3A_649 = arith.mulf %unpack3A_645, %unpack3A_645 : vector<16xf32>
      %add3A_650 = arith.addf %add3A_637, %mul3A_649 : vector<16xf32>
      %mul3A_651 = arith.mulf %unpack3A_646, %unpack3A_646 : vector<16xf32>
      %add3A_652 = arith.addf %add3A_639, %mul3A_651 : vector<16xf32>
      %add3A_653 = arith.constant 2816 : i32
      %add3A_654 = vector.broadcast %add3A_653 : i32 to vector<16xi32>
      %add3A_655 = arith.addi %add3A_369, %add3A_654 : vector<16xi32>
      %gather3A_656 = tpu.vector_load_idx %arg10[%add3A_655, %select_n3A_169] : memref<3328x8xi32, #tpu.memory_space<vmem>>[vector<16xi32>, vector<16xi32>], vector<16xi32>,
      %bitcast3A_657 = vector.bitcast %gather3A_656 : vector<16xi32> to vector<32xbf16>
      %unpack3A_658 = tpu.unpack_subelements %bitcast3A_657, 0 {pack_format = #tpu.pack_format<interleaved>} : vector<32xbf16> -> vector<16xf32>
      %unpack3A_659 = tpu.unpack_subelements %bitcast3A_657, 1 {pack_format = #tpu.pack_format<interleaved>} : vector<32xbf16> -> vector<16xf32>
      %add3A_660 = arith.addf %add3A_647, %unpack3A_658 : vector<16xf32>
      %add3A_661 = arith.addf %add3A_648, %unpack3A_659 : vector<16xf32>
      %mul3A_662 = arith.mulf %unpack3A_658, %unpack3A_658 : vector<16xf32>
      %add3A_663 = arith.addf %add3A_650, %mul3A_662 : vector<16xf32>
      %mul3A_664 = arith.mulf %unpack3A_659, %unpack3A_659 : vector<16xf32>
      %add3A_665 = arith.addf %add3A_652, %mul3A_664 : vector<16xf32>
      %add3A_666 = arith.constant 2944 : i32
      %add3A_667 = vector.broadcast %add3A_666 : i32 to vector<16xi32>
      %add3A_668 = arith.addi %add3A_369, %add3A_667 : vector<16xi32>
      %gather3A_669 = tpu.vector_load_idx %arg10[%add3A_668, %select_n3A_169] : memref<3328x8xi32, #tpu.memory_space<vmem>>[vector<16xi32>, vector<16xi32>], vector<16xi32>,
      %bitcast3A_670 = vector.bitcast %gather3A_669 : vector<16xi32> to vector<32xbf16>
      %unpack3A_671 = tpu.unpack_subelements %bitcast3A_670, 0 {pack_format = #tpu.pack_format<interleaved>} : vector<32xbf16> -> vector<16xf32>
      %unpack3A_672 = tpu.unpack_subelements %bitcast3A_670, 1 {pack_format = #tpu.pack_format<interleaved>} : vector<32xbf16> -> vector<16xf32>
      %add3A_673 = arith.addf %add3A_660, %unpack3A_671 : vector<16xf32>
      %add3A_674 = arith.addf %add3A_661, %unpack3A_672 : vector<16xf32>
      %mul3A_675 = arith.mulf %unpack3A_671, %unpack3A_671 : vector<16xf32>
      %add3A_676 = arith.addf %add3A_663, %mul3A_675 : vector<16xf32>
      %mul3A_677 = arith.mulf %unpack3A_672, %unpack3A_672 : vector<16xf32>
      %add3A_678 = arith.addf %add3A_665, %mul3A_677 : vector<16xf32>
      %add3A_679 = arith.constant 3072 : i32
      %add3A_680 = vector.broadcast %add3A_679 : i32 to vector<16xi32>
      %add3A_681 = arith.addi %add3A_369, %add3A_680 : vector<16xi32>
      %gather3A_682 = tpu.vector_load_idx %arg10[%add3A_681, %select_n3A_169] : memref<3328x8xi32, #tpu.memory_space<vmem>>[vector<16xi32>, vector<16xi32>], vector<16xi32>,
      %bitcast3A_683 = vector.bitcast %gather3A_682 : vector<16xi32> to vector<32xbf16>
      %unpack3A_684 = tpu.unpack_subelements %bitcast3A_683, 0 {pack_format = #tpu.pack_format<interleaved>} : vector<32xbf16> -> vector<16xf32>
      %unpack3A_685 = tpu.unpack_subelements %bitcast3A_683, 1 {pack_format = #tpu.pack_format<interleaved>} : vector<32xbf16> -> vector<16xf32>
      %add3A_686 = arith.addf %add3A_673, %unpack3A_684 : vector<16xf32>
      %add3A_687 = arith.addf %add3A_674, %unpack3A_685 : vector<16xf32>
      %mul3A_688 = arith.mulf %unpack3A_684, %unpack3A_684 : vector<16xf32>
      %add3A_689 = arith.addf %add3A_676, %mul3A_688 : vector<16xf32>
      %mul3A_690 = arith.mulf %unpack3A_685, %unpack3A_685 : vector<16xf32>
      %add3A_691 = arith.addf %add3A_678, %mul3A_690 : vector<16xf32>
      %add3A_692 = arith.constant 3200 : i32
      %add3A_693 = vector.broadcast %add3A_692 : i32 to vector<16xi32>
      %add3A_694 = arith.addi %add3A_369, %add3A_693 : vector<16xi32>
      %gather3A_695 = tpu.vector_load_idx %arg10[%add3A_694, %select_n3A_169] : memref<3328x8xi32, #tpu.memory_space<vmem>>[vector<16xi32>, vector<16xi32>], vector<16xi32>,
      %bitcast3A_696 = vector.bitcast %gather3A_695 : vector<16xi32> to vector<32xbf16>
      %unpack3A_697 = tpu.unpack_subelements %bitcast3A_696, 0 {pack_format = #tpu.pack_format<interleaved>} : vector<32xbf16> -> vector<16xf32>
      %unpack3A_698 = tpu.unpack_subelements %bitcast3A_696, 1 {pack_format = #tpu.pack_format<interleaved>} : vector<32xbf16> -> vector<16xf32>
      %add3A_699 = arith.addf %add3A_686, %unpack3A_697 : vector<16xf32>
      %add3A_700 = arith.addf %add3A_687, %unpack3A_698 : vector<16xf32>
      %mul3A_701 = arith.mulf %unpack3A_697, %unpack3A_697 : vector<16xf32>
      %add3A_702 = arith.addf %add3A_689, %mul3A_701 : vector<16xf32>
      %mul3A_703 = arith.mulf %unpack3A_698, %unpack3A_698 : vector<16xf32>
      %add3A_704 = arith.addf %add3A_691, %mul3A_703 : vector<16xf32>
      %add3A_705 = vector.broadcast %mul3A_360 : i32 to vector<16xi32>
      %add3A_706 = arith.addi %add3A_705, %select_n3A_147 : vector<16xi32>
      %mul3A_707 = arith.constant 16 : i32
      %mul3A_708 = vector.broadcast %mul3A_707 : i32 to vector<16xi32>
      %mul3A_709 = arith.muli %add3A_706, %mul3A_708 : vector<16xi32>
      %mul3A_710 = arith.constant 2 : i32
      %mul3A_711 = vector.broadcast %mul3A_710 : i32 to vector<16xi32>
      %mul3A_712 = arith.muli %select_n3A_169, %mul3A_711 : vector<16xi32>
      %add3A_713 = arith.addi %mul3A_709, %mul3A_712 : vector<16xi32>
      %mul3A_714 = arith.mulf %add3A_699, %add3A_699 : vector<16xf32>
      %sub3A_715 = arith.subf %mul3A_714, %add3A_702 : vector<16xf32>
      %mul3A_716 = arith.constant 5.000000e-01 : f32
      %mul3A_717 = vector.broadcast %mul3A_716 : f32 to vector<16xf32>
      %mul3A_718 = arith.mulf %mul3A_717, %sub3A_715 : vector<16xf32>
      tpu.vector_store_idx %arg13[%add3A_713], %mul3A_718 : memref<2048xf32, #tpu.memory_space<vmem>>[vector<16xi32>], vector<16xf32>,
      %add3A_719 = arith.constant 1 : i32
      %add3A_720 = vector.broadcast %add3A_719 : i32 to vector<16xi32>
      %add3A_721 = arith.addi %add3A_713, %add3A_720 : vector<16xi32>
      %mul3A_722 = arith.mulf %add3A_700, %add3A_700 : vector<16xf32>
      %sub3A_723 = arith.subf %mul3A_722, %add3A_704 : vector<16xf32>
      %mul3A_724 = arith.constant 5.000000e-01 : f32
      %mul3A_725 = vector.broadcast %mul3A_724 : f32 to vector<16xf32>
      %mul3A_726 = arith.mulf %mul3A_725, %sub3A_723 : vector<16xf32>
      tpu.vector_store_idx %arg13[%add3A_721], %mul3A_726 : memref<2048xf32, #tpu.memory_space<vmem>>[vector<16xi32>], vector<16xf32>,
    }
    %scan3A_175 = arith.constant 64 : i32
    %scan3A_176 = arith.constant 0 : i32
    %scan3A_177 = arith.constant 0 : i32
    %scan3A_178 = arith.constant 8 : i32
    %scan3A_179 = arith.addi %scan3A_177, %scan3A_178 : i32
    %scan3A_180 = arith.constant 1 : i32
    scf.for %scan3A_358 = %scan3A_177 to %scan3A_179 step %scan3A_180  : i32 {
      %mul3A_359 = arith.constant 16 : i32
      %mul3A_360 = arith.muli %scan3A_358, %mul3A_359 : i32
      %get3A = arith.index_cast %mul3A_360 : i32 to index
      %get3A_361 = tpu.vector_load %arg12[%get3A] {strides = array<i32>} : memref<3328xf32, #tpu.memory_space<vmem>>, vector<16xf32>,
      %add3A_362 = arith.constant 128 : i32
      %add3A_363 = arith.addi %add3A_362, %mul3A_360 : i32
      %get3A_364 = arith.index_cast %add3A_363 : i32 to index
      %get3A_365 = tpu.vector_load %arg12[%get3A_364] {strides = array<i32>} : memref<3328xf32, #tpu.memory_space<vmem>>, vector<16xf32>,
      %add3A_366 = arith.addf %get3A_361, %get3A_365 : vector<16xf32>
      %add3A_367 = arith.constant 256 : i32
      %add3A_368 = arith.addi %add3A_367, %mul3A_360 : i32
      %get3A_369 = arith.index_cast %add3A_368 : i32 to index
      %get3A_370 = tpu.vector_load %arg12[%get3A_369] {strides = array<i32>} : memref<3328xf32, #tpu.memory_space<vmem>>, vector<16xf32>,
      %add3A_371 = arith.addf %add3A_366, %get3A_370 : vector<16xf32>
      %add3A_372 = arith.constant 384 : i32
      %add3A_373 = arith.addi %add3A_372, %mul3A_360 : i32
      %get3A_374 = arith.index_cast %add3A_373 : i32 to index
      %get3A_375 = tpu.vector_load %arg12[%get3A_374] {strides = array<i32>} : memref<3328xf32, #tpu.memory_space<vmem>>, vector<16xf32>,
      %add3A_376 = arith.addf %add3A_371, %get3A_375 : vector<16xf32>
      %add3A_377 = arith.constant 512 : i32
      %add3A_378 = arith.addi %add3A_377, %mul3A_360 : i32
      %get3A_379 = arith.index_cast %add3A_378 : i32 to index
      %get3A_380 = tpu.vector_load %arg12[%get3A_379] {strides = array<i32>} : memref<3328xf32, #tpu.memory_space<vmem>>, vector<16xf32>,
      %add3A_381 = arith.addf %add3A_376, %get3A_380 : vector<16xf32>
      %add3A_382 = arith.constant 640 : i32
      %add3A_383 = arith.addi %add3A_382, %mul3A_360 : i32
      %get3A_384 = arith.index_cast %add3A_383 : i32 to index
      %get3A_385 = tpu.vector_load %arg12[%get3A_384] {strides = array<i32>} : memref<3328xf32, #tpu.memory_space<vmem>>, vector<16xf32>,
      %add3A_386 = arith.addf %add3A_381, %get3A_385 : vector<16xf32>
      %add3A_387 = arith.constant 768 : i32
      %add3A_388 = arith.addi %add3A_387, %mul3A_360 : i32
      %get3A_389 = arith.index_cast %add3A_388 : i32 to index
      %get3A_390 = tpu.vector_load %arg12[%get3A_389] {strides = array<i32>} : memref<3328xf32, #tpu.memory_space<vmem>>, vector<16xf32>,
      %add3A_391 = arith.addf %add3A_386, %get3A_390 : vector<16xf32>
      %add3A_392 = arith.constant 896 : i32
      %add3A_393 = arith.addi %add3A_392, %mul3A_360 : i32
      %get3A_394 = arith.index_cast %add3A_393 : i32 to index
      %get3A_395 = tpu.vector_load %arg12[%get3A_394] {strides = array<i32>} : memref<3328xf32, #tpu.memory_space<vmem>>, vector<16xf32>,
      %add3A_396 = arith.addf %add3A_391, %get3A_395 : vector<16xf32>
      %add3A_397 = arith.constant 1024 : i32
      %add3A_398 = arith.addi %add3A_397, %mul3A_360 : i32
      %get3A_399 = arith.index_cast %add3A_398 : i32 to index
      %get3A_400 = tpu.vector_load %arg12[%get3A_399] {strides = array<i32>} : memref<3328xf32, #tpu.memory_space<vmem>>, vector<16xf32>,
      %add3A_401 = arith.addf %add3A_396, %get3A_400 : vector<16xf32>
      %add3A_402 = arith.constant 1152 : i32
      %add3A_403 = arith.addi %add3A_402, %mul3A_360 : i32
      %get3A_404 = arith.index_cast %add3A_403 : i32 to index
      %get3A_405 = tpu.vector_load %arg12[%get3A_404] {strides = array<i32>} : memref<3328xf32, #tpu.memory_space<vmem>>, vector<16xf32>,
      %add3A_406 = arith.addf %add3A_401, %get3A_405 : vector<16xf32>
      %add3A_407 = arith.constant 1280 : i32
      %add3A_408 = arith.addi %add3A_407, %mul3A_360 : i32
      %get3A_409 = arith.index_cast %add3A_408 : i32 to index
      %get3A_410 = tpu.vector_load %arg12[%get3A_409] {strides = array<i32>} : memref<3328xf32, #tpu.memory_space<vmem>>, vector<16xf32>,
      %add3A_411 = arith.addf %add3A_406, %get3A_410 : vector<16xf32>
      %add3A_412 = arith.constant 1408 : i32
      %add3A_413 = arith.addi %add3A_412, %mul3A_360 : i32
      %get3A_414 = arith.index_cast %add3A_413 : i32 to index
      %get3A_415 = tpu.vector_load %arg12[%get3A_414] {strides = array<i32>} : memref<3328xf32, #tpu.memory_space<vmem>>, vector<16xf32>,
      %add3A_416 = arith.addf %add3A_411, %get3A_415 : vector<16xf32>
      %add3A_417 = arith.constant 1536 : i32
      %add3A_418 = arith.addi %add3A_417, %mul3A_360 : i32
      %get3A_419 = arith.index_cast %add3A_418 : i32 to index
      %get3A_420 = tpu.vector_load %arg12[%get3A_419] {strides = array<i32>} : memref<3328xf32, #tpu.memory_space<vmem>>, vector<16xf32>,
      %add3A_421 = arith.addf %add3A_416, %get3A_420 : vector<16xf32>
      %add3A_422 = arith.constant 1664 : i32
      %add3A_423 = arith.addi %add3A_422, %mul3A_360 : i32
      %get3A_424 = arith.index_cast %add3A_423 : i32 to index
      %get3A_425 = tpu.vector_load %arg12[%get3A_424] {strides = array<i32>} : memref<3328xf32, #tpu.memory_space<vmem>>, vector<16xf32>,
      %add3A_426 = arith.addf %add3A_421, %get3A_425 : vector<16xf32>
      %add3A_427 = arith.constant 1792 : i32
      %add3A_428 = arith.addi %add3A_427, %mul3A_360 : i32
      %get3A_429 = arith.index_cast %add3A_428 : i32 to index
      %get3A_430 = tpu.vector_load %arg12[%get3A_429] {strides = array<i32>} : memref<3328xf32, #tpu.memory_space<vmem>>, vector<16xf32>,
      %add3A_431 = arith.addf %add3A_426, %get3A_430 : vector<16xf32>
      %add3A_432 = arith.constant 1920 : i32
      %add3A_433 = arith.addi %add3A_432, %mul3A_360 : i32
      %get3A_434 = arith.index_cast %add3A_433 : i32 to index
      %get3A_435 = tpu.vector_load %arg12[%get3A_434] {strides = array<i32>} : memref<3328xf32, #tpu.memory_space<vmem>>, vector<16xf32>,
      %add3A_436 = arith.addf %add3A_431, %get3A_435 : vector<16xf32>
      %add3A_437 = arith.constant 2048 : i32
      %add3A_438 = arith.addi %add3A_437, %mul3A_360 : i32
      %get3A_439 = arith.index_cast %add3A_438 : i32 to index
      %get3A_440 = tpu.vector_load %arg12[%get3A_439] {strides = array<i32>} : memref<3328xf32, #tpu.memory_space<vmem>>, vector<16xf32>,
      %add3A_441 = arith.addf %add3A_436, %get3A_440 : vector<16xf32>
      %add3A_442 = arith.constant 2176 : i32
      %add3A_443 = arith.addi %add3A_442, %mul3A_360 : i32
      %get3A_444 = arith.index_cast %add3A_443 : i32 to index
      %get3A_445 = tpu.vector_load %arg12[%get3A_444] {strides = array<i32>} : memref<3328xf32, #tpu.memory_space<vmem>>, vector<16xf32>,
      %add3A_446 = arith.addf %add3A_441, %get3A_445 : vector<16xf32>
      %add3A_447 = arith.constant 2304 : i32
      %add3A_448 = arith.addi %add3A_447, %mul3A_360 : i32
      %get3A_449 = arith.index_cast %add3A_448 : i32 to index
      %get3A_450 = tpu.vector_load %arg12[%get3A_449] {strides = array<i32>} : memref<3328xf32, #tpu.memory_space<vmem>>, vector<16xf32>,
      %add3A_451 = arith.addf %add3A_446, %get3A_450 : vector<16xf32>
      %add3A_452 = arith.constant 2432 : i32
      %add3A_453 = arith.addi %add3A_452, %mul3A_360 : i32
      %get3A_454 = arith.index_cast %add3A_453 : i32 to index
      %get3A_455 = tpu.vector_load %arg12[%get3A_454] {strides = array<i32>} : memref<3328xf32, #tpu.memory_space<vmem>>, vector<16xf32>,
      %add3A_456 = arith.addf %add3A_451, %get3A_455 : vector<16xf32>
      %add3A_457 = arith.constant 2560 : i32
      %add3A_458 = arith.addi %add3A_457, %mul3A_360 : i32
      %get3A_459 = arith.index_cast %add3A_458 : i32 to index
      %get3A_460 = tpu.vector_load %arg12[%get3A_459] {strides = array<i32>} : memref<3328xf32, #tpu.memory_space<vmem>>, vector<16xf32>,
      %add3A_461 = arith.addf %add3A_456, %get3A_460 : vector<16xf32>
      %add3A_462 = arith.constant 2688 : i32
      %add3A_463 = arith.addi %add3A_462, %mul3A_360 : i32
      %get3A_464 = arith.index_cast %add3A_463 : i32 to index
      %get3A_465 = tpu.vector_load %arg12[%get3A_464] {strides = array<i32>} : memref<3328xf32, #tpu.memory_space<vmem>>, vector<16xf32>,
      %add3A_466 = arith.addf %add3A_461, %get3A_465 : vector<16xf32>
      %add3A_467 = arith.constant 2816 : i32
      %add3A_468 = arith.addi %add3A_467, %mul3A_360 : i32
      %get3A_469 = arith.index_cast %add3A_468 : i32 to index
      %get3A_470 = tpu.vector_load %arg12[%get3A_469] {strides = array<i32>} : memref<3328xf32, #tpu.memory_space<vmem>>, vector<16xf32>,
      %add3A_471 = arith.addf %add3A_466, %get3A_470 : vector<16xf32>
      %add3A_472 = arith.constant 2944 : i32
      %add3A_473 = arith.addi %add3A_472, %mul3A_360 : i32
      %get3A_474 = arith.index_cast %add3A_473 : i32 to index
      %get3A_475 = tpu.vector_load %arg12[%get3A_474] {strides = array<i32>} : memref<3328xf32, #tpu.memory_space<vmem>>, vector<16xf32>,
      %add3A_476 = arith.addf %add3A_471, %get3A_475 : vector<16xf32>
      %add3A_477 = arith.constant 3072 : i32
      %add3A_478 = arith.addi %add3A_477, %mul3A_360 : i32
      %get3A_479 = arith.index_cast %add3A_478 : i32 to index
      %get3A_480 = tpu.vector_load %arg12[%get3A_479] {strides = array<i32>} : memref<3328xf32, #tpu.memory_space<vmem>>, vector<16xf32>,
      %add3A_481 = arith.addf %add3A_476, %get3A_480 : vector<16xf32>
      %add3A_482 = arith.constant 3200 : i32
      %add3A_483 = arith.addi %add3A_482, %mul3A_360 : i32
      %get3A_484 = arith.index_cast %add3A_483 : i32 to index
      %get3A_485 = tpu.vector_load %arg12[%get3A_484] {strides = array<i32>} : memref<3328xf32, #tpu.memory_space<vmem>>, vector<16xf32>,
      %add3A_486 = arith.addf %add3A_481, %get3A_485 : vector<16xf32>
      %swap3A = arith.index_cast %mul3A_360 : i32 to index
      %swap3A_487 = tpu.vector_load %arg14[%swap3A] {strides = array<i32>} : memref<128xf32, #tpu.memory_space<vmem>>, vector<16xf32>,
      tpu.vector_store %arg14[%swap3A], %add3A_486 {strides = array<i32>} : memref<128xf32, #tpu.memory_space<vmem>>, vector<16xf32>,
    }
    %scan3A_181 = arith.constant 8 : i32
    %mul3A_182 = arith.constant 16 : i32
    %mul3A_183 = arith.muli %add3A_96, %mul3A_182 : i32
    %multiple_of3A_184 = tpu.assume_multiple %mul3A_183, 8 : i32
    "tpu.region"() ({
      %run_scoped3A = tpu.sem_alloc : memref<!tpu.dma_semaphore, #tpu.memory_space<semaphore_mem>>
      %dma_start3A_358 = tpu.memref_slice %arg5[%multiple_of3A_184] : memref<262144xf32, #tpu.memory_space<hbm>> -> memref<2048xf32, #tpu.memory_space<hbm>>
      %dma_start3A_359 = tpu.memref_slice %arg5[%multiple_of3A_184] : memref<262144xf32, #tpu.memory_space<hbm>> -> memref<2048xf32, #tpu.memory_space<hbm>>
      tpu.enqueue_dma source(%arg13 : memref<2048xf32, #tpu.memory_space<vmem>>) target(%dma_start3A_359 : memref<2048xf32, #tpu.memory_space<hbm>>) target_semaphore(%run_scoped3A : memref<!tpu.dma_semaphore, #tpu.memory_space<semaphore_mem>>)
      %dma_wait3A_360 = tpu.memref_slice %arg5[%multiple_of3A_184] : memref<262144xf32, #tpu.memory_space<hbm>> -> memref<2048xf32, #tpu.memory_space<hbm>>
      %dma_wait3A_361 = tpu.memref_slice %arg5[%multiple_of3A_184] : memref<262144xf32, #tpu.memory_space<hbm>> -> memref<2048xf32, #tpu.memory_space<hbm>>
      tpu.wait_dma2 semaphore(%run_scoped3A : memref<!tpu.dma_semaphore, #tpu.memory_space<semaphore_mem>>) src(%arg13 : memref<2048xf32, #tpu.memory_space<vmem>>) dst(%dma_wait3A_361 : memref<2048xf32, #tpu.memory_space<hbm>>)
      tpu.yield
    }) : () -> ()
    %multiple_of3A_185 = tpu.assume_multiple %add3A_96, 8 : i32
    "tpu.region"() ({
      %run_scoped3A = tpu.sem_alloc : memref<!tpu.dma_semaphore, #tpu.memory_space<semaphore_mem>>
      %dma_start3A_358 = tpu.memref_slice %arg6[%multiple_of3A_185] : memref<16384xf32, #tpu.memory_space<hbm>> -> memref<128xf32, #tpu.memory_space<hbm>>
      %dma_start3A_359 = tpu.memref_slice %arg6[%multiple_of3A_185] : memref<16384xf32, #tpu.memory_space<hbm>> -> memref<128xf32, #tpu.memory_space<hbm>>
      tpu.enqueue_dma source(%arg14 : memref<128xf32, #tpu.memory_space<vmem>>) target(%dma_start3A_359 : memref<128xf32, #tpu.memory_space<hbm>>) target_semaphore(%run_scoped3A : memref<!tpu.dma_semaphore, #tpu.memory_space<semaphore_mem>>)
      %dma_wait3A_360 = tpu.memref_slice %arg6[%multiple_of3A_185] : memref<16384xf32, #tpu.memory_space<hbm>> -> memref<128xf32, #tpu.memory_space<hbm>>
      %dma_wait3A_361 = tpu.memref_slice %arg6[%multiple_of3A_185] : memref<16384xf32, #tpu.memory_space<hbm>> -> memref<128xf32, #tpu.memory_space<hbm>>
      tpu.wait_dma2 semaphore(%run_scoped3A : memref<!tpu.dma_semaphore, #tpu.memory_space<semaphore_mem>>) src(%arg14 : memref<128xf32, #tpu.memory_space<vmem>>) dst(%dma_wait3A_361 : memref<128xf32, #tpu.memory_space<hbm>>)
      tpu.yield
    }) : () -> ()
    %mul3A_186 = arith.constant 512 : i32
    %mul3A_187 = arith.muli %add3A, %mul3A_186 : i32
    %add3A_188 = arith.constant 256 : i32
    %add3A_189 = arith.addi %mul3A_187, %add3A_188 : i32
    %dma_wait3A_190 = arith.constant 0 : i32
    %dma_wait3A_191 = arith.constant 0 : i32
    %dma_wait3A_192 = tpu.memref_slice %arg3[%dma_wait3A_190, %dma_wait3A_191] : memref<2600000x8xi32, #tpu.memory_space<hbm>> -> memref<2600000x8xi32, #tpu.memory_space<hbm>>
    tpu.wait_indirect_dma semaphore(%arg15 : memref<!tpu.dma_semaphore, #tpu.memory_space<semaphore_mem>>) src(%dma_wait3A_192 : memref<2600000x8xi32, #tpu.memory_space<hbm>>) dst(%arg9 : memref<3328x8xi32, #tpu.memory_space<vmem>>)
    %dma_wait3A_193 = arith.constant 0 : i32
    %dma_wait3A_194 = tpu.memref_slice %arg4[%dma_wait3A_193] : memref<2600000xf32, #tpu.memory_space<hbm>> -> memref<2600000xf32, #tpu.memory_space<hbm>>
    tpu.wait_indirect_dma semaphore(%arg17 : memref<!tpu.dma_semaphore, #tpu.memory_space<semaphore_mem>>) src(%dma_wait3A_194 : memref<2600000xf32, #tpu.memory_space<hbm>>) dst(%arg11 : memref<3328xf32, #tpu.memory_space<vmem>>)
    %mul3A_195 = arith.constant 4 : i32
    %mul3A_196 = arith.muli %add3A, %mul3A_195 : i32
    %add3A_197 = arith.constant 3 : i32
    %add3A_198 = arith.addi %mul3A_196, %add3A_197 : i32
    %mul3A_199 = arith.constant 128 : i32
    %mul3A_200 = arith.muli %add3A_198, %mul3A_199 : i32
    %mul3A_201 = arith.constant 26 : i32
    %mul3A_202 = arith.muli %mul3A_200, %mul3A_201 : i32
    %multiple_of3A_203 = tpu.assume_multiple %mul3A_202, 8 : i32
    "tpu.region"() ({
      %run_scoped3A = tpu.sem_alloc : memref<!tpu.dma_semaphore, #tpu.memory_space<semaphore_mem>>
      %dma_start3A_358 = tpu.memref_slice %arg2[%multiple_of3A_203] : memref<425984xi32, #tpu.memory_space<hbm>> -> memref<3328xi32, #tpu.memory_space<hbm>>
      %dma_start3A_359 = tpu.memref_slice %arg2[%multiple_of3A_203] : memref<425984xi32, #tpu.memory_space<hbm>> -> memref<3328xi32, #tpu.memory_space<hbm>>
      tpu.enqueue_dma source(%dma_start3A_359 : memref<3328xi32, #tpu.memory_space<hbm>>) target(%arg8 : memref<3328xi32, #tpu.memory_space<vmem>>) target_semaphore(%run_scoped3A : memref<!tpu.dma_semaphore, #tpu.memory_space<semaphore_mem>>)
      %dma_wait3A_360 = tpu.memref_slice %arg2[%multiple_of3A_203] : memref<425984xi32, #tpu.memory_space<hbm>> -> memref<3328xi32, #tpu.memory_space<hbm>>
      %dma_wait3A_361 = tpu.memref_slice %arg2[%multiple_of3A_203] : memref<425984xi32, #tpu.memory_space<hbm>> -> memref<3328xi32, #tpu.memory_space<hbm>>
      tpu.wait_dma2 semaphore(%run_scoped3A : memref<!tpu.dma_semaphore, #tpu.memory_space<semaphore_mem>>) src(%dma_wait3A_361 : memref<3328xi32, #tpu.memory_space<hbm>>) dst(%arg8 : memref<3328xi32, #tpu.memory_space<vmem>>)
      tpu.yield
    }) : () -> ()
    %dma_start3A_204 = arith.constant 0 : i32
    %dma_start3A_205 = arith.constant 0 : i32
    %dma_start3A_206 = tpu.memref_slice %arg3[%dma_start3A_204, %dma_start3A_205] : memref<2600000x8xi32, #tpu.memory_space<hbm>> -> memref<2600000x8xi32, #tpu.memory_space<hbm>>
    tpu.enqueue_indirect_dma source(%dma_start3A_206 : memref<2600000x8xi32, #tpu.memory_space<hbm>>) target(%arg10 : memref<3328x8xi32, #tpu.memory_space<vmem>>) offsets(%arg8 : memref<3328xi32, #tpu.memory_space<vmem>>) semaphore(%arg16 : memref<!tpu.dma_semaphore, #tpu.memory_space<semaphore_mem>>)
    %dma_start3A_207 = arith.constant 0 : i32
    %dma_start3A_208 = tpu.memref_slice %arg4[%dma_start3A_207] : memref<2600000xf32, #tpu.memory_space<hbm>> -> memref<2600000xf32, #tpu.memory_space<hbm>>
    tpu.enqueue_indirect_dma source(%dma_start3A_208 : memref<2600000xf32, #tpu.memory_space<hbm>>) target(%arg12 : memref<3328xf32, #tpu.memory_space<vmem>>) offsets(%arg8 : memref<3328xi32, #tpu.memory_space<vmem>>) semaphore(%arg18 : memref<!tpu.dma_semaphore, #tpu.memory_space<semaphore_mem>>)
    %iota3A_209 = tpu.iota {dimensions = array<i32: 0>} : vector<16xi32>
    %jit3A_210 = arith.constant 8 : i32
    %div3A_211 = vector.broadcast %jit3A_210 : i32 to vector<16xi32>
    %div3A_212 = arith.divsi %iota3A_209, %div3A_211 : vector<16xi32>
    %sign3A_213 = arith.constant 0 : i32
    %sign3A_214 = vector.broadcast %sign3A_213 : i32 to vector<16xi32>
    %sign3A_215 = arith.cmpi sgt, %iota3A_209, %sign3A_214 : vector<16xi32>
    %sign3A_216 = arith.extui %sign3A_215 : vector<16xi1> to vector<16xi32>
    %sign3A_217 = arith.constant 0 : i32
    %sign3A_218 = vector.broadcast %sign3A_217 : i32 to vector<16xi32>
    %sign3A_219 = arith.cmpi slt, %iota3A_209, %sign3A_218 : vector<16xi32>
    %sign3A_220 = arith.extui %sign3A_219 : vector<16xi1> to vector<16xi32>
    %sign3A_221 = arith.subi %sign3A_216, %sign3A_220 : vector<16xi32>
    %sign3A_222 = arith.constant 0 : i32
    %sign3A_223 = arith.cmpi sgt, %jit3A_210, %sign3A_222 : i32
    %sign3A_224 = arith.extui %sign3A_223 : i1 to i32
    %sign3A_225 = arith.constant 0 : i32
    %sign3A_226 = arith.cmpi slt, %jit3A_210, %sign3A_225 : i32
    %sign3A_227 = arith.extui %sign3A_226 : i1 to i32
    %sign3A_228 = arith.subi %sign3A_224, %sign3A_227 : i32
    %ne3A_229 = vector.broadcast %sign3A_228 : i32 to vector<16xi32>
    %ne3A_230 = arith.cmpi ne, %sign3A_221, %ne3A_229 : vector<16xi32>
    %rem3A_231 = vector.broadcast %jit3A_210 : i32 to vector<16xi32>
    %rem3A_232 = arith.remsi %iota3A_209, %rem3A_231 : vector<16xi32>
    %ne3A_233 = arith.constant 0 : i32
    %ne3A_234 = vector.broadcast %ne3A_233 : i32 to vector<16xi32>
    %ne3A_235 = arith.cmpi ne, %rem3A_232, %ne3A_234 : vector<16xi32>
    %and3A_236 = arith.andi %ne3A_230, %ne3A_235 : vector<16xi1>
    %sub3A_237 = arith.constant 1 : i32
    %sub3A_238 = vector.broadcast %sub3A_237 : i32 to vector<16xi32>
    %sub3A_239 = arith.subi %div3A_212, %sub3A_238 : vector<16xi32>
    %select_n3A_240 = arith.select %and3A_236, %sub3A_239, %div3A_212 : vector<16xi1>, vector<16xi32>
    %jit3A_241 = arith.constant 8 : i32
    %eq3A_242 = arith.constant 0 : i32
    %eq3A_243 = arith.cmpi eq, %jit3A_241, %eq3A_242 : i32
    %jit3A_244 = arith.constant 1 : i32
    %select_n3A_245 = arith.select %eq3A_243, %jit3A_244, %jit3A_241 : i32
    %rem3A_246 = vector.broadcast %select_n3A_245 : i32 to vector<16xi32>
    %rem3A_247 = arith.remsi %iota3A_209, %rem3A_246 : vector<16xi32>
    %ne3A_248 = arith.constant 0 : i32
    %ne3A_249 = vector.broadcast %ne3A_248 : i32 to vector<16xi32>
    %ne3A_250 = arith.cmpi ne, %rem3A_247, %ne3A_249 : vector<16xi32>
    %lt3A_251 = arith.constant 0 : i32
    %lt3A_252 = vector.broadcast %lt3A_251 : i32 to vector<16xi32>
    %lt3A_253 = arith.cmpi slt, %rem3A_247, %lt3A_252 : vector<16xi32>
    %lt3A_254 = arith.constant 0 : i32
    %lt3A_255 = arith.cmpi slt, %select_n3A_245, %lt3A_254 : i32
    %ne3A_256 = vector.broadcast %lt3A_255 : i1 to vector<16xi1>
    %ne3A_257 = vector.broadcast %ne3A_256 : vector<16xi1> to vector<16xi1>
    %ne3A_258 = arith.xori %lt3A_253, %ne3A_257 : vector<16xi1>
    %and3A_259 = arith.andi %ne3A_258, %ne3A_250 : vector<16xi1>
    %add3A_260 = vector.broadcast %select_n3A_245 : i32 to vector<16xi32>
    %add3A_261 = arith.addi %rem3A_247, %add3A_260 : vector<16xi32>
    %select_n3A_262 = arith.select %and3A_259, %add3A_261, %rem3A_247 : vector<16xi1>, vector<16xi32>
    %scan3A_263 = arith.constant 0 : i32
    %scan3A_264 = arith.constant 0 : i32
    %scan3A_265 = arith.constant 64 : i32
    %scan3A_266 = arith.addi %scan3A_264, %scan3A_265 : i32
    %scan3A_267 = arith.constant 1 : i32
    scf.for %scan3A_358 = %scan3A_264 to %scan3A_266 step %scan3A_267  : i32 {
      %mul3A_359 = arith.constant 2 : i32
      %mul3A_360 = arith.muli %scan3A_358, %mul3A_359 : i32
      %broadcast_in_dim3A = arith.constant 0.000000e+00 : f32
      %broadcast_in_dim3A_361 = vector.broadcast %broadcast_in_dim3A : f32 to vector<16xf32>
      %broadcast_in_dim3A_362 = arith.constant 0.000000e+00 : f32
      %broadcast_in_dim3A_363 = vector.broadcast %broadcast_in_dim3A_362 : f32 to vector<16xf32>
      %broadcast_in_dim3A_364 = arith.constant 0.000000e+00 : f32
      %broadcast_in_dim3A_365 = vector.broadcast %broadcast_in_dim3A_364 : f32 to vector<16xf32>
      %broadcast_in_dim3A_366 = arith.constant 0.000000e+00 : f32
      %broadcast_in_dim3A_367 = vector.broadcast %broadcast_in_dim3A_366 : f32 to vector<16xf32>
      %add3A_368 = vector.broadcast %mul3A_360 : i32 to vector<16xi32>
      %add3A_369 = arith.addi %add3A_368, %select_n3A_240 : vector<16xi32>
      %add3A_370 = arith.constant 0 : i32
      %add3A_371 = vector.broadcast %add3A_370 : i32 to vector<16xi32>
      %add3A_372 = arith.addi %add3A_369, %add3A_371 : vector<16xi32>
      %gather3A = tpu.vector_load_idx %arg9[%add3A_372, %select_n3A_262] : memref<3328x8xi32, #tpu.memory_space<vmem>>[vector<16xi32>, vector<16xi32>], vector<16xi32>,
      %bitcast3A = vector.bitcast %gather3A : vector<16xi32> to vector<32xbf16>
      %unpack3A = tpu.unpack_subelements %bitcast3A, 0 {pack_format = #tpu.pack_format<interleaved>} : vector<32xbf16> -> vector<16xf32>
      %unpack3A_373 = tpu.unpack_subelements %bitcast3A, 1 {pack_format = #tpu.pack_format<interleaved>} : vector<32xbf16> -> vector<16xf32>
      %add3A_374 = arith.addf %broadcast_in_dim3A_361, %unpack3A : vector<16xf32>
      %add3A_375 = arith.addf %broadcast_in_dim3A_363, %unpack3A_373 : vector<16xf32>
      %mul3A_376 = arith.mulf %unpack3A, %unpack3A : vector<16xf32>
      %add3A_377 = arith.addf %broadcast_in_dim3A_365, %mul3A_376 : vector<16xf32>
      %mul3A_378 = arith.mulf %unpack3A_373, %unpack3A_373 : vector<16xf32>
      %add3A_379 = arith.addf %broadcast_in_dim3A_367, %mul3A_378 : vector<16xf32>
      %add3A_380 = arith.constant 128 : i32
      %add3A_381 = vector.broadcast %add3A_380 : i32 to vector<16xi32>
      %add3A_382 = arith.addi %add3A_369, %add3A_381 : vector<16xi32>
      %gather3A_383 = tpu.vector_load_idx %arg9[%add3A_382, %select_n3A_262] : memref<3328x8xi32, #tpu.memory_space<vmem>>[vector<16xi32>, vector<16xi32>], vector<16xi32>,
      %bitcast3A_384 = vector.bitcast %gather3A_383 : vector<16xi32> to vector<32xbf16>
      %unpack3A_385 = tpu.unpack_subelements %bitcast3A_384, 0 {pack_format = #tpu.pack_format<interleaved>} : vector<32xbf16> -> vector<16xf32>
      %unpack3A_386 = tpu.unpack_subelements %bitcast3A_384, 1 {pack_format = #tpu.pack_format<interleaved>} : vector<32xbf16> -> vector<16xf32>
      %add3A_387 = arith.addf %add3A_374, %unpack3A_385 : vector<16xf32>
      %add3A_388 = arith.addf %add3A_375, %unpack3A_386 : vector<16xf32>
      %mul3A_389 = arith.mulf %unpack3A_385, %unpack3A_385 : vector<16xf32>
      %add3A_390 = arith.addf %add3A_377, %mul3A_389 : vector<16xf32>
      %mul3A_391 = arith.mulf %unpack3A_386, %unpack3A_386 : vector<16xf32>
      %add3A_392 = arith.addf %add3A_379, %mul3A_391 : vector<16xf32>
      %add3A_393 = arith.constant 256 : i32
      %add3A_394 = vector.broadcast %add3A_393 : i32 to vector<16xi32>
      %add3A_395 = arith.addi %add3A_369, %add3A_394 : vector<16xi32>
      %gather3A_396 = tpu.vector_load_idx %arg9[%add3A_395, %select_n3A_262] : memref<3328x8xi32, #tpu.memory_space<vmem>>[vector<16xi32>, vector<16xi32>], vector<16xi32>,
      %bitcast3A_397 = vector.bitcast %gather3A_396 : vector<16xi32> to vector<32xbf16>
      %unpack3A_398 = tpu.unpack_subelements %bitcast3A_397, 0 {pack_format = #tpu.pack_format<interleaved>} : vector<32xbf16> -> vector<16xf32>
      %unpack3A_399 = tpu.unpack_subelements %bitcast3A_397, 1 {pack_format = #tpu.pack_format<interleaved>} : vector<32xbf16> -> vector<16xf32>
      %add3A_400 = arith.addf %add3A_387, %unpack3A_398 : vector<16xf32>
      %add3A_401 = arith.addf %add3A_388, %unpack3A_399 : vector<16xf32>
      %mul3A_402 = arith.mulf %unpack3A_398, %unpack3A_398 : vector<16xf32>
      %add3A_403 = arith.addf %add3A_390, %mul3A_402 : vector<16xf32>
      %mul3A_404 = arith.mulf %unpack3A_399, %unpack3A_399 : vector<16xf32>
      %add3A_405 = arith.addf %add3A_392, %mul3A_404 : vector<16xf32>
      %add3A_406 = arith.constant 384 : i32
      %add3A_407 = vector.broadcast %add3A_406 : i32 to vector<16xi32>
      %add3A_408 = arith.addi %add3A_369, %add3A_407 : vector<16xi32>
      %gather3A_409 = tpu.vector_load_idx %arg9[%add3A_408, %select_n3A_262] : memref<3328x8xi32, #tpu.memory_space<vmem>>[vector<16xi32>, vector<16xi32>], vector<16xi32>,
      %bitcast3A_410 = vector.bitcast %gather3A_409 : vector<16xi32> to vector<32xbf16>
      %unpack3A_411 = tpu.unpack_subelements %bitcast3A_410, 0 {pack_format = #tpu.pack_format<interleaved>} : vector<32xbf16> -> vector<16xf32>
      %unpack3A_412 = tpu.unpack_subelements %bitcast3A_410, 1 {pack_format = #tpu.pack_format<interleaved>} : vector<32xbf16> -> vector<16xf32>
      %add3A_413 = arith.addf %add3A_400, %unpack3A_411 : vector<16xf32>
      %add3A_414 = arith.addf %add3A_401, %unpack3A_412 : vector<16xf32>
      %mul3A_415 = arith.mulf %unpack3A_411, %unpack3A_411 : vector<16xf32>
      %add3A_416 = arith.addf %add3A_403, %mul3A_415 : vector<16xf32>
      %mul3A_417 = arith.mulf %unpack3A_412, %unpack3A_412 : vector<16xf32>
      %add3A_418 = arith.addf %add3A_405, %mul3A_417 : vector<16xf32>
      %add3A_419 = arith.constant 512 : i32
      %add3A_420 = vector.broadcast %add3A_419 : i32 to vector<16xi32>
      %add3A_421 = arith.addi %add3A_369, %add3A_420 : vector<16xi32>
      %gather3A_422 = tpu.vector_load_idx %arg9[%add3A_421, %select_n3A_262] : memref<3328x8xi32, #tpu.memory_space<vmem>>[vector<16xi32>, vector<16xi32>], vector<16xi32>,
      %bitcast3A_423 = vector.bitcast %gather3A_422 : vector<16xi32> to vector<32xbf16>
      %unpack3A_424 = tpu.unpack_subelements %bitcast3A_423, 0 {pack_format = #tpu.pack_format<interleaved>} : vector<32xbf16> -> vector<16xf32>
      %unpack3A_425 = tpu.unpack_subelements %bitcast3A_423, 1 {pack_format = #tpu.pack_format<interleaved>} : vector<32xbf16> -> vector<16xf32>
      %add3A_426 = arith.addf %add3A_413, %unpack3A_424 : vector<16xf32>
      %add3A_427 = arith.addf %add3A_414, %unpack3A_425 : vector<16xf32>
      %mul3A_428 = arith.mulf %unpack3A_424, %unpack3A_424 : vector<16xf32>
      %add3A_429 = arith.addf %add3A_416, %mul3A_428 : vector<16xf32>
      %mul3A_430 = arith.mulf %unpack3A_425, %unpack3A_425 : vector<16xf32>
      %add3A_431 = arith.addf %add3A_418, %mul3A_430 : vector<16xf32>
      %add3A_432 = arith.constant 640 : i32
      %add3A_433 = vector.broadcast %add3A_432 : i32 to vector<16xi32>
      %add3A_434 = arith.addi %add3A_369, %add3A_433 : vector<16xi32>
      %gather3A_435 = tpu.vector_load_idx %arg9[%add3A_434, %select_n3A_262] : memref<3328x8xi32, #tpu.memory_space<vmem>>[vector<16xi32>, vector<16xi32>], vector<16xi32>,
      %bitcast3A_436 = vector.bitcast %gather3A_435 : vector<16xi32> to vector<32xbf16>
      %unpack3A_437 = tpu.unpack_subelements %bitcast3A_436, 0 {pack_format = #tpu.pack_format<interleaved>} : vector<32xbf16> -> vector<16xf32>
      %unpack3A_438 = tpu.unpack_subelements %bitcast3A_436, 1 {pack_format = #tpu.pack_format<interleaved>} : vector<32xbf16> -> vector<16xf32>
      %add3A_439 = arith.addf %add3A_426, %unpack3A_437 : vector<16xf32>
      %add3A_440 = arith.addf %add3A_427, %unpack3A_438 : vector<16xf32>
      %mul3A_441 = arith.mulf %unpack3A_437, %unpack3A_437 : vector<16xf32>
      %add3A_442 = arith.addf %add3A_429, %mul3A_441 : vector<16xf32>
      %mul3A_443 = arith.mulf %unpack3A_438, %unpack3A_438 : vector<16xf32>
      %add3A_444 = arith.addf %add3A_431, %mul3A_443 : vector<16xf32>
      %add3A_445 = arith.constant 768 : i32
      %add3A_446 = vector.broadcast %add3A_445 : i32 to vector<16xi32>
      %add3A_447 = arith.addi %add3A_369, %add3A_446 : vector<16xi32>
      %gather3A_448 = tpu.vector_load_idx %arg9[%add3A_447, %select_n3A_262] : memref<3328x8xi32, #tpu.memory_space<vmem>>[vector<16xi32>, vector<16xi32>], vector<16xi32>,
      %bitcast3A_449 = vector.bitcast %gather3A_448 : vector<16xi32> to vector<32xbf16>
      %unpack3A_450 = tpu.unpack_subelements %bitcast3A_449, 0 {pack_format = #tpu.pack_format<interleaved>} : vector<32xbf16> -> vector<16xf32>
      %unpack3A_451 = tpu.unpack_subelements %bitcast3A_449, 1 {pack_format = #tpu.pack_format<interleaved>} : vector<32xbf16> -> vector<16xf32>
      %add3A_452 = arith.addf %add3A_439, %unpack3A_450 : vector<16xf32>
      %add3A_453 = arith.addf %add3A_440, %unpack3A_451 : vector<16xf32>
      %mul3A_454 = arith.mulf %unpack3A_450, %unpack3A_450 : vector<16xf32>
      %add3A_455 = arith.addf %add3A_442, %mul3A_454 : vector<16xf32>
      %mul3A_456 = arith.mulf %unpack3A_451, %unpack3A_451 : vector<16xf32>
      %add3A_457 = arith.addf %add3A_444, %mul3A_456 : vector<16xf32>
      %add3A_458 = arith.constant 896 : i32
      %add3A_459 = vector.broadcast %add3A_458 : i32 to vector<16xi32>
      %add3A_460 = arith.addi %add3A_369, %add3A_459 : vector<16xi32>
      %gather3A_461 = tpu.vector_load_idx %arg9[%add3A_460, %select_n3A_262] : memref<3328x8xi32, #tpu.memory_space<vmem>>[vector<16xi32>, vector<16xi32>], vector<16xi32>,
      %bitcast3A_462 = vector.bitcast %gather3A_461 : vector<16xi32> to vector<32xbf16>
      %unpack3A_463 = tpu.unpack_subelements %bitcast3A_462, 0 {pack_format = #tpu.pack_format<interleaved>} : vector<32xbf16> -> vector<16xf32>
      %unpack3A_464 = tpu.unpack_subelements %bitcast3A_462, 1 {pack_format = #tpu.pack_format<interleaved>} : vector<32xbf16> -> vector<16xf32>
      %add3A_465 = arith.addf %add3A_452, %unpack3A_463 : vector<16xf32>
      %add3A_466 = arith.addf %add3A_453, %unpack3A_464 : vector<16xf32>
      %mul3A_467 = arith.mulf %unpack3A_463, %unpack3A_463 : vector<16xf32>
      %add3A_468 = arith.addf %add3A_455, %mul3A_467 : vector<16xf32>
      %mul3A_469 = arith.mulf %unpack3A_464, %unpack3A_464 : vector<16xf32>
      %add3A_470 = arith.addf %add3A_457, %mul3A_469 : vector<16xf32>
      %add3A_471 = arith.constant 1024 : i32
      %add3A_472 = vector.broadcast %add3A_471 : i32 to vector<16xi32>
      %add3A_473 = arith.addi %add3A_369, %add3A_472 : vector<16xi32>
      %gather3A_474 = tpu.vector_load_idx %arg9[%add3A_473, %select_n3A_262] : memref<3328x8xi32, #tpu.memory_space<vmem>>[vector<16xi32>, vector<16xi32>], vector<16xi32>,
      %bitcast3A_475 = vector.bitcast %gather3A_474 : vector<16xi32> to vector<32xbf16>
      %unpack3A_476 = tpu.unpack_subelements %bitcast3A_475, 0 {pack_format = #tpu.pack_format<interleaved>} : vector<32xbf16> -> vector<16xf32>
      %unpack3A_477 = tpu.unpack_subelements %bitcast3A_475, 1 {pack_format = #tpu.pack_format<interleaved>} : vector<32xbf16> -> vector<16xf32>
      %add3A_478 = arith.addf %add3A_465, %unpack3A_476 : vector<16xf32>
      %add3A_479 = arith.addf %add3A_466, %unpack3A_477 : vector<16xf32>
      %mul3A_480 = arith.mulf %unpack3A_476, %unpack3A_476 : vector<16xf32>
      %add3A_481 = arith.addf %add3A_468, %mul3A_480 : vector<16xf32>
      %mul3A_482 = arith.mulf %unpack3A_477, %unpack3A_477 : vector<16xf32>
      %add3A_483 = arith.addf %add3A_470, %mul3A_482 : vector<16xf32>
      %add3A_484 = arith.constant 1152 : i32
      %add3A_485 = vector.broadcast %add3A_484 : i32 to vector<16xi32>
      %add3A_486 = arith.addi %add3A_369, %add3A_485 : vector<16xi32>
      %gather3A_487 = tpu.vector_load_idx %arg9[%add3A_486, %select_n3A_262] : memref<3328x8xi32, #tpu.memory_space<vmem>>[vector<16xi32>, vector<16xi32>], vector<16xi32>,
      %bitcast3A_488 = vector.bitcast %gather3A_487 : vector<16xi32> to vector<32xbf16>
      %unpack3A_489 = tpu.unpack_subelements %bitcast3A_488, 0 {pack_format = #tpu.pack_format<interleaved>} : vector<32xbf16> -> vector<16xf32>
      %unpack3A_490 = tpu.unpack_subelements %bitcast3A_488, 1 {pack_format = #tpu.pack_format<interleaved>} : vector<32xbf16> -> vector<16xf32>
      %add3A_491 = arith.addf %add3A_478, %unpack3A_489 : vector<16xf32>
      %add3A_492 = arith.addf %add3A_479, %unpack3A_490 : vector<16xf32>
      %mul3A_493 = arith.mulf %unpack3A_489, %unpack3A_489 : vector<16xf32>
      %add3A_494 = arith.addf %add3A_481, %mul3A_493 : vector<16xf32>
      %mul3A_495 = arith.mulf %unpack3A_490, %unpack3A_490 : vector<16xf32>
      %add3A_496 = arith.addf %add3A_483, %mul3A_495 : vector<16xf32>
      %add3A_497 = arith.constant 1280 : i32
      %add3A_498 = vector.broadcast %add3A_497 : i32 to vector<16xi32>
      %add3A_499 = arith.addi %add3A_369, %add3A_498 : vector<16xi32>
      %gather3A_500 = tpu.vector_load_idx %arg9[%add3A_499, %select_n3A_262] : memref<3328x8xi32, #tpu.memory_space<vmem>>[vector<16xi32>, vector<16xi32>], vector<16xi32>,
      %bitcast3A_501 = vector.bitcast %gather3A_500 : vector<16xi32> to vector<32xbf16>
      %unpack3A_502 = tpu.unpack_subelements %bitcast3A_501, 0 {pack_format = #tpu.pack_format<interleaved>} : vector<32xbf16> -> vector<16xf32>
      %unpack3A_503 = tpu.unpack_subelements %bitcast3A_501, 1 {pack_format = #tpu.pack_format<interleaved>} : vector<32xbf16> -> vector<16xf32>
      %add3A_504 = arith.addf %add3A_491, %unpack3A_502 : vector<16xf32>
      %add3A_505 = arith.addf %add3A_492, %unpack3A_503 : vector<16xf32>
      %mul3A_506 = arith.mulf %unpack3A_502, %unpack3A_502 : vector<16xf32>
      %add3A_507 = arith.addf %add3A_494, %mul3A_506 : vector<16xf32>
      %mul3A_508 = arith.mulf %unpack3A_503, %unpack3A_503 : vector<16xf32>
      %add3A_509 = arith.addf %add3A_496, %mul3A_508 : vector<16xf32>
      %add3A_510 = arith.constant 1408 : i32
      %add3A_511 = vector.broadcast %add3A_510 : i32 to vector<16xi32>
      %add3A_512 = arith.addi %add3A_369, %add3A_511 : vector<16xi32>
      %gather3A_513 = tpu.vector_load_idx %arg9[%add3A_512, %select_n3A_262] : memref<3328x8xi32, #tpu.memory_space<vmem>>[vector<16xi32>, vector<16xi32>], vector<16xi32>,
      %bitcast3A_514 = vector.bitcast %gather3A_513 : vector<16xi32> to vector<32xbf16>
      %unpack3A_515 = tpu.unpack_subelements %bitcast3A_514, 0 {pack_format = #tpu.pack_format<interleaved>} : vector<32xbf16> -> vector<16xf32>
      %unpack3A_516 = tpu.unpack_subelements %bitcast3A_514, 1 {pack_format = #tpu.pack_format<interleaved>} : vector<32xbf16> -> vector<16xf32>
      %add3A_517 = arith.addf %add3A_504, %unpack3A_515 : vector<16xf32>
      %add3A_518 = arith.addf %add3A_505, %unpack3A_516 : vector<16xf32>
      %mul3A_519 = arith.mulf %unpack3A_515, %unpack3A_515 : vector<16xf32>
      %add3A_520 = arith.addf %add3A_507, %mul3A_519 : vector<16xf32>
      %mul3A_521 = arith.mulf %unpack3A_516, %unpack3A_516 : vector<16xf32>
      %add3A_522 = arith.addf %add3A_509, %mul3A_521 : vector<16xf32>
      %add3A_523 = arith.constant 1536 : i32
      %add3A_524 = vector.broadcast %add3A_523 : i32 to vector<16xi32>
      %add3A_525 = arith.addi %add3A_369, %add3A_524 : vector<16xi32>
      %gather3A_526 = tpu.vector_load_idx %arg9[%add3A_525, %select_n3A_262] : memref<3328x8xi32, #tpu.memory_space<vmem>>[vector<16xi32>, vector<16xi32>], vector<16xi32>,
      %bitcast3A_527 = vector.bitcast %gather3A_526 : vector<16xi32> to vector<32xbf16>
      %unpack3A_528 = tpu.unpack_subelements %bitcast3A_527, 0 {pack_format = #tpu.pack_format<interleaved>} : vector<32xbf16> -> vector<16xf32>
      %unpack3A_529 = tpu.unpack_subelements %bitcast3A_527, 1 {pack_format = #tpu.pack_format<interleaved>} : vector<32xbf16> -> vector<16xf32>
      %add3A_530 = arith.addf %add3A_517, %unpack3A_528 : vector<16xf32>
      %add3A_531 = arith.addf %add3A_518, %unpack3A_529 : vector<16xf32>
      %mul3A_532 = arith.mulf %unpack3A_528, %unpack3A_528 : vector<16xf32>
      %add3A_533 = arith.addf %add3A_520, %mul3A_532 : vector<16xf32>
      %mul3A_534 = arith.mulf %unpack3A_529, %unpack3A_529 : vector<16xf32>
      %add3A_535 = arith.addf %add3A_522, %mul3A_534 : vector<16xf32>
      %add3A_536 = arith.constant 1664 : i32
      %add3A_537 = vector.broadcast %add3A_536 : i32 to vector<16xi32>
      %add3A_538 = arith.addi %add3A_369, %add3A_537 : vector<16xi32>
      %gather3A_539 = tpu.vector_load_idx %arg9[%add3A_538, %select_n3A_262] : memref<3328x8xi32, #tpu.memory_space<vmem>>[vector<16xi32>, vector<16xi32>], vector<16xi32>,
      %bitcast3A_540 = vector.bitcast %gather3A_539 : vector<16xi32> to vector<32xbf16>
      %unpack3A_541 = tpu.unpack_subelements %bitcast3A_540, 0 {pack_format = #tpu.pack_format<interleaved>} : vector<32xbf16> -> vector<16xf32>
      %unpack3A_542 = tpu.unpack_subelements %bitcast3A_540, 1 {pack_format = #tpu.pack_format<interleaved>} : vector<32xbf16> -> vector<16xf32>
      %add3A_543 = arith.addf %add3A_530, %unpack3A_541 : vector<16xf32>
      %add3A_544 = arith.addf %add3A_531, %unpack3A_542 : vector<16xf32>
      %mul3A_545 = arith.mulf %unpack3A_541, %unpack3A_541 : vector<16xf32>
      %add3A_546 = arith.addf %add3A_533, %mul3A_545 : vector<16xf32>
      %mul3A_547 = arith.mulf %unpack3A_542, %unpack3A_542 : vector<16xf32>
      %add3A_548 = arith.addf %add3A_535, %mul3A_547 : vector<16xf32>
      %add3A_549 = arith.constant 1792 : i32
      %add3A_550 = vector.broadcast %add3A_549 : i32 to vector<16xi32>
      %add3A_551 = arith.addi %add3A_369, %add3A_550 : vector<16xi32>
      %gather3A_552 = tpu.vector_load_idx %arg9[%add3A_551, %select_n3A_262] : memref<3328x8xi32, #tpu.memory_space<vmem>>[vector<16xi32>, vector<16xi32>], vector<16xi32>,
      %bitcast3A_553 = vector.bitcast %gather3A_552 : vector<16xi32> to vector<32xbf16>
      %unpack3A_554 = tpu.unpack_subelements %bitcast3A_553, 0 {pack_format = #tpu.pack_format<interleaved>} : vector<32xbf16> -> vector<16xf32>
      %unpack3A_555 = tpu.unpack_subelements %bitcast3A_553, 1 {pack_format = #tpu.pack_format<interleaved>} : vector<32xbf16> -> vector<16xf32>
      %add3A_556 = arith.addf %add3A_543, %unpack3A_554 : vector<16xf32>
      %add3A_557 = arith.addf %add3A_544, %unpack3A_555 : vector<16xf32>
      %mul3A_558 = arith.mulf %unpack3A_554, %unpack3A_554 : vector<16xf32>
      %add3A_559 = arith.addf %add3A_546, %mul3A_558 : vector<16xf32>
      %mul3A_560 = arith.mulf %unpack3A_555, %unpack3A_555 : vector<16xf32>
      %add3A_561 = arith.addf %add3A_548, %mul3A_560 : vector<16xf32>
      %add3A_562 = arith.constant 1920 : i32
      %add3A_563 = vector.broadcast %add3A_562 : i32 to vector<16xi32>
      %add3A_564 = arith.addi %add3A_369, %add3A_563 : vector<16xi32>
      %gather3A_565 = tpu.vector_load_idx %arg9[%add3A_564, %select_n3A_262] : memref<3328x8xi32, #tpu.memory_space<vmem>>[vector<16xi32>, vector<16xi32>], vector<16xi32>,
      %bitcast3A_566 = vector.bitcast %gather3A_565 : vector<16xi32> to vector<32xbf16>
      %unpack3A_567 = tpu.unpack_subelements %bitcast3A_566, 0 {pack_format = #tpu.pack_format<interleaved>} : vector<32xbf16> -> vector<16xf32>
      %unpack3A_568 = tpu.unpack_subelements %bitcast3A_566, 1 {pack_format = #tpu.pack_format<interleaved>} : vector<32xbf16> -> vector<16xf32>
      %add3A_569 = arith.addf %add3A_556, %unpack3A_567 : vector<16xf32>
      %add3A_570 = arith.addf %add3A_557, %unpack3A_568 : vector<16xf32>
      %mul3A_571 = arith.mulf %unpack3A_567, %unpack3A_567 : vector<16xf32>
      %add3A_572 = arith.addf %add3A_559, %mul3A_571 : vector<16xf32>
      %mul3A_573 = arith.mulf %unpack3A_568, %unpack3A_568 : vector<16xf32>
      %add3A_574 = arith.addf %add3A_561, %mul3A_573 : vector<16xf32>
      %add3A_575 = arith.constant 2048 : i32
      %add3A_576 = vector.broadcast %add3A_575 : i32 to vector<16xi32>
      %add3A_577 = arith.addi %add3A_369, %add3A_576 : vector<16xi32>
      %gather3A_578 = tpu.vector_load_idx %arg9[%add3A_577, %select_n3A_262] : memref<3328x8xi32, #tpu.memory_space<vmem>>[vector<16xi32>, vector<16xi32>], vector<16xi32>,
      %bitcast3A_579 = vector.bitcast %gather3A_578 : vector<16xi32> to vector<32xbf16>
      %unpack3A_580 = tpu.unpack_subelements %bitcast3A_579, 0 {pack_format = #tpu.pack_format<interleaved>} : vector<32xbf16> -> vector<16xf32>
      %unpack3A_581 = tpu.unpack_subelements %bitcast3A_579, 1 {pack_format = #tpu.pack_format<interleaved>} : vector<32xbf16> -> vector<16xf32>
      %add3A_582 = arith.addf %add3A_569, %unpack3A_580 : vector<16xf32>
      %add3A_583 = arith.addf %add3A_570, %unpack3A_581 : vector<16xf32>
      %mul3A_584 = arith.mulf %unpack3A_580, %unpack3A_580 : vector<16xf32>
      %add3A_585 = arith.addf %add3A_572, %mul3A_584 : vector<16xf32>
      %mul3A_586 = arith.mulf %unpack3A_581, %unpack3A_581 : vector<16xf32>
      %add3A_587 = arith.addf %add3A_574, %mul3A_586 : vector<16xf32>
      %add3A_588 = arith.constant 2176 : i32
      %add3A_589 = vector.broadcast %add3A_588 : i32 to vector<16xi32>
      %add3A_590 = arith.addi %add3A_369, %add3A_589 : vector<16xi32>
      %gather3A_591 = tpu.vector_load_idx %arg9[%add3A_590, %select_n3A_262] : memref<3328x8xi32, #tpu.memory_space<vmem>>[vector<16xi32>, vector<16xi32>], vector<16xi32>,
      %bitcast3A_592 = vector.bitcast %gather3A_591 : vector<16xi32> to vector<32xbf16>
      %unpack3A_593 = tpu.unpack_subelements %bitcast3A_592, 0 {pack_format = #tpu.pack_format<interleaved>} : vector<32xbf16> -> vector<16xf32>
      %unpack3A_594 = tpu.unpack_subelements %bitcast3A_592, 1 {pack_format = #tpu.pack_format<interleaved>} : vector<32xbf16> -> vector<16xf32>
      %add3A_595 = arith.addf %add3A_582, %unpack3A_593 : vector<16xf32>
      %add3A_596 = arith.addf %add3A_583, %unpack3A_594 : vector<16xf32>
      %mul3A_597 = arith.mulf %unpack3A_593, %unpack3A_593 : vector<16xf32>
      %add3A_598 = arith.addf %add3A_585, %mul3A_597 : vector<16xf32>
      %mul3A_599 = arith.mulf %unpack3A_594, %unpack3A_594 : vector<16xf32>
      %add3A_600 = arith.addf %add3A_587, %mul3A_599 : vector<16xf32>
      %add3A_601 = arith.constant 2304 : i32
      %add3A_602 = vector.broadcast %add3A_601 : i32 to vector<16xi32>
      %add3A_603 = arith.addi %add3A_369, %add3A_602 : vector<16xi32>
      %gather3A_604 = tpu.vector_load_idx %arg9[%add3A_603, %select_n3A_262] : memref<3328x8xi32, #tpu.memory_space<vmem>>[vector<16xi32>, vector<16xi32>], vector<16xi32>,
      %bitcast3A_605 = vector.bitcast %gather3A_604 : vector<16xi32> to vector<32xbf16>
      %unpack3A_606 = tpu.unpack_subelements %bitcast3A_605, 0 {pack_format = #tpu.pack_format<interleaved>} : vector<32xbf16> -> vector<16xf32>
      %unpack3A_607 = tpu.unpack_subelements %bitcast3A_605, 1 {pack_format = #tpu.pack_format<interleaved>} : vector<32xbf16> -> vector<16xf32>
      %add3A_608 = arith.addf %add3A_595, %unpack3A_606 : vector<16xf32>
      %add3A_609 = arith.addf %add3A_596, %unpack3A_607 : vector<16xf32>
      %mul3A_610 = arith.mulf %unpack3A_606, %unpack3A_606 : vector<16xf32>
      %add3A_611 = arith.addf %add3A_598, %mul3A_610 : vector<16xf32>
      %mul3A_612 = arith.mulf %unpack3A_607, %unpack3A_607 : vector<16xf32>
      %add3A_613 = arith.addf %add3A_600, %mul3A_612 : vector<16xf32>
      %add3A_614 = arith.constant 2432 : i32
      %add3A_615 = vector.broadcast %add3A_614 : i32 to vector<16xi32>
      %add3A_616 = arith.addi %add3A_369, %add3A_615 : vector<16xi32>
      %gather3A_617 = tpu.vector_load_idx %arg9[%add3A_616, %select_n3A_262] : memref<3328x8xi32, #tpu.memory_space<vmem>>[vector<16xi32>, vector<16xi32>], vector<16xi32>,
      %bitcast3A_618 = vector.bitcast %gather3A_617 : vector<16xi32> to vector<32xbf16>
      %unpack3A_619 = tpu.unpack_subelements %bitcast3A_618, 0 {pack_format = #tpu.pack_format<interleaved>} : vector<32xbf16> -> vector<16xf32>
      %unpack3A_620 = tpu.unpack_subelements %bitcast3A_618, 1 {pack_format = #tpu.pack_format<interleaved>} : vector<32xbf16> -> vector<16xf32>
      %add3A_621 = arith.addf %add3A_608, %unpack3A_619 : vector<16xf32>
      %add3A_622 = arith.addf %add3A_609, %unpack3A_620 : vector<16xf32>
      %mul3A_623 = arith.mulf %unpack3A_619, %unpack3A_619 : vector<16xf32>
      %add3A_624 = arith.addf %add3A_611, %mul3A_623 : vector<16xf32>
      %mul3A_625 = arith.mulf %unpack3A_620, %unpack3A_620 : vector<16xf32>
      %add3A_626 = arith.addf %add3A_613, %mul3A_625 : vector<16xf32>
      %add3A_627 = arith.constant 2560 : i32
      %add3A_628 = vector.broadcast %add3A_627 : i32 to vector<16xi32>
      %add3A_629 = arith.addi %add3A_369, %add3A_628 : vector<16xi32>
      %gather3A_630 = tpu.vector_load_idx %arg9[%add3A_629, %select_n3A_262] : memref<3328x8xi32, #tpu.memory_space<vmem>>[vector<16xi32>, vector<16xi32>], vector<16xi32>,
      %bitcast3A_631 = vector.bitcast %gather3A_630 : vector<16xi32> to vector<32xbf16>
      %unpack3A_632 = tpu.unpack_subelements %bitcast3A_631, 0 {pack_format = #tpu.pack_format<interleaved>} : vector<32xbf16> -> vector<16xf32>
      %unpack3A_633 = tpu.unpack_subelements %bitcast3A_631, 1 {pack_format = #tpu.pack_format<interleaved>} : vector<32xbf16> -> vector<16xf32>
      %add3A_634 = arith.addf %add3A_621, %unpack3A_632 : vector<16xf32>
      %add3A_635 = arith.addf %add3A_622, %unpack3A_633 : vector<16xf32>
      %mul3A_636 = arith.mulf %unpack3A_632, %unpack3A_632 : vector<16xf32>
      %add3A_637 = arith.addf %add3A_624, %mul3A_636 : vector<16xf32>
      %mul3A_638 = arith.mulf %unpack3A_633, %unpack3A_633 : vector<16xf32>
      %add3A_639 = arith.addf %add3A_626, %mul3A_638 : vector<16xf32>
      %add3A_640 = arith.constant 2688 : i32
      %add3A_641 = vector.broadcast %add3A_640 : i32 to vector<16xi32>
      %add3A_642 = arith.addi %add3A_369, %add3A_641 : vector<16xi32>
      %gather3A_643 = tpu.vector_load_idx %arg9[%add3A_642, %select_n3A_262] : memref<3328x8xi32, #tpu.memory_space<vmem>>[vector<16xi32>, vector<16xi32>], vector<16xi32>,
      %bitcast3A_644 = vector.bitcast %gather3A_643 : vector<16xi32> to vector<32xbf16>
      %unpack3A_645 = tpu.unpack_subelements %bitcast3A_644, 0 {pack_format = #tpu.pack_format<interleaved>} : vector<32xbf16> -> vector<16xf32>
      %unpack3A_646 = tpu.unpack_subelements %bitcast3A_644, 1 {pack_format = #tpu.pack_format<interleaved>} : vector<32xbf16> -> vector<16xf32>
      %add3A_647 = arith.addf %add3A_634, %unpack3A_645 : vector<16xf32>
      %add3A_648 = arith.addf %add3A_635, %unpack3A_646 : vector<16xf32>
      %mul3A_649 = arith.mulf %unpack3A_645, %unpack3A_645 : vector<16xf32>
      %add3A_650 = arith.addf %add3A_637, %mul3A_649 : vector<16xf32>
      %mul3A_651 = arith.mulf %unpack3A_646, %unpack3A_646 : vector<16xf32>
      %add3A_652 = arith.addf %add3A_639, %mul3A_651 : vector<16xf32>
      %add3A_653 = arith.constant 2816 : i32
      %add3A_654 = vector.broadcast %add3A_653 : i32 to vector<16xi32>
      %add3A_655 = arith.addi %add3A_369, %add3A_654 : vector<16xi32>
      %gather3A_656 = tpu.vector_load_idx %arg9[%add3A_655, %select_n3A_262] : memref<3328x8xi32, #tpu.memory_space<vmem>>[vector<16xi32>, vector<16xi32>], vector<16xi32>,
      %bitcast3A_657 = vector.bitcast %gather3A_656 : vector<16xi32> to vector<32xbf16>
      %unpack3A_658 = tpu.unpack_subelements %bitcast3A_657, 0 {pack_format = #tpu.pack_format<interleaved>} : vector<32xbf16> -> vector<16xf32>
      %unpack3A_659 = tpu.unpack_subelements %bitcast3A_657, 1 {pack_format = #tpu.pack_format<interleaved>} : vector<32xbf16> -> vector<16xf32>
      %add3A_660 = arith.addf %add3A_647, %unpack3A_658 : vector<16xf32>
      %add3A_661 = arith.addf %add3A_648, %unpack3A_659 : vector<16xf32>
      %mul3A_662 = arith.mulf %unpack3A_658, %unpack3A_658 : vector<16xf32>
      %add3A_663 = arith.addf %add3A_650, %mul3A_662 : vector<16xf32>
      %mul3A_664 = arith.mulf %unpack3A_659, %unpack3A_659 : vector<16xf32>
      %add3A_665 = arith.addf %add3A_652, %mul3A_664 : vector<16xf32>
      %add3A_666 = arith.constant 2944 : i32
      %add3A_667 = vector.broadcast %add3A_666 : i32 to vector<16xi32>
      %add3A_668 = arith.addi %add3A_369, %add3A_667 : vector<16xi32>
      %gather3A_669 = tpu.vector_load_idx %arg9[%add3A_668, %select_n3A_262] : memref<3328x8xi32, #tpu.memory_space<vmem>>[vector<16xi32>, vector<16xi32>], vector<16xi32>,
      %bitcast3A_670 = vector.bitcast %gather3A_669 : vector<16xi32> to vector<32xbf16>
      %unpack3A_671 = tpu.unpack_subelements %bitcast3A_670, 0 {pack_format = #tpu.pack_format<interleaved>} : vector<32xbf16> -> vector<16xf32>
      %unpack3A_672 = tpu.unpack_subelements %bitcast3A_670, 1 {pack_format = #tpu.pack_format<interleaved>} : vector<32xbf16> -> vector<16xf32>
      %add3A_673 = arith.addf %add3A_660, %unpack3A_671 : vector<16xf32>
      %add3A_674 = arith.addf %add3A_661, %unpack3A_672 : vector<16xf32>
      %mul3A_675 = arith.mulf %unpack3A_671, %unpack3A_671 : vector<16xf32>
      %add3A_676 = arith.addf %add3A_663, %mul3A_675 : vector<16xf32>
      %mul3A_677 = arith.mulf %unpack3A_672, %unpack3A_672 : vector<16xf32>
      %add3A_678 = arith.addf %add3A_665, %mul3A_677 : vector<16xf32>
      %add3A_679 = arith.constant 3072 : i32
      %add3A_680 = vector.broadcast %add3A_679 : i32 to vector<16xi32>
      %add3A_681 = arith.addi %add3A_369, %add3A_680 : vector<16xi32>
      %gather3A_682 = tpu.vector_load_idx %arg9[%add3A_681, %select_n3A_262] : memref<3328x8xi32, #tpu.memory_space<vmem>>[vector<16xi32>, vector<16xi32>], vector<16xi32>,
      %bitcast3A_683 = vector.bitcast %gather3A_682 : vector<16xi32> to vector<32xbf16>
      %unpack3A_684 = tpu.unpack_subelements %bitcast3A_683, 0 {pack_format = #tpu.pack_format<interleaved>} : vector<32xbf16> -> vector<16xf32>
      %unpack3A_685 = tpu.unpack_subelements %bitcast3A_683, 1 {pack_format = #tpu.pack_format<interleaved>} : vector<32xbf16> -> vector<16xf32>
      %add3A_686 = arith.addf %add3A_673, %unpack3A_684 : vector<16xf32>
      %add3A_687 = arith.addf %add3A_674, %unpack3A_685 : vector<16xf32>
      %mul3A_688 = arith.mulf %unpack3A_684, %unpack3A_684 : vector<16xf32>
      %add3A_689 = arith.addf %add3A_676, %mul3A_688 : vector<16xf32>
      %mul3A_690 = arith.mulf %unpack3A_685, %unpack3A_685 : vector<16xf32>
      %add3A_691 = arith.addf %add3A_678, %mul3A_690 : vector<16xf32>
      %add3A_692 = arith.constant 3200 : i32
      %add3A_693 = vector.broadcast %add3A_692 : i32 to vector<16xi32>
      %add3A_694 = arith.addi %add3A_369, %add3A_693 : vector<16xi32>
      %gather3A_695 = tpu.vector_load_idx %arg9[%add3A_694, %select_n3A_262] : memref<3328x8xi32, #tpu.memory_space<vmem>>[vector<16xi32>, vector<16xi32>], vector<16xi32>,
      %bitcast3A_696 = vector.bitcast %gather3A_695 : vector<16xi32> to vector<32xbf16>
      %unpack3A_697 = tpu.unpack_subelements %bitcast3A_696, 0 {pack_format = #tpu.pack_format<interleaved>} : vector<32xbf16> -> vector<16xf32>
      %unpack3A_698 = tpu.unpack_subelements %bitcast3A_696, 1 {pack_format = #tpu.pack_format<interleaved>} : vector<32xbf16> -> vector<16xf32>
      %add3A_699 = arith.addf %add3A_686, %unpack3A_697 : vector<16xf32>
      %add3A_700 = arith.addf %add3A_687, %unpack3A_698 : vector<16xf32>
      %mul3A_701 = arith.mulf %unpack3A_697, %unpack3A_697 : vector<16xf32>
      %add3A_702 = arith.addf %add3A_689, %mul3A_701 : vector<16xf32>
      %mul3A_703 = arith.mulf %unpack3A_698, %unpack3A_698 : vector<16xf32>
      %add3A_704 = arith.addf %add3A_691, %mul3A_703 : vector<16xf32>
      %add3A_705 = vector.broadcast %mul3A_360 : i32 to vector<16xi32>
      %add3A_706 = arith.addi %add3A_705, %select_n3A_240 : vector<16xi32>
      %mul3A_707 = arith.constant 16 : i32
      %mul3A_708 = vector.broadcast %mul3A_707 : i32 to vector<16xi32>
      %mul3A_709 = arith.muli %add3A_706, %mul3A_708 : vector<16xi32>
      %mul3A_710 = arith.constant 2 : i32
      %mul3A_711 = vector.broadcast %mul3A_710 : i32 to vector<16xi32>
      %mul3A_712 = arith.muli %select_n3A_262, %mul3A_711 : vector<16xi32>
      %add3A_713 = arith.addi %mul3A_709, %mul3A_712 : vector<16xi32>
      %mul3A_714 = arith.mulf %add3A_699, %add3A_699 : vector<16xf32>
      %sub3A_715 = arith.subf %mul3A_714, %add3A_702 : vector<16xf32>
      %mul3A_716 = arith.constant 5.000000e-01 : f32
      %mul3A_717 = vector.broadcast %mul3A_716 : f32 to vector<16xf32>
      %mul3A_718 = arith.mulf %mul3A_717, %sub3A_715 : vector<16xf32>
      tpu.vector_store_idx %arg13[%add3A_713], %mul3A_718 : memref<2048xf32, #tpu.memory_space<vmem>>[vector<16xi32>], vector<16xf32>,
      %add3A_719 = arith.constant 1 : i32
      %add3A_720 = vector.broadcast %add3A_719 : i32 to vector<16xi32>
      %add3A_721 = arith.addi %add3A_713, %add3A_720 : vector<16xi32>
      %mul3A_722 = arith.mulf %add3A_700, %add3A_700 : vector<16xf32>
      %sub3A_723 = arith.subf %mul3A_722, %add3A_704 : vector<16xf32>
      %mul3A_724 = arith.constant 5.000000e-01 : f32
      %mul3A_725 = vector.broadcast %mul3A_724 : f32 to vector<16xf32>
      %mul3A_726 = arith.mulf %mul3A_725, %sub3A_723 : vector<16xf32>
      tpu.vector_store_idx %arg13[%add3A_721], %mul3A_726 : memref<2048xf32, #tpu.memory_space<vmem>>[vector<16xi32>], vector<16xf32>,
    }
    %scan3A_268 = arith.constant 64 : i32
    %scan3A_269 = arith.constant 0 : i32
    %scan3A_270 = arith.constant 0 : i32
    %scan3A_271 = arith.constant 8 : i32
    %scan3A_272 = arith.addi %scan3A_270, %scan3A_271 : i32
    %scan3A_273 = arith.constant 1 : i32
    scf.for %scan3A_358 = %scan3A_270 to %scan3A_272 step %scan3A_273  : i32 {
      %mul3A_359 = arith.constant 16 : i32
      %mul3A_360 = arith.muli %scan3A_358, %mul3A_359 : i32
      %get3A = arith.index_cast %mul3A_360 : i32 to index
      %get3A_361 = tpu.vector_load %arg11[%get3A] {strides = array<i32>} : memref<3328xf32, #tpu.memory_space<vmem>>, vector<16xf32>,
      %add3A_362 = arith.constant 128 : i32
      %add3A_363 = arith.addi %add3A_362, %mul3A_360 : i32
      %get3A_364 = arith.index_cast %add3A_363 : i32 to index
      %get3A_365 = tpu.vector_load %arg11[%get3A_364] {strides = array<i32>} : memref<3328xf32, #tpu.memory_space<vmem>>, vector<16xf32>,
      %add3A_366 = arith.addf %get3A_361, %get3A_365 : vector<16xf32>
      %add3A_367 = arith.constant 256 : i32
      %add3A_368 = arith.addi %add3A_367, %mul3A_360 : i32
      %get3A_369 = arith.index_cast %add3A_368 : i32 to index
      %get3A_370 = tpu.vector_load %arg11[%get3A_369] {strides = array<i32>} : memref<3328xf32, #tpu.memory_space<vmem>>, vector<16xf32>,
      %add3A_371 = arith.addf %add3A_366, %get3A_370 : vector<16xf32>
      %add3A_372 = arith.constant 384 : i32
      %add3A_373 = arith.addi %add3A_372, %mul3A_360 : i32
      %get3A_374 = arith.index_cast %add3A_373 : i32 to index
      %get3A_375 = tpu.vector_load %arg11[%get3A_374] {strides = array<i32>} : memref<3328xf32, #tpu.memory_space<vmem>>, vector<16xf32>,
      %add3A_376 = arith.addf %add3A_371, %get3A_375 : vector<16xf32>
      %add3A_377 = arith.constant 512 : i32
      %add3A_378 = arith.addi %add3A_377, %mul3A_360 : i32
      %get3A_379 = arith.index_cast %add3A_378 : i32 to index
      %get3A_380 = tpu.vector_load %arg11[%get3A_379] {strides = array<i32>} : memref<3328xf32, #tpu.memory_space<vmem>>, vector<16xf32>,
      %add3A_381 = arith.addf %add3A_376, %get3A_380 : vector<16xf32>
      %add3A_382 = arith.constant 640 : i32
      %add3A_383 = arith.addi %add3A_382, %mul3A_360 : i32
      %get3A_384 = arith.index_cast %add3A_383 : i32 to index
      %get3A_385 = tpu.vector_load %arg11[%get3A_384] {strides = array<i32>} : memref<3328xf32, #tpu.memory_space<vmem>>, vector<16xf32>,
      %add3A_386 = arith.addf %add3A_381, %get3A_385 : vector<16xf32>
      %add3A_387 = arith.constant 768 : i32
      %add3A_388 = arith.addi %add3A_387, %mul3A_360 : i32
      %get3A_389 = arith.index_cast %add3A_388 : i32 to index
      %get3A_390 = tpu.vector_load %arg11[%get3A_389] {strides = array<i32>} : memref<3328xf32, #tpu.memory_space<vmem>>, vector<16xf32>,
      %add3A_391 = arith.addf %add3A_386, %get3A_390 : vector<16xf32>
      %add3A_392 = arith.constant 896 : i32
      %add3A_393 = arith.addi %add3A_392, %mul3A_360 : i32
      %get3A_394 = arith.index_cast %add3A_393 : i32 to index
      %get3A_395 = tpu.vector_load %arg11[%get3A_394] {strides = array<i32>} : memref<3328xf32, #tpu.memory_space<vmem>>, vector<16xf32>,
      %add3A_396 = arith.addf %add3A_391, %get3A_395 : vector<16xf32>
      %add3A_397 = arith.constant 1024 : i32
      %add3A_398 = arith.addi %add3A_397, %mul3A_360 : i32
      %get3A_399 = arith.index_cast %add3A_398 : i32 to index
      %get3A_400 = tpu.vector_load %arg11[%get3A_399] {strides = array<i32>} : memref<3328xf32, #tpu.memory_space<vmem>>, vector<16xf32>,
      %add3A_401 = arith.addf %add3A_396, %get3A_400 : vector<16xf32>
      %add3A_402 = arith.constant 1152 : i32
      %add3A_403 = arith.addi %add3A_402, %mul3A_360 : i32
      %get3A_404 = arith.index_cast %add3A_403 : i32 to index
      %get3A_405 = tpu.vector_load %arg11[%get3A_404] {strides = array<i32>} : memref<3328xf32, #tpu.memory_space<vmem>>, vector<16xf32>,
      %add3A_406 = arith.addf %add3A_401, %get3A_405 : vector<16xf32>
      %add3A_407 = arith.constant 1280 : i32
      %add3A_408 = arith.addi %add3A_407, %mul3A_360 : i32
      %get3A_409 = arith.index_cast %add3A_408 : i32 to index
      %get3A_410 = tpu.vector_load %arg11[%get3A_409] {strides = array<i32>} : memref<3328xf32, #tpu.memory_space<vmem>>, vector<16xf32>,
      %add3A_411 = arith.addf %add3A_406, %get3A_410 : vector<16xf32>
      %add3A_412 = arith.constant 1408 : i32
      %add3A_413 = arith.addi %add3A_412, %mul3A_360 : i32
      %get3A_414 = arith.index_cast %add3A_413 : i32 to index
      %get3A_415 = tpu.vector_load %arg11[%get3A_414] {strides = array<i32>} : memref<3328xf32, #tpu.memory_space<vmem>>, vector<16xf32>,
      %add3A_416 = arith.addf %add3A_411, %get3A_415 : vector<16xf32>
      %add3A_417 = arith.constant 1536 : i32
      %add3A_418 = arith.addi %add3A_417, %mul3A_360 : i32
      %get3A_419 = arith.index_cast %add3A_418 : i32 to index
      %get3A_420 = tpu.vector_load %arg11[%get3A_419] {strides = array<i32>} : memref<3328xf32, #tpu.memory_space<vmem>>, vector<16xf32>,
      %add3A_421 = arith.addf %add3A_416, %get3A_420 : vector<16xf32>
      %add3A_422 = arith.constant 1664 : i32
      %add3A_423 = arith.addi %add3A_422, %mul3A_360 : i32
      %get3A_424 = arith.index_cast %add3A_423 : i32 to index
      %get3A_425 = tpu.vector_load %arg11[%get3A_424] {strides = array<i32>} : memref<3328xf32, #tpu.memory_space<vmem>>, vector<16xf32>,
      %add3A_426 = arith.addf %add3A_421, %get3A_425 : vector<16xf32>
      %add3A_427 = arith.constant 1792 : i32
      %add3A_428 = arith.addi %add3A_427, %mul3A_360 : i32
      %get3A_429 = arith.index_cast %add3A_428 : i32 to index
      %get3A_430 = tpu.vector_load %arg11[%get3A_429] {strides = array<i32>} : memref<3328xf32, #tpu.memory_space<vmem>>, vector<16xf32>,
      %add3A_431 = arith.addf %add3A_426, %get3A_430 : vector<16xf32>
      %add3A_432 = arith.constant 1920 : i32
      %add3A_433 = arith.addi %add3A_432, %mul3A_360 : i32
      %get3A_434 = arith.index_cast %add3A_433 : i32 to index
      %get3A_435 = tpu.vector_load %arg11[%get3A_434] {strides = array<i32>} : memref<3328xf32, #tpu.memory_space<vmem>>, vector<16xf32>,
      %add3A_436 = arith.addf %add3A_431, %get3A_435 : vector<16xf32>
      %add3A_437 = arith.constant 2048 : i32
      %add3A_438 = arith.addi %add3A_437, %mul3A_360 : i32
      %get3A_439 = arith.index_cast %add3A_438 : i32 to index
      %get3A_440 = tpu.vector_load %arg11[%get3A_439] {strides = array<i32>} : memref<3328xf32, #tpu.memory_space<vmem>>, vector<16xf32>,
      %add3A_441 = arith.addf %add3A_436, %get3A_440 : vector<16xf32>
      %add3A_442 = arith.constant 2176 : i32
      %add3A_443 = arith.addi %add3A_442, %mul3A_360 : i32
      %get3A_444 = arith.index_cast %add3A_443 : i32 to index
      %get3A_445 = tpu.vector_load %arg11[%get3A_444] {strides = array<i32>} : memref<3328xf32, #tpu.memory_space<vmem>>, vector<16xf32>,
      %add3A_446 = arith.addf %add3A_441, %get3A_445 : vector<16xf32>
      %add3A_447 = arith.constant 2304 : i32
      %add3A_448 = arith.addi %add3A_447, %mul3A_360 : i32
      %get3A_449 = arith.index_cast %add3A_448 : i32 to index
      %get3A_450 = tpu.vector_load %arg11[%get3A_449] {strides = array<i32>} : memref<3328xf32, #tpu.memory_space<vmem>>, vector<16xf32>,
      %add3A_451 = arith.addf %add3A_446, %get3A_450 : vector<16xf32>
      %add3A_452 = arith.constant 2432 : i32
      %add3A_453 = arith.addi %add3A_452, %mul3A_360 : i32
      %get3A_454 = arith.index_cast %add3A_453 : i32 to index
      %get3A_455 = tpu.vector_load %arg11[%get3A_454] {strides = array<i32>} : memref<3328xf32, #tpu.memory_space<vmem>>, vector<16xf32>,
      %add3A_456 = arith.addf %add3A_451, %get3A_455 : vector<16xf32>
      %add3A_457 = arith.constant 2560 : i32
      %add3A_458 = arith.addi %add3A_457, %mul3A_360 : i32
      %get3A_459 = arith.index_cast %add3A_458 : i32 to index
      %get3A_460 = tpu.vector_load %arg11[%get3A_459] {strides = array<i32>} : memref<3328xf32, #tpu.memory_space<vmem>>, vector<16xf32>,
      %add3A_461 = arith.addf %add3A_456, %get3A_460 : vector<16xf32>
      %add3A_462 = arith.constant 2688 : i32
      %add3A_463 = arith.addi %add3A_462, %mul3A_360 : i32
      %get3A_464 = arith.index_cast %add3A_463 : i32 to index
      %get3A_465 = tpu.vector_load %arg11[%get3A_464] {strides = array<i32>} : memref<3328xf32, #tpu.memory_space<vmem>>, vector<16xf32>,
      %add3A_466 = arith.addf %add3A_461, %get3A_465 : vector<16xf32>
      %add3A_467 = arith.constant 2816 : i32
      %add3A_468 = arith.addi %add3A_467, %mul3A_360 : i32
      %get3A_469 = arith.index_cast %add3A_468 : i32 to index
      %get3A_470 = tpu.vector_load %arg11[%get3A_469] {strides = array<i32>} : memref<3328xf32, #tpu.memory_space<vmem>>, vector<16xf32>,
      %add3A_471 = arith.addf %add3A_466, %get3A_470 : vector<16xf32>
      %add3A_472 = arith.constant 2944 : i32
      %add3A_473 = arith.addi %add3A_472, %mul3A_360 : i32
      %get3A_474 = arith.index_cast %add3A_473 : i32 to index
      %get3A_475 = tpu.vector_load %arg11[%get3A_474] {strides = array<i32>} : memref<3328xf32, #tpu.memory_space<vmem>>, vector<16xf32>,
      %add3A_476 = arith.addf %add3A_471, %get3A_475 : vector<16xf32>
      %add3A_477 = arith.constant 3072 : i32
      %add3A_478 = arith.addi %add3A_477, %mul3A_360 : i32
      %get3A_479 = arith.index_cast %add3A_478 : i32 to index
      %get3A_480 = tpu.vector_load %arg11[%get3A_479] {strides = array<i32>} : memref<3328xf32, #tpu.memory_space<vmem>>, vector<16xf32>,
      %add3A_481 = arith.addf %add3A_476, %get3A_480 : vector<16xf32>
      %add3A_482 = arith.constant 3200 : i32
      %add3A_483 = arith.addi %add3A_482, %mul3A_360 : i32
      %get3A_484 = arith.index_cast %add3A_483 : i32 to index
      %get3A_485 = tpu.vector_load %arg11[%get3A_484] {strides = array<i32>} : memref<3328xf32, #tpu.memory_space<vmem>>, vector<16xf32>,
      %add3A_486 = arith.addf %add3A_481, %get3A_485 : vector<16xf32>
      %swap3A = arith.index_cast %mul3A_360 : i32 to index
      %swap3A_487 = tpu.vector_load %arg14[%swap3A] {strides = array<i32>} : memref<128xf32, #tpu.memory_space<vmem>>, vector<16xf32>,
      tpu.vector_store %arg14[%swap3A], %add3A_486 {strides = array<i32>} : memref<128xf32, #tpu.memory_space<vmem>>, vector<16xf32>,
    }
    %scan3A_274 = arith.constant 8 : i32
    %mul3A_275 = arith.constant 16 : i32
    %mul3A_276 = arith.muli %add3A_189, %mul3A_275 : i32
    %multiple_of3A_277 = tpu.assume_multiple %mul3A_276, 8 : i32
    "tpu.region"() ({
      %run_scoped3A = tpu.sem_alloc : memref<!tpu.dma_semaphore, #tpu.memory_space<semaphore_mem>>
      %dma_start3A_358 = tpu.memref_slice %arg5[%multiple_of3A_277] : memref<262144xf32, #tpu.memory_space<hbm>> -> memref<2048xf32, #tpu.memory_space<hbm>>
      %dma_start3A_359 = tpu.memref_slice %arg5[%multiple_of3A_277] : memref<262144xf32, #tpu.memory_space<hbm>> -> memref<2048xf32, #tpu.memory_space<hbm>>
      tpu.enqueue_dma source(%arg13 : memref<2048xf32, #tpu.memory_space<vmem>>) target(%dma_start3A_359 : memref<2048xf32, #tpu.memory_space<hbm>>) target_semaphore(%run_scoped3A : memref<!tpu.dma_semaphore, #tpu.memory_space<semaphore_mem>>)
      %dma_wait3A_360 = tpu.memref_slice %arg5[%multiple_of3A_277] : memref<262144xf32, #tpu.memory_space<hbm>> -> memref<2048xf32, #tpu.memory_space<hbm>>
      %dma_wait3A_361 = tpu.memref_slice %arg5[%multiple_of3A_277] : memref<262144xf32, #tpu.memory_space<hbm>> -> memref<2048xf32, #tpu.memory_space<hbm>>
      tpu.wait_dma2 semaphore(%run_scoped3A : memref<!tpu.dma_semaphore, #tpu.memory_space<semaphore_mem>>) src(%arg13 : memref<2048xf32, #tpu.memory_space<vmem>>) dst(%dma_wait3A_361 : memref<2048xf32, #tpu.memory_space<hbm>>)
      tpu.yield
    }) : () -> ()
    %multiple_of3A_278 = tpu.assume_multiple %add3A_189, 8 : i32
    "tpu.region"() ({
      %run_scoped3A = tpu.sem_alloc : memref<!tpu.dma_semaphore, #tpu.memory_space<semaphore_mem>>
      %dma_start3A_358 = tpu.memref_slice %arg6[%multiple_of3A_278] : memref<16384xf32, #tpu.memory_space<hbm>> -> memref<128xf32, #tpu.memory_space<hbm>>
      %dma_start3A_359 = tpu.memref_slice %arg6[%multiple_of3A_278] : memref<16384xf32, #tpu.memory_space<hbm>> -> memref<128xf32, #tpu.memory_space<hbm>>
      tpu.enqueue_dma source(%arg14 : memref<128xf32, #tpu.memory_space<vmem>>) target(%dma_start3A_359 : memref<128xf32, #tpu.memory_space<hbm>>) target_semaphore(%run_scoped3A : memref<!tpu.dma_semaphore, #tpu.memory_space<semaphore_mem>>)
      %dma_wait3A_360 = tpu.memref_slice %arg6[%multiple_of3A_278] : memref<16384xf32, #tpu.memory_space<hbm>> -> memref<128xf32, #tpu.memory_space<hbm>>
      %dma_wait3A_361 = tpu.memref_slice %arg6[%multiple_of3A_278] : memref<16384xf32, #tpu.memory_space<hbm>> -> memref<128xf32, #tpu.memory_space<hbm>>
      tpu.wait_dma2 semaphore(%run_scoped3A : memref<!tpu.dma_semaphore, #tpu.memory_space<semaphore_mem>>) src(%arg14 : memref<128xf32, #tpu.memory_space<vmem>>) dst(%dma_wait3A_361 : memref<128xf32, #tpu.memory_space<hbm>>)
      tpu.yield
    }) : () -> ()
    %mul3A_279 = arith.constant 512 : i32
    %mul3A_280 = arith.muli %add3A, %mul3A_279 : i32
    %add3A_281 = arith.constant 384 : i32
    %add3A_282 = arith.addi %mul3A_280, %add3A_281 : i32
    %dma_wait3A_283 = arith.constant 0 : i32
    %dma_wait3A_284 = arith.constant 0 : i32
    %dma_wait3A_285 = tpu.memref_slice %arg3[%dma_wait3A_283, %dma_wait3A_284] : memref<2600000x8xi32, #tpu.memory_space<hbm>> -> memref<2600000x8xi32, #tpu.memory_space<hbm>>
    tpu.wait_indirect_dma semaphore(%arg16 : memref<!tpu.dma_semaphore, #tpu.memory_space<semaphore_mem>>) src(%dma_wait3A_285 : memref<2600000x8xi32, #tpu.memory_space<hbm>>) dst(%arg10 : memref<3328x8xi32, #tpu.memory_space<vmem>>)
    %dma_wait3A_286 = arith.constant 0 : i32
    %dma_wait3A_287 = tpu.memref_slice %arg4[%dma_wait3A_286] : memref<2600000xf32, #tpu.memory_space<hbm>> -> memref<2600000xf32, #tpu.memory_space<hbm>>
    tpu.wait_indirect_dma semaphore(%arg18 : memref<!tpu.dma_semaphore, #tpu.memory_space<semaphore_mem>>) src(%dma_wait3A_287 : memref<2600000xf32, #tpu.memory_space<hbm>>) dst(%arg12 : memref<3328xf32, #tpu.memory_space<vmem>>)
    %iota3A_288 = tpu.iota {dimensions = array<i32: 0>} : vector<16xi32>
    %jit3A_289 = arith.constant 8 : i32
    %div3A_290 = vector.broadcast %jit3A_289 : i32 to vector<16xi32>
    %div3A_291 = arith.divsi %iota3A_288, %div3A_290 : vector<16xi32>
    %sign3A_292 = arith.constant 0 : i32
    %sign3A_293 = vector.broadcast %sign3A_292 : i32 to vector<16xi32>
    %sign3A_294 = arith.cmpi sgt, %iota3A_288, %sign3A_293 : vector<16xi32>
    %sign3A_295 = arith.extui %sign3A_294 : vector<16xi1> to vector<16xi32>
    %sign3A_296 = arith.constant 0 : i32
    %sign3A_297 = vector.broadcast %sign3A_296 : i32 to vector<16xi32>
    %sign3A_298 = arith.cmpi slt, %iota3A_288, %sign3A_297 : vector<16xi32>
    %sign3A_299 = arith.extui %sign3A_298 : vector<16xi1> to vector<16xi32>
    %sign3A_300 = arith.subi %sign3A_295, %sign3A_299 : vector<16xi32>
    %sign3A_301 = arith.constant 0 : i32
    %sign3A_302 = arith.cmpi sgt, %jit3A_289, %sign3A_301 : i32
    %sign3A_303 = arith.extui %sign3A_302 : i1 to i32
    %sign3A_304 = arith.constant 0 : i32
    %sign3A_305 = arith.cmpi slt, %jit3A_289, %sign3A_304 : i32
    %sign3A_306 = arith.extui %sign3A_305 : i1 to i32
    %sign3A_307 = arith.subi %sign3A_303, %sign3A_306 : i32
    %ne3A_308 = vector.broadcast %sign3A_307 : i32 to vector<16xi32>
    %ne3A_309 = arith.cmpi ne, %sign3A_300, %ne3A_308 : vector<16xi32>
    %rem3A_310 = vector.broadcast %jit3A_289 : i32 to vector<16xi32>
    %rem3A_311 = arith.remsi %iota3A_288, %rem3A_310 : vector<16xi32>
    %ne3A_312 = arith.constant 0 : i32
    %ne3A_313 = vector.broadcast %ne3A_312 : i32 to vector<16xi32>
    %ne3A_314 = arith.cmpi ne, %rem3A_311, %ne3A_313 : vector<16xi32>
    %and3A_315 = arith.andi %ne3A_309, %ne3A_314 : vector<16xi1>
    %sub3A_316 = arith.constant 1 : i32
    %sub3A_317 = vector.broadcast %sub3A_316 : i32 to vector<16xi32>
    %sub3A_318 = arith.subi %div3A_291, %sub3A_317 : vector<16xi32>
    %select_n3A_319 = arith.select %and3A_315, %sub3A_318, %div3A_291 : vector<16xi1>, vector<16xi32>
    %jit3A_320 = arith.constant 8 : i32
    %eq3A_321 = arith.constant 0 : i32
    %eq3A_322 = arith.cmpi eq, %jit3A_320, %eq3A_321 : i32
    %jit3A_323 = arith.constant 1 : i32
    %select_n3A_324 = arith.select %eq3A_322, %jit3A_323, %jit3A_320 : i32
    %rem3A_325 = vector.broadcast %select_n3A_324 : i32 to vector<16xi32>
    %rem3A_326 = arith.remsi %iota3A_288, %rem3A_325 : vector<16xi32>
    %ne3A_327 = arith.constant 0 : i32
    %ne3A_328 = vector.broadcast %ne3A_327 : i32 to vector<16xi32>
    %ne3A_329 = arith.cmpi ne, %rem3A_326, %ne3A_328 : vector<16xi32>
    %lt3A_330 = arith.constant 0 : i32
    %lt3A_331 = vector.broadcast %lt3A_330 : i32 to vector<16xi32>
    %lt3A_332 = arith.cmpi slt, %rem3A_326, %lt3A_331 : vector<16xi32>
    %lt3A_333 = arith.constant 0 : i32
    %lt3A_334 = arith.cmpi slt, %select_n3A_324, %lt3A_333 : i32
    %ne3A_335 = vector.broadcast %lt3A_334 : i1 to vector<16xi1>
    %ne3A_336 = vector.broadcast %ne3A_335 : vector<16xi1> to vector<16xi1>
    %ne3A_337 = arith.xori %lt3A_332, %ne3A_336 : vector<16xi1>
    %and3A_338 = arith.andi %ne3A_337, %ne3A_329 : vector<16xi1>
    %add3A_339 = vector.broadcast %select_n3A_324 : i32 to vector<16xi32>
    %add3A_340 = arith.addi %rem3A_326, %add3A_339 : vector<16xi32>
    %select_n3A_341 = arith.select %and3A_338, %add3A_340, %rem3A_326 : vector<16xi1>, vector<16xi32>
    %scan3A_342 = arith.constant 0 : i32
    %scan3A_343 = arith.constant 0 : i32
    %scan3A_344 = arith.constant 64 : i32
    %scan3A_345 = arith.addi %scan3A_343, %scan3A_344 : i32
    %scan3A_346 = arith.constant 1 : i32
    scf.for %scan3A_358 = %scan3A_343 to %scan3A_345 step %scan3A_346  : i32 {
      %mul3A_359 = arith.constant 2 : i32
      %mul3A_360 = arith.muli %scan3A_358, %mul3A_359 : i32
      %broadcast_in_dim3A = arith.constant 0.000000e+00 : f32
      %broadcast_in_dim3A_361 = vector.broadcast %broadcast_in_dim3A : f32 to vector<16xf32>
      %broadcast_in_dim3A_362 = arith.constant 0.000000e+00 : f32
      %broadcast_in_dim3A_363 = vector.broadcast %broadcast_in_dim3A_362 : f32 to vector<16xf32>
      %broadcast_in_dim3A_364 = arith.constant 0.000000e+00 : f32
      %broadcast_in_dim3A_365 = vector.broadcast %broadcast_in_dim3A_364 : f32 to vector<16xf32>
      %broadcast_in_dim3A_366 = arith.constant 0.000000e+00 : f32
      %broadcast_in_dim3A_367 = vector.broadcast %broadcast_in_dim3A_366 : f32 to vector<16xf32>
      %add3A_368 = vector.broadcast %mul3A_360 : i32 to vector<16xi32>
      %add3A_369 = arith.addi %add3A_368, %select_n3A_319 : vector<16xi32>
      %add3A_370 = arith.constant 0 : i32
      %add3A_371 = vector.broadcast %add3A_370 : i32 to vector<16xi32>
      %add3A_372 = arith.addi %add3A_369, %add3A_371 : vector<16xi32>
      %gather3A = tpu.vector_load_idx %arg10[%add3A_372, %select_n3A_341] : memref<3328x8xi32, #tpu.memory_space<vmem>>[vector<16xi32>, vector<16xi32>], vector<16xi32>,
      %bitcast3A = vector.bitcast %gather3A : vector<16xi32> to vector<32xbf16>
      %unpack3A = tpu.unpack_subelements %bitcast3A, 0 {pack_format = #tpu.pack_format<interleaved>} : vector<32xbf16> -> vector<16xf32>
      %unpack3A_373 = tpu.unpack_subelements %bitcast3A, 1 {pack_format = #tpu.pack_format<interleaved>} : vector<32xbf16> -> vector<16xf32>
      %add3A_374 = arith.addf %broadcast_in_dim3A_361, %unpack3A : vector<16xf32>
      %add3A_375 = arith.addf %broadcast_in_dim3A_363, %unpack3A_373 : vector<16xf32>
      %mul3A_376 = arith.mulf %unpack3A, %unpack3A : vector<16xf32>
      %add3A_377 = arith.addf %broadcast_in_dim3A_365, %mul3A_376 : vector<16xf32>
      %mul3A_378 = arith.mulf %unpack3A_373, %unpack3A_373 : vector<16xf32>
      %add3A_379 = arith.addf %broadcast_in_dim3A_367, %mul3A_378 : vector<16xf32>
      %add3A_380 = arith.constant 128 : i32
      %add3A_381 = vector.broadcast %add3A_380 : i32 to vector<16xi32>
      %add3A_382 = arith.addi %add3A_369, %add3A_381 : vector<16xi32>
      %gather3A_383 = tpu.vector_load_idx %arg10[%add3A_382, %select_n3A_341] : memref<3328x8xi32, #tpu.memory_space<vmem>>[vector<16xi32>, vector<16xi32>], vector<16xi32>,
      %bitcast3A_384 = vector.bitcast %gather3A_383 : vector<16xi32> to vector<32xbf16>
      %unpack3A_385 = tpu.unpack_subelements %bitcast3A_384, 0 {pack_format = #tpu.pack_format<interleaved>} : vector<32xbf16> -> vector<16xf32>
      %unpack3A_386 = tpu.unpack_subelements %bitcast3A_384, 1 {pack_format = #tpu.pack_format<interleaved>} : vector<32xbf16> -> vector<16xf32>
      %add3A_387 = arith.addf %add3A_374, %unpack3A_385 : vector<16xf32>
      %add3A_388 = arith.addf %add3A_375, %unpack3A_386 : vector<16xf32>
      %mul3A_389 = arith.mulf %unpack3A_385, %unpack3A_385 : vector<16xf32>
      %add3A_390 = arith.addf %add3A_377, %mul3A_389 : vector<16xf32>
      %mul3A_391 = arith.mulf %unpack3A_386, %unpack3A_386 : vector<16xf32>
      %add3A_392 = arith.addf %add3A_379, %mul3A_391 : vector<16xf32>
      %add3A_393 = arith.constant 256 : i32
      %add3A_394 = vector.broadcast %add3A_393 : i32 to vector<16xi32>
      %add3A_395 = arith.addi %add3A_369, %add3A_394 : vector<16xi32>
      %gather3A_396 = tpu.vector_load_idx %arg10[%add3A_395, %select_n3A_341] : memref<3328x8xi32, #tpu.memory_space<vmem>>[vector<16xi32>, vector<16xi32>], vector<16xi32>,
      %bitcast3A_397 = vector.bitcast %gather3A_396 : vector<16xi32> to vector<32xbf16>
      %unpack3A_398 = tpu.unpack_subelements %bitcast3A_397, 0 {pack_format = #tpu.pack_format<interleaved>} : vector<32xbf16> -> vector<16xf32>
      %unpack3A_399 = tpu.unpack_subelements %bitcast3A_397, 1 {pack_format = #tpu.pack_format<interleaved>} : vector<32xbf16> -> vector<16xf32>
      %add3A_400 = arith.addf %add3A_387, %unpack3A_398 : vector<16xf32>
      %add3A_401 = arith.addf %add3A_388, %unpack3A_399 : vector<16xf32>
      %mul3A_402 = arith.mulf %unpack3A_398, %unpack3A_398 : vector<16xf32>
      %add3A_403 = arith.addf %add3A_390, %mul3A_402 : vector<16xf32>
      %mul3A_404 = arith.mulf %unpack3A_399, %unpack3A_399 : vector<16xf32>
      %add3A_405 = arith.addf %add3A_392, %mul3A_404 : vector<16xf32>
      %add3A_406 = arith.constant 384 : i32
      %add3A_407 = vector.broadcast %add3A_406 : i32 to vector<16xi32>
      %add3A_408 = arith.addi %add3A_369, %add3A_407 : vector<16xi32>
      %gather3A_409 = tpu.vector_load_idx %arg10[%add3A_408, %select_n3A_341] : memref<3328x8xi32, #tpu.memory_space<vmem>>[vector<16xi32>, vector<16xi32>], vector<16xi32>,
      %bitcast3A_410 = vector.bitcast %gather3A_409 : vector<16xi32> to vector<32xbf16>
      %unpack3A_411 = tpu.unpack_subelements %bitcast3A_410, 0 {pack_format = #tpu.pack_format<interleaved>} : vector<32xbf16> -> vector<16xf32>
      %unpack3A_412 = tpu.unpack_subelements %bitcast3A_410, 1 {pack_format = #tpu.pack_format<interleaved>} : vector<32xbf16> -> vector<16xf32>
      %add3A_413 = arith.addf %add3A_400, %unpack3A_411 : vector<16xf32>
      %add3A_414 = arith.addf %add3A_401, %unpack3A_412 : vector<16xf32>
      %mul3A_415 = arith.mulf %unpack3A_411, %unpack3A_411 : vector<16xf32>
      %add3A_416 = arith.addf %add3A_403, %mul3A_415 : vector<16xf32>
      %mul3A_417 = arith.mulf %unpack3A_412, %unpack3A_412 : vector<16xf32>
      %add3A_418 = arith.addf %add3A_405, %mul3A_417 : vector<16xf32>
      %add3A_419 = arith.constant 512 : i32
      %add3A_420 = vector.broadcast %add3A_419 : i32 to vector<16xi32>
      %add3A_421 = arith.addi %add3A_369, %add3A_420 : vector<16xi32>
      %gather3A_422 = tpu.vector_load_idx %arg10[%add3A_421, %select_n3A_341] : memref<3328x8xi32, #tpu.memory_space<vmem>>[vector<16xi32>, vector<16xi32>], vector<16xi32>,
      %bitcast3A_423 = vector.bitcast %gather3A_422 : vector<16xi32> to vector<32xbf16>
      %unpack3A_424 = tpu.unpack_subelements %bitcast3A_423, 0 {pack_format = #tpu.pack_format<interleaved>} : vector<32xbf16> -> vector<16xf32>
      %unpack3A_425 = tpu.unpack_subelements %bitcast3A_423, 1 {pack_format = #tpu.pack_format<interleaved>} : vector<32xbf16> -> vector<16xf32>
      %add3A_426 = arith.addf %add3A_413, %unpack3A_424 : vector<16xf32>
      %add3A_427 = arith.addf %add3A_414, %unpack3A_425 : vector<16xf32>
      %mul3A_428 = arith.mulf %unpack3A_424, %unpack3A_424 : vector<16xf32>
      %add3A_429 = arith.addf %add3A_416, %mul3A_428 : vector<16xf32>
      %mul3A_430 = arith.mulf %unpack3A_425, %unpack3A_425 : vector<16xf32>
      %add3A_431 = arith.addf %add3A_418, %mul3A_430 : vector<16xf32>
      %add3A_432 = arith.constant 640 : i32
      %add3A_433 = vector.broadcast %add3A_432 : i32 to vector<16xi32>
      %add3A_434 = arith.addi %add3A_369, %add3A_433 : vector<16xi32>
      %gather3A_435 = tpu.vector_load_idx %arg10[%add3A_434, %select_n3A_341] : memref<3328x8xi32, #tpu.memory_space<vmem>>[vector<16xi32>, vector<16xi32>], vector<16xi32>,
      %bitcast3A_436 = vector.bitcast %gather3A_435 : vector<16xi32> to vector<32xbf16>
      %unpack3A_437 = tpu.unpack_subelements %bitcast3A_436, 0 {pack_format = #tpu.pack_format<interleaved>} : vector<32xbf16> -> vector<16xf32>
      %unpack3A_438 = tpu.unpack_subelements %bitcast3A_436, 1 {pack_format = #tpu.pack_format<interleaved>} : vector<32xbf16> -> vector<16xf32>
      %add3A_439 = arith.addf %add3A_426, %unpack3A_437 : vector<16xf32>
      %add3A_440 = arith.addf %add3A_427, %unpack3A_438 : vector<16xf32>
      %mul3A_441 = arith.mulf %unpack3A_437, %unpack3A_437 : vector<16xf32>
      %add3A_442 = arith.addf %add3A_429, %mul3A_441 : vector<16xf32>
      %mul3A_443 = arith.mulf %unpack3A_438, %unpack3A_438 : vector<16xf32>
      %add3A_444 = arith.addf %add3A_431, %mul3A_443 : vector<16xf32>
      %add3A_445 = arith.constant 768 : i32
      %add3A_446 = vector.broadcast %add3A_445 : i32 to vector<16xi32>
      %add3A_447 = arith.addi %add3A_369, %add3A_446 : vector<16xi32>
      %gather3A_448 = tpu.vector_load_idx %arg10[%add3A_447, %select_n3A_341] : memref<3328x8xi32, #tpu.memory_space<vmem>>[vector<16xi32>, vector<16xi32>], vector<16xi32>,
      %bitcast3A_449 = vector.bitcast %gather3A_448 : vector<16xi32> to vector<32xbf16>
      %unpack3A_450 = tpu.unpack_subelements %bitcast3A_449, 0 {pack_format = #tpu.pack_format<interleaved>} : vector<32xbf16> -> vector<16xf32>
      %unpack3A_451 = tpu.unpack_subelements %bitcast3A_449, 1 {pack_format = #tpu.pack_format<interleaved>} : vector<32xbf16> -> vector<16xf32>
      %add3A_452 = arith.addf %add3A_439, %unpack3A_450 : vector<16xf32>
      %add3A_453 = arith.addf %add3A_440, %unpack3A_451 : vector<16xf32>
      %mul3A_454 = arith.mulf %unpack3A_450, %unpack3A_450 : vector<16xf32>
      %add3A_455 = arith.addf %add3A_442, %mul3A_454 : vector<16xf32>
      %mul3A_456 = arith.mulf %unpack3A_451, %unpack3A_451 : vector<16xf32>
      %add3A_457 = arith.addf %add3A_444, %mul3A_456 : vector<16xf32>
      %add3A_458 = arith.constant 896 : i32
      %add3A_459 = vector.broadcast %add3A_458 : i32 to vector<16xi32>
      %add3A_460 = arith.addi %add3A_369, %add3A_459 : vector<16xi32>
      %gather3A_461 = tpu.vector_load_idx %arg10[%add3A_460, %select_n3A_341] : memref<3328x8xi32, #tpu.memory_space<vmem>>[vector<16xi32>, vector<16xi32>], vector<16xi32>,
      %bitcast3A_462 = vector.bitcast %gather3A_461 : vector<16xi32> to vector<32xbf16>
      %unpack3A_463 = tpu.unpack_subelements %bitcast3A_462, 0 {pack_format = #tpu.pack_format<interleaved>} : vector<32xbf16> -> vector<16xf32>
      %unpack3A_464 = tpu.unpack_subelements %bitcast3A_462, 1 {pack_format = #tpu.pack_format<interleaved>} : vector<32xbf16> -> vector<16xf32>
      %add3A_465 = arith.addf %add3A_452, %unpack3A_463 : vector<16xf32>
      %add3A_466 = arith.addf %add3A_453, %unpack3A_464 : vector<16xf32>
      %mul3A_467 = arith.mulf %unpack3A_463, %unpack3A_463 : vector<16xf32>
      %add3A_468 = arith.addf %add3A_455, %mul3A_467 : vector<16xf32>
      %mul3A_469 = arith.mulf %unpack3A_464, %unpack3A_464 : vector<16xf32>
      %add3A_470 = arith.addf %add3A_457, %mul3A_469 : vector<16xf32>
      %add3A_471 = arith.constant 1024 : i32
      %add3A_472 = vector.broadcast %add3A_471 : i32 to vector<16xi32>
      %add3A_473 = arith.addi %add3A_369, %add3A_472 : vector<16xi32>
      %gather3A_474 = tpu.vector_load_idx %arg10[%add3A_473, %select_n3A_341] : memref<3328x8xi32, #tpu.memory_space<vmem>>[vector<16xi32>, vector<16xi32>], vector<16xi32>,
      %bitcast3A_475 = vector.bitcast %gather3A_474 : vector<16xi32> to vector<32xbf16>
      %unpack3A_476 = tpu.unpack_subelements %bitcast3A_475, 0 {pack_format = #tpu.pack_format<interleaved>} : vector<32xbf16> -> vector<16xf32>
      %unpack3A_477 = tpu.unpack_subelements %bitcast3A_475, 1 {pack_format = #tpu.pack_format<interleaved>} : vector<32xbf16> -> vector<16xf32>
      %add3A_478 = arith.addf %add3A_465, %unpack3A_476 : vector<16xf32>
      %add3A_479 = arith.addf %add3A_466, %unpack3A_477 : vector<16xf32>
      %mul3A_480 = arith.mulf %unpack3A_476, %unpack3A_476 : vector<16xf32>
      %add3A_481 = arith.addf %add3A_468, %mul3A_480 : vector<16xf32>
      %mul3A_482 = arith.mulf %unpack3A_477, %unpack3A_477 : vector<16xf32>
      %add3A_483 = arith.addf %add3A_470, %mul3A_482 : vector<16xf32>
      %add3A_484 = arith.constant 1152 : i32
      %add3A_485 = vector.broadcast %add3A_484 : i32 to vector<16xi32>
      %add3A_486 = arith.addi %add3A_369, %add3A_485 : vector<16xi32>
      %gather3A_487 = tpu.vector_load_idx %arg10[%add3A_486, %select_n3A_341] : memref<3328x8xi32, #tpu.memory_space<vmem>>[vector<16xi32>, vector<16xi32>], vector<16xi32>,
      %bitcast3A_488 = vector.bitcast %gather3A_487 : vector<16xi32> to vector<32xbf16>
      %unpack3A_489 = tpu.unpack_subelements %bitcast3A_488, 0 {pack_format = #tpu.pack_format<interleaved>} : vector<32xbf16> -> vector<16xf32>
      %unpack3A_490 = tpu.unpack_subelements %bitcast3A_488, 1 {pack_format = #tpu.pack_format<interleaved>} : vector<32xbf16> -> vector<16xf32>
      %add3A_491 = arith.addf %add3A_478, %unpack3A_489 : vector<16xf32>
      %add3A_492 = arith.addf %add3A_479, %unpack3A_490 : vector<16xf32>
      %mul3A_493 = arith.mulf %unpack3A_489, %unpack3A_489 : vector<16xf32>
      %add3A_494 = arith.addf %add3A_481, %mul3A_493 : vector<16xf32>
      %mul3A_495 = arith.mulf %unpack3A_490, %unpack3A_490 : vector<16xf32>
      %add3A_496 = arith.addf %add3A_483, %mul3A_495 : vector<16xf32>
      %add3A_497 = arith.constant 1280 : i32
      %add3A_498 = vector.broadcast %add3A_497 : i32 to vector<16xi32>
      %add3A_499 = arith.addi %add3A_369, %add3A_498 : vector<16xi32>
      %gather3A_500 = tpu.vector_load_idx %arg10[%add3A_499, %select_n3A_341] : memref<3328x8xi32, #tpu.memory_space<vmem>>[vector<16xi32>, vector<16xi32>], vector<16xi32>,
      %bitcast3A_501 = vector.bitcast %gather3A_500 : vector<16xi32> to vector<32xbf16>
      %unpack3A_502 = tpu.unpack_subelements %bitcast3A_501, 0 {pack_format = #tpu.pack_format<interleaved>} : vector<32xbf16> -> vector<16xf32>
      %unpack3A_503 = tpu.unpack_subelements %bitcast3A_501, 1 {pack_format = #tpu.pack_format<interleaved>} : vector<32xbf16> -> vector<16xf32>
      %add3A_504 = arith.addf %add3A_491, %unpack3A_502 : vector<16xf32>
      %add3A_505 = arith.addf %add3A_492, %unpack3A_503 : vector<16xf32>
      %mul3A_506 = arith.mulf %unpack3A_502, %unpack3A_502 : vector<16xf32>
      %add3A_507 = arith.addf %add3A_494, %mul3A_506 : vector<16xf32>
      %mul3A_508 = arith.mulf %unpack3A_503, %unpack3A_503 : vector<16xf32>
      %add3A_509 = arith.addf %add3A_496, %mul3A_508 : vector<16xf32>
      %add3A_510 = arith.constant 1408 : i32
      %add3A_511 = vector.broadcast %add3A_510 : i32 to vector<16xi32>
      %add3A_512 = arith.addi %add3A_369, %add3A_511 : vector<16xi32>
      %gather3A_513 = tpu.vector_load_idx %arg10[%add3A_512, %select_n3A_341] : memref<3328x8xi32, #tpu.memory_space<vmem>>[vector<16xi32>, vector<16xi32>], vector<16xi32>,
      %bitcast3A_514 = vector.bitcast %gather3A_513 : vector<16xi32> to vector<32xbf16>
      %unpack3A_515 = tpu.unpack_subelements %bitcast3A_514, 0 {pack_format = #tpu.pack_format<interleaved>} : vector<32xbf16> -> vector<16xf32>
      %unpack3A_516 = tpu.unpack_subelements %bitcast3A_514, 1 {pack_format = #tpu.pack_format<interleaved>} : vector<32xbf16> -> vector<16xf32>
      %add3A_517 = arith.addf %add3A_504, %unpack3A_515 : vector<16xf32>
      %add3A_518 = arith.addf %add3A_505, %unpack3A_516 : vector<16xf32>
      %mul3A_519 = arith.mulf %unpack3A_515, %unpack3A_515 : vector<16xf32>
      %add3A_520 = arith.addf %add3A_507, %mul3A_519 : vector<16xf32>
      %mul3A_521 = arith.mulf %unpack3A_516, %unpack3A_516 : vector<16xf32>
      %add3A_522 = arith.addf %add3A_509, %mul3A_521 : vector<16xf32>
      %add3A_523 = arith.constant 1536 : i32
      %add3A_524 = vector.broadcast %add3A_523 : i32 to vector<16xi32>
      %add3A_525 = arith.addi %add3A_369, %add3A_524 : vector<16xi32>
      %gather3A_526 = tpu.vector_load_idx %arg10[%add3A_525, %select_n3A_341] : memref<3328x8xi32, #tpu.memory_space<vmem>>[vector<16xi32>, vector<16xi32>], vector<16xi32>,
      %bitcast3A_527 = vector.bitcast %gather3A_526 : vector<16xi32> to vector<32xbf16>
      %unpack3A_528 = tpu.unpack_subelements %bitcast3A_527, 0 {pack_format = #tpu.pack_format<interleaved>} : vector<32xbf16> -> vector<16xf32>
      %unpack3A_529 = tpu.unpack_subelements %bitcast3A_527, 1 {pack_format = #tpu.pack_format<interleaved>} : vector<32xbf16> -> vector<16xf32>
      %add3A_530 = arith.addf %add3A_517, %unpack3A_528 : vector<16xf32>
      %add3A_531 = arith.addf %add3A_518, %unpack3A_529 : vector<16xf32>
      %mul3A_532 = arith.mulf %unpack3A_528, %unpack3A_528 : vector<16xf32>
      %add3A_533 = arith.addf %add3A_520, %mul3A_532 : vector<16xf32>
      %mul3A_534 = arith.mulf %unpack3A_529, %unpack3A_529 : vector<16xf32>
      %add3A_535 = arith.addf %add3A_522, %mul3A_534 : vector<16xf32>
      %add3A_536 = arith.constant 1664 : i32
      %add3A_537 = vector.broadcast %add3A_536 : i32 to vector<16xi32>
      %add3A_538 = arith.addi %add3A_369, %add3A_537 : vector<16xi32>
      %gather3A_539 = tpu.vector_load_idx %arg10[%add3A_538, %select_n3A_341] : memref<3328x8xi32, #tpu.memory_space<vmem>>[vector<16xi32>, vector<16xi32>], vector<16xi32>,
      %bitcast3A_540 = vector.bitcast %gather3A_539 : vector<16xi32> to vector<32xbf16>
      %unpack3A_541 = tpu.unpack_subelements %bitcast3A_540, 0 {pack_format = #tpu.pack_format<interleaved>} : vector<32xbf16> -> vector<16xf32>
      %unpack3A_542 = tpu.unpack_subelements %bitcast3A_540, 1 {pack_format = #tpu.pack_format<interleaved>} : vector<32xbf16> -> vector<16xf32>
      %add3A_543 = arith.addf %add3A_530, %unpack3A_541 : vector<16xf32>
      %add3A_544 = arith.addf %add3A_531, %unpack3A_542 : vector<16xf32>
      %mul3A_545 = arith.mulf %unpack3A_541, %unpack3A_541 : vector<16xf32>
      %add3A_546 = arith.addf %add3A_533, %mul3A_545 : vector<16xf32>
      %mul3A_547 = arith.mulf %unpack3A_542, %unpack3A_542 : vector<16xf32>
      %add3A_548 = arith.addf %add3A_535, %mul3A_547 : vector<16xf32>
      %add3A_549 = arith.constant 1792 : i32
      %add3A_550 = vector.broadcast %add3A_549 : i32 to vector<16xi32>
      %add3A_551 = arith.addi %add3A_369, %add3A_550 : vector<16xi32>
      %gather3A_552 = tpu.vector_load_idx %arg10[%add3A_551, %select_n3A_341] : memref<3328x8xi32, #tpu.memory_space<vmem>>[vector<16xi32>, vector<16xi32>], vector<16xi32>,
      %bitcast3A_553 = vector.bitcast %gather3A_552 : vector<16xi32> to vector<32xbf16>
      %unpack3A_554 = tpu.unpack_subelements %bitcast3A_553, 0 {pack_format = #tpu.pack_format<interleaved>} : vector<32xbf16> -> vector<16xf32>
      %unpack3A_555 = tpu.unpack_subelements %bitcast3A_553, 1 {pack_format = #tpu.pack_format<interleaved>} : vector<32xbf16> -> vector<16xf32>
      %add3A_556 = arith.addf %add3A_543, %unpack3A_554 : vector<16xf32>
      %add3A_557 = arith.addf %add3A_544, %unpack3A_555 : vector<16xf32>
      %mul3A_558 = arith.mulf %unpack3A_554, %unpack3A_554 : vector<16xf32>
      %add3A_559 = arith.addf %add3A_546, %mul3A_558 : vector<16xf32>
      %mul3A_560 = arith.mulf %unpack3A_555, %unpack3A_555 : vector<16xf32>
      %add3A_561 = arith.addf %add3A_548, %mul3A_560 : vector<16xf32>
      %add3A_562 = arith.constant 1920 : i32
      %add3A_563 = vector.broadcast %add3A_562 : i32 to vector<16xi32>
      %add3A_564 = arith.addi %add3A_369, %add3A_563 : vector<16xi32>
      %gather3A_565 = tpu.vector_load_idx %arg10[%add3A_564, %select_n3A_341] : memref<3328x8xi32, #tpu.memory_space<vmem>>[vector<16xi32>, vector<16xi32>], vector<16xi32>,
      %bitcast3A_566 = vector.bitcast %gather3A_565 : vector<16xi32> to vector<32xbf16>
      %unpack3A_567 = tpu.unpack_subelements %bitcast3A_566, 0 {pack_format = #tpu.pack_format<interleaved>} : vector<32xbf16> -> vector<16xf32>
      %unpack3A_568 = tpu.unpack_subelements %bitcast3A_566, 1 {pack_format = #tpu.pack_format<interleaved>} : vector<32xbf16> -> vector<16xf32>
      %add3A_569 = arith.addf %add3A_556, %unpack3A_567 : vector<16xf32>
      %add3A_570 = arith.addf %add3A_557, %unpack3A_568 : vector<16xf32>
      %mul3A_571 = arith.mulf %unpack3A_567, %unpack3A_567 : vector<16xf32>
      %add3A_572 = arith.addf %add3A_559, %mul3A_571 : vector<16xf32>
      %mul3A_573 = arith.mulf %unpack3A_568, %unpack3A_568 : vector<16xf32>
      %add3A_574 = arith.addf %add3A_561, %mul3A_573 : vector<16xf32>
      %add3A_575 = arith.constant 2048 : i32
      %add3A_576 = vector.broadcast %add3A_575 : i32 to vector<16xi32>
      %add3A_577 = arith.addi %add3A_369, %add3A_576 : vector<16xi32>
      %gather3A_578 = tpu.vector_load_idx %arg10[%add3A_577, %select_n3A_341] : memref<3328x8xi32, #tpu.memory_space<vmem>>[vector<16xi32>, vector<16xi32>], vector<16xi32>,
      %bitcast3A_579 = vector.bitcast %gather3A_578 : vector<16xi32> to vector<32xbf16>
      %unpack3A_580 = tpu.unpack_subelements %bitcast3A_579, 0 {pack_format = #tpu.pack_format<interleaved>} : vector<32xbf16> -> vector<16xf32>
      %unpack3A_581 = tpu.unpack_subelements %bitcast3A_579, 1 {pack_format = #tpu.pack_format<interleaved>} : vector<32xbf16> -> vector<16xf32>
      %add3A_582 = arith.addf %add3A_569, %unpack3A_580 : vector<16xf32>
      %add3A_583 = arith.addf %add3A_570, %unpack3A_581 : vector<16xf32>
      %mul3A_584 = arith.mulf %unpack3A_580, %unpack3A_580 : vector<16xf32>
      %add3A_585 = arith.addf %add3A_572, %mul3A_584 : vector<16xf32>
      %mul3A_586 = arith.mulf %unpack3A_581, %unpack3A_581 : vector<16xf32>
      %add3A_587 = arith.addf %add3A_574, %mul3A_586 : vector<16xf32>
      %add3A_588 = arith.constant 2176 : i32
      %add3A_589 = vector.broadcast %add3A_588 : i32 to vector<16xi32>
      %add3A_590 = arith.addi %add3A_369, %add3A_589 : vector<16xi32>
      %gather3A_591 = tpu.vector_load_idx %arg10[%add3A_590, %select_n3A_341] : memref<3328x8xi32, #tpu.memory_space<vmem>>[vector<16xi32>, vector<16xi32>], vector<16xi32>,
      %bitcast3A_592 = vector.bitcast %gather3A_591 : vector<16xi32> to vector<32xbf16>
      %unpack3A_593 = tpu.unpack_subelements %bitcast3A_592, 0 {pack_format = #tpu.pack_format<interleaved>} : vector<32xbf16> -> vector<16xf32>
      %unpack3A_594 = tpu.unpack_subelements %bitcast3A_592, 1 {pack_format = #tpu.pack_format<interleaved>} : vector<32xbf16> -> vector<16xf32>
      %add3A_595 = arith.addf %add3A_582, %unpack3A_593 : vector<16xf32>
      %add3A_596 = arith.addf %add3A_583, %unpack3A_594 : vector<16xf32>
      %mul3A_597 = arith.mulf %unpack3A_593, %unpack3A_593 : vector<16xf32>
      %add3A_598 = arith.addf %add3A_585, %mul3A_597 : vector<16xf32>
      %mul3A_599 = arith.mulf %unpack3A_594, %unpack3A_594 : vector<16xf32>
      %add3A_600 = arith.addf %add3A_587, %mul3A_599 : vector<16xf32>
      %add3A_601 = arith.constant 2304 : i32
      %add3A_602 = vector.broadcast %add3A_601 : i32 to vector<16xi32>
      %add3A_603 = arith.addi %add3A_369, %add3A_602 : vector<16xi32>
      %gather3A_604 = tpu.vector_load_idx %arg10[%add3A_603, %select_n3A_341] : memref<3328x8xi32, #tpu.memory_space<vmem>>[vector<16xi32>, vector<16xi32>], vector<16xi32>,
      %bitcast3A_605 = vector.bitcast %gather3A_604 : vector<16xi32> to vector<32xbf16>
      %unpack3A_606 = tpu.unpack_subelements %bitcast3A_605, 0 {pack_format = #tpu.pack_format<interleaved>} : vector<32xbf16> -> vector<16xf32>
      %unpack3A_607 = tpu.unpack_subelements %bitcast3A_605, 1 {pack_format = #tpu.pack_format<interleaved>} : vector<32xbf16> -> vector<16xf32>
      %add3A_608 = arith.addf %add3A_595, %unpack3A_606 : vector<16xf32>
      %add3A_609 = arith.addf %add3A_596, %unpack3A_607 : vector<16xf32>
      %mul3A_610 = arith.mulf %unpack3A_606, %unpack3A_606 : vector<16xf32>
      %add3A_611 = arith.addf %add3A_598, %mul3A_610 : vector<16xf32>
      %mul3A_612 = arith.mulf %unpack3A_607, %unpack3A_607 : vector<16xf32>
      %add3A_613 = arith.addf %add3A_600, %mul3A_612 : vector<16xf32>
      %add3A_614 = arith.constant 2432 : i32
      %add3A_615 = vector.broadcast %add3A_614 : i32 to vector<16xi32>
      %add3A_616 = arith.addi %add3A_369, %add3A_615 : vector<16xi32>
      %gather3A_617 = tpu.vector_load_idx %arg10[%add3A_616, %select_n3A_341] : memref<3328x8xi32, #tpu.memory_space<vmem>>[vector<16xi32>, vector<16xi32>], vector<16xi32>,
      %bitcast3A_618 = vector.bitcast %gather3A_617 : vector<16xi32> to vector<32xbf16>
      %unpack3A_619 = tpu.unpack_subelements %bitcast3A_618, 0 {pack_format = #tpu.pack_format<interleaved>} : vector<32xbf16> -> vector<16xf32>
      %unpack3A_620 = tpu.unpack_subelements %bitcast3A_618, 1 {pack_format = #tpu.pack_format<interleaved>} : vector<32xbf16> -> vector<16xf32>
      %add3A_621 = arith.addf %add3A_608, %unpack3A_619 : vector<16xf32>
      %add3A_622 = arith.addf %add3A_609, %unpack3A_620 : vector<16xf32>
      %mul3A_623 = arith.mulf %unpack3A_619, %unpack3A_619 : vector<16xf32>
      %add3A_624 = arith.addf %add3A_611, %mul3A_623 : vector<16xf32>
      %mul3A_625 = arith.mulf %unpack3A_620, %unpack3A_620 : vector<16xf32>
      %add3A_626 = arith.addf %add3A_613, %mul3A_625 : vector<16xf32>
      %add3A_627 = arith.constant 2560 : i32
      %add3A_628 = vector.broadcast %add3A_627 : i32 to vector<16xi32>
      %add3A_629 = arith.addi %add3A_369, %add3A_628 : vector<16xi32>
      %gather3A_630 = tpu.vector_load_idx %arg10[%add3A_629, %select_n3A_341] : memref<3328x8xi32, #tpu.memory_space<vmem>>[vector<16xi32>, vector<16xi32>], vector<16xi32>,
      %bitcast3A_631 = vector.bitcast %gather3A_630 : vector<16xi32> to vector<32xbf16>
      %unpack3A_632 = tpu.unpack_subelements %bitcast3A_631, 0 {pack_format = #tpu.pack_format<interleaved>} : vector<32xbf16> -> vector<16xf32>
      %unpack3A_633 = tpu.unpack_subelements %bitcast3A_631, 1 {pack_format = #tpu.pack_format<interleaved>} : vector<32xbf16> -> vector<16xf32>
      %add3A_634 = arith.addf %add3A_621, %unpack3A_632 : vector<16xf32>
      %add3A_635 = arith.addf %add3A_622, %unpack3A_633 : vector<16xf32>
      %mul3A_636 = arith.mulf %unpack3A_632, %unpack3A_632 : vector<16xf32>
      %add3A_637 = arith.addf %add3A_624, %mul3A_636 : vector<16xf32>
      %mul3A_638 = arith.mulf %unpack3A_633, %unpack3A_633 : vector<16xf32>
      %add3A_639 = arith.addf %add3A_626, %mul3A_638 : vector<16xf32>
      %add3A_640 = arith.constant 2688 : i32
      %add3A_641 = vector.broadcast %add3A_640 : i32 to vector<16xi32>
      %add3A_642 = arith.addi %add3A_369, %add3A_641 : vector<16xi32>
      %gather3A_643 = tpu.vector_load_idx %arg10[%add3A_642, %select_n3A_341] : memref<3328x8xi32, #tpu.memory_space<vmem>>[vector<16xi32>, vector<16xi32>], vector<16xi32>,
      %bitcast3A_644 = vector.bitcast %gather3A_643 : vector<16xi32> to vector<32xbf16>
      %unpack3A_645 = tpu.unpack_subelements %bitcast3A_644, 0 {pack_format = #tpu.pack_format<interleaved>} : vector<32xbf16> -> vector<16xf32>
      %unpack3A_646 = tpu.unpack_subelements %bitcast3A_644, 1 {pack_format = #tpu.pack_format<interleaved>} : vector<32xbf16> -> vector<16xf32>
      %add3A_647 = arith.addf %add3A_634, %unpack3A_645 : vector<16xf32>
      %add3A_648 = arith.addf %add3A_635, %unpack3A_646 : vector<16xf32>
      %mul3A_649 = arith.mulf %unpack3A_645, %unpack3A_645 : vector<16xf32>
      %add3A_650 = arith.addf %add3A_637, %mul3A_649 : vector<16xf32>
      %mul3A_651 = arith.mulf %unpack3A_646, %unpack3A_646 : vector<16xf32>
      %add3A_652 = arith.addf %add3A_639, %mul3A_651 : vector<16xf32>
      %add3A_653 = arith.constant 2816 : i32
      %add3A_654 = vector.broadcast %add3A_653 : i32 to vector<16xi32>
      %add3A_655 = arith.addi %add3A_369, %add3A_654 : vector<16xi32>
      %gather3A_656 = tpu.vector_load_idx %arg10[%add3A_655, %select_n3A_341] : memref<3328x8xi32, #tpu.memory_space<vmem>>[vector<16xi32>, vector<16xi32>], vector<16xi32>,
      %bitcast3A_657 = vector.bitcast %gather3A_656 : vector<16xi32> to vector<32xbf16>
      %unpack3A_658 = tpu.unpack_subelements %bitcast3A_657, 0 {pack_format = #tpu.pack_format<interleaved>} : vector<32xbf16> -> vector<16xf32>
      %unpack3A_659 = tpu.unpack_subelements %bitcast3A_657, 1 {pack_format = #tpu.pack_format<interleaved>} : vector<32xbf16> -> vector<16xf32>
      %add3A_660 = arith.addf %add3A_647, %unpack3A_658 : vector<16xf32>
      %add3A_661 = arith.addf %add3A_648, %unpack3A_659 : vector<16xf32>
      %mul3A_662 = arith.mulf %unpack3A_658, %unpack3A_658 : vector<16xf32>
      %add3A_663 = arith.addf %add3A_650, %mul3A_662 : vector<16xf32>
      %mul3A_664 = arith.mulf %unpack3A_659, %unpack3A_659 : vector<16xf32>
      %add3A_665 = arith.addf %add3A_652, %mul3A_664 : vector<16xf32>
      %add3A_666 = arith.constant 2944 : i32
      %add3A_667 = vector.broadcast %add3A_666 : i32 to vector<16xi32>
      %add3A_668 = arith.addi %add3A_369, %add3A_667 : vector<16xi32>
      %gather3A_669 = tpu.vector_load_idx %arg10[%add3A_668, %select_n3A_341] : memref<3328x8xi32, #tpu.memory_space<vmem>>[vector<16xi32>, vector<16xi32>], vector<16xi32>,
      %bitcast3A_670 = vector.bitcast %gather3A_669 : vector<16xi32> to vector<32xbf16>
      %unpack3A_671 = tpu.unpack_subelements %bitcast3A_670, 0 {pack_format = #tpu.pack_format<interleaved>} : vector<32xbf16> -> vector<16xf32>
      %unpack3A_672 = tpu.unpack_subelements %bitcast3A_670, 1 {pack_format = #tpu.pack_format<interleaved>} : vector<32xbf16> -> vector<16xf32>
      %add3A_673 = arith.addf %add3A_660, %unpack3A_671 : vector<16xf32>
      %add3A_674 = arith.addf %add3A_661, %unpack3A_672 : vector<16xf32>
      %mul3A_675 = arith.mulf %unpack3A_671, %unpack3A_671 : vector<16xf32>
      %add3A_676 = arith.addf %add3A_663, %mul3A_675 : vector<16xf32>
      %mul3A_677 = arith.mulf %unpack3A_672, %unpack3A_672 : vector<16xf32>
      %add3A_678 = arith.addf %add3A_665, %mul3A_677 : vector<16xf32>
      %add3A_679 = arith.constant 3072 : i32
      %add3A_680 = vector.broadcast %add3A_679 : i32 to vector<16xi32>
      %add3A_681 = arith.addi %add3A_369, %add3A_680 : vector<16xi32>
      %gather3A_682 = tpu.vector_load_idx %arg10[%add3A_681, %select_n3A_341] : memref<3328x8xi32, #tpu.memory_space<vmem>>[vector<16xi32>, vector<16xi32>], vector<16xi32>,
      %bitcast3A_683 = vector.bitcast %gather3A_682 : vector<16xi32> to vector<32xbf16>
      %unpack3A_684 = tpu.unpack_subelements %bitcast3A_683, 0 {pack_format = #tpu.pack_format<interleaved>} : vector<32xbf16> -> vector<16xf32>
      %unpack3A_685 = tpu.unpack_subelements %bitcast3A_683, 1 {pack_format = #tpu.pack_format<interleaved>} : vector<32xbf16> -> vector<16xf32>
      %add3A_686 = arith.addf %add3A_673, %unpack3A_684 : vector<16xf32>
      %add3A_687 = arith.addf %add3A_674, %unpack3A_685 : vector<16xf32>
      %mul3A_688 = arith.mulf %unpack3A_684, %unpack3A_684 : vector<16xf32>
      %add3A_689 = arith.addf %add3A_676, %mul3A_688 : vector<16xf32>
      %mul3A_690 = arith.mulf %unpack3A_685, %unpack3A_685 : vector<16xf32>
      %add3A_691 = arith.addf %add3A_678, %mul3A_690 : vector<16xf32>
      %add3A_692 = arith.constant 3200 : i32
      %add3A_693 = vector.broadcast %add3A_692 : i32 to vector<16xi32>
      %add3A_694 = arith.addi %add3A_369, %add3A_693 : vector<16xi32>
      %gather3A_695 = tpu.vector_load_idx %arg10[%add3A_694, %select_n3A_341] : memref<3328x8xi32, #tpu.memory_space<vmem>>[vector<16xi32>, vector<16xi32>], vector<16xi32>,
      %bitcast3A_696 = vector.bitcast %gather3A_695 : vector<16xi32> to vector<32xbf16>
      %unpack3A_697 = tpu.unpack_subelements %bitcast3A_696, 0 {pack_format = #tpu.pack_format<interleaved>} : vector<32xbf16> -> vector<16xf32>
      %unpack3A_698 = tpu.unpack_subelements %bitcast3A_696, 1 {pack_format = #tpu.pack_format<interleaved>} : vector<32xbf16> -> vector<16xf32>
      %add3A_699 = arith.addf %add3A_686, %unpack3A_697 : vector<16xf32>
      %add3A_700 = arith.addf %add3A_687, %unpack3A_698 : vector<16xf32>
      %mul3A_701 = arith.mulf %unpack3A_697, %unpack3A_697 : vector<16xf32>
      %add3A_702 = arith.addf %add3A_689, %mul3A_701 : vector<16xf32>
      %mul3A_703 = arith.mulf %unpack3A_698, %unpack3A_698 : vector<16xf32>
      %add3A_704 = arith.addf %add3A_691, %mul3A_703 : vector<16xf32>
      %add3A_705 = vector.broadcast %mul3A_360 : i32 to vector<16xi32>
      %add3A_706 = arith.addi %add3A_705, %select_n3A_319 : vector<16xi32>
      %mul3A_707 = arith.constant 16 : i32
      %mul3A_708 = vector.broadcast %mul3A_707 : i32 to vector<16xi32>
      %mul3A_709 = arith.muli %add3A_706, %mul3A_708 : vector<16xi32>
      %mul3A_710 = arith.constant 2 : i32
      %mul3A_711 = vector.broadcast %mul3A_710 : i32 to vector<16xi32>
      %mul3A_712 = arith.muli %select_n3A_341, %mul3A_711 : vector<16xi32>
      %add3A_713 = arith.addi %mul3A_709, %mul3A_712 : vector<16xi32>
      %mul3A_714 = arith.mulf %add3A_699, %add3A_699 : vector<16xf32>
      %sub3A_715 = arith.subf %mul3A_714, %add3A_702 : vector<16xf32>
      %mul3A_716 = arith.constant 5.000000e-01 : f32
      %mul3A_717 = vector.broadcast %mul3A_716 : f32 to vector<16xf32>
      %mul3A_718 = arith.mulf %mul3A_717, %sub3A_715 : vector<16xf32>
      tpu.vector_store_idx %arg13[%add3A_713], %mul3A_718 : memref<2048xf32, #tpu.memory_space<vmem>>[vector<16xi32>], vector<16xf32>,
      %add3A_719 = arith.constant 1 : i32
      %add3A_720 = vector.broadcast %add3A_719 : i32 to vector<16xi32>
      %add3A_721 = arith.addi %add3A_713, %add3A_720 : vector<16xi32>
      %mul3A_722 = arith.mulf %add3A_700, %add3A_700 : vector<16xf32>
      %sub3A_723 = arith.subf %mul3A_722, %add3A_704 : vector<16xf32>
      %mul3A_724 = arith.constant 5.000000e-01 : f32
      %mul3A_725 = vector.broadcast %mul3A_724 : f32 to vector<16xf32>
      %mul3A_726 = arith.mulf %mul3A_725, %sub3A_723 : vector<16xf32>
      tpu.vector_store_idx %arg13[%add3A_721], %mul3A_726 : memref<2048xf32, #tpu.memory_space<vmem>>[vector<16xi32>], vector<16xf32>,
    }
    %scan3A_347 = arith.constant 64 : i32
    %scan3A_348 = arith.constant 0 : i32
    %scan3A_349 = arith.constant 0 : i32
    %scan3A_350 = arith.constant 8 : i32
    %scan3A_351 = arith.addi %scan3A_349, %scan3A_350 : i32
    %scan3A_352 = arith.constant 1 : i32
    scf.for %scan3A_358 = %scan3A_349 to %scan3A_351 step %scan3A_352  : i32 {
      %mul3A_359 = arith.constant 16 : i32
      %mul3A_360 = arith.muli %scan3A_358, %mul3A_359 : i32
      %get3A = arith.index_cast %mul3A_360 : i32 to index
      %get3A_361 = tpu.vector_load %arg12[%get3A] {strides = array<i32>} : memref<3328xf32, #tpu.memory_space<vmem>>, vector<16xf32>,
      %add3A_362 = arith.constant 128 : i32
      %add3A_363 = arith.addi %add3A_362, %mul3A_360 : i32
      %get3A_364 = arith.index_cast %add3A_363 : i32 to index
      %get3A_365 = tpu.vector_load %arg12[%get3A_364] {strides = array<i32>} : memref<3328xf32, #tpu.memory_space<vmem>>, vector<16xf32>,
      %add3A_366 = arith.addf %get3A_361, %get3A_365 : vector<16xf32>
      %add3A_367 = arith.constant 256 : i32
      %add3A_368 = arith.addi %add3A_367, %mul3A_360 : i32
      %get3A_369 = arith.index_cast %add3A_368 : i32 to index
      %get3A_370 = tpu.vector_load %arg12[%get3A_369] {strides = array<i32>} : memref<3328xf32, #tpu.memory_space<vmem>>, vector<16xf32>,
      %add3A_371 = arith.addf %add3A_366, %get3A_370 : vector<16xf32>
      %add3A_372 = arith.constant 384 : i32
      %add3A_373 = arith.addi %add3A_372, %mul3A_360 : i32
      %get3A_374 = arith.index_cast %add3A_373 : i32 to index
      %get3A_375 = tpu.vector_load %arg12[%get3A_374] {strides = array<i32>} : memref<3328xf32, #tpu.memory_space<vmem>>, vector<16xf32>,
      %add3A_376 = arith.addf %add3A_371, %get3A_375 : vector<16xf32>
      %add3A_377 = arith.constant 512 : i32
      %add3A_378 = arith.addi %add3A_377, %mul3A_360 : i32
      %get3A_379 = arith.index_cast %add3A_378 : i32 to index
      %get3A_380 = tpu.vector_load %arg12[%get3A_379] {strides = array<i32>} : memref<3328xf32, #tpu.memory_space<vmem>>, vector<16xf32>,
      %add3A_381 = arith.addf %add3A_376, %get3A_380 : vector<16xf32>
      %add3A_382 = arith.constant 640 : i32
      %add3A_383 = arith.addi %add3A_382, %mul3A_360 : i32
      %get3A_384 = arith.index_cast %add3A_383 : i32 to index
      %get3A_385 = tpu.vector_load %arg12[%get3A_384] {strides = array<i32>} : memref<3328xf32, #tpu.memory_space<vmem>>, vector<16xf32>,
      %add3A_386 = arith.addf %add3A_381, %get3A_385 : vector<16xf32>
      %add3A_387 = arith.constant 768 : i32
      %add3A_388 = arith.addi %add3A_387, %mul3A_360 : i32
      %get3A_389 = arith.index_cast %add3A_388 : i32 to index
      %get3A_390 = tpu.vector_load %arg12[%get3A_389] {strides = array<i32>} : memref<3328xf32, #tpu.memory_space<vmem>>, vector<16xf32>,
      %add3A_391 = arith.addf %add3A_386, %get3A_390 : vector<16xf32>
      %add3A_392 = arith.constant 896 : i32
      %add3A_393 = arith.addi %add3A_392, %mul3A_360 : i32
      %get3A_394 = arith.index_cast %add3A_393 : i32 to index
      %get3A_395 = tpu.vector_load %arg12[%get3A_394] {strides = array<i32>} : memref<3328xf32, #tpu.memory_space<vmem>>, vector<16xf32>,
      %add3A_396 = arith.addf %add3A_391, %get3A_395 : vector<16xf32>
      %add3A_397 = arith.constant 1024 : i32
      %add3A_398 = arith.addi %add3A_397, %mul3A_360 : i32
      %get3A_399 = arith.index_cast %add3A_398 : i32 to index
      %get3A_400 = tpu.vector_load %arg12[%get3A_399] {strides = array<i32>} : memref<3328xf32, #tpu.memory_space<vmem>>, vector<16xf32>,
      %add3A_401 = arith.addf %add3A_396, %get3A_400 : vector<16xf32>
      %add3A_402 = arith.constant 1152 : i32
      %add3A_403 = arith.addi %add3A_402, %mul3A_360 : i32
      %get3A_404 = arith.index_cast %add3A_403 : i32 to index
      %get3A_405 = tpu.vector_load %arg12[%get3A_404] {strides = array<i32>} : memref<3328xf32, #tpu.memory_space<vmem>>, vector<16xf32>,
      %add3A_406 = arith.addf %add3A_401, %get3A_405 : vector<16xf32>
      %add3A_407 = arith.constant 1280 : i32
      %add3A_408 = arith.addi %add3A_407, %mul3A_360 : i32
      %get3A_409 = arith.index_cast %add3A_408 : i32 to index
      %get3A_410 = tpu.vector_load %arg12[%get3A_409] {strides = array<i32>} : memref<3328xf32, #tpu.memory_space<vmem>>, vector<16xf32>,
      %add3A_411 = arith.addf %add3A_406, %get3A_410 : vector<16xf32>
      %add3A_412 = arith.constant 1408 : i32
      %add3A_413 = arith.addi %add3A_412, %mul3A_360 : i32
      %get3A_414 = arith.index_cast %add3A_413 : i32 to index
      %get3A_415 = tpu.vector_load %arg12[%get3A_414] {strides = array<i32>} : memref<3328xf32, #tpu.memory_space<vmem>>, vector<16xf32>,
      %add3A_416 = arith.addf %add3A_411, %get3A_415 : vector<16xf32>
      %add3A_417 = arith.constant 1536 : i32
      %add3A_418 = arith.addi %add3A_417, %mul3A_360 : i32
      %get3A_419 = arith.index_cast %add3A_418 : i32 to index
      %get3A_420 = tpu.vector_load %arg12[%get3A_419] {strides = array<i32>} : memref<3328xf32, #tpu.memory_space<vmem>>, vector<16xf32>,
      %add3A_421 = arith.addf %add3A_416, %get3A_420 : vector<16xf32>
      %add3A_422 = arith.constant 1664 : i32
      %add3A_423 = arith.addi %add3A_422, %mul3A_360 : i32
      %get3A_424 = arith.index_cast %add3A_423 : i32 to index
      %get3A_425 = tpu.vector_load %arg12[%get3A_424] {strides = array<i32>} : memref<3328xf32, #tpu.memory_space<vmem>>, vector<16xf32>,
      %add3A_426 = arith.addf %add3A_421, %get3A_425 : vector<16xf32>
      %add3A_427 = arith.constant 1792 : i32
      %add3A_428 = arith.addi %add3A_427, %mul3A_360 : i32
      %get3A_429 = arith.index_cast %add3A_428 : i32 to index
      %get3A_430 = tpu.vector_load %arg12[%get3A_429] {strides = array<i32>} : memref<3328xf32, #tpu.memory_space<vmem>>, vector<16xf32>,
      %add3A_431 = arith.addf %add3A_426, %get3A_430 : vector<16xf32>
      %add3A_432 = arith.constant 1920 : i32
      %add3A_433 = arith.addi %add3A_432, %mul3A_360 : i32
      %get3A_434 = arith.index_cast %add3A_433 : i32 to index
      %get3A_435 = tpu.vector_load %arg12[%get3A_434] {strides = array<i32>} : memref<3328xf32, #tpu.memory_space<vmem>>, vector<16xf32>,
      %add3A_436 = arith.addf %add3A_431, %get3A_435 : vector<16xf32>
      %add3A_437 = arith.constant 2048 : i32
      %add3A_438 = arith.addi %add3A_437, %mul3A_360 : i32
      %get3A_439 = arith.index_cast %add3A_438 : i32 to index
      %get3A_440 = tpu.vector_load %arg12[%get3A_439] {strides = array<i32>} : memref<3328xf32, #tpu.memory_space<vmem>>, vector<16xf32>,
      %add3A_441 = arith.addf %add3A_436, %get3A_440 : vector<16xf32>
      %add3A_442 = arith.constant 2176 : i32
      %add3A_443 = arith.addi %add3A_442, %mul3A_360 : i32
      %get3A_444 = arith.index_cast %add3A_443 : i32 to index
      %get3A_445 = tpu.vector_load %arg12[%get3A_444] {strides = array<i32>} : memref<3328xf32, #tpu.memory_space<vmem>>, vector<16xf32>,
      %add3A_446 = arith.addf %add3A_441, %get3A_445 : vector<16xf32>
      %add3A_447 = arith.constant 2304 : i32
      %add3A_448 = arith.addi %add3A_447, %mul3A_360 : i32
      %get3A_449 = arith.index_cast %add3A_448 : i32 to index
      %get3A_450 = tpu.vector_load %arg12[%get3A_449] {strides = array<i32>} : memref<3328xf32, #tpu.memory_space<vmem>>, vector<16xf32>,
      %add3A_451 = arith.addf %add3A_446, %get3A_450 : vector<16xf32>
      %add3A_452 = arith.constant 2432 : i32
      %add3A_453 = arith.addi %add3A_452, %mul3A_360 : i32
      %get3A_454 = arith.index_cast %add3A_453 : i32 to index
      %get3A_455 = tpu.vector_load %arg12[%get3A_454] {strides = array<i32>} : memref<3328xf32, #tpu.memory_space<vmem>>, vector<16xf32>,
      %add3A_456 = arith.addf %add3A_451, %get3A_455 : vector<16xf32>
      %add3A_457 = arith.constant 2560 : i32
      %add3A_458 = arith.addi %add3A_457, %mul3A_360 : i32
      %get3A_459 = arith.index_cast %add3A_458 : i32 to index
      %get3A_460 = tpu.vector_load %arg12[%get3A_459] {strides = array<i32>} : memref<3328xf32, #tpu.memory_space<vmem>>, vector<16xf32>,
      %add3A_461 = arith.addf %add3A_456, %get3A_460 : vector<16xf32>
      %add3A_462 = arith.constant 2688 : i32
      %add3A_463 = arith.addi %add3A_462, %mul3A_360 : i32
      %get3A_464 = arith.index_cast %add3A_463 : i32 to index
      %get3A_465 = tpu.vector_load %arg12[%get3A_464] {strides = array<i32>} : memref<3328xf32, #tpu.memory_space<vmem>>, vector<16xf32>,
      %add3A_466 = arith.addf %add3A_461, %get3A_465 : vector<16xf32>
      %add3A_467 = arith.constant 2816 : i32
      %add3A_468 = arith.addi %add3A_467, %mul3A_360 : i32
      %get3A_469 = arith.index_cast %add3A_468 : i32 to index
      %get3A_470 = tpu.vector_load %arg12[%get3A_469] {strides = array<i32>} : memref<3328xf32, #tpu.memory_space<vmem>>, vector<16xf32>,
      %add3A_471 = arith.addf %add3A_466, %get3A_470 : vector<16xf32>
      %add3A_472 = arith.constant 2944 : i32
      %add3A_473 = arith.addi %add3A_472, %mul3A_360 : i32
      %get3A_474 = arith.index_cast %add3A_473 : i32 to index
      %get3A_475 = tpu.vector_load %arg12[%get3A_474] {strides = array<i32>} : memref<3328xf32, #tpu.memory_space<vmem>>, vector<16xf32>,
      %add3A_476 = arith.addf %add3A_471, %get3A_475 : vector<16xf32>
      %add3A_477 = arith.constant 3072 : i32
      %add3A_478 = arith.addi %add3A_477, %mul3A_360 : i32
      %get3A_479 = arith.index_cast %add3A_478 : i32 to index
      %get3A_480 = tpu.vector_load %arg12[%get3A_479] {strides = array<i32>} : memref<3328xf32, #tpu.memory_space<vmem>>, vector<16xf32>,
      %add3A_481 = arith.addf %add3A_476, %get3A_480 : vector<16xf32>
      %add3A_482 = arith.constant 3200 : i32
      %add3A_483 = arith.addi %add3A_482, %mul3A_360 : i32
      %get3A_484 = arith.index_cast %add3A_483 : i32 to index
      %get3A_485 = tpu.vector_load %arg12[%get3A_484] {strides = array<i32>} : memref<3328xf32, #tpu.memory_space<vmem>>, vector<16xf32>,
      %add3A_486 = arith.addf %add3A_481, %get3A_485 : vector<16xf32>
      %swap3A = arith.index_cast %mul3A_360 : i32 to index
      %swap3A_487 = tpu.vector_load %arg14[%swap3A] {strides = array<i32>} : memref<128xf32, #tpu.memory_space<vmem>>, vector<16xf32>,
      tpu.vector_store %arg14[%swap3A], %add3A_486 {strides = array<i32>} : memref<128xf32, #tpu.memory_space<vmem>>, vector<16xf32>,
    }
    %scan3A_353 = arith.constant 8 : i32
    %mul3A_354 = arith.constant 16 : i32
    %mul3A_355 = arith.muli %add3A_282, %mul3A_354 : i32
    %multiple_of3A_356 = tpu.assume_multiple %mul3A_355, 8 : i32
    "tpu.region"() ({
      %run_scoped3A = tpu.sem_alloc : memref<!tpu.dma_semaphore, #tpu.memory_space<semaphore_mem>>
      %dma_start3A_358 = tpu.memref_slice %arg5[%multiple_of3A_356] : memref<262144xf32, #tpu.memory_space<hbm>> -> memref<2048xf32, #tpu.memory_space<hbm>>
      %dma_start3A_359 = tpu.memref_slice %arg5[%multiple_of3A_356] : memref<262144xf32, #tpu.memory_space<hbm>> -> memref<2048xf32, #tpu.memory_space<hbm>>
      tpu.enqueue_dma source(%arg13 : memref<2048xf32, #tpu.memory_space<vmem>>) target(%dma_start3A_359 : memref<2048xf32, #tpu.memory_space<hbm>>) target_semaphore(%run_scoped3A : memref<!tpu.dma_semaphore, #tpu.memory_space<semaphore_mem>>)
      %dma_wait3A_360 = tpu.memref_slice %arg5[%multiple_of3A_356] : memref<262144xf32, #tpu.memory_space<hbm>> -> memref<2048xf32, #tpu.memory_space<hbm>>
      %dma_wait3A_361 = tpu.memref_slice %arg5[%multiple_of3A_356] : memref<262144xf32, #tpu.memory_space<hbm>> -> memref<2048xf32, #tpu.memory_space<hbm>>
      tpu.wait_dma2 semaphore(%run_scoped3A : memref<!tpu.dma_semaphore, #tpu.memory_space<semaphore_mem>>) src(%arg13 : memref<2048xf32, #tpu.memory_space<vmem>>) dst(%dma_wait3A_361 : memref<2048xf32, #tpu.memory_space<hbm>>)
      tpu.yield
    }) : () -> ()
    %multiple_of3A_357 = tpu.assume_multiple %add3A_282, 8 : i32
    "tpu.region"() ({
      %run_scoped3A = tpu.sem_alloc : memref<!tpu.dma_semaphore, #tpu.memory_space<semaphore_mem>>
      %dma_start3A_358 = tpu.memref_slice %arg6[%multiple_of3A_357] : memref<16384xf32, #tpu.memory_space<hbm>> -> memref<128xf32, #tpu.memory_space<hbm>>
      %dma_start3A_359 = tpu.memref_slice %arg6[%multiple_of3A_357] : memref<16384xf32, #tpu.memory_space<hbm>> -> memref<128xf32, #tpu.memory_space<hbm>>
      tpu.enqueue_dma source(%arg14 : memref<128xf32, #tpu.memory_space<vmem>>) target(%dma_start3A_359 : memref<128xf32, #tpu.memory_space<hbm>>) target_semaphore(%run_scoped3A : memref<!tpu.dma_semaphore, #tpu.memory_space<semaphore_mem>>)
      %dma_wait3A_360 = tpu.memref_slice %arg6[%multiple_of3A_357] : memref<16384xf32, #tpu.memory_space<hbm>> -> memref<128xf32, #tpu.memory_space<hbm>>
      %dma_wait3A_361 = tpu.memref_slice %arg6[%multiple_of3A_357] : memref<16384xf32, #tpu.memory_space<hbm>> -> memref<128xf32, #tpu.memory_space<hbm>>
      tpu.wait_dma2 semaphore(%run_scoped3A : memref<!tpu.dma_semaphore, #tpu.memory_space<semaphore_mem>>) src(%arg14 : memref<128xf32, #tpu.memory_space<vmem>>) dst(%dma_wait3A_361 : memref<128xf32, #tpu.memory_space<hbm>>)
      tpu.yield
    }) : () -> ()
    return
  }
}

module attributes {stable_mosaic.version = 14 : i64} {
  func.func @_mlp_tc(%arg0: i32, %arg1: memref<2048x16xf32, #tpu.memory_space<vmem>>, %arg2: memref<2048xf32, #tpu.memory_space<vmem>>, %arg3: memref<16x128xf32, #tpu.memory_space<vmem>>, %arg4: memref<128xf32, #tpu.memory_space<vmem>>, %arg5: memref<128x64xf32, #tpu.memory_space<vmem>>, %arg6: memref<64xf32, #tpu.memory_space<vmem>>, %arg7: memref<64x1xf32, #tpu.memory_space<vmem>>, %arg8: memref<1xf32, #tpu.memory_space<smem>>, %arg9: memref<2048xf32, #tpu.memory_space<vmem>>) attributes {dimension_semantics = [#tpu.dimension_semantics<arbitrary>], iteration_bounds = array<i64: 8>, scalar_prefetch = 0 : i64, scratch_operands = 0 : i64, tpu.core_type = #tpu.core_type<tc>, window_params = [{transform_indices = @transform_0, window_bounds = array<i64: 2048, 16>}, {transform_indices = @transform_1, window_bounds = array<i64: 2048>}, {pipeline_mode = #tpu.pipeline_mode<synchronous>, transform_indices = @transform_2, window_bounds = array<i64: 16, 128>}, {pipeline_mode = #tpu.pipeline_mode<synchronous>, transform_indices = @transform_3, window_bounds = array<i64: 128>}, {pipeline_mode = #tpu.pipeline_mode<synchronous>, transform_indices = @transform_4, window_bounds = array<i64: 128, 64>}, {pipeline_mode = #tpu.pipeline_mode<synchronous>, transform_indices = @transform_5, window_bounds = array<i64: 64>}, {pipeline_mode = #tpu.pipeline_mode<synchronous>, transform_indices = @transform_6, window_bounds = array<i64: 64, 1>}, {transform_indices = @transform_7, window_bounds = array<i64: 1>}, {transform_indices = @transform_8, window_bounds = array<i64: 2048>}]} {
    %get3A = arith.constant 0 : index
    %get3A_0 = arith.constant 0 : index
    %get3A_1 = vector.load %arg1[%get3A, %get3A_0] : memref<2048x16xf32, #tpu.memory_space<vmem>>, vector<2048x16xf32>
    %get3A_2 = arith.constant 0 : index
    %get3A_3 = arith.constant 0 : index
    %get3A_4 = vector.load %arg3[%get3A_2, %get3A_3] : memref<16x128xf32, #tpu.memory_space<vmem>>, vector<16x128xf32>
    %dot_general3A = arith.constant dense<0.000000e+00> : vector<2048x128xf32>
    %dot_general3A_5 = tpu.matmul %get3A_1, %get3A_4, %dot_general3A {dimension_numbers = #tpu.dot_dimension_numbers<[1], [0], [0], [1], [0, 0, 1, 1], [], []>, transpose_lhs_hint = false} : vector<2048x16xf32>, vector<16x128xf32>, vector<2048x128xf32> -> vector<2048x128xf32>
    %get3A_6 = arith.constant 0 : index
    %get3A_7 = vector.load %arg4[%get3A_6] : memref<128xf32, #tpu.memory_space<vmem>>, vector<128xf32>
    %broadcast_in_dim3A = vector.shape_cast %get3A_7 : vector<128xf32> to vector<1x128xf32>
    %add3A = vector.broadcast %broadcast_in_dim3A : vector<1x128xf32> to vector<2048x128xf32>
    %add3A_8 = arith.addf %dot_general3A_5, %add3A : vector<2048x128xf32>
    %max3A = arith.constant 0.000000e+00 : f32
    %max3A_9 = vector.broadcast %max3A : f32 to vector<2048x128xf32>
    %max3A_10 = arith.maximumf %add3A_8, %max3A_9 : vector<2048x128xf32>
    %get3A_11 = arith.constant 0 : index
    %get3A_12 = arith.constant 0 : index
    %get3A_13 = vector.load %arg5[%get3A_11, %get3A_12] : memref<128x64xf32, #tpu.memory_space<vmem>>, vector<128x64xf32>
    %dot_general3A_14 = arith.constant dense<0.000000e+00> : vector<2048x64xf32>
    %dot_general3A_15 = tpu.matmul %max3A_10, %get3A_13, %dot_general3A_14 {dimension_numbers = #tpu.dot_dimension_numbers<[1], [0], [0], [1], [0, 0, 1, 1], [], []>, transpose_lhs_hint = false} : vector<2048x128xf32>, vector<128x64xf32>, vector<2048x64xf32> -> vector<2048x64xf32>
    %get3A_16 = arith.constant 0 : index
    %get3A_17 = vector.load %arg6[%get3A_16] : memref<64xf32, #tpu.memory_space<vmem>>, vector<64xf32>
    %broadcast_in_dim3A_18 = vector.shape_cast %get3A_17 : vector<64xf32> to vector<1x64xf32>
    %add3A_19 = vector.broadcast %broadcast_in_dim3A_18 : vector<1x64xf32> to vector<2048x64xf32>
    %add3A_20 = arith.addf %dot_general3A_15, %add3A_19 : vector<2048x64xf32>
    %max3A_21 = arith.constant 0.000000e+00 : f32
    %max3A_22 = vector.broadcast %max3A_21 : f32 to vector<2048x64xf32>
    %max3A_23 = arith.maximumf %add3A_20, %max3A_22 : vector<2048x64xf32>
    %get3A_24 = arith.constant 0 : index
    %get3A_25 = arith.constant 0 : index
    %get3A_26 = vector.load %arg7[%get3A_24, %get3A_25] : memref<64x1xf32, #tpu.memory_space<vmem>>, vector<64x1xf32>
    %dot_general3A_27 = arith.constant dense<0.000000e+00> : vector<2048x1xf32>
    %dot_general3A_28 = tpu.matmul %max3A_23, %get3A_26, %dot_general3A_27 {dimension_numbers = #tpu.dot_dimension_numbers<[1], [0], [0], [1], [0, 0, 1, 1], [], []>, transpose_lhs_hint = false} : vector<2048x64xf32>, vector<64x1xf32>, vector<2048x1xf32> -> vector<2048x1xf32>
    %squeeze3A = vector.shape_cast %dot_general3A_28 : vector<2048x1xf32> to vector<2048xf32>
    %get3A_29 = arith.constant 0 : index
    %get3A_30 = vector.load %arg2[%get3A_29] : memref<2048xf32, #tpu.memory_space<vmem>>, vector<2048xf32>
    %add3A_31 = arith.addf %squeeze3A, %get3A_30 : vector<2048xf32>
    %get3A_32 = arith.constant 0 : index
    %get3A_33 = memref.load %arg8[%get3A_32] : memref<1xf32, #tpu.memory_space<smem>>
    %add3A_34 = vector.broadcast %get3A_33 : f32 to vector<2048xf32>
    %add3A_35 = arith.addf %add3A_31, %add3A_34 : vector<2048xf32>
    %logistic3A = arith.negf %add3A_35 : vector<2048xf32>
    %logistic3A_36 = math.exp %logistic3A : vector<2048xf32>
    %logistic3A_37 = arith.constant 1.000000e+00 : f32
    %logistic3A_38 = vector.broadcast %logistic3A_37 : f32 to vector<2048xf32>
    %logistic3A_39 = arith.addf %logistic3A_38, %logistic3A_36 : vector<2048xf32>
    %logistic3A_40 = arith.divf %logistic3A_38, %logistic3A_39 : vector<2048xf32>
    %swap3A = arith.constant 0 : index
    %swap3A_41 = vector.load %arg9[%swap3A] : memref<2048xf32, #tpu.memory_space<vmem>>, vector<2048xf32>
    tpu.vector_store %arg9[%swap3A], %logistic3A_40 {strides = array<i32>} : memref<2048xf32, #tpu.memory_space<vmem>>, vector<2048xf32>,
    return
  }
  func.func @transform_0(%arg0: i32) -> (i32, i32) {
    %c0_i32 = arith.constant 0 : i32
    %c0_i32_0 = arith.constant 0 : i32
    return %arg0, %c0_i32 : i32, i32
  }
  func.func @transform_1(%arg0: i32) -> i32 {
    %c0_i32 = arith.constant 0 : i32
    return %arg0 : i32
  }
  func.func @transform_2(%arg0: i32) -> (i32, i32) {
    %c0_i32 = arith.constant 0 : i32
    %c0_i32_0 = arith.constant 0 : i32
    %c0_i32_1 = arith.constant 0 : i32
    return %c0_i32, %c0_i32_0 : i32, i32
  }
  func.func @transform_3(%arg0: i32) -> i32 {
    %c0_i32 = arith.constant 0 : i32
    %c0_i32_0 = arith.constant 0 : i32
    return %c0_i32 : i32
  }
  func.func @transform_4(%arg0: i32) -> (i32, i32) {
    %c0_i32 = arith.constant 0 : i32
    %c0_i32_0 = arith.constant 0 : i32
    %c0_i32_1 = arith.constant 0 : i32
    return %c0_i32, %c0_i32_0 : i32, i32
  }
  func.func @transform_5(%arg0: i32) -> i32 {
    %c0_i32 = arith.constant 0 : i32
    %c0_i32_0 = arith.constant 0 : i32
    return %c0_i32 : i32
  }
  func.func @transform_6(%arg0: i32) -> (i32, i32) {
    %c0_i32 = arith.constant 0 : i32
    %c0_i32_0 = arith.constant 0 : i32
    %c0_i32_1 = arith.constant 0 : i32
    return %c0_i32, %c0_i32_0 : i32, i32
  }
  func.func @transform_7(%arg0: i32) -> i32 {
    %c0_i32 = arith.constant 0 : i32
    %c0_i32_0 = arith.constant 0 : i32
    return %c0_i32 : i32
  }
  func.func @transform_8(%arg0: i32) -> i32 {
    %c0_i32 = arith.constant 0 : i32
    return %arg0 : i32
  }
}

</mosaic_0001>

<sc_bundles>
// kernel: kernel.5.cloned.1.call-start
scs
__scs_entry_jumppad:
0x0: {  	(pc) =	sbr.rel $0x88, $3  }
0x1: {  	(tag) =	ssettag $0x0;
	lr =	simm.s32 $0x1  }
0x2: {  	[smem:$0x3F97] =	sst lr;
	_ =	strace $0xD0000000  }
0x3: {  	_ = 	snop  }
0x4: {  	_ = 	snop  }
0x5: {  	_ = 	snop  }
0x6: {  	_ = 	snop  }
0x7: {  	_ = 	snop  }
__scs_overlays_trampoline_lowered:
0x8: {  	[smem:$0x3FA6] =	sst s0  }
0x9: {  	[smem:$0x3FA7] =	sst s1  }
0xa: {  	[smem:$0x3FA8] =	sst s2  }
0xb: {  	[smem:$0x3FA9] =	sst s3  }
0xc: {  	[smem:$0x3FAA] =	sst s4  }
0xd: {  	[smem:$0x3FAB] =	sst s5  }
0xe: {  	[smem:$0x3FAC] =	sst s6  }
0xf: {  	[smem:$0x3FAD] =	sst s7  }
0x10: {  	[smem:$0x3FAE] =	sst s8  }
0x11: {  	[smem:$0x3FAF] =	sst s9;
	s0 =	simm.s32 @!p0 $0x0  }
0x12: {  	s1 =	sld [smem:$0x3F95];
	s0 =	simm.s32 @p0 $0x1  }
0x13: {  	[smem:$0x3FB0] =	sst s0;
	s0 =	simm.s32 @!p1 $0x0  }
0x14: {  	s2 =	sld [smem:$0x3F94];
	s0 =	simm.s32 @p1 $0x1  }
0x15: {  	[smem:$0x3FB1] =	sst s0;
	s0 =	simm.s32 @!p2 $0x0  }
0x16: {  	s3 =	sld [smem:$0x3FDB];
	s0 =	simm.s32 @p2 $0x1  }
0x17: {  	s4 =	simm.s32 $0x1BF5;
	[smem:$0x3FB3] =	sst s0  }
0x18: {  	s0 =	sld [smem:$0x3F96];
	_ =	swait.ge [sflag:s4], $0x0  }
0x19: {  	s7 =	sld [smem:$0x3F97]  }
0x1a: {  	s8 =	sadd.s32 $0xFFFFE003, lr  }
0x1b: {  	s9 =	sadd.s32 $0xFFFFFEF7, lr;
	s5 =	simm.s32 $0xFFFFFFFF;
	p2 =	slt.u32 s8, $0xFFFFF086  }
0x1c: {  	p1 =	slt.u32 s9, $0xF7A;
	s5 =	simm.s32 @!p2 $0x0  }
0x1d: {  	s5 =	simm.s32 @p1 $0x1;
	p0 =	seq.s32 s7, s2  }
0x1e: {  	s7 =	smul.u32 @!p0 $0xF7A, s2;
	p2 =	seq.s32 @!p0 s5, $0x0  }
0x1f: {  	s9 =	smul.u32 $0xF7A, s1;
	s8 =	simm.s32 @!p0 $0x1BF5;
	p2 =	por !p2, p0  }
0x20: {  	[sflag:s8] =	ssyncset.s32 @!p0 $0xFFFFF086;
	s6 =	sadd.s32 @!p0 s3, s7;
	s7 =	simm.s32 @!p0 $0x108  }
0x21: {  	s3 =	sadd.s32 s3, s9;
	s6 =	sadd.s32 @!p0 $0x88, s6;
	s7 =	simm.s32 @p2 $0x1082  }
0x22: {  	[simem:s7], [sflag:s8] =	dma.local @!p0 [hbm:s6], $0xF7A  }
0x23: {  	s9 =	sor.u32 $0xD0000000, s2;
	s6 =	simm.s32 $0x108;
	_ =	swait.ge @!p0 [sflag:s8], $0x0  }
0x24: {  	s3 =	sadd.s32 $0x88, s3;
	s6 =	simm.s32 @!p1 $0x1082;
	[sflag:s4] =	ssyncset.s32 $0xFFFFF086  }
0x25: {  	[simem:s6], [sflag:s4] =	dma.local [hbm:s3], $0xF7A  }
0x26: {  	[smem:$0x3F97] =	sst s1;
	(tag) =	ssettag s2;
	_ =	strace s9  }
0x27: {  	s1 =	sld [smem:$0x3FA7]  }
0x28: {  	s2 =	sld [smem:$0x3FA8]  }
0x29: {  	s4 =	sld [smem:$0x3FAA]  }
0x2a: {  	p0 =	seq.s32 s5, $0x0;
	s5 =	sld [smem:$0x3FAB]  }
0x2b: {  	s6 =	sld [smem:$0x3FAC]  }
0x2c: {  	s7 =	sld [smem:$0x3FAD]  }
0x2d: {  	s3 =	simm.s32 $0x108;
	s8 =	sld [smem:$0x3FAE]  }
0x2e: {  	s3 =	simm.s32 @!p0 $0x1082;
	s9 =	sld [smem:$0x3FAF]  }
0x2f: {  	lr =	sadd.s32 s0, s3;
	s0 =	sld [smem:$0x3FA6]  }
0x30: {  	s3 =	sld [smem:$0x3FA9]  }
0x31: {  	[smem:$0x3FB2] =	sst s10  }
0x32: {  	s10 =	sld [smem:$0x3FB0];
	_ =	sdelay $0x3  }
0x33: {  	p0 =	seq.s32 s10, $0x1;
	s10 =	sld [smem:$0x3FB2];
	_ =	sdelay $0x3  }
0x34: {  	[smem:$0x3FB2] =	sst s10  }
0x35: {  	s10 =	sld [smem:$0x3FB1];
	_ =	sdelay $0x3  }
0x36: {  	p1 =	seq.s32 s10, $0x1;
	s10 =	sld [smem:$0x3FB2];
	_ =	sdelay $0x3  }
0x37: {  	[smem:$0x3FB2] =	sst s10  }
0x38: {  	s10 =	sld [smem:$0x3FB3]  }
0x39: {  	_ = 	snop;
	(pc) =	sbr.ind lr, $3  }
0x3a: {  	_ = 	snop  }
0x3b: {  	_ = 	snop  }
0x3c: {  	p2 =	seq.s32 s10, $0x1;
	s10 =	sld [smem:$0x3FB2]  }
0x3d: {  	_ =	shalt  }
0x3e: {  	_ =	shalt  }
0x3f: {  	_ =	shalt  }
0x40: {  	_ =	shalt  }
0x41: {  	_ =	shalt  }
0x42: {  	_ =	shalt  }
0x43: {  	_ =	shalt  }
0x44: {  	_ =	shalt  }
0x45: {  	_ =	shalt  }
0x46: {  	_ =	shalt  }
0x47: {  	_ =	shalt  }
0x48: {  	_ =	shalt  }
0x49: {  	_ =	shalt  }
0x4a: {  	_ =	shalt  }
0x4b: {  	_ =	shalt  }
0x4c: {  	_ =	shalt  }
0x4d: {  	_ =	shalt  }
0x4e: {  	_ =	shalt  }
0x4f: {  	_ =	shalt  }
0x50: {  	_ =	shalt  }
0x51: {  	_ =	shalt  }
0x52: {  	_ =	shalt  }
0x53: {  	_ =	shalt  }
0x54: {  	_ =	shalt  }
0x55: {  	_ =	shalt  }
0x56: {  	_ =	shalt  }
0x57: {  	_ =	shalt  }
0x58: {  	_ =	shalt  }
0x59: {  	_ =	shalt  }
0x5a: {  	_ =	shalt  }
0x5b: {  	_ =	shalt  }
0x5c: {  	_ =	shalt  }
0x5d: {  	_ =	shalt  }
0x5e: {  	_ =	shalt  }
0x5f: {  	_ =	shalt  }
0x60: {  	_ =	shalt  }
0x61: {  	_ =	shalt  }
0x62: {  	_ =	shalt  }
0x63: {  	_ =	shalt  }
0x64: {  	_ =	shalt  }
0x65: {  	_ =	shalt  }
0x66: {  	_ =	shalt  }
0x67: {  	_ =	shalt  }
0x68: {  	_ =	shalt  }
0x69: {  	_ =	shalt  }
0x6a: {  	_ =	shalt  }
0x6b: {  	_ =	shalt  }
0x6c: {  	_ =	shalt  }
0x6d: {  	_ =	shalt  }
0x6e: {  	_ =	shalt  }
0x6f: {  	_ =	shalt  }
0x70: {  	_ =	shalt  }
0x71: {  	_ =	shalt  }
0x72: {  	_ =	shalt  }
0x73: {  	_ =	shalt  }
0x74: {  	_ =	shalt  }
0x75: {  	_ =	shalt  }
0x76: {  	_ =	shalt  }
0x77: {  	_ =	shalt  }
0x78: {  	_ =	shalt  }
0x79: {  	_ =	shalt  }
0x7a: {  	_ =	shalt  }
0x7b: {  	_ =	shalt  }
0x7c: {  	_ =	shalt  }
0x7d: {  	_ =	shalt  }
0x7e: {  	_ =	shalt  }
0x7f: {  	_ =	shalt  }
0x80: {  	_ =	shalt  }
0x81: {  	_ =	shalt  }
0x82: {  	_ =	shalt  }
0x83: {  	_ =	shalt  }
0x84: {  	_ =	shalt  }
0x85: {  	_ =	shalt  }
0x86: {  	_ =	shalt  }
0x87: {  	_ =	shalt  }
.Lfunc_end0:
.L_simem_size_0:
called_computation_lowered:
.L_overlay_start_0:
0x88: {  	s2 =	sld [smem:$0x3FD9]  }
0x89: {  	s3 =	sld [smem:$0x3FFE];
	_ =	sdelay $0x1  }
0x8a: {  	s1 =	srdreg.scid  }
0x8b: {  	s0 =	sand.u32 $0x1, s1  }
0x8c: {  	s17 =	sshll.u32 s0, $0xA;
	s2 =	sadd.s32 s3, s2  }
0x8d: {  	s2 =	sadd.s32 s2, s17  }
0x8e: {  	[smem:$0x3FBE] =	sst s2  }
0x8f: {  	_ = 	snop  }
0x90: {  	s2 =	sld [smem:$0x3FC8]  }
0x91: {  	s18 =	sld [smem:$0x3FD0];
	(tm) =	ssettm $0x1  }
0x92: {  	s4 =	sld [smem:$0x3FFB];
	_ =	sdelay $0x3  }
0x93: {  	_ =	strace s4  }
0x94: {  	s4 =	sld [smem:$0x3FFC];
	_ =	sdelay $0x3  }
0x95: {  	_ =	strace s4  }
0x96: {  	s4 =	sld [smem:$0x3FFD];
	_ =	sdelay $0x3  }
0x97: {  	_ =	strace s4  }
0x98: {  	_ =	strace $0x8FFFFFFF  }
0x99: {  	s19 =	sld [smem:$0x3FDB];
	_ =	sdelay $0x1  }
0x9a: {  	s5 =	simm.s32 $_scs_section_size  }
0x9b: {  	s6 =	simm.s32 $_size__tile_overlayer_lowered;
	s7 =	simm.s32 $_tile_overlayer_lowered  }
0x9c: {  	s22 =	simm.s32 $0x1BFF;
	s21 =	sshll.u32 s7, $0x1;
	s4 =	sadd.s32 s5, s19  }
0x9d: {  	s8 =	simm.s32 $0x0;
	s20 =	sshll.u32 s6, $0x1;
	s6 =	sadd.s32 s21, s4  }
0x9e: {  	[timem:s8], [sflag:s22] =	dma.local [hbm:s6], s20  }
0x9f: {  	_ =	swait.ge [sflag:s22], s20  }
0xa0: {  	s5 =	ssub.s32 $0x0, s20;
	[sflag:s22] =	ssyncset.done $0x0  }
0xa1: {  	[sflag:s22] =	ssyncadd.s32 s5;
	_ =	sdelay $0x1  }
0xa2: {  	s23 =	simm.s32 $0x1B8B  }
0xa3: {  	_ =	swait.ge [sflag:s23], $0x1  }
0xa4: {  	[sflag:s23] =	ssyncset.done $0x0  }
0xa5: {  	s25 =	simm.s32 $0x1B8E;
	s24 =	sld [smem:$0x3FFE];
	[sflag:s23] =	ssyncadd.s32 $0xFFFFFFFF  }
0xa6: {  	s26 =	simm.s32 $execute0_lowered;
	[smem:$0x3FD2] =	sst s25  }
0xa7: {  	s6 =	sshll.u32 s26, $0x1;
	_ =	strace $0x80000046;
	[dreg:$0x1] =	wrdreg $0xFFFFFFFF  }
0xa8: {  	s28 =	simm.s32 $_size_execute0_lowered;
	s4 =	sadd.s32 s4, s6;
	[dreg:$0x0] =	wrdreg $0x0  }
0xa9: {  	s6 =	sshll.u32 s28, $0x1;
	[dreg:$0x2] =	wrdreg s4  }
0xaa: {  	[dreg:$0x3] =	wrdreg s6  }
0xab: {  	[dreg:$0x4] =	wrdreg $0xC0  }
0xac: {  	_ =	task [dreg:s8], $0x5FFFF  }
0xad: {  	[dreg:$0x1] =	wrdreg $0xFFFFFFFF  }
0xae: {  	[dreg:$0x0] =	wrdreg $0x60  }
0xaf: {  	[dreg:$0x2] =	wrdreg s2  }
0xb0: {  	[dreg:$0x3] =	wrdreg s18  }
0xb1: {  	[dreg:$0x4] =	wrdreg s24  }
0xb2: {  	[dreg:$0x5] =	wrdreg $0x9  }
0xb3: {  	_ =	task.clear_ibuf [dreg:s8], $0x6FFFF;
	_ =	strace $0x90000046  }
0xb4: {  	s29 =	simm.s32 $0x9;
	_ =	strace $0x80000048  }
0xb5: {  	_ =	swait.ge [sflag:s29], $0x1  }
0xb6: {  	[sflag:s29] =	ssyncadd.s32 $0xFFFFFFFF  }
0xb7: {  	_ =	strace $0x90000048  }
0xb8: {  	_ =	sfence  }
0xb9: {  	s30 =	sld [smem:$0x0];
	_ =	sdelay $0x2  }
0xba: {  	s31 =	sshll.u32 s1, $0xD;
	s1 =	sshrl.u32 s1, $0x2  }
0xbb: {  	s3 =	sand.u32 $0x4000, s31;
	s1 =	sadd.s32 s1, s30  }
0xbc: {  	s0 =	sor.u32 s3, s0;
	s1 =	sshll.u32 s1, $0x11  }
0xbd: {  	s0 =	sor.u32 s1, s0  }
0xbe: {  	s0 =	sadd.s32 $0x8F2B, s0  }
0xbf: {  	[sflag:s0] =	ssyncadd.remote.s32 $0x1  }
0xc0: {  	_ =	sfence.sel $0xFFFF  }
0xc1: {  	[dreg:$0x0] =	wrdreg $0xFFFFFFFF;
	(pc) =	sbr.abs _section_cstart, $3  }
0xc2: {  	[dreg:$0x1] =	wrdreg $0xFFFFFFFF  }
0xc3: {  	_ =	task.clear_ibuf [dreg:s8], $0x2FFFF;
	_ =	strace $0x9FFFFFFF  }
0xc4: {  	(tm) =	ssettm $0x7FFFFFFF  }
0xc5: {  	_ =	shalt  }
tec
execute0_lowered:
.L_overlay_start_1:
0x0: {  	(tag) =	ssettag $0x1  }
0x1: {  	s1 =	rddreg [dreg:$0x0]  }
0x2: {  	s0 =	rddreg [dreg:$0x2]  }
0x3: {  	s2 =	srdreg.scid;
	s3 =	stileid.u32  }
0x4: {  	s4 =	simm.s32 $0x0;
	s17 =	simm.s32 $0x2000;
	s18 =	simm.s32 $0x13D6400  }
0x5: {  	s21 =	simm.s32 $0x1;
	s22 =	simm.s32 $0xC000;
	s23 =	simm.s32 $0x2  }
0x6: {  	s24 =	simm.s32 $0xE000;
	s25 =	simm.s32 $0x3;
	s26 =	simm.s32 $0x10000  }
0x7: {  	s28 =	simm.s32 $0x6;
	s29 =	simm.s32 $0x4;
	s30 =	simm.s32 $0x0  }
0x8: {  	s2 =	sand.u32 $0x1, s2;
	s3 =	sshll.u32 s3, $0x1;
	[smem:$0x7FF] =	sst s4  }
0x9: {  	s6 =	sadd.s32 $0x1200, s0;
	s15 =	sadd.s32 $0x27BE00, s0;
	s5 =	sor.u32 s2, s3  }
0xa: {  	_ =	strace $0x80000047;
	s2 =	ssub.s32 $0x2, s2;
	s3 =	sshll.u32 s5, $0xA  }
0xb: {  	s8 =	sshrl.u32 s2, $0x1;
	s10 =	sor.u32 $0x60, s5;
	s11 =	sor.u32 $0x20, s5  }
.Ltmp0:
0xc: {  	s12 =	sor.u32 $0x80, s5;
	s13 =	sor.u32 $0x40, s5;
	(pc) =	sbr.rel .LBB2_1-.Ltmp0, $4  }
0xd: {  	s14 =	sor.u32 $0xA0, s5;
	p0 =	sgt.u32 s5, $0xA;
	s7 =	sadd.s32 s1, s3  }
0xe: {  	p1 =	slt.u32 s5, $0xB;
	s2 =	ssub.s32 s2, s8;
	s3 =	sadd.s32 $0x8000, s7  }
0xf: {  	v0 =	vlaneseq.u32;
	p2 =	sne.s32 @p0 s5, $0x1F;
	s31 =	sadd.s32 $0x10000, s7;
	[dreg:$0x4] =	wrdreg s3  }
0x10: {  	v0 =	vmul.u32 $0x8, v0;
	s16 =	smax.u32 s2, $0x1;
	p2 =	por p2, !p0;
	[dreg:$0x5] =	wrdreg s31  }
.LBB2_13:
0x11: {  	s0 =	simm.s32 @!p1 $0x5  }
0x12: {  	_ =	swait.ge @!p1 [sflag:s0], $0x2000  }
0x13: {  	[sflag:s0] =	ssyncset.done @!p1 $0x0  }
0x14: {  	[sflag:s0] =	ssyncadd.s32 @!p1 $0xFFFFE000  }
0x15: {  	_ =	swait.ge [sflag:s28], $0x2000  }
0x16: {  	[sflag:s28] =	ssyncset.done $0x0  }
0x17: {  	[sflag:s28] =	ssyncadd.s32 $0xFFFFE000  }
0x18: {  	_ =	swait.ge [sflag:s29], $0x2000  }
0x19: {  	s0 =	stileid.u32;
	[sflag:s29] =	ssyncset.done $0x0  }
0x1a: {  	s0 =	sshll.u32 @!p2 s0, $0x6;
	[sflag:s29] =	ssyncadd.s32 $0xFFFFE000  }
0x1b: {  	s0 =	sor.u32 @!p2 $0x1C07, s0;
	s2 =	rddreg [dreg:$0x1]  }
0x1c: {  	[hbm:s15], [sflag:s0] =	dma.local @!p2 [hbm:s2], $0x40  }
0x1d: {  	s30 =	sadd.s32 $0x1, s30;
	s0 =	simm.s32 @!p2 $0x7  }
0x1e: {  	p3 =	sne.s32 s30, s16;
	_ =	swait.ge @!p2 [sflag:s0], $0x40  }
.Ltmp1:
0x1f: {  	[sflag:s0] =	ssyncset.done @!p2 $0x0;
	(pc) =	sbr.rel @!p3 .LBB2_14-.Ltmp1, $4  }
0x20: {  	[sflag:s0] =	ssyncadd.s32 @!p2 $0xFFFFFFC0;
	s0 =	simm.s32 @!p0 $0x5  }
0x21: {  	_ =	swait.ge @!p0 [sflag:s0], $0x2000  }
0x22: {  	[sflag:s0] =	ssyncset.done @!p0 $0x0  }
0x23: {  	[sflag:s0] =	ssyncadd.s32 @!p0 $0xFFFFE000  }
.LBB2_1:
0x24: {  	[tilespmem:s4], [sflag:$0x1] =	stream.strided.gather [hbm4b:s7+s17], $0x4000, s18, s17, $0x38;
	[tilespmem:$0x12000] =	vst v63  }
.Ltmp2:
0x25: {  	_ = 	snop;
	(pc) =	sbr.rel .LBB2_2-.Ltmp2, $4  }
0x26: {  	s0 =	rddreg [dreg:$0x4];
	s2 =	simm.s32 $0x4000  }
0x27: {  	[tilespmem:s2], [sflag:$0x2] =	stream.strided.gather [hbm4b:s0+s17], $0x4000, s18, s17, $0x38;
	[tilespmem:$0x12000] =	vst v63  }
0x28: {  	s19 =	rddreg [dreg:$0x5];
	s20 =	simm.s32 $0x8000;
	s31 =	simm.s32 $0x0  }
0x29: {  	[tilespmem:s20], [sflag:$0x3] =	stream.strided.gather [hbm4b:s19+s17], $0x4000, s18, s17, $0x38;
	[tilespmem:$0x12000] =	vst v63  }
.LBB2_12:
0x2a: {  	s31 =	sadd.s32 $0x1, s31  }
0x2b: {  	p3 =	sne.s32 s31, $0x1B  }
.Ltmp3:
0x2c: {  	_ = 	snop;
	(pc) =	sbr.rel @!p3 .LBB2_13-.Ltmp3, $1  }
0x2d: {  	_ =	sdelay $0x3  }
.LBB2_2:
0x2e: {  	_ =	swait.ge [sflag:s21], $0x4000  }
0x2f: {  	p3 =	seq.s32 s31, $0x0;
	[sflag:s21] =	ssyncset.done $0x0  }
0x30: {  	s0 =	simm.s32 @!p3 $0x4;
	[sflag:s21] =	ssyncadd.s32 $0xFFFFC000  }
0x31: {  	s3 =	simm.s32 $0x0;
	_ =	swait.ge @!p3 [sflag:s0], $0x2000  }
0x32: {  	s2 =	sand.u32 $0x70, s3;
	s19 =	sand.u32 $0x1C00, s3;
	[sflag:s0] =	ssyncset.done @!p3 $0x0  }
0x33: {  	s19 =	sor.u32 s2, s19;
	[sflag:s0] =	ssyncadd.s32 @!p3 $0xFFFFE000  }
0x34: {  	v1 =	vmov s3;
	v2 =	vld [tilespmem:s19+$0x0]  }
0x35: {  	v1 =	vshll.u32 v1, $0x3;
	v3 =	vld [tilespmem:s19+$0x80]  }
0x36: {  	v1 =	vor.u32 v0, v1;
	_ =	sdelay $0x3  }
0x37: {  	v2 =	vpack.i.f32.bf16 v3, v2  }
0x38: {  	[tilespmem:v1+s22+$0x0] =	vst.idx.msk $0xffff, v2  }
0x39: {  	v2 =	vld [tilespmem:s19+$0x100]  }
0x3a: {  	v3 =	vld [tilespmem:s19+$0x180]  }
0x3b: {  	v4 =	vor.u32 $0x1, v1;
	_ =	sdelay $0x3  }
0x3c: {  	v2 =	vpack.i.f32.bf16 v3, v2  }
0x3d: {  	[tilespmem:v4+s22+$0x0] =	vst.idx.msk $0xffff, v2  }
0x3e: {  	v2 =	vld [tilespmem:s19+$0x200]  }
0x3f: {  	v3 =	vld [tilespmem:s19+$0x280]  }
0x40: {  	v4 =	vor.u32 $0x2, v1;
	_ =	sdelay $0x3  }
0x41: {  	v2 =	vpack.i.f32.bf16 v3, v2  }
0x42: {  	s20 =	sor.u32 s3, s3;
	[tilespmem:v4+s22+$0x0] =	vst.idx.msk $0xffff, v2  }
0x43: {  	s0 =	sor.u32 $0x380, s20;
	v2 =	vld [tilespmem:s19+$0x300]  }
0x44: {  	v3 =	vld [tilespmem:s0+$0x0]  }
0x45: {  	v4 =	vor.u32 $0x3, v1;
	_ =	sdelay $0x3  }
0x46: {  	v2 =	vpack.i.f32.bf16 v3, v2  }
0x47: {  	[tilespmem:v4+s22+$0x0] =	vst.idx.msk $0xffff, v2  }
0x48: {  	v2 =	vld [tilespmem:s19+$0x2000]  }
0x49: {  	v3 =	vld [tilespmem:s19+$0x2080]  }
0x4a: {  	v4 =	vor.u32 $0x4, v1;
	_ =	sdelay $0x3  }
0x4b: {  	v2 =	vpack.i.f32.bf16 v3, v2  }
0x4c: {  	[tilespmem:v4+s22+$0x0] =	vst.idx.msk $0xffff, v2  }
0x4d: {  	v2 =	vld [tilespmem:s19+$0x2100]  }
0x4e: {  	v3 =	vld [tilespmem:s19+$0x2180]  }
0x4f: {  	v4 =	vor.u32 $0x5, v1;
	_ =	sdelay $0x3  }
0x50: {  	v2 =	vpack.i.f32.bf16 v3, v2  }
0x51: {  	[tilespmem:v4+s22+$0x0] =	vst.idx.msk $0xffff, v2  }
0x52: {  	v3 =	vld [tilespmem:s19+$0x2200]  }
0x53: {  	v4 =	vld [tilespmem:s19+$0x2280];
	_ =	sdelay $0x1  }
0x54: {  	v2 =	vor.u32 $0x6, v1  }
0x55: {  	s0 =	smul.u32 $0x60, s31;
	_ =	sdelay $0x1  }
0x56: {  	s2 =	simm.s32 $0x10;
	s20 =	sor.u32 s5, s0;
	v1 =	vor.u32 $0x7, v1;
	v3 =	vpack.i.f32.bf16 v4, v3  }
.LBB2_3:
0x57: {  	p4 =	sne.s32 s2, $0x3F0  }
0x58: {  	[tilespmem:v2+s22+$0x0] =	vst.idx.msk $0xffff, v3;
	s3 =	sadd.s32 $0x80, s3;
	s8 =	smov.u32 s2;
	s2 =	sadd.s32 $0x10, s2  }
0x59: {  	v2 =	vld [tilespmem:s19+$0x2300]  }
0x5a: {  	v3 =	vld [tilespmem:s19+$0x2380];
	_ =	sdelay $0x4  }
0x5b: {  	s9 =	sand.u32 $0x1C00, s3;
	s19 =	sand.u32 $0x70, s8;
	v2 =	vpack.i.f32.bf16 v3, v2  }
0x5c: {  	s19 =	sor.u32 s19, s9;
	v3 =	vmov s8;
	[tilespmem:v1+s22+$0x0] =	vst.idx.msk $0xffff, v2  }
0x5d: {  	v1 =	vshll.u32 v3, $0x3;
	v2 =	vld [tilespmem:s19+$0x0]  }
0x5e: {  	v1 =	vor.u32 v0, v1;
	v3 =	vld [tilespmem:s19+$0x80];
	_ =	sdelay $0x4  }
0x5f: {  	v2 =	vpack.i.f32.bf16 v3, v2  }
0x60: {  	[tilespmem:v1+s22+$0x0] =	vst.idx.msk $0xffff, v2  }
0x61: {  	v3 =	vor.u32 $0x1, v1;
	v2 =	vld [tilespmem:s19+$0x100]  }
0x62: {  	v4 =	vld [tilespmem:s19+$0x180];
	_ =	sdelay $0x4  }
0x63: {  	v2 =	vpack.i.f32.bf16 v4, v2  }
0x64: {  	[tilespmem:v3+s22+$0x0] =	vst.idx.msk $0xffff, v2;
	v2 =	vor.u32 $0x2, v1  }
0x65: {  	v3 =	vld [tilespmem:s19+$0x200]  }
0x66: {  	v4 =	vld [tilespmem:s19+$0x280];
	_ =	sdelay $0x4  }
0x67: {  	s8 =	sor.u32 s3, s8;
	v3 =	vpack.i.f32.bf16 v4, v3;
	v4 =	vor.u32 $0x3, v1  }
0x68: {  	s8 =	sor.u32 $0x380, s8;
	[tilespmem:v2+s22+$0x0] =	vst.idx.msk $0xffff, v3  }
0x69: {  	v2 =	vld [tilespmem:s19+$0x300]  }
0x6a: {  	v3 =	vld [tilespmem:s8+$0x0];
	_ =	sdelay $0x3  }
0x6b: {  	v5 =	vor.u32 $0x4, v1  }
0x6c: {  	v2 =	vpack.i.f32.bf16 v3, v2  }
0x6d: {  	[tilespmem:v4+s22+$0x0] =	vst.idx.msk $0xffff, v2  }
0x6e: {  	v2 =	vld [tilespmem:s19+$0x2000]  }
0x6f: {  	v3 =	vld [tilespmem:s19+$0x2080];
	_ =	sdelay $0x2  }
0x70: {  	v4 =	vor.u32 $0x5, v1;
	_ =	sdelay $0x1  }
0x71: {  	v2 =	vpack.i.f32.bf16 v3, v2  }
0x72: {  	[tilespmem:v5+s22+$0x0] =	vst.idx.msk $0xffff, v2  }
0x73: {  	v3 =	vld [tilespmem:s19+$0x2100]  }
0x74: {  	v5 =	vld [tilespmem:s19+$0x2180];
	_ =	sdelay $0x1  }
0x75: {  	v2 =	vor.u32 $0x6, v1;
	_ =	sdelay $0x2  }
0x76: {  	v3 =	vpack.i.f32.bf16 v5, v3  }
0x77: {  	[tilespmem:v4+s22+$0x0] =	vst.idx.msk $0xffff, v3  }
0x78: {  	v3 =	vld [tilespmem:s19+$0x2200]  }
0x79: {  	v4 =	vld [tilespmem:s19+$0x2280]  }
.Ltmp4:
0x7a: {  	v1 =	vor.u32 $0x7, v1;
	(pc) =	sbr.rel @p4 .LBB2_3-.Ltmp4, $2  }
0x7b: {  	_ =	sdelay $0x2  }
0x7c: {  	v3 =	vpack.i.f32.bf16 v4, v3  }
0x7d: {  	_ =	sdelay $0x3  }
0x7e: {  	[tilespmem:v2+s22+$0x0] =	vst.idx.msk $0xffff, v3  }
0x7f: {  	v2 =	vld [tilespmem:s19+$0x2300]  }
0x80: {  	v3 =	vld [tilespmem:s19+$0x2380];
	_ =	sdelay $0x4  }
0x81: {  	s2 =	sshll.u32 s20, $0xA;
	v2 =	vpack.i.f32.bf16 v3, v2  }
0x82: {  	s2 =	sadd.s32 s6, s2;
	[tilespmem:v1+s22+$0x0] =	vst.idx.msk $0xffff, v2  }
0x83: {  	[hbm4b:s2+s4] =	stream.linear.scatter [tilespmem:s22], [sflag:$0x4], $0x2000, $0x38;
	[tilespmem:$0x12000] =	vst v63  }
0x84: {  	s2 =	sadd.s32 s10, s0  }
0x85: {  	p4 =	sgt.u32 s2, $0x9EA  }
0x86: {  	s2 =	sshll.u32 @!p4 s2, $0xA;
	s3 =	simm.s32 @!p4 $0x2000  }
0x87: {  	s8 =	simm.s32 @!p4 $0x13D6400;
	s9 =	simm.s32 @!p4 $0x0;
	s2 =	sadd.s32 @!p4 s1, s2  }
0x88: {  	[tilespmem:s9], [sflag:$0x1] =	stream.strided.gather @!p4 [hbm4b:s2+s3], $0x4000, s8, s3, $0x38;
	[tilespmem:$0x12000] =	vst v63  }
0x89: {  	s3 =	sadd.s32 s11, s0  }
0x8a: {  	p4 =	sgt.u32 s3, $0x9EA  }
.Ltmp5:
0x8b: {  	_ = 	snop;
	(pc) =	sbr.rel @p4 .LBB2_8-.Ltmp5, $1  }
0x8c: {  	_ =	sdelay $0x3  }
0x8d: {  	_ =	swait.ge [sflag:s23], $0x4000  }
0x8e: {  	[sflag:s23] =	ssyncset.done $0x0  }
0x8f: {  	s2 =	simm.s32 @!p3 $0x5;
	[sflag:s23] =	ssyncadd.s32 $0xFFFFC000  }
0x90: {  	s19 =	simm.s32 $0x0;
	_ =	swait.ge @!p3 [sflag:s2], $0x2000  }
0x91: {  	s8 =	sand.u32 $0x70, s19;
	s9 =	sand.u32 $0x1C00, s19;
	[sflag:s2] =	ssyncset.done @!p3 $0x0  }
0x92: {  	s20 =	sor.u32 s8, s9;
	[sflag:s2] =	ssyncadd.s32 @!p3 $0xFFFFE000  }
0x93: {  	v1 =	vmov s19;
	v2 =	vld [tilespmem:s20+$0x4000]  }
0x94: {  	v1 =	vshll.u32 v1, $0x3;
	v3 =	vld [tilespmem:s20+$0x4080]  }
0x95: {  	v1 =	vor.u32 v0, v1;
	_ =	sdelay $0x3  }
0x96: {  	v2 =	vpack.i.f32.bf16 v3, v2  }
0x97: {  	[tilespmem:v1+s24+$0x0] =	vst.idx.msk $0xffff, v2  }
0x98: {  	v2 =	vld [tilespmem:s20+$0x4100]  }
0x99: {  	v3 =	vld [tilespmem:s20+$0x4180]  }
0x9a: {  	v4 =	vor.u32 $0x1, v1;
	_ =	sdelay $0x3  }
0x9b: {  	v2 =	vpack.i.f32.bf16 v3, v2  }
0x9c: {  	[tilespmem:v4+s24+$0x0] =	vst.idx.msk $0xffff, v2  }
0x9d: {  	v2 =	vld [tilespmem:s20+$0x4200]  }
0x9e: {  	v3 =	vld [tilespmem:s20+$0x4280]  }
0x9f: {  	v4 =	vor.u32 $0x2, v1;
	_ =	sdelay $0x3  }
0xa0: {  	v2 =	vpack.i.f32.bf16 v3, v2  }
0xa1: {  	s9 =	sor.u32 s19, s19;
	[tilespmem:v4+s24+$0x0] =	vst.idx.msk $0xffff, v2  }
0xa2: {  	s2 =	sor.u32 $0x380, s9;
	v2 =	vld [tilespmem:s20+$0x4300]  }
0xa3: {  	v3 =	vld [tilespmem:s2+$0x4000]  }
0xa4: {  	v4 =	vor.u32 $0x3, v1;
	_ =	sdelay $0x3  }
0xa5: {  	v2 =	vpack.i.f32.bf16 v3, v2  }
0xa6: {  	[tilespmem:v4+s24+$0x0] =	vst.idx.msk $0xffff, v2  }
0xa7: {  	v2 =	vld [tilespmem:s20+$0x6000]  }
0xa8: {  	v3 =	vld [tilespmem:s20+$0x6080]  }
0xa9: {  	v4 =	vor.u32 $0x4, v1;
	_ =	sdelay $0x3  }
0xaa: {  	v2 =	vpack.i.f32.bf16 v3, v2  }
0xab: {  	[tilespmem:v4+s24+$0x0] =	vst.idx.msk $0xffff, v2  }
0xac: {  	v2 =	vld [tilespmem:s20+$0x6100]  }
0xad: {  	v3 =	vld [tilespmem:s20+$0x6180]  }
0xae: {  	v4 =	vor.u32 $0x5, v1;
	_ =	sdelay $0x3  }
0xaf: {  	v2 =	vpack.i.f32.bf16 v3, v2  }
0xb0: {  	[tilespmem:v4+s24+$0x0] =	vst.idx.msk $0xffff, v2  }
0xb1: {  	v3 =	vld [tilespmem:s20+$0x6200]  }
0xb2: {  	v4 =	vld [tilespmem:s20+$0x6280];
	_ =	sdelay $0x1  }
0xb3: {  	v2 =	vor.u32 $0x6, v1;
	_ =	sdelay $0x2  }
0xb4: {  	s2 =	simm.s32 $0x10;
	v1 =	vor.u32 $0x7, v1;
	v3 =	vpack.i.f32.bf16 v4, v3  }
.LBB2_6:
0xb5: {  	p4 =	sne.s32 s2, $0x3F0  }
0xb6: {  	[tilespmem:v2+s24+$0x0] =	vst.idx.msk $0xffff, v3;
	s19 =	sadd.s32 $0x80, s19;
	s8 =	smov.u32 s2;
	s2 =	sadd.s32 $0x10, s2  }
0xb7: {  	v2 =	vld [tilespmem:s20+$0x6300]  }
0xb8: {  	v3 =	vld [tilespmem:s20+$0x6380];
	_ =	sdelay $0x4  }
0xb9: {  	s9 =	sand.u32 $0x70, s8;
	s20 =	sand.u32 $0x1C00, s19;
	v2 =	vpack.i.f32.bf16 v3, v2  }
0xba: {  	s20 =	sor.u32 s9, s20;
	v3 =	vmov s8;
	[tilespmem:v1+s24+$0x0] =	vst.idx.msk $0xffff, v2  }
0xbb: {  	v1 =	vshll.u32 v3, $0x3;
	v2 =	vld [tilespmem:s20+$0x4000]  }
0xbc: {  	v1 =	vor.u32 v0, v1;
	v3 =	vld [tilespmem:s20+$0x4080];
	_ =	sdelay $0x4  }
0xbd: {  	v2 =	vpack.i.f32.bf16 v3, v2  }
0xbe: {  	[tilespmem:v1+s24+$0x0] =	vst.idx.msk $0xffff, v2  }
0xbf: {  	v3 =	vor.u32 $0x1, v1;
	v2 =	vld [tilespmem:s20+$0x4100]  }
0xc0: {  	v4 =	vld [tilespmem:s20+$0x4180];
	_ =	sdelay $0x4  }
0xc1: {  	v2 =	vpack.i.f32.bf16 v4, v2  }
0xc2: {  	[tilespmem:v3+s24+$0x0] =	vst.idx.msk $0xffff, v2;
	v2 =	vor.u32 $0x2, v1  }
0xc3: {  	v3 =	vld [tilespmem:s20+$0x4200]  }
0xc4: {  	v4 =	vld [tilespmem:s20+$0x4280];
	_ =	sdelay $0x4  }
0xc5: {  	s8 =	sor.u32 s19, s8;
	v3 =	vpack.i.f32.bf16 v4, v3;
	v4 =	vor.u32 $0x3, v1  }
0xc6: {  	s8 =	sor.u32 $0x380, s8;
	[tilespmem:v2+s24+$0x0] =	vst.idx.msk $0xffff, v3  }
0xc7: {  	v2 =	vld [tilespmem:s20+$0x4300]  }
0xc8: {  	v3 =	vld [tilespmem:s8+$0x4000];
	_ =	sdelay $0x3  }
0xc9: {  	v5 =	vor.u32 $0x4, v1  }
0xca: {  	v2 =	vpack.i.f32.bf16 v3, v2  }
0xcb: {  	[tilespmem:v4+s24+$0x0] =	vst.idx.msk $0xffff, v2  }
0xcc: {  	v2 =	vld [tilespmem:s20+$0x6000]  }
0xcd: {  	v3 =	vld [tilespmem:s20+$0x6080];
	_ =	sdelay $0x2  }
0xce: {  	v4 =	vor.u32 $0x5, v1;
	_ =	sdelay $0x1  }
0xcf: {  	v2 =	vpack.i.f32.bf16 v3, v2  }
0xd0: {  	[tilespmem:v5+s24+$0x0] =	vst.idx.msk $0xffff, v2  }
0xd1: {  	v3 =	vld [tilespmem:s20+$0x6100]  }
0xd2: {  	v5 =	vld [tilespmem:s20+$0x6180];
	_ =	sdelay $0x1  }
0xd3: {  	v2 =	vor.u32 $0x6, v1;
	_ =	sdelay $0x2  }
0xd4: {  	v3 =	vpack.i.f32.bf16 v5, v3  }
0xd5: {  	[tilespmem:v4+s24+$0x0] =	vst.idx.msk $0xffff, v3  }
0xd6: {  	v3 =	vld [tilespmem:s20+$0x6200]  }
0xd7: {  	v4 =	vld [tilespmem:s20+$0x6280]  }
.Ltmp6:
0xd8: {  	v1 =	vor.u32 $0x7, v1;
	(pc) =	sbr.rel @p4 .LBB2_6-.Ltmp6, $2  }
0xd9: {  	_ =	sdelay $0x2  }
0xda: {  	v3 =	vpack.i.f32.bf16 v4, v3  }
0xdb: {  	_ =	sdelay $0x3  }
0xdc: {  	[tilespmem:v2+s24+$0x0] =	vst.idx.msk $0xffff, v3  }
0xdd: {  	v2 =	vld [tilespmem:s20+$0x6300]  }
0xde: {  	v3 =	vld [tilespmem:s20+$0x6380];
	_ =	sdelay $0x4  }
0xdf: {  	s2 =	sshll.u32 s3, $0xA;
	v2 =	vpack.i.f32.bf16 v3, v2  }
0xe0: {  	s2 =	sadd.s32 s6, s2;
	[tilespmem:v1+s24+$0x0] =	vst.idx.msk $0xffff, v2  }
0xe1: {  	[hbm4b:s2+s4] =	stream.linear.scatter [tilespmem:s24], [sflag:$0x5], $0x2000, $0x38;
	[tilespmem:$0x12000] =	vst v63  }
0xe2: {  	s2 =	sadd.s32 s12, s0  }
0xe3: {  	p4 =	sgt.u32 s2, $0x9EA  }
0xe4: {  	s2 =	sshll.u32 @!p4 s2, $0xA;
	s3 =	simm.s32 @!p4 $0x2000  }
0xe5: {  	s8 =	simm.s32 @!p4 $0x13D6400;
	s9 =	simm.s32 @!p4 $0x4000;
	s2 =	sadd.s32 @!p4 s1, s2  }
0xe6: {  	[tilespmem:s9], [sflag:$0x2] =	stream.strided.gather @!p4 [hbm4b:s2+s3], $0x4000, s8, s3, $0x38;
	[tilespmem:$0x12000] =	vst v63  }
.LBB2_8:
0xe7: {  	s3 =	sadd.s32 s13, s0  }
0xe8: {  	p4 =	sgt.u32 s3, $0x9EA  }
.Ltmp7:
0xe9: {  	_ = 	snop;
	(pc) =	sbr.rel @p4 .LBB2_12-.Ltmp7, $1  }
0xea: {  	_ =	sdelay $0x3  }
0xeb: {  	_ =	swait.ge [sflag:s25], $0x4000  }
0xec: {  	[sflag:s25] =	ssyncset.done $0x0  }
0xed: {  	s2 =	simm.s32 @!p3 $0x6;
	[sflag:s25] =	ssyncadd.s32 $0xFFFFC000  }
0xee: {  	s19 =	simm.s32 $0x0;
	_ =	swait.ge @!p3 [sflag:s2], $0x2000  }
0xef: {  	s8 =	sand.u32 $0x70, s19;
	s9 =	sand.u32 $0x1C00, s19;
	[sflag:s2] =	ssyncset.done @!p3 $0x0  }
0xf0: {  	s20 =	sor.u32 s8, s9;
	[sflag:s2] =	ssyncadd.s32 @!p3 $0xFFFFE000  }
0xf1: {  	v1 =	vmov s19;
	v2 =	vld [tilespmem:s20+$0x8000]  }
0xf2: {  	v1 =	vshll.u32 v1, $0x3;
	v3 =	vld [tilespmem:s20+$0x8080]  }
0xf3: {  	v1 =	vor.u32 v0, v1;
	_ =	sdelay $0x3  }
0xf4: {  	v2 =	vpack.i.f32.bf16 v3, v2  }
0xf5: {  	[tilespmem:v1+s26+$0x0] =	vst.idx.msk $0xffff, v2  }
0xf6: {  	v2 =	vld [tilespmem:s20+$0x8100]  }
0xf7: {  	v3 =	vld [tilespmem:s20+$0x8180]  }
0xf8: {  	v4 =	vor.u32 $0x1, v1;
	_ =	sdelay $0x3  }
0xf9: {  	v2 =	vpack.i.f32.bf16 v3, v2  }
0xfa: {  	[tilespmem:v4+s26+$0x0] =	vst.idx.msk $0xffff, v2  }
0xfb: {  	v2 =	vld [tilespmem:s20+$0x8200]  }
0xfc: {  	v3 =	vld [tilespmem:s20+$0x8280]  }
0xfd: {  	v4 =	vor.u32 $0x2, v1;
	_ =	sdelay $0x3  }
0xfe: {  	v2 =	vpack.i.f32.bf16 v3, v2  }
0xff: {  	s9 =	sor.u32 s19, s19;
	[tilespmem:v4+s26+$0x0] =	vst.idx.msk $0xffff, v2  }
0x100: {  	s2 =	sor.u32 $0x380, s9;
	v2 =	vld [tilespmem:s20+$0x8300]  }
0x101: {  	v3 =	vld [tilespmem:s2+$0x8000]  }
0x102: {  	v4 =	vor.u32 $0x3, v1;
	_ =	sdelay $0x3  }
0x103: {  	v2 =	vpack.i.f32.bf16 v3, v2  }
0x104: {  	[tilespmem:v4+s26+$0x0] =	vst.idx.msk $0xffff, v2  }
0x105: {  	v2 =	vld [tilespmem:s20+$0xA000]  }
0x106: {  	v3 =	vld [tilespmem:s20+$0xA080]  }
0x107: {  	v4 =	vor.u32 $0x4, v1;
	_ =	sdelay $0x3  }
0x108: {  	v2 =	vpack.i.f32.bf16 v3, v2  }
0x109: {  	[tilespmem:v4+s26+$0x0] =	vst.idx.msk $0xffff, v2  }
0x10a: {  	v2 =	vld [tilespmem:s20+$0xA100]  }
0x10b: {  	v3 =	vld [tilespmem:s20+$0xA180]  }
0x10c: {  	v4 =	vor.u32 $0x5, v1;
	_ =	sdelay $0x3  }
0x10d: {  	v2 =	vpack.i.f32.bf16 v3, v2  }
0x10e: {  	[tilespmem:v4+s26+$0x0] =	vst.idx.msk $0xffff, v2  }
0x10f: {  	v3 =	vld [tilespmem:s20+$0xA200]  }
0x110: {  	v4 =	vld [tilespmem:s20+$0xA280];
	_ =	sdelay $0x1  }
0x111: {  	v2 =	vor.u32 $0x6, v1;
	_ =	sdelay $0x2  }
0x112: {  	s2 =	simm.s32 $0x10;
	v1 =	vor.u32 $0x7, v1;
	v3 =	vpack.i.f32.bf16 v4, v3  }
.LBB2_10:
0x113: {  	p3 =	sne.s32 s2, $0x3F0  }
0x114: {  	[tilespmem:v2+s26+$0x0] =	vst.idx.msk $0xffff, v3;
	s19 =	sadd.s32 $0x80, s19;
	s8 =	smov.u32 s2;
	s2 =	sadd.s32 $0x10, s2  }
0x115: {  	v2 =	vld [tilespmem:s20+$0xA300]  }
0x116: {  	v3 =	vld [tilespmem:s20+$0xA380];
	_ =	sdelay $0x4  }
0x117: {  	s9 =	sand.u32 $0x70, s8;
	s20 =	sand.u32 $0x1C00, s19;
	v2 =	vpack.i.f32.bf16 v3, v2  }
0x118: {  	s20 =	sor.u32 s9, s20;
	v3 =	vmov s8;
	[tilespmem:v1+s26+$0x0] =	vst.idx.msk $0xffff, v2  }
0x119: {  	v1 =	vshll.u32 v3, $0x3;
	v2 =	vld [tilespmem:s20+$0x8000]  }
0x11a: {  	v1 =	vor.u32 v0, v1;
	v3 =	vld [tilespmem:s20+$0x8080];
	_ =	sdelay $0x4  }
0x11b: {  	v2 =	vpack.i.f32.bf16 v3, v2  }
0x11c: {  	[tilespmem:v1+s26+$0x0] =	vst.idx.msk $0xffff, v2  }
0x11d: {  	v3 =	vor.u32 $0x1, v1;
	v2 =	vld [tilespmem:s20+$0x8100]  }
0x11e: {  	v4 =	vld [tilespmem:s20+$0x8180];
	_ =	sdelay $0x4  }
0x11f: {  	v2 =	vpack.i.f32.bf16 v4, v2  }
0x120: {  	[tilespmem:v3+s26+$0x0] =	vst.idx.msk $0xffff, v2;
	v2 =	vor.u32 $0x2, v1  }
0x121: {  	v3 =	vld [tilespmem:s20+$0x8200]  }
0x122: {  	v4 =	vld [tilespmem:s20+$0x8280];
	_ =	sdelay $0x4  }
0x123: {  	s8 =	sor.u32 s19, s8;
	v3 =	vpack.i.f32.bf16 v4, v3;
	v4 =	vor.u32 $0x3, v1  }
0x124: {  	s8 =	sor.u32 $0x380, s8;
	[tilespmem:v2+s26+$0x0] =	vst.idx.msk $0xffff, v3  }
0x125: {  	v2 =	vld [tilespmem:s20+$0x8300]  }
0x126: {  	v3 =	vld [tilespmem:s8+$0x8000];
	_ =	sdelay $0x3  }
0x127: {  	v5 =	vor.u32 $0x4, v1  }
0x128: {  	v2 =	vpack.i.f32.bf16 v3, v2  }
0x129: {  	[tilespmem:v4+s26+$0x0] =	vst.idx.msk $0xffff, v2  }
0x12a: {  	v2 =	vld [tilespmem:s20+$0xA000]  }
0x12b: {  	v3 =	vld [tilespmem:s20+$0xA080];
	_ =	sdelay $0x2  }
0x12c: {  	v4 =	vor.u32 $0x5, v1;
	_ =	sdelay $0x1  }
0x12d: {  	v2 =	vpack.i.f32.bf16 v3, v2  }
0x12e: {  	[tilespmem:v5+s26+$0x0] =	vst.idx.msk $0xffff, v2  }
0x12f: {  	v3 =	vld [tilespmem:s20+$0xA100]  }
0x130: {  	v5 =	vld [tilespmem:s20+$0xA180];
	_ =	sdelay $0x1  }
0x131: {  	v2 =	vor.u32 $0x6, v1;
	_ =	sdelay $0x2  }
0x132: {  	v3 =	vpack.i.f32.bf16 v5, v3  }
0x133: {  	[tilespmem:v4+s26+$0x0] =	vst.idx.msk $0xffff, v3  }
0x134: {  	v3 =	vld [tilespmem:s20+$0xA200]  }
0x135: {  	v4 =	vld [tilespmem:s20+$0xA280]  }
.Ltmp8:
0x136: {  	v1 =	vor.u32 $0x7, v1;
	(pc) =	sbr.rel @p3 .LBB2_10-.Ltmp8, $2  }
0x137: {  	_ =	sdelay $0x2  }
0x138: {  	v3 =	vpack.i.f32.bf16 v4, v3  }
0x139: {  	_ =	sdelay $0x3  }
0x13a: {  	[tilespmem:v2+s26+$0x0] =	vst.idx.msk $0xffff, v3  }
0x13b: {  	v2 =	vld [tilespmem:s20+$0xA300]  }
0x13c: {  	v3 =	vld [tilespmem:s20+$0xA380];
	_ =	sdelay $0x3  }
0x13d: {  	s0 =	sadd.s32 s14, s0  }
.Ltmp9:
0x13e: {  	s2 =	sshll.u32 s3, $0xA;
	p3 =	sgt.u32 s0, $0x9EA;
	v2 =	vpack.i.f32.bf16 v3, v2;
	(pc) =	sbr.rel .LBB2_12-.Ltmp9, $4  }
0x13f: {  	s2 =	sadd.s32 s6, s2;
	s0 =	sshll.u32 @!p3 s0, $0xA;
	s3 =	simm.s32 @!p3 $0x13D6400;
	[tilespmem:v1+s26+$0x0] =	vst.idx.msk $0xffff, v2  }
0x140: {  	[hbm4b:s2+s4] =	stream.linear.scatter [tilespmem:s26], [sflag:$0x6], $0x2000, $0x38;
	[tilespmem:$0x12000] =	vst v63  }
0x141: {  	s8 =	simm.s32 @!p3 $0x8000;
	s0 =	sadd.s32 @!p3 s1, s0;
	s2 =	simm.s32 @!p3 $0x2000  }
0x142: {  	[tilespmem:s8], [sflag:$0x3] =	stream.strided.gather @!p3 [hbm4b:s0+s2], $0x4000, s3, s2, $0x38;
	[tilespmem:$0x12000] =	vst v63  }
.LBB2_14:
0x143: {  	_ =	sfence.sel $0x180000  }
0x144: {  	[bflag:$0x0] =	sbarrier.arrive $0xFFFF  }
0x145: {  	_ =	strace $0x90000047  }
0x146: {  	s0 =	stileid.u32;
	[bflag:$0x2] =	sbarrier.arrive $0xFFFF  }
0x147: {  	p0 =	sne.s32 s0, $0x0;
	s0 =	rddreg [dreg:$0x3]  }
0x148: {  	s0 =	sadd.s32 @!p0 $0x100000, s0  }
0x149: {  	[sflag:s0] =	ssyncadd.tile.s32 @!p0 $0x1;
	_ =	shalt  }
.Lfunc_end2:
_tile_overlayer_lowered:
.L_overlay_start_2:
0x14a: {  	(tag) =	ssettag $0x2  }
0x14b: {  	s0 =	rddreg [dreg:$0x0];
	s2 =	stileid.u32  }
0x14c: {  	s1 =	rddreg [dreg:$0x1];
	p0 =	sne.s32 s2, $0x0  }
0x14d: {  	s3 =	rddreg [dreg:$0x2];
	[bflag:$0x3] =	sbarrier.arrive $0xFFFF;
	s2 =	simm.s32 @!p0 $0x1C07  }
0x14e: {  	[timem:s3], [sflag:s2] =	dma.local @!p0 [hbm:s0], s1  }
0x14f: {  	s0 =	simm.s32 @!p0 $0x7  }
0x150: {  	_ =	swait.ge @!p0 [sflag:s0], s1  }
0x151: {  	s1 =	ssub.s32 @!p0 $0x0, s1;
	[sflag:s0] =	ssyncset.done @!p0 $0x0  }
0x152: {  	[sflag:s0] =	ssyncadd.s32 @!p0 s1  }
0x153: {  	[bflag:$0x3] =	sbarrier.arrive $0xFFFF  }
0x154: {  	_ =	shalt  }

// kernel: kernel.8.cloned.1.call-start
scs
__scs_entry_jumppad:
0x0: {  	(pc) =	sbr.rel $0x88, $3  }
0x1: {  	(tag) =	ssettag $0x0;
	lr =	simm.s32 $0x1  }
0x2: {  	[smem:$0x3F97] =	sst lr;
	_ =	strace $0xD0000000  }
0x3: {  	_ = 	snop  }
0x4: {  	_ = 	snop  }
0x5: {  	_ = 	snop  }
0x6: {  	_ = 	snop  }
0x7: {  	_ = 	snop  }
__scs_overlays_trampoline_lowered:
0x8: {  	[smem:$0x3FA6] =	sst s0  }
0x9: {  	[smem:$0x3FA7] =	sst s1  }
0xa: {  	[smem:$0x3FA8] =	sst s2  }
0xb: {  	[smem:$0x3FA9] =	sst s3  }
0xc: {  	[smem:$0x3FAA] =	sst s4  }
0xd: {  	[smem:$0x3FAB] =	sst s5  }
0xe: {  	[smem:$0x3FAC] =	sst s6  }
0xf: {  	[smem:$0x3FAD] =	sst s7  }
0x10: {  	[smem:$0x3FAE] =	sst s8  }
0x11: {  	[smem:$0x3FAF] =	sst s9;
	s0 =	simm.s32 @!p0 $0x0  }
0x12: {  	s1 =	sld [smem:$0x3F95];
	s0 =	simm.s32 @p0 $0x1  }
0x13: {  	[smem:$0x3FB0] =	sst s0;
	s0 =	simm.s32 @!p1 $0x0  }
0x14: {  	s2 =	sld [smem:$0x3F94];
	s0 =	simm.s32 @p1 $0x1  }
0x15: {  	[smem:$0x3FB1] =	sst s0;
	s0 =	simm.s32 @!p2 $0x0  }
0x16: {  	s3 =	sld [smem:$0x3FDB];
	s0 =	simm.s32 @p2 $0x1  }
0x17: {  	s4 =	simm.s32 $0x1BF5;
	[smem:$0x3FB3] =	sst s0  }
0x18: {  	s0 =	sld [smem:$0x3F96];
	_ =	swait.ge [sflag:s4], $0x0  }
0x19: {  	s7 =	sld [smem:$0x3F97]  }
0x1a: {  	s8 =	sadd.s32 $0xFFFFE003, lr  }
0x1b: {  	s9 =	sadd.s32 $0xFFFFFEF7, lr;
	s5 =	simm.s32 $0xFFFFFFFF;
	p2 =	slt.u32 s8, $0xFFFFF086  }
0x1c: {  	p1 =	slt.u32 s9, $0xF7A;
	s5 =	simm.s32 @!p2 $0x0  }
0x1d: {  	s5 =	simm.s32 @p1 $0x1;
	p0 =	seq.s32 s7, s2  }
0x1e: {  	s7 =	smul.u32 @!p0 $0xF7A, s2;
	p2 =	seq.s32 @!p0 s5, $0x0  }
0x1f: {  	s9 =	smul.u32 $0xF7A, s1;
	s8 =	simm.s32 @!p0 $0x1BF5;
	p2 =	por !p2, p0  }
0x20: {  	[sflag:s8] =	ssyncset.s32 @!p0 $0xFFFFF086;
	s6 =	sadd.s32 @!p0 s3, s7;
	s7 =	simm.s32 @!p0 $0x108  }
0x21: {  	s3 =	sadd.s32 s3, s9;
	s6 =	sadd.s32 @!p0 $0x88, s6;
	s7 =	simm.s32 @p2 $0x1082  }
0x22: {  	[simem:s7], [sflag:s8] =	dma.local @!p0 [hbm:s6], $0xF7A  }
0x23: {  	s9 =	sor.u32 $0xD0000000, s2;
	s6 =	simm.s32 $0x108;
	_ =	swait.ge @!p0 [sflag:s8], $0x0  }
0x24: {  	s3 =	sadd.s32 $0x88, s3;
	s6 =	simm.s32 @!p1 $0x1082;
	[sflag:s4] =	ssyncset.s32 $0xFFFFF086  }
0x25: {  	[simem:s6], [sflag:s4] =	dma.local [hbm:s3], $0xF7A  }
0x26: {  	[smem:$0x3F97] =	sst s1;
	(tag) =	ssettag s2;
	_ =	strace s9  }
0x27: {  	s1 =	sld [smem:$0x3FA7]  }
0x28: {  	s2 =	sld [smem:$0x3FA8]  }
0x29: {  	s4 =	sld [smem:$0x3FAA]  }
0x2a: {  	p0 =	seq.s32 s5, $0x0;
	s5 =	sld [smem:$0x3FAB]  }
0x2b: {  	s6 =	sld [smem:$0x3FAC]  }
0x2c: {  	s7 =	sld [smem:$0x3FAD]  }
0x2d: {  	s3 =	simm.s32 $0x108;
	s8 =	sld [smem:$0x3FAE]  }
0x2e: {  	s3 =	simm.s32 @!p0 $0x1082;
	s9 =	sld [smem:$0x3FAF]  }
0x2f: {  	lr =	sadd.s32 s0, s3;
	s0 =	sld [smem:$0x3FA6]  }
0x30: {  	s3 =	sld [smem:$0x3FA9]  }
0x31: {  	[smem:$0x3FB2] =	sst s10  }
0x32: {  	s10 =	sld [smem:$0x3FB0];
	_ =	sdelay $0x3  }
0x33: {  	p0 =	seq.s32 s10, $0x1;
	s10 =	sld [smem:$0x3FB2];
	_ =	sdelay $0x3  }
0x34: {  	[smem:$0x3FB2] =	sst s10  }
0x35: {  	s10 =	sld [smem:$0x3FB1];
	_ =	sdelay $0x3  }
0x36: {  	p1 =	seq.s32 s10, $0x1;
	s10 =	sld [smem:$0x3FB2];
	_ =	sdelay $0x3  }
0x37: {  	[smem:$0x3FB2] =	sst s10  }
0x38: {  	s10 =	sld [smem:$0x3FB3]  }
0x39: {  	_ = 	snop;
	(pc) =	sbr.ind lr, $3  }
0x3a: {  	_ = 	snop  }
0x3b: {  	_ = 	snop  }
0x3c: {  	p2 =	seq.s32 s10, $0x1;
	s10 =	sld [smem:$0x3FB2]  }
0x3d: {  	_ =	shalt  }
0x3e: {  	_ =	shalt  }
0x3f: {  	_ =	shalt  }
0x40: {  	_ =	shalt  }
0x41: {  	_ =	shalt  }
0x42: {  	_ =	shalt  }
0x43: {  	_ =	shalt  }
0x44: {  	_ =	shalt  }
0x45: {  	_ =	shalt  }
0x46: {  	_ =	shalt  }
0x47: {  	_ =	shalt  }
0x48: {  	_ =	shalt  }
0x49: {  	_ =	shalt  }
0x4a: {  	_ =	shalt  }
0x4b: {  	_ =	shalt  }
0x4c: {  	_ =	shalt  }
0x4d: {  	_ =	shalt  }
0x4e: {  	_ =	shalt  }
0x4f: {  	_ =	shalt  }
0x50: {  	_ =	shalt  }
0x51: {  	_ =	shalt  }
0x52: {  	_ =	shalt  }
0x53: {  	_ =	shalt  }
0x54: {  	_ =	shalt  }
0x55: {  	_ =	shalt  }
0x56: {  	_ =	shalt  }
0x57: {  	_ =	shalt  }
0x58: {  	_ =	shalt  }
0x59: {  	_ =	shalt  }
0x5a: {  	_ =	shalt  }
0x5b: {  	_ =	shalt  }
0x5c: {  	_ =	shalt  }
0x5d: {  	_ =	shalt  }
0x5e: {  	_ =	shalt  }
0x5f: {  	_ =	shalt  }
0x60: {  	_ =	shalt  }
0x61: {  	_ =	shalt  }
0x62: {  	_ =	shalt  }
0x63: {  	_ =	shalt  }
0x64: {  	_ =	shalt  }
0x65: {  	_ =	shalt  }
0x66: {  	_ =	shalt  }
0x67: {  	_ =	shalt  }
0x68: {  	_ =	shalt  }
0x69: {  	_ =	shalt  }
0x6a: {  	_ =	shalt  }
0x6b: {  	_ =	shalt  }
0x6c: {  	_ =	shalt  }
0x6d: {  	_ =	shalt  }
0x6e: {  	_ =	shalt  }
0x6f: {  	_ =	shalt  }
0x70: {  	_ =	shalt  }
0x71: {  	_ =	shalt  }
0x72: {  	_ =	shalt  }
0x73: {  	_ =	shalt  }
0x74: {  	_ =	shalt  }
0x75: {  	_ =	shalt  }
0x76: {  	_ =	shalt  }
0x77: {  	_ =	shalt  }
0x78: {  	_ =	shalt  }
0x79: {  	_ =	shalt  }
0x7a: {  	_ =	shalt  }
0x7b: {  	_ =	shalt  }
0x7c: {  	_ =	shalt  }
0x7d: {  	_ =	shalt  }
0x7e: {  	_ =	shalt  }
0x7f: {  	_ =	shalt  }
0x80: {  	_ =	shalt  }
0x81: {  	_ =	shalt  }
0x82: {  	_ =	shalt  }
0x83: {  	_ =	shalt  }
0x84: {  	_ =	shalt  }
0x85: {  	_ =	shalt  }
0x86: {  	_ =	shalt  }
0x87: {  	_ =	shalt  }
.Lfunc_end0:
.L_simem_size_0:
called_computation.1_lowered:
.L_overlay_start_0:
0x88: {  	s2 =	sld [smem:$0x3FD9]  }
0x89: {  	s3 =	sld [smem:$0x3FFE];
	_ =	sdelay $0x1  }
0x8a: {  	s1 =	srdreg.scid  }
0x8b: {  	s0 =	sand.u32 $0x1, s1  }
0x8c: {  	s17 =	sshll.u32 s0, $0xA;
	s2 =	sadd.s32 s3, s2  }
0x8d: {  	s2 =	sadd.s32 s2, s17  }
0x8e: {  	[smem:$0x3FBE] =	sst s2  }
0x8f: {  	_ = 	snop  }
0x90: {  	s2 =	sld [smem:$0x3FD0];
	(tm) =	ssettm $0x1  }
0x91: {  	s18 =	sld [smem:$0x3FFB];
	_ =	sdelay $0x3  }
0x92: {  	_ =	strace s18  }
0x93: {  	s3 =	sld [smem:$0x3FFC];
	_ =	sdelay $0x3  }
0x94: {  	_ =	strace s3  }
0x95: {  	s3 =	sld [smem:$0x3FFD];
	_ =	sdelay $0x3  }
0x96: {  	_ =	strace s3  }
0x97: {  	_ =	strace $0x8FFFFFFF  }
0x98: {  	s19 =	sld [smem:$0x3FDB];
	_ =	sdelay $0x1  }
0x99: {  	s4 =	simm.s32 $_scs_section_size  }
0x9a: {  	s5 =	simm.s32 $_size__tile_overlayer_lowered;
	s6 =	simm.s32 $_tile_overlayer_lowered  }
0x9b: {  	s22 =	simm.s32 $0x1BFF;
	s21 =	sshll.u32 s6, $0x1;
	s3 =	sadd.s32 s4, s19  }
0x9c: {  	s7 =	simm.s32 $0x0;
	s20 =	sshll.u32 s5, $0x1;
	s5 =	sadd.s32 s21, s3  }
0x9d: {  	[timem:s7], [sflag:s22] =	dma.local [hbm:s5], s20  }
0x9e: {  	_ =	swait.ge [sflag:s22], s20  }
0x9f: {  	s4 =	ssub.s32 $0x0, s20;
	[sflag:s22] =	ssyncset.done $0x0  }
0xa0: {  	[sflag:s22] =	ssyncadd.s32 s4;
	_ =	sdelay $0x1  }
0xa1: {  	s23 =	simm.s32 $0x1B8B  }
0xa2: {  	_ =	swait.ge [sflag:s23], $0x1  }
0xa3: {  	[sflag:s23] =	ssyncset.done $0x0  }
0xa4: {  	s25 =	simm.s32 $0x1B8E;
	s24 =	sld [smem:$0x3FFE];
	[sflag:s23] =	ssyncadd.s32 $0xFFFFFFFF  }
0xa5: {  	s26 =	simm.s32 $execute0_lowered;
	[smem:$0x3FD2] =	sst s25  }
0xa6: {  	s5 =	sshll.u32 s26, $0x1;
	_ =	strace $0x80000049;
	[dreg:$0x1] =	wrdreg $0xFFFFFFFF  }
0xa7: {  	s28 =	simm.s32 $_size_execute0_lowered;
	s3 =	sadd.s32 s3, s5;
	[dreg:$0x0] =	wrdreg $0x0  }
0xa8: {  	s5 =	sshll.u32 s28, $0x1;
	[dreg:$0x2] =	wrdreg s3  }
0xa9: {  	[dreg:$0x3] =	wrdreg s5  }
0xaa: {  	[dreg:$0x4] =	wrdreg $0xC0  }
0xab: {  	_ =	task [dreg:s7], $0x5FFFF  }
0xac: {  	[dreg:$0x1] =	wrdreg $0xFFFFFFFF  }
0xad: {  	[dreg:$0x0] =	wrdreg $0x60  }
0xae: {  	[dreg:$0x2] =	wrdreg s24  }
0xaf: {  	[dreg:$0x3] =	wrdreg s2  }
0xb0: {  	[dreg:$0x4] =	wrdreg $0x9  }
0xb1: {  	_ =	task.clear_ibuf [dreg:s7], $0x5FFFF;
	_ =	strace $0x90000049  }
0xb2: {  	s29 =	simm.s32 $0x9;
	_ =	strace $0x8000004B  }
0xb3: {  	_ =	swait.ge [sflag:s29], $0x1  }
0xb4: {  	[sflag:s29] =	ssyncadd.s32 $0xFFFFFFFF  }
0xb5: {  	_ =	strace $0x9000004B  }
0xb6: {  	_ =	sfence  }
0xb7: {  	s30 =	sld [smem:$0x0];
	_ =	sdelay $0x2  }
0xb8: {  	s31 =	sshll.u32 s1, $0xD;
	s1 =	sshrl.u32 s1, $0x2  }
0xb9: {  	s3 =	sand.u32 $0x4000, s31;
	s1 =	sadd.s32 s1, s30  }
0xba: {  	s0 =	sor.u32 s3, s0;
	s1 =	sshll.u32 s1, $0x11  }
0xbb: {  	s0 =	sor.u32 s1, s0  }
0xbc: {  	s0 =	sadd.s32 $0x8F2B, s0  }
0xbd: {  	[sflag:s0] =	ssyncadd.remote.s32 $0x1  }
0xbe: {  	_ =	sfence.sel $0xFFFF  }
0xbf: {  	[dreg:$0x0] =	wrdreg $0xFFFFFFFF;
	(pc) =	sbr.abs _section_cstart, $3  }
0xc0: {  	[dreg:$0x1] =	wrdreg $0xFFFFFFFF  }
0xc1: {  	_ =	task.clear_ibuf [dreg:s7], $0x2FFFF;
	_ =	strace $0x9FFFFFFF  }
0xc2: {  	(tm) =	ssettm $0x7FFFFFFF  }
0xc3: {  	_ =	shalt  }
tec
execute0_lowered:
.L_overlay_start_1:
0x0: {  	(tag) =	ssettag $0x1  }
0x1: {  	v0 =	vlaneseq.u32  }
0x2: {  	s0 =	rddreg [dreg:$0x0];
	s2 =	simm.s32 $0x0;
	v21 =	vshrl.u32 v0, $0x3;
	v19 =	vand.u32 $0x7, v0  }
0x3: {  	[smem:$0x7FF] =	sst s2;
	v1 =	vmul.u32 $0x8, v21;
	v29 =	vmul.u32 $0x2, v19  }
0x4: {  	s1 =	rddreg [dreg:$0x1];
	_ =	strace $0x8000004A;
	[tilespmem:$0x1FE40] =	vst v21  }
0x5: {  	v2 =	vor.u32 $0x6400, v1;
	[tilespmem:$0x1FF90] =	vst v29  }
0x6: {  	v23 =	vor.u32 $0x6000, v1;
	[tilespmem:$0x1FE50] =	vst v2  }
0x7: {  	v24 =	vor.u32 $0x5C00, v1;
	[tilespmem:$0x1FE60] =	vst v23  }
0x8: {  	v25 =	vor.u32 $0x5800, v1;
	[tilespmem:$0x1FE70] =	vst v24  }
0x9: {  	v26 =	vor.u32 $0x5400, v1;
	[tilespmem:$0x1FE80] =	vst v25  }
0xa: {  	v27 =	vor.u32 $0x5000, v1;
	[tilespmem:$0x1FE90] =	vst v26  }
0xb: {  	v28 =	vor.u32 $0x4C00, v1;
	[tilespmem:$0x1FEA0] =	vst v27  }
0xc: {  	v7 =	vor.u32 $0x4800, v1;
	[tilespmem:$0x1FEB0] =	vst v28  }
0xd: {  	v8 =	vor.u32 $0x4400, v1;
	[tilespmem:$0x1FEC0] =	vst v7  }
0xe: {  	s3 =	srdreg.scid;
	v9 =	vor.u32 $0x4000, v1;
	[tilespmem:$0x1FED0] =	vst v8  }
0xf: {  	s5 =	stileid.u32;
	s18 =	simm.s32 $0x5;
	s28 =	simm.s32 $0x10C00;
	v10 =	vor.u32 $0x3C00, v1;
	[tilespmem:$0x1FEE0] =	vst v9  }
0x10: {  	s29 =	simm.s32 $0x2;
	s30 =	simm.s32 $0x4;
	s31 =	simm.s32 $0x0;
	v11 =	vor.u32 $0x3800, v1;
	[tilespmem:$0x1FEF0] =	vst v10  }
0x11: {  	s4 =	sand.u32 $0x1, s3;
	s19 =	sshll.u32 s5, $0x1;
	s6 =	sadd.s32 $0x27C000, s0;
	v12 =	vor.u32 $0x3400, v1;
	[tilespmem:$0x1FF00] =	vst v11  }
0x12: {  	s3 =	sadd.s32 $0x1200, s0;
	s7 =	sor.u32 s4, s19;
	s20 =	ssub.s32 $0x2, s4;
	v13 =	vor.u32 $0x3000, v1;
	[tilespmem:$0x1FF10] =	vst v12  }
0x13: {  	s4 =	sadd.s32 $0x289000, s0;
	s0 =	sadd.s32 $0x2D8600, s0;
	s8 =	smul.u32 $0x3400, s7;
	v14 =	vor.u32 $0x2C00, v1;
	[tilespmem:$0x1FF20] =	vst v13  }
0x14: {  	s19 =	simm.s32 $0xD00;
	s9 =	sshrl.u32 s20, $0x1;
	s10 =	smul.u32 $0x680, s7;
	v15 =	vor.u32 $0x2800, v1;
	[tilespmem:$0x1FF30] =	vst v14  }
0x15: {  	s13 =	sshll.u32 s7, $0x9;
	s21 =	sshll.u32 s7, $0xA;
	s22 =	sshll.u32 s7, $0x6;
	v16 =	vor.u32 $0x2400, v1;
	[tilespmem:$0x1FF40] =	vst v15  }
0x16: {  	s17 =	ssub.s32 s20, s9;
	s7 =	sadd.s32 s0, s21;
	s23 =	sor.u32 $0x80, s13;
	v17 =	vor.u32 $0x2000, v1;
	[tilespmem:$0x1FF50] =	vst v16  }
0x17: {  	s24 =	sor.u32 $0x100, s13;
	s16 =	sor.u32 $0x180, s13;
	s20 =	simm.s32 $0x1A00;
	v18 =	vor.u32 $0x1C00, v1;
	[tilespmem:$0x1FF60] =	vst v17  }
0x18: {  	v20 =	vor.u32 $0x1800, v1;
	s8 =	sshrl.u32 s8, $0x3;
	s5 =	sadd.s32 s6, s10;
	s11 =	sshll.u32 s23, $0x1;
	[tilespmem:$0x1FF70] =	vst v18  }
0x19: {  	v22 =	vor.u32 $0x1400, v1;
	s14 =	sshrl.u32 s23, $0x3;
	s15 =	sshll.u32 s24, $0x1;
	s25 =	sshll.u32 s16, $0x1;
	[tilespmem:$0x1FF80] =	vst v20  }
0x1a: {  	v53 =	vor.u32 $0x1000, v1;
	s26 =	sshrl.u32 s16, $0x3;
	s17 =	smax.u32 s17, $0x1;
	s23 =	simm.s32 $0x3;
	[tilespmem:$0x1FFA0] =	vst v22  }
0x1b: {  	v57 =	vor.u32 $0xC00, v1;
	[tilespmem:$0x1FFB0] =	vst v53;
	s12 =	sadd.s32 s6, s8;
	s8 =	sadd.s32 s1, s22;
	s10 =	sadd.s32 s0, s11  }
0x1c: {  	v58 =	vor.u32 $0x800, v1;
	[tilespmem:$0x1FFC0] =	vst v57;
	s11 =	sadd.s32 s1, s14;
	s13 =	sadd.s32 s0, s15;
	s14 =	sshrl.u32 s24, $0x3  }
0x1d: {  	v61 =	vor.u32 $0x400, v1;
	[tilespmem:$0x1FFD0] =	vst v58;
	s15 =	sadd.s32 s0, s25;
	s16 =	sadd.s32 s1, s26;
	s22 =	simm.s32 $0x1  }
0x1e: {  	v30 =	vor.u32 $0x1, v29;
	[tilespmem:$0x1FFE0] =	vst v61;
	s24 =	simm.s32 $0x8200;
	s26 =	simm.s32 $0x10400;
	s6 =	sadd.s32 $0x1A0, s12  }
0x1f: {  	[tilespmem:$0x1FFF0] =	vst v30;
	s9 =	sadd.s32 $0x340, s12;
	s12 =	sadd.s32 $0x4E0, s12;
	s14 =	sadd.s32 s1, s14  }
.LBB2_1:
0x20: {  	[tilespmem:s2], [sflag:$0x5] =	stream.linear.gather [hbm4b:s5+s2], $0xD00, $0x38;
	[tilespmem:$0x10C80] =	vst v63  }
0x21: {  	_ =	swait.ge [sflag:s18], $0xD00  }
0x22: {  	[sflag:s18] =	ssyncset.done $0x0  }
0x23: {  	[sflag:s18] =	ssyncadd.s32 $0xFFFFF300  }
0x24: {  	[tilespmem:s20], [sflag:$0x1] =	stream.indirect.gather [hbm4b:s3+s19], $0x8, s2, s19, $0xb8;
	[tilespmem:$0x10C80] =	vst v63  }
0x25: {  	s0 =	simm.s32 $0xEA00  }
0x26: {  	[tilespmem:s0], [sflag:$0x3] =	stream.indirect.gather [hbm4b:s4+s19], $0x1, s2, s19, $0xb8;
	[tilespmem:$0x10C80] =	vst v63  }
0x27: {  	_ =	swait.ge [sflag:s22], $0x6800  }
0x28: {  	[sflag:s22] =	ssyncset.done $0x0  }
0x29: {  	[sflag:s22] =	ssyncadd.s32 $0xFFFF9800  }
0x2a: {  	_ =	swait.ge [sflag:s23], $0xD00  }
0x2b: {  	[sflag:s23] =	ssyncset.done $0x0  }
0x2c: {  	v0 =	vmov s2;
	[sflag:s23] =	ssyncadd.s32 $0xFFFFF300  }
0x2d: {  	v0 =	vshll.u32 v0, $0x3;
	[tilespmem:s19], [sflag:$0x5] =	stream.linear.gather [hbm4b:s6+s2], $0xD00, $0x38;
	[tilespmem:$0x10C80] =	vst v63  }
0x2e: {  	v1 =	vadd.s32 v2, v0;
	_ =	swait.ge [sflag:s18], $0xD00  }
0x2f: {  	v2 =	vadd.s32 v23, v0;
	v1 =	vor.u32 v19, v1;
	[sflag:s18] =	ssyncset.done $0x0  }
0x30: {  	v3 =	vadd.s32 v24, v0;
	v2 =	vor.u32 v19, v2;
	[sflag:s18] =	ssyncadd.s32 $0xFFFFF300  }
0x31: {  	v4 =	vadd.s32 v25, v0;
	v3 =	vor.u32 v19, v3;
	[tilespmem:s24], [sflag:$0x2] =	stream.indirect.gather [hbm4b:s3+s19], $0x8, s19, s19, $0xb8;
	[tilespmem:$0x10C80] =	vst v63  }
0x32: {  	s25 =	simm.s32 $0xF700;
	v5 =	vadd.s32 v26, v0;
	v4 =	vor.u32 v19, v4  }
0x33: {  	v6 =	vadd.s32 v27, v0;
	v5 =	vor.u32 v19, v5;
	[tilespmem:s25], [sflag:$0x4] =	stream.indirect.gather [hbm4b:s4+s19], $0x1, s19, s19, $0xb8;
	[tilespmem:$0x10C80] =	vst v63  }
0x34: {  	v29 =	vor.u32 s2, v21;
	v30 =	vadd.s32 v28, v0;
	v6 =	vor.u32 v19, v6;
	v42 =	vld.idx.msk [tilespmem:v1+s20+$0x0], $0xffff  }
0x35: {  	v60 =	vshll.u32 v29, $0x3;
	v31 =	vadd.s32 v7, v0;
	v30 =	vor.u32 v19, v30;
	v43 =	vld.idx.msk [tilespmem:v2+s20+$0x0], $0xffff  }
0x36: {  	v32 =	vadd.s32 v8, v0;
	v33 =	vadd.s32 v10, v0;
	v31 =	vor.u32 v19, v31;
	v44 =	vld.idx.msk [tilespmem:v3+s20+$0x0], $0xffff  }
0x37: {  	v34 =	vadd.s32 v12, v0;
	v35 =	vadd.s32 v14, v0;
	v32 =	vor.u32 v19, v32;
	v45 =	vld.idx.msk [tilespmem:v4+s20+$0x0], $0xffff  }
0x38: {  	v37 =	vadd.s32 v17, v0;
	v39 =	vadd.s32 v18, v0;
	v36 =	vor.u32 v19, v33;
	v46 =	vld.idx.msk [tilespmem:v5+s20+$0x0], $0xffff  }
0x39: {  	v40 =	vadd.s32 v20, v0;
	v41 =	vor.u32 v19, v35;
	v2 =	vadd.s32 v9, v0;
	v47 =	vld.idx.msk [tilespmem:v6+s20+$0x0], $0xffff  }
0x3a: {  	v53 =	vadd.s32 v53, v0;
	v3 =	vadd.s32 v11, v0;
	v48 =	vld.idx.msk [tilespmem:v30+s20+$0x0], $0xffff;
	v2 =	vor.u32 v19, v2  }
0x3b: {  	v63 =	vadd.s32 v61, v0;
	v38 =	vor.u32 v19, v34;
	v49 =	vld.idx.msk [tilespmem:v31+s20+$0x0], $0xffff;
	v3 =	vor.u32 v19, v3  }
0x3c: {  	v62 =	vor.u32 v19, v37;
	v63 =	vor.u32 v19, v63;
	v4 =	vadd.s32 v13, v0;
	v50 =	vld.idx.msk [tilespmem:v32+s20+$0x0], $0xffff  }
0x3d: {  	v5 =	vadd.s32 v15, v0;
	v6 =	vadd.s32 v16, v0;
	v54 =	vld.idx.msk [tilespmem:v36+s20+$0x0], $0xffff;
	v4 =	vor.u32 v19, v4  }
0x3e: {  	v1 =	vadd.s32 v58, v0;
	v58 =	vld.idx.msk [tilespmem:v41+s20+$0x0], $0xffff;
	v51 =	vor.u32 v19, v5;
	v56 =	vor.u32 v19, v6  }
0x3f: {  	v6 =	vadd.s32 v57, v0;
	v1 =	vor.u32 v19, v1;
	v30 =	vunpack.i.u.bf16.f32 v42;
	v52 =	vld.idx.msk [tilespmem:v2+s20+$0x0], $0xffff  }
0x40: {  	v21 =	vmovc v13;
	v31 =	vunpack.i.u.bf16.f32 v43;
	v32 =	vunpack.i.u.bf16.f32 v44;
	v33 =	vunpack.i.u.bf16.f32 v45;
	v55 =	vld.idx.msk [tilespmem:v3+s20+$0x0], $0xffff  }
0x41: {  	v27 =	vmovc v12;
	v28 =	vmovc v14;
	v57 =	vld.idx.msk [tilespmem:v38+s20+$0x0], $0xffff;
	v34 =	vunpack.i.u.bf16.f32 v46;
	v35 =	vunpack.i.u.bf16.f32 v47;
	v36 =	vunpack.i.u.bf16.f32 v48  }
0x42: {  	v23 =	vmovc v16;
	v24 =	vmovc v17;
	v37 =	vunpack.i.u.bf16.f32 v49;
	v38 =	vunpack.i.u.bf16.f32 v50;
	v2 =	vadd.s32 v22, v0;
	v59 =	vld.idx.msk [tilespmem:v4+s20+$0x0], $0xffff  }
0x43: {  	v62 =	vld.idx.msk [tilespmem:v62+s20+$0x0], $0xffff;
	v3 =	vor.u32 v19, v39;
	v4 =	vor.u32 v19, v40;
	v0 =	vor.u32 v19, v60  }
0x44: {  	v25 =	vmovc v18;
	v61 =	vld.idx.msk [tilespmem:v51+s20+$0x0], $0xffff;
	v40 =	vunpack.i.u.bf16.f32 v54;
	v5 =	vor.u32 v19, v2;
	v2 =	vor.u32 v19, v6  }
0x45: {  	v26 =	vmovc v20;
	s0 =	simm.s32 $0x2;
	v60 =	vld.idx.msk [tilespmem:v56+s20+$0x0], $0xffff;
	v22 =	vmovc v15;
	v6 =	vor.u32 v19, v53;
	v39 =	vunpack.i.u.bf16.f32 v52;
	v41 =	vunpack.i.u.bf16.f32 v55  }
.LBB2_2:
0x46: {  	_ = 	snop  }
0x47: {  	v43 =	vunpack.i.l.bf16.f32 v43;
	v42 =	vunpack.i.l.bf16.f32 v42;
	v53 =	vunpack.i.u.bf16.f32 v59  }
0x48: {  	v3 =	vld.idx.msk [tilespmem:v3+s20+$0x0], $0xffff;
	v45 =	vunpack.i.l.bf16.f32 v45;
	v44 =	vunpack.i.l.bf16.f32 v44;
	v47 =	vunpack.i.l.bf16.f32 v47  }
0x49: {  	v4 =	vld.idx.msk [tilespmem:v4+s20+$0x0], $0xffff;
	v46 =	vunpack.i.l.bf16.f32 v46;
	v49 =	vunpack.i.l.bf16.f32 v49;
	v48 =	vunpack.i.l.bf16.f32 v48  }
0x4a: {  	v5 =	vld.idx.msk [tilespmem:v5+s20+$0x0], $0xffff;
	v52 =	vunpack.i.l.bf16.f32 v52;
	v50 =	vunpack.i.l.bf16.f32 v50;
	v55 =	vunpack.i.l.bf16.f32 v55  }
0x4b: {  	v6 =	vld.idx.msk [tilespmem:v6+s20+$0x0], $0xffff;
	v54 =	vunpack.i.l.bf16.f32 v54;
	v59 =	vunpack.i.l.bf16.f32 v59;
	v51 =	vunpack.i.u.bf16.f32 v57  }
0x4c: {  	v2 =	vld.idx.msk [tilespmem:v2+s20+$0x0], $0xffff;
	v56 =	vunpack.i.u.bf16.f32 v58;
	v7 =	vunpack.i.u.bf16.f32 v61;
	v8 =	vunpack.i.u.bf16.f32 v60  }
0x4d: {  	v0 =	vld.idx.msk [tilespmem:v0+s20+$0x0], $0xffff;
	v9 =	vunpack.i.u.bf16.f32 v62;
	v57 =	vunpack.i.l.bf16.f32 v57;
	v61 =	vunpack.i.l.bf16.f32 v61  }
0x4e: {  	v1 =	vld.idx.msk [tilespmem:v1+s20+$0x0], $0xffff;
	v58 =	vunpack.i.l.bf16.f32 v58;
	v62 =	vunpack.i.l.bf16.f32 v62;
	v60 =	vunpack.i.l.bf16.f32 v60  }
0x4f: {  	v63 =	vld.idx.msk [tilespmem:v63+s20+$0x0], $0xffff;
	v10 =	vunpack.i.u.bf16.f32 v3;
	v11 =	vunpack.i.u.bf16.f32 v4;
	v12 =	vunpack.i.u.bf16.f32 v5  }
0x50: {  	v13 =	vunpack.i.u.bf16.f32 v6;
	v4 =	vunpack.i.l.bf16.f32 v4;
	v3 =	vunpack.i.l.bf16.f32 v3  }
0x51: {  	v14 =	vunpack.i.u.bf16.f32 v2;
	v6 =	vunpack.i.l.bf16.f32 v6;
	v5 =	vunpack.i.l.bf16.f32 v5  }
0x52: {  	v15 =	vunpack.i.u.bf16.f32 v0;
	v0 =	vunpack.i.l.bf16.f32 v0;
	v2 =	vunpack.i.l.bf16.f32 v2  }
0x53: {  	v17 =	vunpack.i.u.bf16.f32 v1;
	v1 =	vunpack.i.l.bf16.f32 v1;
	v16 =	vadd.f32 $0.0e+00, v0  }
0x54: {  	v20 =	vunpack.i.u.bf16.f32 v63;
	v63 =	vunpack.i.l.bf16.f32 v63;
	v18 =	vadd.f32 $0.0e+00, v15  }
0x55: {  	v0 =	vmul.f32 v0, v0;
	v16 =	vadd.f32 v63, v16;
	v63 =	vmul.f32 v63, v63  }
0x56: {  	v15 =	vmul.f32 v15, v15;
	v18 =	vadd.f32 v20, v18;
	v20 =	vmul.f32 v20, v20  }
0x57: {  	v0 =	vadd.f32 v63, v0;
	v16 =	vadd.f32 v1, v16;
	v1 =	vmul.f32 v1, v1  }
0x58: {  	v15 =	vadd.f32 v20, v15;
	v18 =	vadd.f32 v17, v18;
	v17 =	vmul.f32 v17, v17  }
0x59: {  	v0 =	vadd.f32 v1, v0;
	v1 =	vadd.f32 v2, v16;
	v2 =	vmul.f32 v2, v2  }
0x5a: {  	v15 =	vadd.f32 v17, v15;
	v16 =	vadd.f32 v14, v18;
	v14 =	vmul.f32 v14, v14  }
0x5b: {  	v0 =	vadd.f32 v2, v0;
	v1 =	vadd.f32 v6, v1;
	v2 =	vmul.f32 v6, v6  }
0x5c: {  	v6 =	vadd.f32 v14, v15;
	v63 =	vadd.f32 v13, v16;
	v13 =	vmul.f32 v13, v13  }
0x5d: {  	v0 =	vadd.f32 v2, v0;
	v1 =	vadd.f32 v5, v1;
	v2 =	vmul.f32 v5, v5  }
0x5e: {  	v5 =	vadd.f32 v13, v6;
	v6 =	vadd.f32 v12, v63;
	v12 =	vmul.f32 v12, v12  }
0x5f: {  	v0 =	vadd.f32 v2, v0;
	v1 =	vadd.f32 v4, v1;
	v2 =	vmul.f32 v4, v4  }
0x60: {  	v4 =	vadd.f32 v12, v5;
	v5 =	vadd.f32 v11, v6;
	v6 =	vmul.f32 v11, v11  }
0x61: {  	v0 =	vadd.f32 v2, v0;
	v1 =	vadd.f32 v3, v1;
	v2 =	vmul.f32 v3, v3  }
0x62: {  	v3 =	vadd.f32 v6, v4;
	v4 =	vadd.f32 v10, v5;
	v5 =	vmul.f32 v10, v10  }
0x63: {  	v0 =	vadd.f32 v2, v0;
	v1 =	vadd.f32 v62, v1;
	v2 =	vmul.f32 v62, v62  }
0x64: {  	v3 =	vadd.f32 v5, v3;
	v4 =	vadd.f32 v9, v4;
	v5 =	vmul.f32 v9, v9  }
0x65: {  	v0 =	vadd.f32 v2, v0;
	v1 =	vadd.f32 v60, v1;
	v2 =	vmul.f32 v60, v60  }
0x66: {  	v3 =	vadd.f32 v5, v3;
	v4 =	vadd.f32 v8, v4;
	v5 =	vmul.f32 v8, v8  }
0x67: {  	v0 =	vadd.f32 v2, v0;
	v1 =	vadd.f32 v61, v1;
	v2 =	vmul.f32 v61, v61  }
0x68: {  	v3 =	vadd.f32 v5, v3;
	v4 =	vadd.f32 v7, v4;
	v5 =	vmul.f32 v7, v7  }
0x69: {  	v0 =	vadd.f32 v2, v0;
	v1 =	vadd.f32 v58, v1;
	v2 =	vmul.f32 v58, v58  }
0x6a: {  	v3 =	vadd.f32 v5, v3;
	v4 =	vadd.f32 v56, v4;
	v5 =	vmul.f32 v56, v56  }
0x6b: {  	v0 =	vadd.f32 v2, v0;
	v1 =	vadd.f32 v59, v1;
	v2 =	vmul.f32 v59, v59  }
0x6c: {  	v3 =	vadd.f32 v5, v3;
	v4 =	vadd.f32 v53, v4;
	v5 =	vmul.f32 v53, v53  }
0x6d: {  	v0 =	vadd.f32 v2, v0;
	v1 =	vadd.f32 v57, v1;
	v2 =	vmul.f32 v57, v57  }
0x6e: {  	v3 =	vadd.f32 v5, v3;
	v4 =	vadd.f32 v51, v4;
	v5 =	vmul.f32 v51, v51  }
0x6f: {  	v0 =	vadd.f32 v2, v0;
	v1 =	vadd.f32 v55, v1;
	v2 =	vmul.f32 v55, v55  }
0x70: {  	v3 =	vadd.f32 v5, v3;
	v4 =	vadd.f32 v41, v4;
	v5 =	vmul.f32 v41, v41  }
0x71: {  	v0 =	vadd.f32 v2, v0;
	v1 =	vadd.f32 v54, v1;
	v2 =	vmul.f32 v54, v54  }
0x72: {  	v3 =	vadd.f32 v5, v3;
	v4 =	vadd.f32 v40, v4;
	v5 =	vmul.f32 v40, v40  }
0x73: {  	v0 =	vadd.f32 v2, v0;
	v1 =	vadd.f32 v52, v1;
	v2 =	vmul.f32 v52, v52  }
0x74: {  	v3 =	vadd.f32 v5, v3;
	v4 =	vadd.f32 v39, v4;
	v5 =	vmul.f32 v39, v39  }
0x75: {  	v0 =	vadd.f32 v2, v0;
	v1 =	vadd.f32 v50, v1;
	v2 =	vmul.f32 v50, v50  }
0x76: {  	v3 =	vadd.f32 v5, v3;
	v4 =	vadd.f32 v38, v4;
	v5 =	vmul.f32 v38, v38  }
0x77: {  	v0 =	vadd.f32 v2, v0;
	v1 =	vadd.f32 v49, v1;
	v2 =	vmul.f32 v49, v49  }
0x78: {  	v3 =	vadd.f32 v5, v3;
	v4 =	vadd.f32 v37, v4;
	v5 =	vmul.f32 v37, v37  }
0x79: {  	v0 =	vadd.f32 v2, v0;
	v1 =	vadd.f32 v48, v1;
	v2 =	vmul.f32 v48, v48  }
0x7a: {  	v3 =	vadd.f32 v5, v3;
	v4 =	vadd.f32 v36, v4;
	v5 =	vmul.f32 v36, v36  }
0x7b: {  	v0 =	vadd.f32 v2, v0;
	v1 =	vadd.f32 v47, v1;
	v2 =	vmul.f32 v47, v47  }
0x7c: {  	v3 =	vadd.f32 v5, v3;
	v4 =	vadd.f32 v35, v4;
	v5 =	vmul.f32 v35, v35  }
0x7d: {  	v0 =	vadd.f32 v2, v0;
	v1 =	vadd.f32 v46, v1;
	v2 =	vmul.f32 v46, v46  }
0x7e: {  	v3 =	vadd.f32 v5, v3;
	v4 =	vadd.f32 v34, v4;
	v5 =	vmul.f32 v34, v34  }
0x7f: {  	v0 =	vadd.f32 v2, v0;
	v1 =	vadd.f32 v45, v1;
	v2 =	vmul.f32 v45, v45  }
0x80: {  	v3 =	vadd.f32 v5, v3;
	v4 =	vadd.f32 v33, v4;
	v5 =	vmul.f32 v33, v33  }
0x81: {  	v0 =	vadd.f32 v2, v0;
	v1 =	vadd.f32 v44, v1;
	v2 =	vmul.f32 v44, v44  }
0x82: {  	v3 =	vadd.f32 v5, v3;
	v4 =	vadd.f32 v32, v4;
	v5 =	vmul.f32 v32, v32  }
0x83: {  	v0 =	vadd.f32 v2, v0;
	v1 =	vadd.f32 v43, v1;
	v2 =	vmul.f32 v43, v43  }
0x84: {  	v3 =	vadd.f32 v5, v3;
	v4 =	vadd.f32 v31, v4;
	v5 =	vmul.f32 v31, v31  }
0x85: {  	v0 =	vadd.f32 v2, v0;
	v1 =	vadd.f32 v42, v1  }
0x86: {  	v2 =	vmul.f32 v42, v42;
	v3 =	vadd.f32 v5, v3;
	v5 =	vmul.f32 v30, v30  }
0x87: {  	v4 =	vadd.f32 v30, v4  }
0x88: {  	v0 =	vadd.f32 v2, v0;
	v1 =	vmul.f32 v1, v1;
	v3 =	vadd.f32 v5, v3;
	v5 =	vld [tilespmem:$0x1FF90]  }
0x89: {  	v4 =	vmul.f32 v4, v4  }
0x8a: {  	v0 =	vsub.f32 v1, v0;
	v1 =	vld [tilespmem:$0x1FFF0]  }
0x8b: {  	v3 =	vsub.f32 v4, v3;
	v4 =	vld [tilespmem:$0x1FE50]  }
0x8c: {  	v2 =	vshll.u32 v29, $0x4  }
0x8d: {  	v7 =	vld [tilespmem:$0x1FE70];
	v5 =	vor.u32 v5, v2  }
0x8e: {  	v6 =	vmov s0;
	v41 =	vld [tilespmem:$0x1FFB0]  }
0x8f: {  	v37 =	vld [tilespmem:$0x1FEF0];
	v1 =	vor.u32 v1, v2;
	v2 =	vshll.u32 v6, $0x3  }
0x90: {  	v36 =	vld [tilespmem:$0x1FED0];
	v0 =	vmul.f32 $5.000000000e-01, v0;
	v4 =	vadd.s32 v4, v2  }
0x91: {  	v6 =	vld [tilespmem:$0x1FE60];
	v4 =	vor.u32 v19, v4  }
0x92: {  	v3 =	vmul.f32 $5.000000000e-01, v3;
	v7 =	vadd.s32 v7, v2;
	[tilespmem:v5+s26+$0x0] =	vst.idx.msk $0xffff, v0;
	v0 =	vld [tilespmem:$0x1FE80]  }
0x93: {  	v5 =	vor.u32 v19, v7;
	v7 =	vld [tilespmem:$0x1FE40]  }
0x94: {  	[tilespmem:v1+s26+$0x0] =	vst.idx.msk $0xffff, v3;
	v1 =	vld [tilespmem:$0x1FE90]  }
0x95: {  	v9 =	vadd.s32 v36, v2;
	v3 =	vld [tilespmem:$0x1FEA0]  }
0x96: {  	v9 =	vor.u32 v19, v9;
	v6 =	vadd.s32 v6, v2;
	v42 =	vld.idx.msk [tilespmem:v4+s20+$0x0], $0xffff  }
0x97: {  	v6 =	vor.u32 v19, v6;
	v4 =	vld [tilespmem:$0x1FEC0]  }
0x98: {  	v10 =	vadd.s32 v37, v2;
	v29 =	vor.u32 s0, v7;
	v7 =	vld [tilespmem:$0x1FEB0]  }
0x99: {  	v10 =	vor.u32 v19, v10;
	v0 =	vadd.s32 v0, v2;
	v44 =	vld.idx.msk [tilespmem:v5+s20+$0x0], $0xffff  }
0x9a: {  	v5 =	vld [tilespmem:$0x1FF00];
	v0 =	vor.u32 v19, v0;
	v1 =	vadd.s32 v1, v2  }
0x9b: {  	v50 =	vld.idx.msk [tilespmem:v9+s20+$0x0], $0xffff;
	v3 =	vadd.s32 v3, v2;
	v1 =	vor.u32 v19, v1  }
0x9c: {  	v3 =	vor.u32 v19, v3;
	v43 =	vld.idx.msk [tilespmem:v6+s20+$0x0], $0xffff  }
0x9d: {  	v6 =	vld [tilespmem:$0x1FEE0];
	v4 =	vadd.s32 v4, v2  }
0x9e: {  	v54 =	vld.idx.msk [tilespmem:v10+s20+$0x0], $0xffff;
	v7 =	vadd.s32 v7, v2;
	v4 =	vor.u32 v19, v4  }
0x9f: {  	v5 =	vadd.s32 v5, v2;
	v7 =	vor.u32 v19, v7;
	v45 =	vld.idx.msk [tilespmem:v0+s20+$0x0], $0xffff  }
0xa0: {  	v0 =	vadd.s32 v21, v2;
	v5 =	vor.u32 v19, v5;
	v46 =	vld.idx.msk [tilespmem:v1+s20+$0x0], $0xffff  }
0xa1: {  	v0 =	vor.u32 v19, v0;
	v47 =	vld.idx.msk [tilespmem:v3+s20+$0x0], $0xffff;
	v3 =	vadd.s32 v23, v2  }
0xa2: {  	v6 =	vadd.s32 v6, v2;
	v13 =	vor.u32 v19, v3;
	v3 =	vld [tilespmem:$0x1FFC0]  }
0xa3: {  	v6 =	vor.u32 v19, v6;
	v49 =	vld.idx.msk [tilespmem:v4+s20+$0x0], $0xffff  }
0xa4: {  	v48 =	vld.idx.msk [tilespmem:v7+s20+$0x0], $0xffff  }
0xa5: {  	v55 =	vld.idx.msk [tilespmem:v5+s20+$0x0], $0xffff  }
0xa6: {  	v38 =	vadd.s32 v27, v2;
	v39 =	vadd.s32 v28, v2;
	v40 =	vadd.s32 v26, v2;
	v59 =	vld.idx.msk [tilespmem:v0+s20+$0x0], $0xffff  }
0xa7: {  	v11 =	vor.u32 v19, v38;
	v12 =	vor.u32 v19, v39;
	v10 =	vadd.s32 v41, v2;
	v0 =	vld [tilespmem:$0x1FFE0]  }
0xa8: {  	v8 =	vshll.u32 v29, $0x3;
	v30 =	vunpack.i.u.bf16.f32 v42;
	v38 =	vunpack.i.u.bf16.f32 v50;
	v52 =	vld.idx.msk [tilespmem:v6+s20+$0x0], $0xffff  }
0xa9: {  	v32 =	vunpack.i.u.bf16.f32 v44;
	v1 =	vadd.s32 v22, v2;
	v31 =	vunpack.i.u.bf16.f32 v43;
	v6 =	vld [tilespmem:$0x1FFA0]  }
0xaa: {  	v1 =	vor.u32 v19, v1;
	v7 =	vadd.s32 v24, v2;
	v14 =	vadd.s32 v3, v2;
	v3 =	vld [tilespmem:$0x1FFD0]  }
0xab: {  	v4 =	vadd.s32 v25, v2;
	v33 =	vunpack.i.u.bf16.f32 v45;
	v7 =	vor.u32 v19, v7  }
0xac: {  	p0 =	sne.s32 s0, $0x7E;
	v34 =	vunpack.i.u.bf16.f32 v46;
	v35 =	vunpack.i.u.bf16.f32 v47;
	v37 =	vunpack.i.u.bf16.f32 v49  }
.Ltmp0:
0xad: {  	v57 =	vld.idx.msk [tilespmem:v11+s20+$0x0], $0xffff;
	v36 =	vunpack.i.u.bf16.f32 v48;
	v41 =	vunpack.i.u.bf16.f32 v55;
	v53 =	vadd.s32 v0, v2;
	(pc) =	sbr.rel @p0 .LBB2_2-.Ltmp0, $4  }
0xae: {  	v58 =	vld.idx.msk [tilespmem:v12+s20+$0x0], $0xffff;
	v0 =	vor.u32 v19, v8;
	v63 =	vor.u32 v19, v53;
	v6 =	vadd.s32 v6, v2  }
0xaf: {  	v61 =	vld.idx.msk [tilespmem:v1+s20+$0x0], $0xffff;
	v51 =	vadd.s32 v3, v2;
	v3 =	vor.u32 v19, v4;
	v4 =	vor.u32 v19, v40  }
0xb0: {  	v60 =	vld.idx.msk [tilespmem:v13+s20+$0x0], $0xffff;
	v39 =	vunpack.i.u.bf16.f32 v52;
	v2 =	vor.u32 v19, v14;
	v40 =	vunpack.i.u.bf16.f32 v54  }
0xb1: {  	s0 =	sadd.s32 $0x2, s0;
	v62 =	vld.idx.msk [tilespmem:v7+s20+$0x0], $0xffff;
	v5 =	vor.u32 v19, v6;
	v6 =	vor.u32 v19, v10;
	v1 =	vor.u32 v19, v51  }
0xb2: {  	_ =	sdelay $0x2  }
0xb3: {  	v7 =	vunpack.i.u.bf16.f32 v57  }
0xb4: {  	v43 =	vunpack.i.l.bf16.f32 v43;
	v42 =	vunpack.i.l.bf16.f32 v42;
	v3 =	vld.idx.msk [tilespmem:v3+s20+$0x0], $0xffff;
	v8 =	vunpack.i.u.bf16.f32 v59  }
0xb5: {  	v45 =	vunpack.i.l.bf16.f32 v45;
	v44 =	vunpack.i.l.bf16.f32 v44;
	v4 =	vld.idx.msk [tilespmem:v4+s20+$0x0], $0xffff;
	v47 =	vunpack.i.l.bf16.f32 v47  }
0xb6: {  	v46 =	vunpack.i.l.bf16.f32 v46;
	v5 =	vld.idx.msk [tilespmem:v5+s20+$0x0], $0xffff;
	v49 =	vunpack.i.l.bf16.f32 v49;
	v12 =	vunpack.i.l.bf16.f32 v52  }
0xb7: {  	v6 =	vld.idx.msk [tilespmem:v6+s20+$0x0], $0xffff;
	v14 =	vunpack.i.l.bf16.f32 v55;
	v15 =	vunpack.i.l.bf16.f32 v54;
	v17 =	vunpack.i.l.bf16.f32 v59  }
0xb8: {  	v2 =	vld.idx.msk [tilespmem:v2+s20+$0x0], $0xffff;
	v18 =	vunpack.i.l.bf16.f32 v57;
	v9 =	vunpack.i.u.bf16.f32 v58;
	v52 =	vunpack.i.l.bf16.f32 v58  }
0xb9: {  	v0 =	vld.idx.msk [tilespmem:v0+s20+$0x0], $0xffff;
	v10 =	vunpack.i.u.bf16.f32 v61;
	v51 =	vunpack.i.l.bf16.f32 v61;
	v11 =	vunpack.i.u.bf16.f32 v60  }
0xba: {  	v1 =	vld.idx.msk [tilespmem:v1+s20+$0x0], $0xffff;
	v56 =	vunpack.i.l.bf16.f32 v60;
	v13 =	vunpack.i.u.bf16.f32 v62;
	v55 =	vunpack.i.l.bf16.f32 v62  }
0xbb: {  	v53 =	vld.idx.msk [tilespmem:v63+s20+$0x0], $0xffff;
	v16 =	vunpack.i.u.bf16.f32 v3;
	v20 =	vunpack.i.u.bf16.f32 v4;
	v54 =	vunpack.i.u.bf16.f32 v5  }
0xbc: {  	v57 =	vunpack.i.u.bf16.f32 v6;
	v4 =	vunpack.i.l.bf16.f32 v4;
	v3 =	vunpack.i.l.bf16.f32 v3  }
0xbd: {  	v21 =	vunpack.i.u.bf16.f32 v2;
	v6 =	vunpack.i.l.bf16.f32 v6;
	v5 =	vunpack.i.l.bf16.f32 v5  }
0xbe: {  	v22 =	vunpack.i.u.bf16.f32 v0;
	v0 =	vunpack.i.l.bf16.f32 v0;
	v2 =	vunpack.i.l.bf16.f32 v2  }
0xbf: {  	v24 =	vunpack.i.u.bf16.f32 v1;
	v1 =	vunpack.i.l.bf16.f32 v1;
	v23 =	vadd.f32 $0.0e+00, v0  }
0xc0: {  	v63 =	vunpack.i.u.bf16.f32 v53;
	v53 =	vunpack.i.l.bf16.f32 v53;
	v25 =	vadd.f32 $0.0e+00, v22  }
0xc1: {  	v0 =	vmul.f32 v0, v0;
	v60 =	vadd.f32 v53, v23;
	v53 =	vmul.f32 v53, v53  }
0xc2: {  	v59 =	vmul.f32 v22, v22;
	v62 =	vadd.f32 v63, v25;
	v63 =	vmul.f32 v63, v63  }
0xc3: {  	v0 =	vadd.f32 v53, v0;
	v26 =	vadd.f32 v1, v60;
	v1 =	vmul.f32 v1, v1  }
0xc4: {  	v61 =	vmul.f32 v24, v24;
	v59 =	vadd.f32 v63, v59;
	v27 =	vadd.f32 v24, v62  }
0xc5: {  	v0 =	vadd.f32 v1, v0;
	v1 =	vadd.f32 v2, v26;
	v2 =	vmul.f32 v2, v2  }
0xc6: {  	v58 =	vmul.f32 v21, v21;
	v28 =	vadd.f32 v61, v59;
	v61 =	vadd.f32 v21, v27  }
0xc7: {  	v0 =	vadd.f32 v2, v0;
	v1 =	vadd.f32 v6, v1;
	v2 =	vmul.f32 v6, v6  }
0xc8: {  	v6 =	vadd.f32 v58, v28;
	v62 =	vadd.f32 v57, v61;
	v57 =	vmul.f32 v57, v57  }
0xc9: {  	v0 =	vadd.f32 v2, v0;
	v1 =	vadd.f32 v5, v1;
	v2 =	vmul.f32 v5, v5  }
0xca: {  	v63 =	vmul.f32 v54, v54;
	v5 =	vadd.f32 v57, v6;
	v6 =	vadd.f32 v54, v62  }
0xcb: {  	v0 =	vadd.f32 v2, v0;
	v1 =	vadd.f32 v4, v1;
	v2 =	vmul.f32 v4, v4  }
0xcc: {  	v4 =	vadd.f32 v63, v5;
	v5 =	vadd.f32 v20, v6;
	v6 =	vmul.f32 v20, v20  }
0xcd: {  	v0 =	vadd.f32 v2, v0;
	v1 =	vadd.f32 v3, v1;
	v2 =	vmul.f32 v3, v3  }
0xce: {  	v3 =	vadd.f32 v6, v4;
	v4 =	vadd.f32 v16, v5;
	v5 =	vmul.f32 v16, v16  }
0xcf: {  	v0 =	vadd.f32 v2, v0;
	v1 =	vadd.f32 v55, v1;
	v2 =	vmul.f32 v55, v55  }
0xd0: {  	v48 =	vunpack.i.l.bf16.f32 v48;
	v3 =	vadd.f32 v5, v3;
	v5 =	vmul.f32 v13, v13  }
0xd1: {  	v0 =	vadd.f32 v2, v0;
	v1 =	vadd.f32 v56, v1;
	v2 =	vmul.f32 v56, v56  }
0xd2: {  	v50 =	vunpack.i.l.bf16.f32 v50;
	v3 =	vadd.f32 v5, v3;
	v5 =	vmul.f32 v11, v11  }
0xd3: {  	v0 =	vadd.f32 v2, v0;
	v1 =	vadd.f32 v51, v1;
	v2 =	vmul.f32 v51, v51  }
0xd4: {  	v4 =	vadd.f32 v13, v4;
	v3 =	vadd.f32 v5, v3;
	v5 =	vmul.f32 v10, v10  }
0xd5: {  	v0 =	vadd.f32 v2, v0;
	v1 =	vadd.f32 v52, v1;
	v2 =	vmul.f32 v52, v52  }
0xd6: {  	v4 =	vadd.f32 v11, v4;
	v3 =	vadd.f32 v5, v3;
	v5 =	vmul.f32 v9, v9  }
0xd7: {  	v0 =	vadd.f32 v2, v0;
	v1 =	vadd.f32 v17, v1;
	v2 =	vmul.f32 v17, v17  }
0xd8: {  	v4 =	vadd.f32 v10, v4;
	v3 =	vadd.f32 v5, v3;
	v5 =	vmul.f32 v8, v8  }
0xd9: {  	v0 =	vadd.f32 v2, v0;
	v1 =	vadd.f32 v18, v1;
	v2 =	vmul.f32 v18, v18  }
0xda: {  	v4 =	vadd.f32 v9, v4;
	v3 =	vadd.f32 v5, v3;
	v5 =	vmul.f32 v7, v7  }
0xdb: {  	v0 =	vadd.f32 v2, v0;
	v1 =	vadd.f32 v14, v1;
	v2 =	vmul.f32 v14, v14  }
0xdc: {  	v4 =	vadd.f32 v8, v4;
	v3 =	vadd.f32 v5, v3;
	v5 =	vmul.f32 v41, v41  }
0xdd: {  	v0 =	vadd.f32 v2, v0;
	v1 =	vadd.f32 v15, v1;
	v2 =	vmul.f32 v15, v15  }
0xde: {  	v4 =	vadd.f32 v7, v4;
	v3 =	vadd.f32 v5, v3;
	v5 =	vmul.f32 v40, v40  }
0xdf: {  	v0 =	vadd.f32 v2, v0;
	v1 =	vadd.f32 v12, v1;
	v2 =	vmul.f32 v12, v12  }
0xe0: {  	v4 =	vadd.f32 v41, v4;
	v3 =	vadd.f32 v5, v3;
	v5 =	vmul.f32 v39, v39  }
0xe1: {  	v0 =	vadd.f32 v2, v0;
	v1 =	vadd.f32 v50, v1;
	v2 =	vmul.f32 v50, v50  }
0xe2: {  	v4 =	vadd.f32 v40, v4;
	v3 =	vadd.f32 v5, v3;
	v5 =	vmul.f32 v38, v38  }
0xe3: {  	v0 =	vadd.f32 v2, v0;
	v1 =	vadd.f32 v49, v1;
	v2 =	vmul.f32 v49, v49  }
0xe4: {  	v4 =	vadd.f32 v39, v4;
	v3 =	vadd.f32 v5, v3;
	v5 =	vmul.f32 v37, v37  }
0xe5: {  	v0 =	vadd.f32 v2, v0;
	v1 =	vadd.f32 v48, v1;
	v2 =	vmul.f32 v48, v48  }
0xe6: {  	v4 =	vadd.f32 v38, v4;
	v3 =	vadd.f32 v5, v3;
	v5 =	vmul.f32 v36, v36  }
0xe7: {  	v0 =	vadd.f32 v2, v0;
	v1 =	vadd.f32 v47, v1;
	v2 =	vmul.f32 v47, v47  }
0xe8: {  	v4 =	vadd.f32 v37, v4;
	v3 =	vadd.f32 v5, v3;
	v5 =	vmul.f32 v35, v35  }
0xe9: {  	v0 =	vadd.f32 v2, v0;
	v1 =	vadd.f32 v46, v1;
	v2 =	vmul.f32 v46, v46  }
0xea: {  	v4 =	vadd.f32 v36, v4;
	v3 =	vadd.f32 v5, v3;
	v5 =	vmul.f32 v34, v34  }
0xeb: {  	v0 =	vadd.f32 v2, v0;
	v1 =	vadd.f32 v45, v1;
	v2 =	vmul.f32 v45, v45  }
0xec: {  	v4 =	vadd.f32 v35, v4;
	v3 =	vadd.f32 v5, v3;
	v5 =	vmul.f32 v33, v33  }
0xed: {  	v0 =	vadd.f32 v2, v0;
	v1 =	vadd.f32 v44, v1;
	v2 =	vmul.f32 v44, v44  }
0xee: {  	v4 =	vadd.f32 v34, v4;
	v3 =	vadd.f32 v5, v3;
	v5 =	vmul.f32 v32, v32  }
0xef: {  	v0 =	vadd.f32 v2, v0;
	v1 =	vadd.f32 v43, v1;
	v2 =	vmul.f32 v43, v43  }
0xf0: {  	v4 =	vadd.f32 v33, v4;
	v3 =	vadd.f32 v5, v3;
	v5 =	vmul.f32 v31, v31  }
0xf1: {  	v0 =	vadd.f32 v2, v0;
	v1 =	vadd.f32 v42, v1;
	v2 =	vmul.f32 v42, v42  }
0xf2: {  	v3 =	vadd.f32 v5, v3;
	v5 =	vmul.f32 v30, v30  }
0xf3: {  	v4 =	vadd.f32 v32, v4;
	v0 =	vadd.f32 v2, v0;
	v1 =	vmul.f32 v1, v1  }
0xf4: {  	v3 =	vadd.f32 v5, v3;
	v5 =	vld [tilespmem:$0x1FF90]  }
0xf5: {  	v4 =	vadd.f32 v31, v4;
	v0 =	vsub.f32 v1, v0;
	v1 =	vld [tilespmem:$0x1FFF0];
	_ =	sdelay $0x1  }
0xf6: {  	v4 =	vadd.f32 v30, v4  }
0xf7: {  	v2 =	vshll.u32 v29, $0x4  }
0xf8: {  	v4 =	vmul.f32 v4, v4;
	v5 =	vor.u32 v5, v2  }
0xf9: {  	v1 =	vor.u32 v1, v2  }
0xfa: {  	v2 =	vsub.f32 v4, v3  }
0xfb: {  	v0 =	vmul.f32 $5.000000000e-01, v0  }
0xfc: {  	v2 =	vmul.f32 $5.000000000e-01, v2  }
0xfd: {  	[tilespmem:v5+s26+$0x0] =	vst.idx.msk $0xffff, v0  }
0xfe: {  	s1 =	simm.s32 $0x0;
	[tilespmem:v1+s26+$0x0] =	vst.idx.msk $0xffff, v2  }
0xff: {  	v0 =	vld [tilespmem:s1+$0xEA00]  }
0x100: {  	v1 =	vld [tilespmem:s1+$0xEA80];
	_ =	sdelay $0x1  }
0x101: {  	v2 =	vld [tilespmem:s1+$0xEB00];
	_ =	sdelay $0x1  }
0x102: {  	v3 =	vld [tilespmem:s1+$0xEB80]  }
0x103: {  	v0 =	vadd.f32 v1, v0  }
0x104: {  	v1 =	vld [tilespmem:s1+$0xEC00]  }
0x105: {  	v0 =	vadd.f32 v2, v0  }
0x106: {  	v2 =	vld [tilespmem:s1+$0xEC80]  }
0x107: {  	v0 =	vadd.f32 v3, v0  }
0x108: {  	v3 =	vld [tilespmem:s1+$0xED00]  }
0x109: {  	v0 =	vadd.f32 v1, v0  }
0x10a: {  	v1 =	vld [tilespmem:s1+$0xED80]  }
0x10b: {  	v0 =	vadd.f32 v2, v0  }
0x10c: {  	v2 =	vld [tilespmem:s1+$0xEE00]  }
0x10d: {  	v0 =	vadd.f32 v3, v0  }
0x10e: {  	v3 =	vld [tilespmem:s1+$0xEE80]  }
0x10f: {  	v0 =	vadd.f32 v1, v0  }
0x110: {  	v1 =	vld [tilespmem:s1+$0xEF00]  }
0x111: {  	v0 =	vadd.f32 v2, v0  }
0x112: {  	v2 =	vld [tilespmem:s1+$0xEF80]  }
0x113: {  	v0 =	vadd.f32 v3, v0  }
0x114: {  	v3 =	vld [tilespmem:s1+$0xF000]  }
0x115: {  	s0 =	simm.s32 $0x10;
	v4 =	vld [tilespmem:s1+$0xF080];
	v0 =	vadd.f32 v1, v0  }
0x116: {  	v5 =	vld [tilespmem:s0+$0xEA00]  }
0x117: {  	v1 =	vld [tilespmem:s1+$0xF100];
	v0 =	vadd.f32 v2, v0  }
0x118: {  	v2 =	vld [tilespmem:s0+$0xEA80]  }
0x119: {  	v6 =	vld [tilespmem:s0+$0xEB00];
	v0 =	vadd.f32 v3, v0  }
0x11a: {  	v3 =	vld [tilespmem:s1+$0xF180]  }
0x11b: {  	v7 =	vld [tilespmem:s0+$0xEB80];
	v0 =	vadd.f32 v4, v0  }
0x11c: {  	v4 =	vld [tilespmem:s1+$0xF200]  }
0x11d: {  	v2 =	vadd.f32 v2, v5;
	v5 =	vld [tilespmem:s0+$0xEC00];
	v0 =	vadd.f32 v1, v0  }
0x11e: {  	v1 =	vld [tilespmem:s1+$0xF280]  }
0x11f: {  	v2 =	vadd.f32 v6, v2;
	v6 =	vld [tilespmem:s0+$0xEC80];
	v0 =	vadd.f32 v3, v0  }
0x120: {  	v3 =	vld [tilespmem:s1+$0xF300]  }
0x121: {  	v2 =	vadd.f32 v7, v2;
	v7 =	vld [tilespmem:s0+$0xED00];
	v0 =	vadd.f32 v4, v0  }
0x122: {  	v4 =	vld [tilespmem:s1+$0xF380]  }
0x123: {  	v2 =	vadd.f32 v5, v2;
	v5 =	vld [tilespmem:s0+$0xED80];
	v0 =	vadd.f32 v1, v0  }
0x124: {  	v1 =	vld [tilespmem:s1+$0xF400]  }
0x125: {  	v2 =	vadd.f32 v6, v2;
	v6 =	vld [tilespmem:s0+$0xEE00];
	v0 =	vadd.f32 v3, v0  }
0x126: {  	v3 =	vld [tilespmem:s1+$0xF480]  }
0x127: {  	v2 =	vadd.f32 v7, v2;
	v7 =	vld [tilespmem:s0+$0xEE80];
	v0 =	vadd.f32 v4, v0  }
0x128: {  	v4 =	vld [tilespmem:s1+$0xF500]  }
0x129: {  	v2 =	vadd.f32 v5, v2;
	v5 =	vld [tilespmem:s0+$0xEF00];
	v0 =	vadd.f32 v1, v0  }
0x12a: {  	v1 =	vld [tilespmem:s1+$0xF580]  }
0x12b: {  	v8 =	vld [tilespmem:s0+$0xEF80];
	v2 =	vadd.f32 v6, v2;
	v0 =	vadd.f32 v3, v0  }
0x12c: {  	v6 =	vld [tilespmem:s1+$0xF600]  }
0x12d: {  	v3 =	vld [tilespmem:s0+$0xF000];
	v7 =	vadd.f32 v7, v2;
	v4 =	vadd.f32 v4, v0  }
0x12e: {  	v2 =	vld [tilespmem:s1+$0xF680]  }
0x12f: {  	v0 =	vld [tilespmem:s0+$0xF100];
	v5 =	vadd.f32 v5, v7;
	v7 =	vadd.f32 v1, v4  }
0x130: {  	s21 =	simm.s32 $0x20;
	v4 =	vld [tilespmem:s0+$0xF080]  }
0x131: {  	s25 =	simm.s32 $0xC0;
	v1 =	vld [tilespmem:s21+$0xEA00];
	v5 =	vadd.f32 v8, v5;
	v6 =	vadd.f32 v6, v7  }
.LBB2_4:
0x132: {  	p0 =	sne.s32 s25, $0x1C0;
	v7 =	vld [tilespmem:s21+$0xEA80]  }
0x133: {  	v3 =	vadd.f32 v3, v5;
	v5 =	vld [tilespmem:s0+$0xF180];
	v2 =	vadd.f32 v2, v6  }
0x134: {  	v6 =	vld [tilespmem:s21+$0xEB00]  }
0x135: {  	v3 =	vadd.f32 v4, v3;
	v4 =	vld [tilespmem:s0+$0xF200];
	[tilespmem:s1+$0x10C00] =	vst v2;
	s1 =	smov.u32 s0;
	s0 =	smov.u32 s21  }
0x136: {  	v2 =	vld [tilespmem:s0+$0xEB80]  }
0x137: {  	v1 =	vadd.f32 v7, v1;
	v0 =	vadd.f32 v0, v3;
	v3 =	vld [tilespmem:s1+$0xF280]  }
0x138: {  	v7 =	vld [tilespmem:s0+$0xEC00]  }
0x139: {  	v1 =	vadd.f32 v6, v1;
	v0 =	vadd.f32 v5, v0;
	v5 =	vld [tilespmem:s1+$0xF300]  }
0x13a: {  	v6 =	vld [tilespmem:s0+$0xEC80]  }
0x13b: {  	v1 =	vadd.f32 v2, v1;
	v0 =	vadd.f32 v4, v0;
	v2 =	vld [tilespmem:s1+$0xF380]  }
0x13c: {  	v4 =	vld [tilespmem:s0+$0xED00]  }
0x13d: {  	v1 =	vadd.f32 v7, v1;
	v0 =	vadd.f32 v3, v0;
	v3 =	vld [tilespmem:s1+$0xF400]  }
0x13e: {  	v7 =	vld [tilespmem:s0+$0xED80]  }
0x13f: {  	v1 =	vadd.f32 v6, v1;
	v0 =	vadd.f32 v5, v0;
	v5 =	vld [tilespmem:s1+$0xF480]  }
0x140: {  	v6 =	vld [tilespmem:s0+$0xEE00]  }
0x141: {  	v1 =	vadd.f32 v4, v1;
	v0 =	vadd.f32 v2, v0;
	v2 =	vld [tilespmem:s1+$0xF500]  }
0x142: {  	v4 =	vld [tilespmem:s0+$0xEE80]  }
0x143: {  	v1 =	vadd.f32 v7, v1;
	v0 =	vadd.f32 v3, v0;
	v7 =	vld [tilespmem:s1+$0xF580]  }
0x144: {  	v8 =	vld [tilespmem:s0+$0xEF00]  }
0x145: {  	v1 =	vadd.f32 v6, v1;
	v0 =	vadd.f32 v5, v0;
	v6 =	vld [tilespmem:s1+$0xF600]  }
0x146: {  	v5 =	vld [tilespmem:s0+$0xEF80]  }
.Ltmp1:
0x147: {  	v1 =	vadd.f32 v4, v1;
	v4 =	vadd.f32 v2, v0;
	v2 =	vld [tilespmem:s1+$0xF680];
	(pc) =	sbr.rel @p0 .LBB2_4-.Ltmp1, $4  }
0x148: {  	v3 =	vld [tilespmem:s0+$0xF000]  }
0x149: {  	v8 =	vadd.f32 v8, v1;
	v0 =	vld [tilespmem:s0+$0xF100];
	v7 =	vadd.f32 v7, v4  }
0x14a: {  	s21 =	sshra.s32 s25, $0x2;
	v4 =	vld [tilespmem:s0+$0xF080]  }
0x14b: {  	s25 =	sadd.s32 $0x40, s25;
	v1 =	vld [tilespmem:s21+$0xEA00];
	v5 =	vadd.f32 v5, v8;
	v6 =	vadd.f32 v6, v7  }
0x14c: {  	v7 =	vld [tilespmem:s21+$0xEA80]  }
0x14d: {  	v8 =	vld [tilespmem:s0+$0xF180];
	v2 =	vadd.f32 v2, v6  }
0x14e: {  	v48 =	vld [tilespmem:s21+$0xEB00]  }
0x14f: {  	v9 =	vld [tilespmem:s0+$0xF200];
	v3 =	vadd.f32 v3, v5;
	[tilespmem:s1+$0x10C00] =	vst v2  }
0x150: {  	v2 =	vld [tilespmem:s21+$0xEB80]  }
0x151: {  	v3 =	vadd.f32 v4, v3;
	v1 =	vadd.f32 v7, v1  }
0x152: {  	v4 =	vld [tilespmem:s21+$0xEC00]  }
0x153: {  	v5 =	vld [tilespmem:s21+$0xEC80];
	v0 =	vadd.f32 v0, v3;
	v1 =	vadd.f32 v48, v1  }
0x154: {  	v3 =	vld [tilespmem:s0+$0xF280]  }
0x155: {  	v49 =	vld [tilespmem:s0+$0xF300];
	v0 =	vadd.f32 v8, v0;
	v1 =	vadd.f32 v2, v1  }
0x156: {  	v2 =	vld [tilespmem:s21+$0xED00]  }
0x157: {  	v50 =	vld [tilespmem:s0+$0xF380];
	v0 =	vadd.f32 v9, v0;
	v1 =	vadd.f32 v4, v1  }
0x158: {  	v4 =	vld [tilespmem:s21+$0xED80]  }
0x159: {  	v0 =	vadd.f32 v3, v0;
	v3 =	vld [tilespmem:s0+$0xF400];
	v1 =	vadd.f32 v5, v1  }
0x15a: {  	v5 =	vld [tilespmem:s21+$0xEE00]  }
0x15b: {  	v51 =	vld [tilespmem:s0+$0xF480];
	v0 =	vadd.f32 v49, v0;
	v1 =	vadd.f32 v2, v1  }
0x15c: {  	v2 =	vld [tilespmem:s21+$0xEE80]  }
0x15d: {  	v52 =	vld [tilespmem:s0+$0xF500];
	v0 =	vadd.f32 v50, v0;
	v1 =	vadd.f32 v4, v1  }
0x15e: {  	v4 =	vld [tilespmem:s21+$0xEF00]  }
0x15f: {  	v0 =	vadd.f32 v3, v0;
	v3 =	vld [tilespmem:s0+$0xF580];
	v1 =	vadd.f32 v5, v1  }
0x160: {  	v5 =	vld [tilespmem:s21+$0xEF80]  }
0x161: {  	v53 =	vld [tilespmem:s0+$0xF600];
	v0 =	vadd.f32 v51, v0;
	v1 =	vadd.f32 v2, v1  }
0x162: {  	v2 =	vld [tilespmem:s21+$0xF000]  }
0x163: {  	v54 =	vld [tilespmem:s0+$0xF680];
	v0 =	vadd.f32 v52, v0;
	v1 =	vadd.f32 v4, v1  }
0x164: {  	v4 =	vld [tilespmem:s21+$0xF080]  }
0x165: {  	v0 =	vadd.f32 v3, v0;
	v1 =	vadd.f32 v5, v1  }
0x166: {  	v3 =	vld [tilespmem:s21+$0xF100]  }
0x167: {  	v0 =	vadd.f32 v53, v0;
	v1 =	vadd.f32 v2, v1  }
0x168: {  	v2 =	vld [tilespmem:s21+$0xF180]  }
0x169: {  	v0 =	vadd.f32 v54, v0;
	v1 =	vadd.f32 v4, v1  }
0x16a: {  	v4 =	vld [tilespmem:s21+$0xF200]  }
0x16b: {  	[tilespmem:s0+$0x10C00] =	vst v0;
	v0 =	vadd.f32 v3, v1  }
0x16c: {  	v1 =	vld [tilespmem:s21+$0xF280]  }
0x16d: {  	v0 =	vadd.f32 v2, v0  }
0x16e: {  	v2 =	vld [tilespmem:s21+$0xF300]  }
0x16f: {  	v0 =	vadd.f32 v4, v0  }
0x170: {  	v3 =	vld [tilespmem:s21+$0xF380]  }
0x171: {  	v0 =	vadd.f32 v1, v0  }
0x172: {  	v1 =	vld [tilespmem:s21+$0xF400]  }
0x173: {  	v0 =	vadd.f32 v2, v0  }
0x174: {  	v2 =	vld [tilespmem:s21+$0xF480]  }
0x175: {  	v0 =	vadd.f32 v3, v0  }
0x176: {  	v3 =	vld [tilespmem:s21+$0xF500]  }
0x177: {  	v0 =	vadd.f32 v1, v0  }
0x178: {  	v1 =	vld [tilespmem:s21+$0xF580]  }
0x179: {  	v0 =	vadd.f32 v2, v0  }
0x17a: {  	v2 =	vld [tilespmem:s21+$0xF600]  }
0x17b: {  	v0 =	vadd.f32 v3, v0  }
0x17c: {  	v3 =	vld [tilespmem:s21+$0xF680]  }
0x17d: {  	v0 =	vadd.f32 v1, v0;
	_ =	sdelay $0x1  }
0x17e: {  	v0 =	vadd.f32 v2, v0;
	_ =	sdelay $0x1  }
0x17f: {  	v0 =	vadd.f32 v3, v0;
	_ =	sdelay $0x1  }
0x180: {  	[tilespmem:s21+$0x10C00] =	vst v0;
	s21 =	simm.s32 $0x0  }
0x181: {  	[hbm4b:s7+s21] =	stream.linear.scatter [tilespmem:s26], [sflag:$0x5], $0x800, $0x38;
	[tilespmem:$0x10C80] =	vst v63  }
0x182: {  	_ =	swait.ge [sflag:s18], $0x800  }
0x183: {  	[sflag:s18] =	ssyncset.done $0x0  }
0x184: {  	[sflag:s18] =	ssyncadd.s32 $0xFFFFF800  }
0x185: {  	[hbm4b:s8+s21] =	stream.linear.scatter [tilespmem:s28], [sflag:$0x5], $0x80, $0x38;
	[tilespmem:$0x10C80] =	vst v63  }
0x186: {  	_ =	swait.ge [sflag:s18], $0x80  }
0x187: {  	[sflag:s18] =	ssyncset.done $0x0  }
0x188: {  	[sflag:s18] =	ssyncadd.s32 $0xFFFFFF80  }
0x189: {  	_ =	swait.ge [sflag:s29], $0x6800  }
0x18a: {  	[sflag:s29] =	ssyncset.done $0x0  }
0x18b: {  	[sflag:s29] =	ssyncadd.s32 $0xFFFF9800  }
0x18c: {  	_ =	swait.ge [sflag:s30], $0xD00  }
0x18d: {  	[sflag:s30] =	ssyncset.done $0x0  }
0x18e: {  	[sflag:s30] =	ssyncadd.s32 $0xFFFFF300  }
0x18f: {  	[tilespmem:s21], [sflag:$0x5] =	stream.linear.gather [hbm4b:s9+s21], $0xD00, $0x38;
	[tilespmem:$0x10C80] =	vst v63  }
0x190: {  	_ =	swait.ge [sflag:s18], $0xD00  }
0x191: {  	v1 =	vld [tilespmem:$0x1FE50]  }
0x192: {  	v2 =	vld [tilespmem:$0x1FE60]  }
0x193: {  	v3 =	vld [tilespmem:$0x1FE70]  }
0x194: {  	v4 =	vld [tilespmem:$0x1FE80]  }
0x195: {  	v5 =	vld [tilespmem:$0x1FE90]  }
0x196: {  	v55 =	vld [tilespmem:$0x1FEA0]  }
0x197: {  	v56 =	vld [tilespmem:$0x1FE40]  }
0x198: {  	v57 =	vld [tilespmem:$0x1FEB0]  }
0x199: {  	v58 =	vld [tilespmem:$0x1FEC0]  }
0x19a: {  	v59 =	vld [tilespmem:$0x1FED0]  }
0x19b: {  	v10 =	vld [tilespmem:$0x1FEF0]  }
0x19c: {  	v11 =	vld [tilespmem:$0x1FF10]  }
0x19d: {  	v12 =	vld [tilespmem:$0x1FF30]  }
0x19e: {  	v60 =	vld [tilespmem:$0x1FF50]  }
0x19f: {  	v0 =	vmov s21;
	v23 =	vld [tilespmem:$0x1FF60]  }
0x1a0: {  	v0 =	vshll.u32 v0, $0x3;
	v26 =	vld [tilespmem:$0x1FF70]  }
0x1a1: {  	v25 =	vld [tilespmem:$0x1FF80];
	v1 =	vadd.s32 v1, v0  }
0x1a2: {  	[sflag:s18] =	ssyncset.done $0x0;
	v21 =	vld [tilespmem:$0x1FFA0];
	v2 =	vadd.s32 v2, v0;
	v1 =	vor.u32 v19, v1  }
0x1a3: {  	v27 =	vld [tilespmem:$0x1FFB0];
	[sflag:s18] =	ssyncadd.s32 $0xFFFFF300;
	v2 =	vor.u32 v19, v2  }
0x1a4: {  	v22 =	vld [tilespmem:$0x1FFC0];
	[tilespmem:s20], [sflag:$0x1] =	stream.indirect.gather [hbm4b:s3+s19], $0x8, s21, s19, $0xb8;
	v3 =	vadd.s32 v3, v0  }
0x1a5: {  	s25 =	simm.s32 $0xEA00;
	v28 =	vld [tilespmem:$0x1FFD0];
	v3 =	vor.u32 v19, v3  }
0x1a6: {  	v24 =	vld [tilespmem:$0x1FFE0];
	[tilespmem:s25], [sflag:$0x3] =	stream.indirect.gather [hbm4b:s4+s19], $0x1, s21, s19, $0xb8;
	v4 =	vadd.s32 v4, v0  }
0x1a7: {  	v4 =	vor.u32 v19, v4;
	v42 =	vld.idx.msk [tilespmem:v1+s24+$0x0], $0xffff  }
0x1a8: {  	v5 =	vadd.s32 v5, v0;
	v43 =	vld.idx.msk [tilespmem:v2+s24+$0x0], $0xffff  }
0x1a9: {  	v5 =	vor.u32 v19, v5;
	v2 =	vld [tilespmem:$0x1FEE0]  }
0x1aa: {  	v6 =	vadd.s32 v55, v0;
	v44 =	vld.idx.msk [tilespmem:v3+s24+$0x0], $0xffff  }
0x1ab: {  	v29 =	vor.u32 s21, v56;
	v7 =	vadd.s32 v57, v0;
	v6 =	vor.u32 v19, v6;
	v3 =	vld [tilespmem:$0x1FF00]  }
0x1ac: {  	v8 =	vadd.s32 v58, v0;
	v9 =	vadd.s32 v59, v0;
	v7 =	vor.u32 v19, v7;
	v45 =	vld.idx.msk [tilespmem:v4+s24+$0x0], $0xffff  }
0x1ad: {  	v10 =	vadd.s32 v10, v0;
	v11 =	vadd.s32 v11, v0;
	v8 =	vor.u32 v19, v8;
	v4 =	vld [tilespmem:$0x1FF20]  }
0x1ae: {  	v12 =	vadd.s32 v12, v0;
	v61 =	vadd.s32 v23, v0;
	v9 =	vor.u32 v19, v9;
	v46 =	vld.idx.msk [tilespmem:v5+s24+$0x0], $0xffff  }
0x1af: {  	v62 =	vadd.s32 v26, v0;
	v63 =	vadd.s32 v25, v0;
	v10 =	vor.u32 v19, v10;
	v5 =	vld [tilespmem:$0x1FF40]  }
0x1b0: {  	v14 =	vadd.s32 v27, v0;
	v11 =	vor.u32 v19, v11;
	v47 =	vld.idx.msk [tilespmem:v6+s24+$0x0], $0xffff;
	v2 =	vadd.s32 v2, v0  }
0x1b1: {  	v15 =	vadd.s32 v28, v0;
	v48 =	vld.idx.msk [tilespmem:v7+s24+$0x0], $0xffff;
	v3 =	vadd.s32 v3, v0;
	v2 =	vor.u32 v19, v2  }
0x1b2: {  	v12 =	vor.u32 v19, v12;
	v51 =	vor.u32 v19, v62;
	v49 =	vld.idx.msk [tilespmem:v8+s24+$0x0], $0xffff;
	v3 =	vor.u32 v19, v3  }
0x1b3: {  	v53 =	vor.u32 v19, v63;
	v1 =	vshll.u32 v29, $0x3;
	v6 =	vadd.s32 v60, v0;
	v50 =	vld.idx.msk [tilespmem:v9+s24+$0x0], $0xffff  }
0x1b4: {  	v54 =	vld.idx.msk [tilespmem:v10+s24+$0x0], $0xffff;
	v7 =	vor.u32 v19, v61;
	v6 =	vor.u32 v19, v6;
	v63 =	vor.u32 v19, v1  }
0x1b5: {  	v57 =	vld.idx.msk [tilespmem:v11+s24+$0x0], $0xffff;
	v1 =	vor.u32 v19, v15;
	v4 =	vadd.s32 v4, v0;
	v5 =	vadd.s32 v5, v0  }
0x1b6: {  	v30 =	vunpack.i.u.bf16.f32 v42;
	v31 =	vunpack.i.u.bf16.f32 v43;
	v4 =	vor.u32 v19, v4;
	v52 =	vld.idx.msk [tilespmem:v2+s24+$0x0], $0xffff  }
0x1b7: {  	v32 =	vunpack.i.u.bf16.f32 v44;
	v33 =	vunpack.i.u.bf16.f32 v45;
	v5 =	vor.u32 v19, v5;
	v55 =	vld.idx.msk [tilespmem:v3+s24+$0x0], $0xffff  }
0x1b8: {  	v58 =	vld.idx.msk [tilespmem:v12+s24+$0x0], $0xffff;
	v34 =	vunpack.i.u.bf16.f32 v46;
	v35 =	vunpack.i.u.bf16.f32 v47;
	v36 =	vunpack.i.u.bf16.f32 v48  }
0x1b9: {  	v37 =	vunpack.i.u.bf16.f32 v49;
	v38 =	vunpack.i.u.bf16.f32 v50;
	v40 =	vunpack.i.u.bf16.f32 v54;
	v62 =	vld.idx.msk [tilespmem:v7+s24+$0x0], $0xffff  }
0x1ba: {  	v60 =	vld.idx.msk [tilespmem:v6+s24+$0x0], $0xffff;
	v2 =	vadd.s32 v21, v0;
	v3 =	vadd.s32 v22, v0;
	v0 =	vadd.s32 v24, v0  }
0x1bb: {  	v59 =	vld.idx.msk [tilespmem:v4+s24+$0x0], $0xffff;
	v56 =	vor.u32 v19, v2;
	v2 =	vor.u32 v19, v3;
	v3 =	vor.u32 v19, v14  }
0x1bc: {  	s0 =	simm.s32 $0x2;
	v61 =	vld.idx.msk [tilespmem:v5+s24+$0x0], $0xffff;
	v0 =	vor.u32 v19, v0;
	v39 =	vunpack.i.u.bf16.f32 v52;
	v41 =	vunpack.i.u.bf16.f32 v55  }
.LBB2_6:
0x1bd: {  	v43 =	vunpack.i.l.bf16.f32 v43;
	v42 =	vunpack.i.l.bf16.f32 v42;
	v45 =	vunpack.i.l.bf16.f32 v45  }
0x1be: {  	v4 =	vld.idx.msk [tilespmem:v51+s24+$0x0], $0xffff;
	v44 =	vunpack.i.l.bf16.f32 v44;
	v47 =	vunpack.i.l.bf16.f32 v47;
	v46 =	vunpack.i.l.bf16.f32 v46  }
0x1bf: {  	v5 =	vld.idx.msk [tilespmem:v53+s24+$0x0], $0xffff;
	v49 =	vunpack.i.l.bf16.f32 v49;
	v48 =	vunpack.i.l.bf16.f32 v48;
	v52 =	vunpack.i.l.bf16.f32 v52  }
0x1c0: {  	v6 =	vld.idx.msk [tilespmem:v56+s24+$0x0], $0xffff;
	v50 =	vunpack.i.l.bf16.f32 v50;
	v55 =	vunpack.i.l.bf16.f32 v55;
	v54 =	vunpack.i.l.bf16.f32 v54  }
0x1c1: {  	v3 =	vld.idx.msk [tilespmem:v3+s24+$0x0], $0xffff;
	v53 =	vunpack.i.u.bf16.f32 v59;
	v12 =	vunpack.i.l.bf16.f32 v59;
	v51 =	vunpack.i.u.bf16.f32 v57  }
0x1c2: {  	v2 =	vld.idx.msk [tilespmem:v2+s24+$0x0], $0xffff;
	v56 =	vunpack.i.u.bf16.f32 v58;
	v7 =	vunpack.i.u.bf16.f32 v61;
	v8 =	vunpack.i.u.bf16.f32 v60  }
0x1c3: {  	v9 =	vld.idx.msk [tilespmem:v63+s24+$0x0], $0xffff;
	v10 =	vunpack.i.u.bf16.f32 v62;
	v57 =	vunpack.i.l.bf16.f32 v57;
	v14 =	vunpack.i.l.bf16.f32 v61  }
0x1c4: {  	v1 =	vld.idx.msk [tilespmem:v1+s24+$0x0], $0xffff;
	v15 =	vunpack.i.l.bf16.f32 v58;
	v17 =	vunpack.i.l.bf16.f32 v62;
	v18 =	vunpack.i.l.bf16.f32 v60  }
0x1c5: {  	v0 =	vld.idx.msk [tilespmem:v0+s24+$0x0], $0xffff;
	v11 =	vunpack.i.u.bf16.f32 v4;
	v13 =	vunpack.i.u.bf16.f32 v5;
	v16 =	vunpack.i.u.bf16.f32 v6  }
0x1c6: {  	v20 =	vunpack.i.u.bf16.f32 v3;
	v5 =	vunpack.i.l.bf16.f32 v5;
	v4 =	vunpack.i.l.bf16.f32 v4  }
0x1c7: {  	v58 =	vunpack.i.u.bf16.f32 v2;
	v3 =	vunpack.i.l.bf16.f32 v3;
	v6 =	vunpack.i.l.bf16.f32 v6  }
0x1c8: {  	v59 =	vunpack.i.u.bf16.f32 v9;
	v9 =	vunpack.i.l.bf16.f32 v9;
	v2 =	vunpack.i.l.bf16.f32 v2  }
0x1c9: {  	v61 =	vunpack.i.u.bf16.f32 v1;
	v1 =	vunpack.i.l.bf16.f32 v1;
	v60 =	vadd.f32 $0.0e+00, v9  }
0x1ca: {  	v63 =	vunpack.i.u.bf16.f32 v0;
	v0 =	vunpack.i.l.bf16.f32 v0;
	v62 =	vadd.f32 $0.0e+00, v59  }
0x1cb: {  	v9 =	vmul.f32 v9, v9;
	v60 =	vadd.f32 v0, v60;
	v0 =	vmul.f32 v0, v0  }
0x1cc: {  	v59 =	vmul.f32 v59, v59;
	v62 =	vadd.f32 v63, v62;
	v63 =	vmul.f32 v63, v63  }
0x1cd: {  	v0 =	vadd.f32 v0, v9;
	v9 =	vadd.f32 v1, v60;
	v1 =	vmul.f32 v1, v1  }
0x1ce: {  	v59 =	vadd.f32 v63, v59;
	v60 =	vadd.f32 v61, v62;
	v61 =	vmul.f32 v61, v61  }
0x1cf: {  	v0 =	vadd.f32 v1, v0;
	v1 =	vadd.f32 v2, v9;
	v2 =	vmul.f32 v2, v2  }
0x1d0: {  	v63 =	vadd.f32 v61, v59;
	v60 =	vadd.f32 v58, v60;
	v58 =	vmul.f32 v58, v58  }
0x1d1: {  	v0 =	vadd.f32 v2, v0;
	v1 =	vadd.f32 v3, v1;
	v2 =	vmul.f32 v3, v3  }
0x1d2: {  	v3 =	vadd.f32 v58, v63;
	v61 =	vadd.f32 v20, v60;
	v20 =	vmul.f32 v20, v20  }
0x1d3: {  	v0 =	vadd.f32 v2, v0;
	v1 =	vadd.f32 v6, v1;
	v2 =	vmul.f32 v6, v6  }
0x1d4: {  	v63 =	vmul.f32 v16, v16;
	v3 =	vadd.f32 v20, v3;
	v62 =	vadd.f32 v16, v61  }
0x1d5: {  	v0 =	vadd.f32 v2, v0;
	v1 =	vadd.f32 v5, v1;
	v2 =	vmul.f32 v5, v5  }
0x1d6: {  	v3 =	vadd.f32 v63, v3;
	v5 =	vadd.f32 v13, v62;
	v13 =	vmul.f32 v13, v13  }
0x1d7: {  	v0 =	vadd.f32 v2, v0;
	v1 =	vadd.f32 v4, v1;
	v2 =	vmul.f32 v4, v4  }
0x1d8: {  	v3 =	vadd.f32 v13, v3;
	v4 =	vadd.f32 v11, v5;
	v5 =	vmul.f32 v11, v11  }
0x1d9: {  	v0 =	vadd.f32 v2, v0;
	v1 =	vadd.f32 v17, v1;
	v2 =	vmul.f32 v17, v17  }
0x1da: {  	v3 =	vadd.f32 v5, v3;
	v4 =	vadd.f32 v10, v4;
	v5 =	vmul.f32 v10, v10  }
0x1db: {  	v0 =	vadd.f32 v2, v0;
	v1 =	vadd.f32 v18, v1;
	v2 =	vmul.f32 v18, v18  }
0x1dc: {  	v3 =	vadd.f32 v5, v3;
	v4 =	vadd.f32 v8, v4;
	v5 =	vmul.f32 v8, v8  }
0x1dd: {  	v0 =	vadd.f32 v2, v0;
	v1 =	vadd.f32 v14, v1;
	v2 =	vmul.f32 v14, v14  }
0x1de: {  	v3 =	vadd.f32 v5, v3;
	v4 =	vadd.f32 v7, v4;
	v5 =	vmul.f32 v7, v7  }
0x1df: {  	v0 =	vadd.f32 v2, v0;
	v1 =	vadd.f32 v15, v1;
	v2 =	vmul.f32 v15, v15  }
0x1e0: {  	v3 =	vadd.f32 v5, v3;
	v4 =	vadd.f32 v56, v4;
	v5 =	vmul.f32 v56, v56  }
0x1e1: {  	v0 =	vadd.f32 v2, v0;
	v1 =	vadd.f32 v12, v1;
	v2 =	vmul.f32 v12, v12  }
0x1e2: {  	v3 =	vadd.f32 v5, v3;
	v4 =	vadd.f32 v53, v4;
	v5 =	vmul.f32 v53, v53  }
0x1e3: {  	v0 =	vadd.f32 v2, v0;
	v1 =	vadd.f32 v57, v1;
	v2 =	vmul.f32 v57, v57  }
0x1e4: {  	v3 =	vadd.f32 v5, v3;
	v4 =	vadd.f32 v51, v4;
	v5 =	vmul.f32 v51, v51  }
0x1e5: {  	v0 =	vadd.f32 v2, v0;
	v1 =	vadd.f32 v55, v1;
	v2 =	vmul.f32 v55, v55  }
0x1e6: {  	v3 =	vadd.f32 v5, v3;
	v4 =	vadd.f32 v41, v4;
	v5 =	vmul.f32 v41, v41  }
0x1e7: {  	v0 =	vadd.f32 v2, v0;
	v1 =	vadd.f32 v54, v1;
	v2 =	vmul.f32 v54, v54  }
0x1e8: {  	v3 =	vadd.f32 v5, v3;
	v4 =	vadd.f32 v40, v4;
	v5 =	vmul.f32 v40, v40  }
0x1e9: {  	v0 =	vadd.f32 v2, v0;
	v1 =	vadd.f32 v52, v1;
	v2 =	vmul.f32 v52, v52  }
0x1ea: {  	v3 =	vadd.f32 v5, v3;
	v4 =	vadd.f32 v39, v4;
	v5 =	vmul.f32 v39, v39  }
0x1eb: {  	v0 =	vadd.f32 v2, v0;
	v1 =	vadd.f32 v50, v1;
	v2 =	vmul.f32 v50, v50  }
0x1ec: {  	v3 =	vadd.f32 v5, v3;
	v4 =	vadd.f32 v38, v4;
	v5 =	vmul.f32 v38, v38  }
0x1ed: {  	v0 =	vadd.f32 v2, v0;
	v1 =	vadd.f32 v49, v1;
	v2 =	vmul.f32 v49, v49  }
0x1ee: {  	v3 =	vadd.f32 v5, v3;
	v4 =	vadd.f32 v37, v4;
	v5 =	vmul.f32 v37, v37  }
0x1ef: {  	v0 =	vadd.f32 v2, v0;
	v1 =	vadd.f32 v48, v1;
	v2 =	vmul.f32 v48, v48  }
0x1f0: {  	v3 =	vadd.f32 v5, v3;
	v4 =	vadd.f32 v36, v4;
	v5 =	vmul.f32 v36, v36  }
0x1f1: {  	v0 =	vadd.f32 v2, v0;
	v1 =	vadd.f32 v47, v1;
	v2 =	vmul.f32 v47, v47  }
0x1f2: {  	v3 =	vadd.f32 v5, v3;
	v4 =	vadd.f32 v35, v4;
	v5 =	vmul.f32 v35, v35  }
0x1f3: {  	v0 =	vadd.f32 v2, v0;
	v1 =	vadd.f32 v46, v1;
	v2 =	vmul.f32 v46, v46  }
0x1f4: {  	v3 =	vadd.f32 v5, v3;
	v4 =	vadd.f32 v34, v4;
	v5 =	vmul.f32 v34, v34  }
0x1f5: {  	v0 =	vadd.f32 v2, v0;
	v1 =	vadd.f32 v45, v1;
	v2 =	vmul.f32 v45, v45  }
0x1f6: {  	v3 =	vadd.f32 v5, v3;
	v4 =	vadd.f32 v33, v4;
	v5 =	vmul.f32 v33, v33  }
0x1f7: {  	v0 =	vadd.f32 v2, v0;
	v1 =	vadd.f32 v44, v1;
	v2 =	vmul.f32 v44, v44  }
0x1f8: {  	v3 =	vadd.f32 v5, v3;
	v4 =	vadd.f32 v32, v4;
	v5 =	vmul.f32 v32, v32  }
0x1f9: {  	v0 =	vadd.f32 v2, v0;
	v1 =	vadd.f32 v43, v1;
	v2 =	vmul.f32 v43, v43  }
0x1fa: {  	v3 =	vadd.f32 v5, v3;
	v4 =	vadd.f32 v31, v4;
	v5 =	vmul.f32 v31, v31  }
0x1fb: {  	v0 =	vadd.f32 v2, v0;
	v1 =	vadd.f32 v42, v1  }
0x1fc: {  	v59 =	vld [tilespmem:$0x1FEF0];
	v2 =	vmul.f32 v42, v42;
	v3 =	vadd.f32 v5, v3;
	v5 =	vmul.f32 v30, v30  }
0x1fd: {  	v58 =	vld [tilespmem:$0x1FED0];
	v4 =	vadd.f32 v30, v4  }
0x1fe: {  	v0 =	vadd.f32 v2, v0;
	v1 =	vmul.f32 v1, v1;
	v3 =	vadd.f32 v5, v3;
	v5 =	vld [tilespmem:$0x1FF90]  }
0x1ff: {  	v60 =	vld [tilespmem:$0x1FF10];
	v4 =	vmul.f32 v4, v4  }
0x200: {  	v0 =	vsub.f32 v1, v0;
	v1 =	vld [tilespmem:$0x1FFF0]  }
0x201: {  	v3 =	vsub.f32 v4, v3;
	v4 =	vld [tilespmem:$0x1FE50]  }
0x202: {  	v52 =	vld [tilespmem:$0x1FE60];
	v2 =	vshll.u32 v29, $0x4  }
0x203: {  	v56 =	vld [tilespmem:$0x1FEC0];
	v5 =	vor.u32 v5, v2  }
0x204: {  	v53 =	vld [tilespmem:$0x1FE70];
	v51 =	vmov s0  }
0x205: {  	v61 =	vld [tilespmem:$0x1FF30];
	v1 =	vor.u32 v1, v2;
	v2 =	vshll.u32 v51, $0x3  }
0x206: {  	v57 =	vld [tilespmem:$0x1FEE0];
	v0 =	vmul.f32 $5.000000000e-01, v0;
	v4 =	vadd.s32 v4, v2  }
0x207: {  	v55 =	vld [tilespmem:$0x1FEB0];
	v6 =	vadd.s32 v52, v2;
	v4 =	vor.u32 v19, v4  }
0x208: {  	v3 =	vmul.f32 $5.000000000e-01, v3;
	v8 =	vadd.s32 v56, v2;
	v6 =	vor.u32 v19, v6;
	[tilespmem:v5+s26+$0x0] =	vst.idx.msk $0xffff, v0;
	v0 =	vld [tilespmem:$0x1FE80]  }
0x209: {  	v54 =	vld [tilespmem:$0x1FE40];
	v7 =	vadd.s32 v53, v2;
	v8 =	vor.u32 v19, v8  }
0x20a: {  	v5 =	vor.u32 v19, v7;
	[tilespmem:v1+s26+$0x0] =	vst.idx.msk $0xffff, v3;
	v1 =	vld [tilespmem:$0x1FE90]  }
0x20b: {  	v9 =	vadd.s32 v58, v2;
	v3 =	vld [tilespmem:$0x1FEA0]  }
0x20c: {  	v10 =	vadd.s32 v59, v2;
	v9 =	vor.u32 v19, v9;
	v42 =	vld.idx.msk [tilespmem:v4+s24+$0x0], $0xffff  }
0x20d: {  	v10 =	vor.u32 v19, v10;
	v43 =	vld.idx.msk [tilespmem:v6+s24+$0x0], $0xffff;
	v0 =	vadd.s32 v0, v2  }
0x20e: {  	v49 =	vld.idx.msk [tilespmem:v8+s24+$0x0], $0xffff;
	v0 =	vor.u32 v19, v0  }
0x20f: {  	v44 =	vld.idx.msk [tilespmem:v5+s24+$0x0], $0xffff;
	v1 =	vadd.s32 v1, v2  }
0x210: {  	v5 =	vld [tilespmem:$0x1FF00];
	v1 =	vor.u32 v19, v1  }
0x211: {  	v50 =	vld.idx.msk [tilespmem:v9+s24+$0x0], $0xffff;
	v3 =	vadd.s32 v3, v2  }
0x212: {  	v29 =	vor.u32 s0, v54;
	v54 =	vld.idx.msk [tilespmem:v10+s24+$0x0], $0xffff;
	v3 =	vor.u32 v19, v3  }
0x213: {  	v7 =	vadd.s32 v55, v2;
	v45 =	vld.idx.msk [tilespmem:v0+s24+$0x0], $0xffff  }
0x214: {  	v7 =	vor.u32 v19, v7;
	v6 =	vadd.s32 v57, v2;
	v0 =	vld [tilespmem:$0x1FF20]  }
0x215: {  	v6 =	vor.u32 v19, v6;
	v5 =	vadd.s32 v5, v2;
	v46 =	vld.idx.msk [tilespmem:v1+s24+$0x0], $0xffff  }
0x216: {  	v11 =	vadd.s32 v60, v2;
	v5 =	vor.u32 v19, v5;
	v1 =	vld [tilespmem:$0x1FF40]  }
0x217: {  	v12 =	vadd.s32 v61, v2;
	v62 =	vadd.s32 v23, v2;
	v63 =	vadd.s32 v26, v2;
	v47 =	vld.idx.msk [tilespmem:v3+s24+$0x0], $0xffff  }
0x218: {  	v40 =	vadd.s32 v25, v2;
	v41 =	vadd.s32 v21, v2;
	v15 =	vadd.s32 v28, v2;
	v3 =	vld [tilespmem:$0x1FF50]  }
0x219: {  	v11 =	vor.u32 v19, v11;
	v12 =	vor.u32 v19, v12;
	v51 =	vor.u32 v19, v63;
	v48 =	vld.idx.msk [tilespmem:v7+s24+$0x0], $0xffff  }
0x21a: {  	v53 =	vor.u32 v19, v40;
	v56 =	vor.u32 v19, v41;
	v4 =	vshll.u32 v29, $0x3;
	v52 =	vld.idx.msk [tilespmem:v6+s24+$0x0], $0xffff  }
0x21b: {  	v10 =	vadd.s32 v27, v2;
	v0 =	vadd.s32 v0, v2;
	v55 =	vld.idx.msk [tilespmem:v5+s24+$0x0], $0xffff;
	v5 =	vor.u32 v19, v62  }
0x21c: {  	v63 =	vor.u32 v19, v4;
	v0 =	vor.u32 v19, v0;
	v1 =	vadd.s32 v1, v2  }
0x21d: {  	v30 =	vunpack.i.u.bf16.f32 v42;
	v3 =	vadd.s32 v3, v2;
	v1 =	vor.u32 v19, v1  }
0x21e: {  	p0 =	sne.s32 s0, $0x7E;
	v57 =	vld.idx.msk [tilespmem:v11+s24+$0x0], $0xffff;
	v31 =	vunpack.i.u.bf16.f32 v43;
	v37 =	vunpack.i.u.bf16.f32 v49;
	v13 =	vor.u32 v19, v3  }
.Ltmp2:
0x21f: {  	v58 =	vld.idx.msk [tilespmem:v12+s24+$0x0], $0xffff;
	v38 =	vunpack.i.u.bf16.f32 v50;
	v40 =	vunpack.i.u.bf16.f32 v54;
	v32 =	vunpack.i.u.bf16.f32 v44;
	(pc) =	sbr.rel @p0 .LBB2_6-.Ltmp2, $4  }
0x220: {  	v36 =	vunpack.i.u.bf16.f32 v48;
	v39 =	vunpack.i.u.bf16.f32 v52;
	v33 =	vunpack.i.u.bf16.f32 v45;
	v62 =	vld.idx.msk [tilespmem:v5+s24+$0x0], $0xffff  }
0x221: {  	v34 =	vunpack.i.u.bf16.f32 v46;
	v35 =	vunpack.i.u.bf16.f32 v47;
	v3 =	vadd.s32 v22, v2;
	v59 =	vld.idx.msk [tilespmem:v0+s24+$0x0], $0xffff  }
0x222: {  	v41 =	vunpack.i.u.bf16.f32 v55;
	v0 =	vadd.s32 v24, v2;
	v2 =	vor.u32 v19, v3;
	v61 =	vld.idx.msk [tilespmem:v1+s24+$0x0], $0xffff  }
0x223: {  	s0 =	sadd.s32 $0x2, s0;
	v3 =	vor.u32 v19, v10;
	v0 =	vor.u32 v19, v0;
	v60 =	vld.idx.msk [tilespmem:v13+s24+$0x0], $0xffff;
	v1 =	vor.u32 v19, v15  }
0x224: {  	_ =	sdelay $0x2  }
0x225: {  	v4 =	vunpack.i.u.bf16.f32 v57  }
0x226: {  	v43 =	vunpack.i.l.bf16.f32 v43;
	v42 =	vunpack.i.l.bf16.f32 v42;
	v5 =	vld.idx.msk [tilespmem:v51+s24+$0x0], $0xffff;
	v45 =	vunpack.i.l.bf16.f32 v45  }
0x227: {  	v44 =	vunpack.i.l.bf16.f32 v44;
	v7 =	vld.idx.msk [tilespmem:v53+s24+$0x0], $0xffff;
	v8 =	vunpack.i.u.bf16.f32 v58;
	v47 =	vunpack.i.l.bf16.f32 v47  }
0x228: {  	v46 =	vunpack.i.l.bf16.f32 v46;
	v9 =	vld.idx.msk [tilespmem:v56+s24+$0x0], $0xffff;
	v49 =	vunpack.i.l.bf16.f32 v49;
	v12 =	vunpack.i.l.bf16.f32 v52  }
0x229: {  	v3 =	vld.idx.msk [tilespmem:v3+s24+$0x0], $0xffff;
	v14 =	vunpack.i.l.bf16.f32 v55;
	v15 =	vunpack.i.l.bf16.f32 v54;
	v20 =	vunpack.i.l.bf16.f32 v57  }
0x22a: {  	v2 =	vld.idx.msk [tilespmem:v2+s24+$0x0], $0xffff;
	v53 =	vunpack.i.l.bf16.f32 v58;
	v13 =	vunpack.i.u.bf16.f32 v62;
	v55 =	vunpack.i.l.bf16.f32 v62  }
0x22b: {  	v16 =	vld.idx.msk [tilespmem:v63+s24+$0x0], $0xffff;
	v6 =	vunpack.i.u.bf16.f32 v59;
	v18 =	vunpack.i.l.bf16.f32 v59;
	v10 =	vunpack.i.u.bf16.f32 v61  }
0x22c: {  	v1 =	vld.idx.msk [tilespmem:v1+s24+$0x0], $0xffff;
	v52 =	vunpack.i.l.bf16.f32 v61;
	v11 =	vunpack.i.u.bf16.f32 v60;
	v56 =	vunpack.i.l.bf16.f32 v60  }
0x22d: {  	v0 =	vld.idx.msk [tilespmem:v0+s24+$0x0], $0xffff;
	v17 =	vunpack.i.u.bf16.f32 v5;
	v51 =	vunpack.i.u.bf16.f32 v7;
	v54 =	vunpack.i.u.bf16.f32 v9  }
0x22e: {  	v21 =	vunpack.i.u.bf16.f32 v3;
	v7 =	vunpack.i.l.bf16.f32 v7;
	v5 =	vunpack.i.l.bf16.f32 v5  }
0x22f: {  	v22 =	vunpack.i.u.bf16.f32 v2;
	v3 =	vunpack.i.l.bf16.f32 v3;
	v9 =	vunpack.i.l.bf16.f32 v9  }
0x230: {  	v23 =	vunpack.i.u.bf16.f32 v16;
	v16 =	vunpack.i.l.bf16.f32 v16;
	v2 =	vunpack.i.l.bf16.f32 v2  }
0x231: {  	v25 =	vunpack.i.u.bf16.f32 v1;
	v1 =	vunpack.i.l.bf16.f32 v1;
	v24 =	vadd.f32 $0.0e+00, v16  }
0x232: {  	v27 =	vunpack.i.u.bf16.f32 v0;
	v0 =	vunpack.i.l.bf16.f32 v0;
	v26 =	vadd.f32 $0.0e+00, v23  }
0x233: {  	v16 =	vmul.f32 v16, v16;
	v60 =	vadd.f32 v0, v24;
	v0 =	vmul.f32 v0, v0  }
0x234: {  	v59 =	vmul.f32 v23, v23;
	v63 =	vmul.f32 v27, v27;
	v62 =	vadd.f32 v27, v26  }
0x235: {  	v0 =	vadd.f32 v0, v16;
	v16 =	vadd.f32 v1, v60;
	v1 =	vmul.f32 v1, v1  }
0x236: {  	v61 =	vmul.f32 v25, v25;
	v59 =	vadd.f32 v63, v59;
	v28 =	vadd.f32 v25, v62  }
0x237: {  	v0 =	vadd.f32 v1, v0;
	v1 =	vadd.f32 v2, v16;
	v2 =	vmul.f32 v2, v2  }
0x238: {  	v58 =	vmul.f32 v22, v22;
	v16 =	vadd.f32 v61, v59;
	v61 =	vadd.f32 v22, v28  }
0x239: {  	v0 =	vadd.f32 v2, v0;
	v1 =	vadd.f32 v3, v1;
	v2 =	vmul.f32 v3, v3  }
0x23a: {  	v57 =	vmul.f32 v21, v21;
	v3 =	vadd.f32 v58, v16;
	v16 =	vadd.f32 v21, v61  }
0x23b: {  	v0 =	vadd.f32 v2, v0;
	v1 =	vadd.f32 v9, v1;
	v2 =	vmul.f32 v9, v9  }
0x23c: {  	v3 =	vadd.f32 v57, v3;
	v62 =	vadd.f32 v54, v16;
	v16 =	vmul.f32 v54, v54  }
0x23d: {  	v0 =	vadd.f32 v2, v0;
	v1 =	vadd.f32 v7, v1;
	v2 =	vmul.f32 v7, v7  }
0x23e: {  	v63 =	vmul.f32 v51, v51;
	v3 =	vadd.f32 v16, v3;
	v7 =	vadd.f32 v51, v62  }
0x23f: {  	v0 =	vadd.f32 v2, v0;
	v1 =	vadd.f32 v5, v1;
	v2 =	vmul.f32 v5, v5  }
0x240: {  	v3 =	vadd.f32 v63, v3;
	v5 =	vadd.f32 v17, v7;
	v7 =	vmul.f32 v17, v17  }
0x241: {  	v0 =	vadd.f32 v2, v0;
	v1 =	vadd.f32 v55, v1;
	v2 =	vmul.f32 v55, v55  }
0x242: {  	v3 =	vadd.f32 v7, v3;
	v5 =	vadd.f32 v13, v5;
	v7 =	vmul.f32 v13, v13  }
0x243: {  	v0 =	vadd.f32 v2, v0;
	v1 =	vadd.f32 v56, v1;
	v2 =	vmul.f32 v56, v56  }
0x244: {  	v3 =	vadd.f32 v7, v3;
	v5 =	vadd.f32 v11, v5;
	v7 =	vmul.f32 v11, v11  }
0x245: {  	v0 =	vadd.f32 v2, v0;
	v1 =	vadd.f32 v52, v1;
	v2 =	vmul.f32 v52, v52  }
0x246: {  	v3 =	vadd.f32 v7, v3;
	v5 =	vadd.f32 v10, v5;
	v7 =	vmul.f32 v10, v10  }
0x247: {  	v0 =	vadd.f32 v2, v0;
	v1 =	vadd.f32 v53, v1;
	v2 =	vmul.f32 v53, v53  }
0x248: {  	v3 =	vadd.f32 v7, v3;
	v5 =	vadd.f32 v8, v5;
	v7 =	vmul.f32 v8, v8  }
0x249: {  	v0 =	vadd.f32 v2, v0;
	v1 =	vadd.f32 v18, v1;
	v2 =	vmul.f32 v18, v18  }
0x24a: {  	v3 =	vadd.f32 v7, v3;
	v5 =	vadd.f32 v6, v5;
	v6 =	vmul.f32 v6, v6  }
0x24b: {  	v0 =	vadd.f32 v2, v0;
	v1 =	vadd.f32 v20, v1;
	v2 =	vmul.f32 v20, v20  }
0x24c: {  	v3 =	vadd.f32 v6, v3;
	v5 =	vadd.f32 v4, v5;
	v4 =	vmul.f32 v4, v4  }
0x24d: {  	v0 =	vadd.f32 v2, v0;
	v1 =	vadd.f32 v14, v1;
	v2 =	vmul.f32 v14, v14  }
0x24e: {  	v3 =	vadd.f32 v4, v3;
	v4 =	vadd.f32 v41, v5;
	v5 =	vmul.f32 v41, v41  }
0x24f: {  	v0 =	vadd.f32 v2, v0;
	v1 =	vadd.f32 v15, v1;
	v2 =	vmul.f32 v15, v15  }
0x250: {  	v48 =	vunpack.i.l.bf16.f32 v48;
	v3 =	vadd.f32 v5, v3;
	v5 =	vmul.f32 v40, v40  }
0x251: {  	v0 =	vadd.f32 v2, v0;
	v1 =	vadd.f32 v12, v1;
	v2 =	vmul.f32 v12, v12  }
0x252: {  	v50 =	vunpack.i.l.bf16.f32 v50;
	v3 =	vadd.f32 v5, v3;
	v5 =	vmul.f32 v39, v39  }
0x253: {  	v0 =	vadd.f32 v2, v0;
	v1 =	vadd.f32 v50, v1;
	v2 =	vmul.f32 v50, v50  }
0x254: {  	v4 =	vadd.f32 v40, v4;
	v3 =	vadd.f32 v5, v3;
	v5 =	vmul.f32 v38, v38  }
0x255: {  	v0 =	vadd.f32 v2, v0;
	v1 =	vadd.f32 v49, v1;
	v2 =	vmul.f32 v49, v49  }
0x256: {  	v4 =	vadd.f32 v39, v4;
	v3 =	vadd.f32 v5, v3;
	v5 =	vmul.f32 v37, v37  }
0x257: {  	v0 =	vadd.f32 v2, v0;
	v1 =	vadd.f32 v48, v1;
	v2 =	vmul.f32 v48, v48  }
0x258: {  	v4 =	vadd.f32 v38, v4;
	v3 =	vadd.f32 v5, v3;
	v5 =	vmul.f32 v36, v36  }
0x259: {  	v0 =	vadd.f32 v2, v0;
	v1 =	vadd.f32 v47, v1;
	v2 =	vmul.f32 v47, v47  }
0x25a: {  	v4 =	vadd.f32 v37, v4;
	v3 =	vadd.f32 v5, v3;
	v5 =	vmul.f32 v35, v35  }
0x25b: {  	v0 =	vadd.f32 v2, v0;
	v1 =	vadd.f32 v46, v1;
	v2 =	vmul.f32 v46, v46  }
0x25c: {  	v4 =	vadd.f32 v36, v4;
	v3 =	vadd.f32 v5, v3;
	v5 =	vmul.f32 v34, v34  }
0x25d: {  	v0 =	vadd.f32 v2, v0;
	v1 =	vadd.f32 v45, v1;
	v2 =	vmul.f32 v45, v45  }
0x25e: {  	v4 =	vadd.f32 v35, v4;
	v3 =	vadd.f32 v5, v3;
	v5 =	vmul.f32 v33, v33  }
0x25f: {  	v0 =	vadd.f32 v2, v0;
	v1 =	vadd.f32 v44, v1;
	v2 =	vmul.f32 v44, v44  }
0x260: {  	v4 =	vadd.f32 v34, v4;
	v3 =	vadd.f32 v5, v3;
	v5 =	vmul.f32 v32, v32  }
0x261: {  	v0 =	vadd.f32 v2, v0;
	v1 =	vadd.f32 v43, v1;
	v2 =	vmul.f32 v43, v43  }
0x262: {  	v4 =	vadd.f32 v33, v4;
	v3 =	vadd.f32 v5, v3;
	v5 =	vmul.f32 v31, v31  }
0x263: {  	v0 =	vadd.f32 v2, v0;
	v1 =	vadd.f32 v42, v1;
	v2 =	vmul.f32 v42, v42  }
0x264: {  	v3 =	vadd.f32 v5, v3;
	v5 =	vmul.f32 v30, v30  }
0x265: {  	v4 =	vadd.f32 v32, v4;
	v0 =	vadd.f32 v2, v0;
	v1 =	vmul.f32 v1, v1  }
0x266: {  	v3 =	vadd.f32 v5, v3;
	v5 =	vld [tilespmem:$0x1FF90]  }
0x267: {  	v4 =	vadd.f32 v31, v4;
	v0 =	vsub.f32 v1, v0;
	v1 =	vld [tilespmem:$0x1FFF0];
	_ =	sdelay $0x1  }
0x268: {  	v4 =	vadd.f32 v30, v4  }
0x269: {  	v2 =	vshll.u32 v29, $0x4  }
0x26a: {  	v4 =	vmul.f32 v4, v4;
	v5 =	vor.u32 v5, v2  }
0x26b: {  	v1 =	vor.u32 v1, v2  }
0x26c: {  	v2 =	vsub.f32 v4, v3  }
0x26d: {  	v0 =	vmul.f32 $5.000000000e-01, v0  }
0x26e: {  	v2 =	vmul.f32 $5.000000000e-01, v2  }
0x26f: {  	[tilespmem:v5+s26+$0x0] =	vst.idx.msk $0xffff, v0  }
0x270: {  	s1 =	simm.s32 $0x0;
	[tilespmem:v1+s26+$0x0] =	vst.idx.msk $0xffff, v2  }
0x271: {  	v0 =	vld [tilespmem:s1+$0xF700]  }
0x272: {  	v1 =	vld [tilespmem:s1+$0xF780];
	_ =	sdelay $0x1  }
0x273: {  	v2 =	vld [tilespmem:s1+$0xF800];
	_ =	sdelay $0x1  }
0x274: {  	v3 =	vld [tilespmem:s1+$0xF880]  }
0x275: {  	v0 =	vadd.f32 v1, v0  }
0x276: {  	v1 =	vld [tilespmem:s1+$0xF900]  }
0x277: {  	v0 =	vadd.f32 v2, v0  }
0x278: {  	v2 =	vld [tilespmem:s1+$0xF980]  }
0x279: {  	v0 =	vadd.f32 v3, v0  }
0x27a: {  	v3 =	vld [tilespmem:s1+$0xFA00]  }
0x27b: {  	v0 =	vadd.f32 v1, v0  }
0x27c: {  	v1 =	vld [tilespmem:s1+$0xFA80]  }
0x27d: {  	v0 =	vadd.f32 v2, v0  }
0x27e: {  	v2 =	vld [tilespmem:s1+$0xFB00]  }
0x27f: {  	v0 =	vadd.f32 v3, v0  }
0x280: {  	v3 =	vld [tilespmem:s1+$0xFB80]  }
0x281: {  	v0 =	vadd.f32 v1, v0  }
0x282: {  	v1 =	vld [tilespmem:s1+$0xFC00]  }
0x283: {  	v0 =	vadd.f32 v2, v0  }
0x284: {  	v2 =	vld [tilespmem:s1+$0xFC80]  }
0x285: {  	v0 =	vadd.f32 v3, v0  }
0x286: {  	v3 =	vld [tilespmem:s1+$0xFD00]  }
0x287: {  	s0 =	simm.s32 $0x10;
	v4 =	vld [tilespmem:s1+$0xFD80];
	v0 =	vadd.f32 v1, v0  }
0x288: {  	v5 =	vld [tilespmem:s0+$0xF700]  }
0x289: {  	v1 =	vld [tilespmem:s1+$0xFE00];
	v0 =	vadd.f32 v2, v0  }
0x28a: {  	v2 =	vld [tilespmem:s0+$0xF780]  }
0x28b: {  	v6 =	vld [tilespmem:s0+$0xF800];
	v0 =	vadd.f32 v3, v0  }
0x28c: {  	v3 =	vld [tilespmem:s1+$0xFE80]  }
0x28d: {  	v7 =	vld [tilespmem:s0+$0xF880];
	v0 =	vadd.f32 v4, v0  }
0x28e: {  	v4 =	vld [tilespmem:s1+$0xFF00]  }
0x28f: {  	v2 =	vadd.f32 v2, v5;
	v5 =	vld [tilespmem:s0+$0xF900];
	v0 =	vadd.f32 v1, v0  }
0x290: {  	v1 =	vld [tilespmem:s1+$0xFF80]  }
0x291: {  	v2 =	vadd.f32 v6, v2;
	v6 =	vld [tilespmem:s0+$0xF980];
	v0 =	vadd.f32 v3, v0  }
0x292: {  	v3 =	vld [tilespmem:s1+$0x10000]  }
0x293: {  	v2 =	vadd.f32 v7, v2;
	v7 =	vld [tilespmem:s0+$0xFA00];
	v0 =	vadd.f32 v4, v0  }
0x294: {  	v4 =	vld [tilespmem:s1+$0x10080]  }
0x295: {  	v2 =	vadd.f32 v5, v2;
	v5 =	vld [tilespmem:s0+$0xFA80];
	v0 =	vadd.f32 v1, v0  }
0x296: {  	v1 =	vld [tilespmem:s1+$0x10100]  }
0x297: {  	v2 =	vadd.f32 v6, v2;
	v6 =	vld [tilespmem:s0+$0xFB00];
	v0 =	vadd.f32 v3, v0  }
0x298: {  	v3 =	vld [tilespmem:s1+$0x10180]  }
0x299: {  	v2 =	vadd.f32 v7, v2;
	v7 =	vld [tilespmem:s0+$0xFB80];
	v0 =	vadd.f32 v4, v0  }
0x29a: {  	v4 =	vld [tilespmem:s1+$0x10200]  }
0x29b: {  	v2 =	vadd.f32 v5, v2;
	v5 =	vld [tilespmem:s0+$0xFC00];
	v0 =	vadd.f32 v1, v0  }
0x29c: {  	v1 =	vld [tilespmem:s1+$0x10280]  }
0x29d: {  	v8 =	vld [tilespmem:s0+$0xFC80];
	v2 =	vadd.f32 v6, v2;
	v0 =	vadd.f32 v3, v0  }
0x29e: {  	v6 =	vld [tilespmem:s1+$0x10300]  }
0x29f: {  	v3 =	vld [tilespmem:s0+$0xFD00];
	v7 =	vadd.f32 v7, v2;
	v4 =	vadd.f32 v4, v0  }
0x2a0: {  	v2 =	vld [tilespmem:s1+$0x10380]  }
0x2a1: {  	v0 =	vld [tilespmem:s0+$0xFE00];
	v5 =	vadd.f32 v5, v7;
	v7 =	vadd.f32 v1, v4  }
0x2a2: {  	s21 =	simm.s32 $0x20;
	v4 =	vld [tilespmem:s0+$0xFD80]  }
0x2a3: {  	s25 =	simm.s32 $0xC0;
	v1 =	vld [tilespmem:s21+$0xF700];
	v5 =	vadd.f32 v8, v5;
	v6 =	vadd.f32 v6, v7  }
.LBB2_8:
0x2a4: {  	p0 =	sne.s32 s25, $0x1C0;
	v7 =	vld [tilespmem:s21+$0xF780]  }
0x2a5: {  	v3 =	vadd.f32 v3, v5;
	v5 =	vld [tilespmem:s0+$0xFE80];
	v2 =	vadd.f32 v2, v6  }
0x2a6: {  	v6 =	vld [tilespmem:s21+$0xF800]  }
0x2a7: {  	v3 =	vadd.f32 v4, v3;
	v4 =	vld [tilespmem:s0+$0xFF00];
	[tilespmem:s1+$0x10C00] =	vst v2;
	s1 =	smov.u32 s0;
	s0 =	smov.u32 s21  }
0x2a8: {  	v2 =	vld [tilespmem:s0+$0xF880]  }
0x2a9: {  	v1 =	vadd.f32 v7, v1;
	v0 =	vadd.f32 v0, v3;
	v3 =	vld [tilespmem:s1+$0xFF80]  }
0x2aa: {  	v7 =	vld [tilespmem:s0+$0xF900]  }
0x2ab: {  	v1 =	vadd.f32 v6, v1;
	v0 =	vadd.f32 v5, v0;
	v5 =	vld [tilespmem:s1+$0x10000]  }
0x2ac: {  	v6 =	vld [tilespmem:s0+$0xF980]  }
0x2ad: {  	v1 =	vadd.f32 v2, v1;
	v0 =	vadd.f32 v4, v0;
	v2 =	vld [tilespmem:s1+$0x10080]  }
0x2ae: {  	v4 =	vld [tilespmem:s0+$0xFA00]  }
0x2af: {  	v1 =	vadd.f32 v7, v1;
	v0 =	vadd.f32 v3, v0;
	v3 =	vld [tilespmem:s1+$0x10100]  }
0x2b0: {  	v7 =	vld [tilespmem:s0+$0xFA80]  }
0x2b1: {  	v1 =	vadd.f32 v6, v1;
	v0 =	vadd.f32 v5, v0;
	v5 =	vld [tilespmem:s1+$0x10180]  }
0x2b2: {  	v6 =	vld [tilespmem:s0+$0xFB00]  }
0x2b3: {  	v1 =	vadd.f32 v4, v1;
	v0 =	vadd.f32 v2, v0;
	v2 =	vld [tilespmem:s1+$0x10200]  }
0x2b4: {  	v4 =	vld [tilespmem:s0+$0xFB80]  }
0x2b5: {  	v1 =	vadd.f32 v7, v1;
	v0 =	vadd.f32 v3, v0;
	v7 =	vld [tilespmem:s1+$0x10280]  }
0x2b6: {  	v8 =	vld [tilespmem:s0+$0xFC00]  }
0x2b7: {  	v1 =	vadd.f32 v6, v1;
	v0 =	vadd.f32 v5, v0;
	v6 =	vld [tilespmem:s1+$0x10300]  }
0x2b8: {  	v5 =	vld [tilespmem:s0+$0xFC80]  }
.Ltmp3:
0x2b9: {  	v1 =	vadd.f32 v4, v1;
	v4 =	vadd.f32 v2, v0;
	v2 =	vld [tilespmem:s1+$0x10380];
	(pc) =	sbr.rel @p0 .LBB2_8-.Ltmp3, $4  }
0x2ba: {  	v3 =	vld [tilespmem:s0+$0xFD00]  }
0x2bb: {  	v8 =	vadd.f32 v8, v1;
	v0 =	vld [tilespmem:s0+$0xFE00];
	v7 =	vadd.f32 v7, v4  }
0x2bc: {  	s21 =	sshra.s32 s25, $0x2;
	v4 =	vld [tilespmem:s0+$0xFD80]  }
0x2bd: {  	s25 =	sadd.s32 $0x40, s25;
	v1 =	vld [tilespmem:s21+$0xF700];
	v5 =	vadd.f32 v5, v8;
	v6 =	vadd.f32 v6, v7  }
0x2be: {  	v7 =	vld [tilespmem:s21+$0xF780]  }
0x2bf: {  	v8 =	vld [tilespmem:s0+$0xFE80];
	v2 =	vadd.f32 v2, v6  }
0x2c0: {  	v6 =	vld [tilespmem:s21+$0xF800]  }
0x2c1: {  	v9 =	vld [tilespmem:s0+$0xFF00];
	v3 =	vadd.f32 v3, v5;
	[tilespmem:s1+$0x10C00] =	vst v2  }
0x2c2: {  	v2 =	vld [tilespmem:s21+$0xF880]  }
0x2c3: {  	v3 =	vadd.f32 v4, v3;
	v1 =	vadd.f32 v7, v1  }
0x2c4: {  	v4 =	vld [tilespmem:s21+$0xF900]  }
0x2c5: {  	v5 =	vld [tilespmem:s21+$0xF980];
	v0 =	vadd.f32 v0, v3;
	v1 =	vadd.f32 v6, v1  }
0x2c6: {  	v3 =	vld [tilespmem:s0+$0xFF80]  }
0x2c7: {  	v0 =	vadd.f32 v8, v0;
	v6 =	vld [tilespmem:s0+$0x10000];
	v1 =	vadd.f32 v2, v1  }
0x2c8: {  	v2 =	vld [tilespmem:s21+$0xFA00]  }
0x2c9: {  	v7 =	vld [tilespmem:s0+$0x10080];
	v0 =	vadd.f32 v9, v0;
	v1 =	vadd.f32 v4, v1  }
0x2ca: {  	v4 =	vld [tilespmem:s21+$0xFA80]  }
0x2cb: {  	v0 =	vadd.f32 v3, v0;
	v3 =	vld [tilespmem:s0+$0x10100];
	v1 =	vadd.f32 v5, v1  }
0x2cc: {  	v5 =	vld [tilespmem:s21+$0xFB00]  }
0x2cd: {  	v0 =	vadd.f32 v6, v0;
	v6 =	vld [tilespmem:s0+$0x10180];
	v1 =	vadd.f32 v2, v1  }
0x2ce: {  	v2 =	vld [tilespmem:s21+$0xFB80]  }
0x2cf: {  	v0 =	vadd.f32 v7, v0;
	v7 =	vld [tilespmem:s0+$0x10200];
	v1 =	vadd.f32 v4, v1  }
0x2d0: {  	v4 =	vld [tilespmem:s21+$0xFC00]  }
0x2d1: {  	v0 =	vadd.f32 v3, v0;
	v3 =	vld [tilespmem:s0+$0x10280];
	v1 =	vadd.f32 v5, v1  }
0x2d2: {  	v5 =	vld [tilespmem:s21+$0xFC80]  }
0x2d3: {  	v0 =	vadd.f32 v6, v0;
	v6 =	vld [tilespmem:s0+$0x10300];
	v1 =	vadd.f32 v2, v1  }
0x2d4: {  	v2 =	vld [tilespmem:s21+$0xFD00]  }
0x2d5: {  	v0 =	vadd.f32 v7, v0;
	v7 =	vld [tilespmem:s0+$0x10380];
	v1 =	vadd.f32 v4, v1  }
0x2d6: {  	v4 =	vld [tilespmem:s21+$0xFD80]  }
0x2d7: {  	v0 =	vadd.f32 v3, v0;
	v1 =	vadd.f32 v5, v1  }
0x2d8: {  	v3 =	vld [tilespmem:s21+$0xFE00]  }
0x2d9: {  	v0 =	vadd.f32 v6, v0;
	v1 =	vadd.f32 v2, v1  }
0x2da: {  	v2 =	vld [tilespmem:s21+$0xFE80]  }
0x2db: {  	v0 =	vadd.f32 v7, v0;
	v1 =	vadd.f32 v4, v1  }
0x2dc: {  	v4 =	vld [tilespmem:s21+$0xFF00]  }
0x2dd: {  	[tilespmem:s0+$0x10C00] =	vst v0;
	v0 =	vadd.f32 v3, v1  }
0x2de: {  	v1 =	vld [tilespmem:s21+$0xFF80]  }
0x2df: {  	v0 =	vadd.f32 v2, v0  }
0x2e0: {  	v2 =	vld [tilespmem:s21+$0x10000]  }
0x2e1: {  	v0 =	vadd.f32 v4, v0  }
0x2e2: {  	v3 =	vld [tilespmem:s21+$0x10080]  }
0x2e3: {  	v0 =	vadd.f32 v1, v0  }
0x2e4: {  	v1 =	vld [tilespmem:s21+$0x10100]  }
0x2e5: {  	v0 =	vadd.f32 v2, v0  }
0x2e6: {  	v2 =	vld [tilespmem:s21+$0x10180]  }
0x2e7: {  	v0 =	vadd.f32 v3, v0  }
0x2e8: {  	v3 =	vld [tilespmem:s21+$0x10200]  }
0x2e9: {  	v0 =	vadd.f32 v1, v0  }
0x2ea: {  	v1 =	vld [tilespmem:s21+$0x10280]  }
0x2eb: {  	v0 =	vadd.f32 v2, v0  }
0x2ec: {  	v2 =	vld [tilespmem:s21+$0x10300]  }
0x2ed: {  	v0 =	vadd.f32 v3, v0  }
0x2ee: {  	v3 =	vld [tilespmem:s21+$0x10380]  }
0x2ef: {  	v0 =	vadd.f32 v1, v0;
	_ =	sdelay $0x1  }
0x2f0: {  	v0 =	vadd.f32 v2, v0;
	_ =	sdelay $0x1  }
0x2f1: {  	v0 =	vadd.f32 v3, v0;
	_ =	sdelay $0x1  }
0x2f2: {  	[tilespmem:s21+$0x10C00] =	vst v0;
	s21 =	simm.s32 $0x0  }
0x2f3: {  	[hbm4b:s10+s21] =	stream.linear.scatter [tilespmem:s26], [sflag:$0x5], $0x800, $0x38;
	[tilespmem:$0x10C80] =	vst v63  }
0x2f4: {  	_ =	swait.ge [sflag:s18], $0x800  }
0x2f5: {  	[sflag:s18] =	ssyncset.done $0x0  }
0x2f6: {  	[sflag:s18] =	ssyncadd.s32 $0xFFFFF800  }
0x2f7: {  	[hbm4b:s11+s21] =	stream.linear.scatter [tilespmem:s28], [sflag:$0x5], $0x80, $0x38;
	[tilespmem:$0x10C80] =	vst v63  }
0x2f8: {  	_ =	swait.ge [sflag:s18], $0x80  }
0x2f9: {  	[sflag:s18] =	ssyncset.done $0x0  }
0x2fa: {  	[sflag:s18] =	ssyncadd.s32 $0xFFFFFF80  }
0x2fb: {  	_ =	swait.ge [sflag:s22], $0x6800  }
0x2fc: {  	[sflag:s22] =	ssyncset.done $0x0  }
0x2fd: {  	[sflag:s22] =	ssyncadd.s32 $0xFFFF9800  }
0x2fe: {  	_ =	swait.ge [sflag:s23], $0xD00  }
0x2ff: {  	[sflag:s23] =	ssyncset.done $0x0  }
0x300: {  	[sflag:s23] =	ssyncadd.s32 $0xFFFFF300  }
0x301: {  	[tilespmem:s19], [sflag:$0x5] =	stream.linear.gather [hbm4b:s12+s21], $0xD00, $0x38;
	[tilespmem:$0x10C80] =	vst v63  }
0x302: {  	_ =	swait.ge [sflag:s18], $0xD00  }
0x303: {  	v1 =	vld [tilespmem:$0x1FE50]  }
0x304: {  	v2 =	vld [tilespmem:$0x1FE60]  }
0x305: {  	v3 =	vld [tilespmem:$0x1FE70]  }
0x306: {  	v4 =	vld [tilespmem:$0x1FE80]  }
0x307: {  	v5 =	vld [tilespmem:$0x1FE90]  }
0x308: {  	v6 =	vld [tilespmem:$0x1FEA0]  }
0x309: {  	v7 =	vld [tilespmem:$0x1FE40]  }
0x30a: {  	v60 =	vld [tilespmem:$0x1FEC0]  }
0x30b: {  	v61 =	vld [tilespmem:$0x1FED0]  }
0x30c: {  	v10 =	vld [tilespmem:$0x1FEF0]  }
0x30d: {  	v11 =	vld [tilespmem:$0x1FF10]  }
0x30e: {  	v12 =	vld [tilespmem:$0x1FF30]  }
0x30f: {  	v23 =	vld [tilespmem:$0x1FF60]  }
0x310: {  	v0 =	vmov s21;
	v26 =	vld [tilespmem:$0x1FF70]  }
0x311: {  	v0 =	vshll.u32 v0, $0x3;
	v25 =	vld [tilespmem:$0x1FF80]  }
0x312: {  	v21 =	vld [tilespmem:$0x1FFA0];
	v1 =	vadd.s32 v1, v0  }
0x313: {  	[sflag:s18] =	ssyncset.done $0x0;
	v27 =	vld [tilespmem:$0x1FFB0];
	v2 =	vadd.s32 v2, v0;
	v1 =	vor.u32 v19, v1  }
0x314: {  	v22 =	vld [tilespmem:$0x1FFC0];
	[sflag:s18] =	ssyncadd.s32 $0xFFFFF300;
	v2 =	vor.u32 v19, v2  }
0x315: {  	v28 =	vld [tilespmem:$0x1FFD0];
	[tilespmem:s24], [sflag:$0x2] =	stream.indirect.gather [hbm4b:s3+s19], $0x8, s19, s19, $0xb8;
	v3 =	vadd.s32 v3, v0  }
0x316: {  	s25 =	simm.s32 $0xF700;
	v24 =	vld [tilespmem:$0x1FFE0];
	v3 =	vor.u32 v19, v3  }
0x317: {  	[tilespmem:s25], [sflag:$0x4] =	stream.indirect.gather [hbm4b:s4+s19], $0x1, s19, s19, $0xb8;
	v4 =	vadd.s32 v4, v0;
	v29 =	vor.u32 s21, v7;
	v7 =	vld [tilespmem:$0x1FEB0]  }
0x318: {  	v4 =	vor.u32 v19, v4;
	v42 =	vld.idx.msk [tilespmem:v1+s20+$0x0], $0xffff  }
0x319: {  	v5 =	vadd.s32 v5, v0;
	v43 =	vld.idx.msk [tilespmem:v2+s20+$0x0], $0xffff  }
0x31a: {  	v5 =	vor.u32 v19, v5;
	v2 =	vld [tilespmem:$0x1FEE0]  }
0x31b: {  	v6 =	vadd.s32 v6, v0;
	v44 =	vld.idx.msk [tilespmem:v3+s20+$0x0], $0xffff  }
0x31c: {  	v6 =	vor.u32 v19, v6;
	v3 =	vld [tilespmem:$0x1FF00]  }
0x31d: {  	v8 =	vadd.s32 v60, v0;
	v45 =	vld.idx.msk [tilespmem:v4+s20+$0x0], $0xffff  }
0x31e: {  	v9 =	vadd.s32 v61, v0;
	v10 =	vadd.s32 v10, v0;
	v8 =	vor.u32 v19, v8;
	v4 =	vld [tilespmem:$0x1FF20]  }
0x31f: {  	v11 =	vadd.s32 v11, v0;
	v12 =	vadd.s32 v12, v0;
	v9 =	vor.u32 v19, v9;
	v46 =	vld.idx.msk [tilespmem:v5+s20+$0x0], $0xffff  }
0x320: {  	v62 =	vadd.s32 v26, v0;
	v10 =	vor.u32 v19, v10;
	v7 =	vadd.s32 v7, v0;
	v5 =	vld [tilespmem:$0x1FF40]  }
0x321: {  	v63 =	vadd.s32 v25, v0;
	v13 =	vadd.s32 v22, v0;
	v7 =	vor.u32 v19, v7;
	v47 =	vld.idx.msk [tilespmem:v6+s20+$0x0], $0xffff  }
0x322: {  	v14 =	vadd.s32 v28, v0;
	v11 =	vor.u32 v19, v11;
	v6 =	vld [tilespmem:$0x1FF50];
	v2 =	vadd.s32 v2, v0  }
0x323: {  	v15 =	vadd.s32 v24, v0;
	v49 =	vld.idx.msk [tilespmem:v8+s20+$0x0], $0xffff;
	v3 =	vadd.s32 v3, v0;
	v2 =	vor.u32 v19, v2  }
0x324: {  	v12 =	vor.u32 v19, v12;
	v53 =	vor.u32 v19, v63;
	v50 =	vld.idx.msk [tilespmem:v9+s20+$0x0], $0xffff;
	v3 =	vor.u32 v19, v3  }
0x325: {  	v63 =	vor.u32 v19, v15;
	v1 =	vshll.u32 v29, $0x3;
	v54 =	vld.idx.msk [tilespmem:v10+s20+$0x0], $0xffff;
	v4 =	vadd.s32 v4, v0  }
0x326: {  	v10 =	vadd.s32 v27, v0;
	v5 =	vadd.s32 v5, v0;
	v48 =	vld.idx.msk [tilespmem:v7+s20+$0x0], $0xffff;
	v4 =	vor.u32 v19, v4  }
0x327: {  	v57 =	vld.idx.msk [tilespmem:v11+s20+$0x0], $0xffff;
	v6 =	vadd.s32 v6, v0;
	v30 =	vunpack.i.u.bf16.f32 v42;
	v5 =	vor.u32 v19, v5  }
0x328: {  	v7 =	vadd.s32 v23, v0;
	v31 =	vunpack.i.u.bf16.f32 v43;
	v6 =	vor.u32 v19, v6;
	v52 =	vld.idx.msk [tilespmem:v2+s20+$0x0], $0xffff  }
0x329: {  	v32 =	vunpack.i.u.bf16.f32 v44;
	v33 =	vunpack.i.u.bf16.f32 v45;
	v7 =	vor.u32 v19, v7;
	v55 =	vld.idx.msk [tilespmem:v3+s20+$0x0], $0xffff  }
0x32a: {  	v58 =	vld.idx.msk [tilespmem:v12+s20+$0x0], $0xffff;
	v34 =	vunpack.i.u.bf16.f32 v46;
	v35 =	vunpack.i.u.bf16.f32 v47;
	v37 =	vunpack.i.u.bf16.f32 v49  }
0x32b: {  	v38 =	vunpack.i.u.bf16.f32 v50;
	v40 =	vunpack.i.u.bf16.f32 v54;
	v36 =	vunpack.i.u.bf16.f32 v48;
	v59 =	vld.idx.msk [tilespmem:v4+s20+$0x0], $0xffff  }
0x32c: {  	v2 =	vadd.s32 v21, v0;
	v3 =	vor.u32 v19, v62;
	v0 =	vor.u32 v19, v1;
	v61 =	vld.idx.msk [tilespmem:v5+s20+$0x0], $0xffff  }
0x32d: {  	v4 =	vor.u32 v19, v10;
	v60 =	vld.idx.msk [tilespmem:v6+s20+$0x0], $0xffff;
	v1 =	vor.u32 v19, v14;
	v56 =	vor.u32 v19, v2  }
0x32e: {  	s0 =	simm.s32 $0x2;
	v62 =	vld.idx.msk [tilespmem:v7+s20+$0x0], $0xffff;
	v2 =	vor.u32 v19, v13;
	v39 =	vunpack.i.u.bf16.f32 v52;
	v41 =	vunpack.i.u.bf16.f32 v55  }
.LBB2_10:
0x32f: {  	_ = 	snop  }
0x330: {  	v43 =	vunpack.i.l.bf16.f32 v43;
	v42 =	vunpack.i.l.bf16.f32 v42;
	v45 =	vunpack.i.l.bf16.f32 v45  }
0x331: {  	v3 =	vld.idx.msk [tilespmem:v3+s20+$0x0], $0xffff;
	v44 =	vunpack.i.l.bf16.f32 v44;
	v47 =	vunpack.i.l.bf16.f32 v47;
	v46 =	vunpack.i.l.bf16.f32 v46  }
0x332: {  	v5 =	vld.idx.msk [tilespmem:v53+s20+$0x0], $0xffff;
	v49 =	vunpack.i.l.bf16.f32 v49;
	v48 =	vunpack.i.l.bf16.f32 v48;
	v52 =	vunpack.i.l.bf16.f32 v52  }
0x333: {  	v6 =	vld.idx.msk [tilespmem:v56+s20+$0x0], $0xffff;
	v50 =	vunpack.i.l.bf16.f32 v50;
	v55 =	vunpack.i.l.bf16.f32 v55;
	v54 =	vunpack.i.l.bf16.f32 v54  }
0x334: {  	v4 =	vld.idx.msk [tilespmem:v4+s20+$0x0], $0xffff;
	v51 =	vunpack.i.u.bf16.f32 v57;
	v53 =	vunpack.i.u.bf16.f32 v59;
	v56 =	vunpack.i.u.bf16.f32 v58  }
0x335: {  	v2 =	vld.idx.msk [tilespmem:v2+s20+$0x0], $0xffff;
	v7 =	vunpack.i.u.bf16.f32 v61;
	v8 =	vunpack.i.u.bf16.f32 v60;
	v9 =	vunpack.i.u.bf16.f32 v62  }
0x336: {  	v0 =	vld.idx.msk [tilespmem:v0+s20+$0x0], $0xffff;
	v11 =	vunpack.i.l.bf16.f32 v59;
	v57 =	vunpack.i.l.bf16.f32 v57;
	v14 =	vunpack.i.l.bf16.f32 v61  }
0x337: {  	v1 =	vld.idx.msk [tilespmem:v1+s20+$0x0], $0xffff;
	v15 =	vunpack.i.l.bf16.f32 v58;
	v17 =	vunpack.i.l.bf16.f32 v62;
	v18 =	vunpack.i.l.bf16.f32 v60  }
0x338: {  	v12 =	vld.idx.msk [tilespmem:v63+s20+$0x0], $0xffff;
	v10 =	vunpack.i.u.bf16.f32 v3;
	v13 =	vunpack.i.u.bf16.f32 v5;
	v16 =	vunpack.i.u.bf16.f32 v6  }
0x339: {  	v20 =	vunpack.i.u.bf16.f32 v4;
	v5 =	vunpack.i.l.bf16.f32 v5;
	v3 =	vunpack.i.l.bf16.f32 v3  }
0x33a: {  	v58 =	vunpack.i.u.bf16.f32 v2;
	v4 =	vunpack.i.l.bf16.f32 v4;
	v6 =	vunpack.i.l.bf16.f32 v6  }
0x33b: {  	v59 =	vunpack.i.u.bf16.f32 v0;
	v0 =	vunpack.i.l.bf16.f32 v0;
	v2 =	vunpack.i.l.bf16.f32 v2  }
0x33c: {  	v61 =	vunpack.i.u.bf16.f32 v1;
	v1 =	vunpack.i.l.bf16.f32 v1;
	v60 =	vadd.f32 $0.0e+00, v0  }
0x33d: {  	v63 =	vunpack.i.u.bf16.f32 v12;
	v12 =	vunpack.i.l.bf16.f32 v12;
	v62 =	vadd.f32 $0.0e+00, v59  }
0x33e: {  	v0 =	vmul.f32 v0, v0;
	v60 =	vadd.f32 v12, v60;
	v12 =	vmul.f32 v12, v12  }
0x33f: {  	v59 =	vmul.f32 v59, v59;
	v62 =	vadd.f32 v63, v62;
	v63 =	vmul.f32 v63, v63  }
0x340: {  	v0 =	vadd.f32 v12, v0;
	v12 =	vadd.f32 v1, v60;
	v1 =	vmul.f32 v1, v1  }
0x341: {  	v59 =	vadd.f32 v63, v59;
	v60 =	vadd.f32 v61, v62;
	v61 =	vmul.f32 v61, v61  }
0x342: {  	v0 =	vadd.f32 v1, v0;
	v1 =	vadd.f32 v2, v12;
	v2 =	vmul.f32 v2, v2  }
0x343: {  	v63 =	vadd.f32 v61, v59;
	v61 =	vadd.f32 v58, v60;
	v58 =	vmul.f32 v58, v58  }
0x344: {  	v0 =	vadd.f32 v2, v0;
	v1 =	vadd.f32 v4, v1;
	v2 =	vmul.f32 v4, v4  }
0x345: {  	v4 =	vadd.f32 v58, v63;
	v62 =	vadd.f32 v20, v61;
	v20 =	vmul.f32 v20, v20  }
0x346: {  	v0 =	vadd.f32 v2, v0;
	v1 =	vadd.f32 v6, v1;
	v2 =	vmul.f32 v6, v6  }
0x347: {  	v63 =	vmul.f32 v16, v16;
	v4 =	vadd.f32 v20, v4;
	v6 =	vadd.f32 v16, v62  }
0x348: {  	v0 =	vadd.f32 v2, v0;
	v1 =	vadd.f32 v5, v1;
	v2 =	vmul.f32 v5, v5  }
0x349: {  	v4 =	vadd.f32 v63, v4;
	v5 =	vadd.f32 v13, v6;
	v6 =	vmul.f32 v13, v13  }
0x34a: {  	v0 =	vadd.f32 v2, v0;
	v1 =	vadd.f32 v3, v1;
	v2 =	vmul.f32 v3, v3  }
0x34b: {  	v3 =	vadd.f32 v6, v4;
	v4 =	vadd.f32 v10, v5;
	v5 =	vmul.f32 v10, v10  }
0x34c: {  	v0 =	vadd.f32 v2, v0;
	v1 =	vadd.f32 v17, v1;
	v2 =	vmul.f32 v17, v17  }
0x34d: {  	v3 =	vadd.f32 v5, v3;
	v4 =	vadd.f32 v9, v4;
	v5 =	vmul.f32 v9, v9  }
0x34e: {  	v0 =	vadd.f32 v2, v0;
	v1 =	vadd.f32 v18, v1;
	v2 =	vmul.f32 v18, v18  }
0x34f: {  	v3 =	vadd.f32 v5, v3;
	v4 =	vadd.f32 v8, v4;
	v5 =	vmul.f32 v8, v8  }
0x350: {  	v0 =	vadd.f32 v2, v0;
	v1 =	vadd.f32 v14, v1;
	v2 =	vmul.f32 v14, v14  }
0x351: {  	v3 =	vadd.f32 v5, v3;
	v4 =	vadd.f32 v7, v4;
	v5 =	vmul.f32 v7, v7  }
0x352: {  	v0 =	vadd.f32 v2, v0;
	v1 =	vadd.f32 v15, v1;
	v2 =	vmul.f32 v15, v15  }
0x353: {  	v3 =	vadd.f32 v5, v3;
	v4 =	vadd.f32 v56, v4;
	v5 =	vmul.f32 v56, v56  }
0x354: {  	v0 =	vadd.f32 v2, v0;
	v1 =	vadd.f32 v11, v1;
	v2 =	vmul.f32 v11, v11  }
0x355: {  	v3 =	vadd.f32 v5, v3;
	v4 =	vadd.f32 v53, v4;
	v5 =	vmul.f32 v53, v53  }
0x356: {  	v0 =	vadd.f32 v2, v0;
	v1 =	vadd.f32 v57, v1;
	v2 =	vmul.f32 v57, v57  }
0x357: {  	v3 =	vadd.f32 v5, v3;
	v4 =	vadd.f32 v51, v4;
	v5 =	vmul.f32 v51, v51  }
0x358: {  	v0 =	vadd.f32 v2, v0;
	v1 =	vadd.f32 v55, v1;
	v2 =	vmul.f32 v55, v55  }
0x359: {  	v3 =	vadd.f32 v5, v3;
	v4 =	vadd.f32 v41, v4;
	v5 =	vmul.f32 v41, v41  }
0x35a: {  	v0 =	vadd.f32 v2, v0;
	v1 =	vadd.f32 v54, v1;
	v2 =	vmul.f32 v54, v54  }
0x35b: {  	v3 =	vadd.f32 v5, v3;
	v4 =	vadd.f32 v40, v4;
	v5 =	vmul.f32 v40, v40  }
0x35c: {  	v0 =	vadd.f32 v2, v0;
	v1 =	vadd.f32 v52, v1;
	v2 =	vmul.f32 v52, v52  }
0x35d: {  	v3 =	vadd.f32 v5, v3;
	v4 =	vadd.f32 v39, v4;
	v5 =	vmul.f32 v39, v39  }
0x35e: {  	v0 =	vadd.f32 v2, v0;
	v1 =	vadd.f32 v50, v1;
	v2 =	vmul.f32 v50, v50  }
0x35f: {  	v3 =	vadd.f32 v5, v3;
	v4 =	vadd.f32 v38, v4;
	v5 =	vmul.f32 v38, v38  }
0x360: {  	v0 =	vadd.f32 v2, v0;
	v1 =	vadd.f32 v49, v1;
	v2 =	vmul.f32 v49, v49  }
0x361: {  	v3 =	vadd.f32 v5, v3;
	v4 =	vadd.f32 v37, v4;
	v5 =	vmul.f32 v37, v37  }
0x362: {  	v0 =	vadd.f32 v2, v0;
	v1 =	vadd.f32 v48, v1;
	v2 =	vmul.f32 v48, v48  }
0x363: {  	v3 =	vadd.f32 v5, v3;
	v4 =	vadd.f32 v36, v4;
	v5 =	vmul.f32 v36, v36  }
0x364: {  	v0 =	vadd.f32 v2, v0;
	v1 =	vadd.f32 v47, v1;
	v2 =	vmul.f32 v47, v47  }
0x365: {  	v3 =	vadd.f32 v5, v3;
	v4 =	vadd.f32 v35, v4;
	v5 =	vmul.f32 v35, v35  }
0x366: {  	v0 =	vadd.f32 v2, v0;
	v1 =	vadd.f32 v46, v1;
	v2 =	vmul.f32 v46, v46  }
0x367: {  	v3 =	vadd.f32 v5, v3;
	v4 =	vadd.f32 v34, v4;
	v5 =	vmul.f32 v34, v34  }
0x368: {  	v0 =	vadd.f32 v2, v0;
	v1 =	vadd.f32 v45, v1;
	v2 =	vmul.f32 v45, v45  }
0x369: {  	v3 =	vadd.f32 v5, v3;
	v4 =	vadd.f32 v33, v4;
	v5 =	vmul.f32 v33, v33  }
0x36a: {  	v0 =	vadd.f32 v2, v0;
	v1 =	vadd.f32 v44, v1;
	v2 =	vmul.f32 v44, v44  }
0x36b: {  	v3 =	vadd.f32 v5, v3;
	v4 =	vadd.f32 v32, v4;
	v5 =	vmul.f32 v32, v32  }
0x36c: {  	v0 =	vadd.f32 v2, v0;
	v1 =	vadd.f32 v43, v1;
	v2 =	vmul.f32 v43, v43  }
0x36d: {  	v3 =	vadd.f32 v5, v3;
	v4 =	vadd.f32 v31, v4;
	v5 =	vmul.f32 v31, v31  }
0x36e: {  	v0 =	vadd.f32 v2, v0;
	v1 =	vadd.f32 v42, v1  }
0x36f: {  	v2 =	vmul.f32 v42, v42;
	v3 =	vadd.f32 v5, v3;
	v5 =	vmul.f32 v30, v30  }
0x370: {  	v4 =	vadd.f32 v30, v4  }
0x371: {  	v0 =	vadd.f32 v2, v0;
	v1 =	vmul.f32 v1, v1;
	v3 =	vadd.f32 v5, v3;
	v5 =	vld [tilespmem:$0x1FF90]  }
0x372: {  	v7 =	vld [tilespmem:$0x1FE70];
	v4 =	vmul.f32 v4, v4  }
0x373: {  	v0 =	vsub.f32 v1, v0;
	v1 =	vld [tilespmem:$0x1FFF0]  }
0x374: {  	v3 =	vsub.f32 v4, v3;
	v4 =	vld [tilespmem:$0x1FE50]  }
0x375: {  	v57 =	vld [tilespmem:$0x1FEC0];
	v2 =	vshll.u32 v29, $0x4  }
0x376: {  	v58 =	vld [tilespmem:$0x1FED0];
	v5 =	vor.u32 v5, v2  }
0x377: {  	v59 =	vld [tilespmem:$0x1FEF0];
	v6 =	vmov s0  }
0x378: {  	v60 =	vld [tilespmem:$0x1FF10];
	v1 =	vor.u32 v1, v2;
	v2 =	vshll.u32 v6, $0x3  }
0x379: {  	v61 =	vld [tilespmem:$0x1FF30];
	v0 =	vmul.f32 $5.000000000e-01, v0;
	v4 =	vadd.s32 v4, v2  }
0x37a: {  	v6 =	vld [tilespmem:$0x1FE60];
	v7 =	vadd.s32 v7, v2;
	v8 =	vadd.s32 v57, v2;
	v4 =	vor.u32 v19, v4  }
0x37b: {  	v3 =	vmul.f32 $5.000000000e-01, v3;
	v9 =	vadd.s32 v58, v2;
	v8 =	vor.u32 v19, v8;
	[tilespmem:v5+s26+$0x0] =	vst.idx.msk $0xffff, v0;
	v0 =	vld [tilespmem:$0x1FE80]  }
0x37c: {  	v9 =	vor.u32 v19, v9;
	v5 =	vor.u32 v19, v7;
	v7 =	vld [tilespmem:$0x1FE40]  }
0x37d: {  	[tilespmem:v1+s26+$0x0] =	vst.idx.msk $0xffff, v3;
	v1 =	vld [tilespmem:$0x1FE90]  }
0x37e: {  	v3 =	vld [tilespmem:$0x1FEA0]  }
0x37f: {  	v6 =	vadd.s32 v6, v2;
	v42 =	vld.idx.msk [tilespmem:v4+s20+$0x0], $0xffff  }
0x380: {  	v6 =	vor.u32 v19, v6;
	v49 =	vld.idx.msk [tilespmem:v8+s20+$0x0], $0xffff  }
0x381: {  	v50 =	vld.idx.msk [tilespmem:v9+s20+$0x0], $0xffff;
	v0 =	vadd.s32 v0, v2  }
0x382: {  	v29 =	vor.u32 s0, v7;
	v7 =	vld [tilespmem:$0x1FEB0];
	v0 =	vor.u32 v19, v0  }
0x383: {  	v44 =	vld.idx.msk [tilespmem:v5+s20+$0x0], $0xffff;
	v1 =	vadd.s32 v1, v2  }
0x384: {  	v5 =	vld [tilespmem:$0x1FF00];
	v1 =	vor.u32 v19, v1  }
0x385: {  	v3 =	vadd.s32 v3, v2;
	v43 =	vld.idx.msk [tilespmem:v6+s20+$0x0], $0xffff  }
0x386: {  	v3 =	vor.u32 v19, v3;
	v6 =	vld [tilespmem:$0x1FEE0]  }
0x387: {  	v10 =	vadd.s32 v59, v2;
	v45 =	vld.idx.msk [tilespmem:v0+s20+$0x0], $0xffff  }
0x388: {  	v11 =	vadd.s32 v60, v2;
	v10 =	vor.u32 v19, v10;
	v0 =	vld [tilespmem:$0x1FF20]  }
0x389: {  	v12 =	vadd.s32 v61, v2;
	v62 =	vadd.s32 v26, v2;
	v7 =	vadd.s32 v7, v2;
	v46 =	vld.idx.msk [tilespmem:v1+s20+$0x0], $0xffff  }
0x38a: {  	v63 =	vadd.s32 v25, v2;
	v14 =	vadd.s32 v28, v2;
	v7 =	vor.u32 v19, v7;
	v1 =	vld [tilespmem:$0x1FF40]  }
0x38b: {  	v15 =	vadd.s32 v24, v2;
	v11 =	vor.u32 v19, v11;
	v5 =	vadd.s32 v5, v2;
	v47 =	vld.idx.msk [tilespmem:v3+s20+$0x0], $0xffff  }
0x38c: {  	v12 =	vor.u32 v19, v12;
	v5 =	vor.u32 v19, v5;
	v6 =	vadd.s32 v6, v2;
	v3 =	vld [tilespmem:$0x1FF50]  }
0x38d: {  	v53 =	vor.u32 v19, v63;
	v63 =	vor.u32 v19, v15;
	v54 =	vld.idx.msk [tilespmem:v10+s20+$0x0], $0xffff;
	v6 =	vor.u32 v19, v6  }
0x38e: {  	v10 =	vadd.s32 v27, v2;
	v4 =	vshll.u32 v29, $0x3;
	v0 =	vadd.s32 v0, v2  }
0x38f: {  	v30 =	vunpack.i.u.bf16.f32 v42;
	v48 =	vld.idx.msk [tilespmem:v7+s20+$0x0], $0xffff;
	v7 =	vadd.s32 v23, v2;
	v0 =	vor.u32 v19, v0  }
0x390: {  	v57 =	vld.idx.msk [tilespmem:v11+s20+$0x0], $0xffff;
	v37 =	vunpack.i.u.bf16.f32 v49;
	v7 =	vor.u32 v19, v7;
	v1 =	vadd.s32 v1, v2  }
0x391: {  	v38 =	vunpack.i.u.bf16.f32 v50;
	v55 =	vld.idx.msk [tilespmem:v5+s20+$0x0], $0xffff;
	v3 =	vadd.s32 v3, v2;
	v1 =	vor.u32 v19, v1  }
0x392: {  	p0 =	sne.s32 s0, $0x7E;
	v40 =	vunpack.i.u.bf16.f32 v54;
	v32 =	vunpack.i.u.bf16.f32 v44;
	v52 =	vld.idx.msk [tilespmem:v6+s20+$0x0], $0xffff;
	v13 =	vor.u32 v19, v3  }
.Ltmp4:
0x393: {  	v58 =	vld.idx.msk [tilespmem:v12+s20+$0x0], $0xffff;
	v31 =	vunpack.i.u.bf16.f32 v43;
	v33 =	vunpack.i.u.bf16.f32 v45;
	v5 =	vadd.s32 v22, v2;
	(pc) =	sbr.rel @p0 .LBB2_10-.Ltmp4, $4  }
0x394: {  	v34 =	vunpack.i.u.bf16.f32 v46;
	v35 =	vunpack.i.u.bf16.f32 v47;
	v6 =	vadd.s32 v21, v2;
	v59 =	vld.idx.msk [tilespmem:v0+s20+$0x0], $0xffff  }
0x395: {  	v3 =	vor.u32 v19, v62;
	v2 =	vor.u32 v19, v5;
	v56 =	vor.u32 v19, v6;
	v62 =	vld.idx.msk [tilespmem:v7+s20+$0x0], $0xffff  }
0x396: {  	v36 =	vunpack.i.u.bf16.f32 v48;
	v41 =	vunpack.i.u.bf16.f32 v55;
	v0 =	vor.u32 v19, v4;
	v61 =	vld.idx.msk [tilespmem:v1+s20+$0x0], $0xffff  }
0x397: {  	s0 =	sadd.s32 $0x2, s0;
	v4 =	vor.u32 v19, v10;
	v39 =	vunpack.i.u.bf16.f32 v52;
	v60 =	vld.idx.msk [tilespmem:v13+s20+$0x0], $0xffff;
	v1 =	vor.u32 v19, v14  }
0x398: {  	_ =	sdelay $0x2  }
0x399: {  	v5 =	vunpack.i.u.bf16.f32 v57  }
0x39a: {  	v43 =	vunpack.i.l.bf16.f32 v43;
	v42 =	vunpack.i.l.bf16.f32 v42;
	v3 =	vld.idx.msk [tilespmem:v3+s20+$0x0], $0xffff;
	v45 =	vunpack.i.l.bf16.f32 v45  }
0x39b: {  	v44 =	vunpack.i.l.bf16.f32 v44;
	v7 =	vld.idx.msk [tilespmem:v53+s20+$0x0], $0xffff;
	v8 =	vunpack.i.u.bf16.f32 v58;
	v47 =	vunpack.i.l.bf16.f32 v47  }
0x39c: {  	v46 =	vunpack.i.l.bf16.f32 v46;
	v9 =	vld.idx.msk [tilespmem:v56+s20+$0x0], $0xffff;
	v49 =	vunpack.i.l.bf16.f32 v49;
	v12 =	vunpack.i.l.bf16.f32 v52  }
0x39d: {  	v4 =	vld.idx.msk [tilespmem:v4+s20+$0x0], $0xffff;
	v14 =	vunpack.i.l.bf16.f32 v55;
	v15 =	vunpack.i.l.bf16.f32 v54;
	v18 =	vunpack.i.l.bf16.f32 v57  }
0x39e: {  	v2 =	vld.idx.msk [tilespmem:v2+s20+$0x0], $0xffff;
	v52 =	vunpack.i.l.bf16.f32 v58;
	v6 =	vunpack.i.u.bf16.f32 v59;
	v17 =	vunpack.i.l.bf16.f32 v59  }
0x39f: {  	v0 =	vld.idx.msk [tilespmem:v0+s20+$0x0], $0xffff;
	v13 =	vunpack.i.u.bf16.f32 v62;
	v55 =	vunpack.i.l.bf16.f32 v62;
	v10 =	vunpack.i.u.bf16.f32 v61  }
0x3a0: {  	v1 =	vld.idx.msk [tilespmem:v1+s20+$0x0], $0xffff;
	v51 =	vunpack.i.l.bf16.f32 v61;
	v11 =	vunpack.i.u.bf16.f32 v60;
	v56 =	vunpack.i.l.bf16.f32 v60  }
0x3a1: {  	v28 =	vld.idx.msk [tilespmem:v63+s20+$0x0], $0xffff;
	v16 =	vunpack.i.u.bf16.f32 v3;
	v20 =	vunpack.i.u.bf16.f32 v7;
	v54 =	vunpack.i.u.bf16.f32 v9  }
0x3a2: {  	v57 =	vunpack.i.u.bf16.f32 v4;
	v7 =	vunpack.i.l.bf16.f32 v7;
	v3 =	vunpack.i.l.bf16.f32 v3  }
0x3a3: {  	v58 =	vunpack.i.u.bf16.f32 v2;
	v4 =	vunpack.i.l.bf16.f32 v4;
	v9 =	vunpack.i.l.bf16.f32 v9  }
0x3a4: {  	v21 =	vunpack.i.u.bf16.f32 v0;
	v0 =	vunpack.i.l.bf16.f32 v0;
	v2 =	vunpack.i.l.bf16.f32 v2  }
0x3a5: {  	v23 =	vunpack.i.u.bf16.f32 v1;
	v1 =	vunpack.i.l.bf16.f32 v1;
	v22 =	vadd.f32 $0.0e+00, v0  }
0x3a6: {  	v63 =	vunpack.i.u.bf16.f32 v28;
	v53 =	vunpack.i.l.bf16.f32 v28;
	v24 =	vadd.f32 $0.0e+00, v21  }
0x3a7: {  	v0 =	vmul.f32 v0, v0;
	v60 =	vadd.f32 v53, v22;
	v53 =	vmul.f32 v53, v53  }
0x3a8: {  	v59 =	vmul.f32 v21, v21;
	v62 =	vadd.f32 v63, v24;
	v63 =	vmul.f32 v63, v63  }
0x3a9: {  	v0 =	vadd.f32 v53, v0;
	v25 =	vadd.f32 v1, v60;
	v1 =	vmul.f32 v1, v1  }
0x3aa: {  	v61 =	vmul.f32 v23, v23;
	v59 =	vadd.f32 v63, v59;
	v26 =	vadd.f32 v23, v62  }
0x3ab: {  	v0 =	vadd.f32 v1, v0;
	v1 =	vadd.f32 v2, v25;
	v2 =	vmul.f32 v2, v2  }
0x3ac: {  	v27 =	vadd.f32 v61, v59;
	v28 =	vadd.f32 v58, v26;
	v58 =	vmul.f32 v58, v58  }
0x3ad: {  	v0 =	vadd.f32 v2, v0;
	v1 =	vadd.f32 v4, v1;
	v2 =	vmul.f32 v4, v4  }
0x3ae: {  	v4 =	vadd.f32 v58, v27;
	v60 =	vadd.f32 v57, v28;
	v57 =	vmul.f32 v57, v57  }
0x3af: {  	v0 =	vadd.f32 v2, v0;
	v1 =	vadd.f32 v9, v1;
	v2 =	vmul.f32 v9, v9  }
0x3b0: {  	v62 =	vmul.f32 v54, v54;
	v4 =	vadd.f32 v57, v4;
	v61 =	vadd.f32 v54, v60  }
0x3b1: {  	v0 =	vadd.f32 v2, v0;
	v1 =	vadd.f32 v7, v1;
	v2 =	vmul.f32 v7, v7  }
0x3b2: {  	v63 =	vmul.f32 v20, v20;
	v4 =	vadd.f32 v62, v4;
	v7 =	vadd.f32 v20, v61  }
0x3b3: {  	v0 =	vadd.f32 v2, v0;
	v1 =	vadd.f32 v3, v1;
	v2 =	vmul.f32 v3, v3  }
0x3b4: {  	v3 =	vadd.f32 v63, v4;
	v4 =	vadd.f32 v16, v7;
	v7 =	vmul.f32 v16, v16  }
0x3b5: {  	v0 =	vadd.f32 v2, v0;
	v1 =	vadd.f32 v55, v1;
	v2 =	vmul.f32 v55, v55  }
0x3b6: {  	v3 =	vadd.f32 v7, v3;
	v4 =	vadd.f32 v13, v4;
	v7 =	vmul.f32 v13, v13  }
0x3b7: {  	v0 =	vadd.f32 v2, v0;
	v1 =	vadd.f32 v56, v1;
	v2 =	vmul.f32 v56, v56  }
0x3b8: {  	v3 =	vadd.f32 v7, v3;
	v4 =	vadd.f32 v11, v4;
	v7 =	vmul.f32 v11, v11  }
0x3b9: {  	v0 =	vadd.f32 v2, v0;
	v1 =	vadd.f32 v51, v1;
	v2 =	vmul.f32 v51, v51  }
0x3ba: {  	v3 =	vadd.f32 v7, v3;
	v4 =	vadd.f32 v10, v4;
	v7 =	vmul.f32 v10, v10  }
0x3bb: {  	v0 =	vadd.f32 v2, v0;
	v1 =	vadd.f32 v52, v1;
	v2 =	vmul.f32 v52, v52  }
0x3bc: {  	v3 =	vadd.f32 v7, v3;
	v4 =	vadd.f32 v8, v4;
	v7 =	vmul.f32 v8, v8  }
0x3bd: {  	v0 =	vadd.f32 v2, v0;
	v1 =	vadd.f32 v17, v1;
	v2 =	vmul.f32 v17, v17  }
0x3be: {  	v3 =	vadd.f32 v7, v3;
	v4 =	vadd.f32 v6, v4;
	v6 =	vmul.f32 v6, v6  }
0x3bf: {  	v0 =	vadd.f32 v2, v0;
	v1 =	vadd.f32 v18, v1;
	v2 =	vmul.f32 v18, v18  }
0x3c0: {  	v3 =	vadd.f32 v6, v3;
	v4 =	vadd.f32 v5, v4;
	v5 =	vmul.f32 v5, v5  }
0x3c1: {  	v0 =	vadd.f32 v2, v0;
	v1 =	vadd.f32 v14, v1;
	v2 =	vmul.f32 v14, v14  }
0x3c2: {  	v48 =	vunpack.i.l.bf16.f32 v48;
	v3 =	vadd.f32 v5, v3;
	v5 =	vmul.f32 v41, v41  }
0x3c3: {  	v0 =	vadd.f32 v2, v0;
	v1 =	vadd.f32 v15, v1;
	v2 =	vmul.f32 v15, v15  }
0x3c4: {  	v50 =	vunpack.i.l.bf16.f32 v50;
	v3 =	vadd.f32 v5, v3;
	v5 =	vmul.f32 v40, v40  }
0x3c5: {  	v0 =	vadd.f32 v2, v0;
	v1 =	vadd.f32 v12, v1;
	v2 =	vmul.f32 v12, v12  }
0x3c6: {  	v4 =	vadd.f32 v41, v4;
	v3 =	vadd.f32 v5, v3;
	v5 =	vmul.f32 v39, v39  }
0x3c7: {  	v0 =	vadd.f32 v2, v0;
	v1 =	vadd.f32 v50, v1;
	v2 =	vmul.f32 v50, v50  }
0x3c8: {  	v4 =	vadd.f32 v40, v4;
	v3 =	vadd.f32 v5, v3;
	v5 =	vmul.f32 v38, v38  }
0x3c9: {  	v0 =	vadd.f32 v2, v0;
	v1 =	vadd.f32 v49, v1;
	v2 =	vmul.f32 v49, v49  }
0x3ca: {  	v4 =	vadd.f32 v39, v4;
	v3 =	vadd.f32 v5, v3;
	v5 =	vmul.f32 v37, v37  }
0x3cb: {  	v0 =	vadd.f32 v2, v0;
	v1 =	vadd.f32 v48, v1;
	v2 =	vmul.f32 v48, v48  }
0x3cc: {  	v4 =	vadd.f32 v38, v4;
	v3 =	vadd.f32 v5, v3;
	v5 =	vmul.f32 v36, v36  }
0x3cd: {  	v0 =	vadd.f32 v2, v0;
	v1 =	vadd.f32 v47, v1;
	v2 =	vmul.f32 v47, v47  }
0x3ce: {  	v4 =	vadd.f32 v37, v4;
	v3 =	vadd.f32 v5, v3;
	v5 =	vmul.f32 v35, v35  }
0x3cf: {  	v0 =	vadd.f32 v2, v0;
	v1 =	vadd.f32 v46, v1;
	v2 =	vmul.f32 v46, v46  }
0x3d0: {  	v4 =	vadd.f32 v36, v4;
	v3 =	vadd.f32 v5, v3;
	v5 =	vmul.f32 v34, v34  }
0x3d1: {  	v0 =	vadd.f32 v2, v0;
	v1 =	vadd.f32 v45, v1;
	v2 =	vmul.f32 v45, v45  }
0x3d2: {  	v4 =	vadd.f32 v35, v4;
	v3 =	vadd.f32 v5, v3;
	v5 =	vmul.f32 v33, v33  }
0x3d3: {  	v0 =	vadd.f32 v2, v0;
	v1 =	vadd.f32 v44, v1;
	v2 =	vmul.f32 v44, v44  }
0x3d4: {  	v4 =	vadd.f32 v34, v4;
	v3 =	vadd.f32 v5, v3;
	v5 =	vmul.f32 v32, v32  }
0x3d5: {  	v0 =	vadd.f32 v2, v0;
	v1 =	vadd.f32 v43, v1;
	v2 =	vmul.f32 v43, v43  }
0x3d6: {  	v4 =	vadd.f32 v33, v4;
	v3 =	vadd.f32 v5, v3;
	v5 =	vmul.f32 v31, v31  }
0x3d7: {  	v0 =	vadd.f32 v2, v0;
	v1 =	vadd.f32 v42, v1;
	v2 =	vmul.f32 v42, v42  }
0x3d8: {  	v3 =	vadd.f32 v5, v3;
	v5 =	vmul.f32 v30, v30  }
0x3d9: {  	v4 =	vadd.f32 v32, v4;
	v0 =	vadd.f32 v2, v0;
	v1 =	vmul.f32 v1, v1  }
0x3da: {  	v3 =	vadd.f32 v5, v3;
	v5 =	vld [tilespmem:$0x1FF90]  }
0x3db: {  	v4 =	vadd.f32 v31, v4;
	v0 =	vsub.f32 v1, v0;
	v1 =	vld [tilespmem:$0x1FFF0];
	_ =	sdelay $0x1  }
0x3dc: {  	v4 =	vadd.f32 v30, v4  }
0x3dd: {  	v2 =	vshll.u32 v29, $0x4  }
0x3de: {  	v4 =	vmul.f32 v4, v4;
	v5 =	vor.u32 v5, v2  }
0x3df: {  	v1 =	vor.u32 v1, v2  }
0x3e0: {  	v2 =	vsub.f32 v4, v3  }
0x3e1: {  	v0 =	vmul.f32 $5.000000000e-01, v0  }
0x3e2: {  	v2 =	vmul.f32 $5.000000000e-01, v2  }
0x3e3: {  	[tilespmem:v5+s26+$0x0] =	vst.idx.msk $0xffff, v0  }
0x3e4: {  	s1 =	simm.s32 $0x0;
	[tilespmem:v1+s26+$0x0] =	vst.idx.msk $0xffff, v2  }
0x3e5: {  	v0 =	vld [tilespmem:s1+$0xEA00]  }
0x3e6: {  	v1 =	vld [tilespmem:s1+$0xEA80];
	_ =	sdelay $0x1  }
0x3e7: {  	v2 =	vld [tilespmem:s1+$0xEB00];
	_ =	sdelay $0x1  }
0x3e8: {  	v3 =	vld [tilespmem:s1+$0xEB80]  }
0x3e9: {  	v0 =	vadd.f32 v1, v0  }
0x3ea: {  	v1 =	vld [tilespmem:s1+$0xEC00]  }
0x3eb: {  	v0 =	vadd.f32 v2, v0  }
0x3ec: {  	v2 =	vld [tilespmem:s1+$0xEC80]  }
0x3ed: {  	v0 =	vadd.f32 v3, v0  }
0x3ee: {  	v3 =	vld [tilespmem:s1+$0xED00]  }
0x3ef: {  	v0 =	vadd.f32 v1, v0  }
0x3f0: {  	v1 =	vld [tilespmem:s1+$0xED80]  }
0x3f1: {  	v0 =	vadd.f32 v2, v0  }
0x3f2: {  	v2 =	vld [tilespmem:s1+$0xEE00]  }
0x3f3: {  	v0 =	vadd.f32 v3, v0  }
0x3f4: {  	v3 =	vld [tilespmem:s1+$0xEE80]  }
0x3f5: {  	v0 =	vadd.f32 v1, v0  }
0x3f6: {  	v1 =	vld [tilespmem:s1+$0xEF00]  }
0x3f7: {  	v0 =	vadd.f32 v2, v0  }
0x3f8: {  	v2 =	vld [tilespmem:s1+$0xEF80]  }
0x3f9: {  	v0 =	vadd.f32 v3, v0  }
0x3fa: {  	v3 =	vld [tilespmem:s1+$0xF000]  }
0x3fb: {  	s0 =	simm.s32 $0x10;
	v4 =	vld [tilespmem:s1+$0xF080];
	v0 =	vadd.f32 v1, v0  }
0x3fc: {  	v5 =	vld [tilespmem:s0+$0xEA00]  }
0x3fd: {  	v1 =	vld [tilespmem:s1+$0xF100];
	v0 =	vadd.f32 v2, v0  }
0x3fe: {  	v2 =	vld [tilespmem:s0+$0xEA80]  }
0x3ff: {  	v6 =	vld [tilespmem:s0+$0xEB00];
	v0 =	vadd.f32 v3, v0  }
0x400: {  	v3 =	vld [tilespmem:s1+$0xF180]  }
0x401: {  	v7 =	vld [tilespmem:s0+$0xEB80];
	v0 =	vadd.f32 v4, v0  }
0x402: {  	v4 =	vld [tilespmem:s1+$0xF200]  }
0x403: {  	v2 =	vadd.f32 v2, v5;
	v5 =	vld [tilespmem:s0+$0xEC00];
	v0 =	vadd.f32 v1, v0  }
0x404: {  	v1 =	vld [tilespmem:s1+$0xF280]  }
0x405: {  	v2 =	vadd.f32 v6, v2;
	v6 =	vld [tilespmem:s0+$0xEC80];
	v0 =	vadd.f32 v3, v0  }
0x406: {  	v3 =	vld [tilespmem:s1+$0xF300]  }
0x407: {  	v2 =	vadd.f32 v7, v2;
	v7 =	vld [tilespmem:s0+$0xED00];
	v0 =	vadd.f32 v4, v0  }
0x408: {  	v4 =	vld [tilespmem:s1+$0xF380]  }
0x409: {  	v2 =	vadd.f32 v5, v2;
	v5 =	vld [tilespmem:s0+$0xED80];
	v0 =	vadd.f32 v1, v0  }
0x40a: {  	v1 =	vld [tilespmem:s1+$0xF400]  }
0x40b: {  	v2 =	vadd.f32 v6, v2;
	v6 =	vld [tilespmem:s0+$0xEE00];
	v0 =	vadd.f32 v3, v0  }
0x40c: {  	v3 =	vld [tilespmem:s1+$0xF480]  }
0x40d: {  	v2 =	vadd.f32 v7, v2;
	v7 =	vld [tilespmem:s0+$0xEE80];
	v0 =	vadd.f32 v4, v0  }
0x40e: {  	v4 =	vld [tilespmem:s1+$0xF500]  }
0x40f: {  	v2 =	vadd.f32 v5, v2;
	v5 =	vld [tilespmem:s0+$0xEF00];
	v0 =	vadd.f32 v1, v0  }
0x410: {  	v1 =	vld [tilespmem:s1+$0xF580]  }
0x411: {  	v8 =	vld [tilespmem:s0+$0xEF80];
	v2 =	vadd.f32 v6, v2;
	v0 =	vadd.f32 v3, v0  }
0x412: {  	v6 =	vld [tilespmem:s1+$0xF600]  }
0x413: {  	v3 =	vld [tilespmem:s0+$0xF000];
	v7 =	vadd.f32 v7, v2;
	v4 =	vadd.f32 v4, v0  }
0x414: {  	v2 =	vld [tilespmem:s1+$0xF680]  }
0x415: {  	v0 =	vld [tilespmem:s0+$0xF100];
	v5 =	vadd.f32 v5, v7;
	v7 =	vadd.f32 v1, v4  }
0x416: {  	s21 =	simm.s32 $0x20;
	v4 =	vld [tilespmem:s0+$0xF080]  }
0x417: {  	s25 =	simm.s32 $0xC0;
	v1 =	vld [tilespmem:s21+$0xEA00];
	v5 =	vadd.f32 v8, v5;
	v6 =	vadd.f32 v6, v7  }
.LBB2_12:
0x418: {  	p0 =	sne.s32 s25, $0x1C0;
	v7 =	vld [tilespmem:s21+$0xEA80]  }
0x419: {  	v3 =	vadd.f32 v3, v5;
	v5 =	vld [tilespmem:s0+$0xF180];
	v2 =	vadd.f32 v2, v6  }
0x41a: {  	v6 =	vld [tilespmem:s21+$0xEB00]  }
0x41b: {  	v3 =	vadd.f32 v4, v3;
	v4 =	vld [tilespmem:s0+$0xF200];
	[tilespmem:s1+$0x10C00] =	vst v2;
	s1 =	smov.u32 s0;
	s0 =	smov.u32 s21  }
0x41c: {  	v2 =	vld [tilespmem:s0+$0xEB80]  }
0x41d: {  	v1 =	vadd.f32 v7, v1;
	v0 =	vadd.f32 v0, v3;
	v3 =	vld [tilespmem:s1+$0xF280]  }
0x41e: {  	v7 =	vld [tilespmem:s0+$0xEC00]  }
0x41f: {  	v1 =	vadd.f32 v6, v1;
	v0 =	vadd.f32 v5, v0;
	v5 =	vld [tilespmem:s1+$0xF300]  }
0x420: {  	v6 =	vld [tilespmem:s0+$0xEC80]  }
0x421: {  	v1 =	vadd.f32 v2, v1;
	v0 =	vadd.f32 v4, v0;
	v2 =	vld [tilespmem:s1+$0xF380]  }
0x422: {  	v4 =	vld [tilespmem:s0+$0xED00]  }
0x423: {  	v1 =	vadd.f32 v7, v1;
	v0 =	vadd.f32 v3, v0;
	v3 =	vld [tilespmem:s1+$0xF400]  }
0x424: {  	v7 =	vld [tilespmem:s0+$0xED80]  }
0x425: {  	v1 =	vadd.f32 v6, v1;
	v0 =	vadd.f32 v5, v0;
	v5 =	vld [tilespmem:s1+$0xF480]  }
0x426: {  	v6 =	vld [tilespmem:s0+$0xEE00]  }
0x427: {  	v1 =	vadd.f32 v4, v1;
	v0 =	vadd.f32 v2, v0;
	v2 =	vld [tilespmem:s1+$0xF500]  }
0x428: {  	v4 =	vld [tilespmem:s0+$0xEE80]  }
0x429: {  	v1 =	vadd.f32 v7, v1;
	v0 =	vadd.f32 v3, v0;
	v7 =	vld [tilespmem:s1+$0xF580]  }
0x42a: {  	v8 =	vld [tilespmem:s0+$0xEF00]  }
0x42b: {  	v1 =	vadd.f32 v6, v1;
	v0 =	vadd.f32 v5, v0;
	v6 =	vld [tilespmem:s1+$0xF600]  }
0x42c: {  	v5 =	vld [tilespmem:s0+$0xEF80]  }
.Ltmp5:
0x42d: {  	v1 =	vadd.f32 v4, v1;
	v4 =	vadd.f32 v2, v0;
	v2 =	vld [tilespmem:s1+$0xF680];
	(pc) =	sbr.rel @p0 .LBB2_12-.Ltmp5, $4  }
0x42e: {  	v3 =	vld [tilespmem:s0+$0xF000]  }
0x42f: {  	v8 =	vadd.f32 v8, v1;
	v0 =	vld [tilespmem:s0+$0xF100];
	v7 =	vadd.f32 v7, v4  }
0x430: {  	s21 =	sshra.s32 s25, $0x2;
	v4 =	vld [tilespmem:s0+$0xF080]  }
0x431: {  	s25 =	sadd.s32 $0x40, s25;
	v1 =	vld [tilespmem:s21+$0xEA00];
	v5 =	vadd.f32 v5, v8;
	v6 =	vadd.f32 v6, v7  }
0x432: {  	v7 =	vld [tilespmem:s21+$0xEA80]  }
0x433: {  	v8 =	vld [tilespmem:s0+$0xF180];
	v2 =	vadd.f32 v2, v6  }
0x434: {  	v6 =	vld [tilespmem:s21+$0xEB00]  }
0x435: {  	v9 =	vld [tilespmem:s0+$0xF200];
	v3 =	vadd.f32 v3, v5;
	[tilespmem:s1+$0x10C00] =	vst v2  }
0x436: {  	v2 =	vld [tilespmem:s21+$0xEB80]  }
0x437: {  	v3 =	vadd.f32 v4, v3;
	v1 =	vadd.f32 v7, v1  }
0x438: {  	v4 =	vld [tilespmem:s21+$0xEC00]  }
0x439: {  	v5 =	vld [tilespmem:s21+$0xEC80];
	v0 =	vadd.f32 v0, v3;
	v1 =	vadd.f32 v6, v1  }
0x43a: {  	v3 =	vld [tilespmem:s0+$0xF280]  }
0x43b: {  	v0 =	vadd.f32 v8, v0;
	v6 =	vld [tilespmem:s0+$0xF300];
	v1 =	vadd.f32 v2, v1  }
0x43c: {  	v2 =	vld [tilespmem:s21+$0xED00]  }
0x43d: {  	v7 =	vld [tilespmem:s0+$0xF380];
	v0 =	vadd.f32 v9, v0;
	v1 =	vadd.f32 v4, v1  }
0x43e: {  	v4 =	vld [tilespmem:s21+$0xED80]  }
0x43f: {  	v0 =	vadd.f32 v3, v0;
	v3 =	vld [tilespmem:s0+$0xF400];
	v1 =	vadd.f32 v5, v1  }
0x440: {  	v5 =	vld [tilespmem:s21+$0xEE00]  }
0x441: {  	v0 =	vadd.f32 v6, v0;
	v6 =	vld [tilespmem:s0+$0xF480];
	v1 =	vadd.f32 v2, v1  }
0x442: {  	v2 =	vld [tilespmem:s21+$0xEE80]  }
0x443: {  	v0 =	vadd.f32 v7, v0;
	v7 =	vld [tilespmem:s0+$0xF500];
	v1 =	vadd.f32 v4, v1  }
0x444: {  	v4 =	vld [tilespmem:s21+$0xEF00]  }
0x445: {  	v0 =	vadd.f32 v3, v0;
	v3 =	vld [tilespmem:s0+$0xF580];
	v1 =	vadd.f32 v5, v1  }
0x446: {  	v5 =	vld [tilespmem:s21+$0xEF80]  }
0x447: {  	v0 =	vadd.f32 v6, v0;
	v6 =	vld [tilespmem:s0+$0xF600];
	v1 =	vadd.f32 v2, v1  }
0x448: {  	v2 =	vld [tilespmem:s21+$0xF000]  }
0x449: {  	v0 =	vadd.f32 v7, v0;
	v7 =	vld [tilespmem:s0+$0xF680];
	v1 =	vadd.f32 v4, v1  }
0x44a: {  	v4 =	vld [tilespmem:s21+$0xF080]  }
0x44b: {  	v0 =	vadd.f32 v3, v0;
	v1 =	vadd.f32 v5, v1  }
0x44c: {  	v3 =	vld [tilespmem:s21+$0xF100]  }
0x44d: {  	v0 =	vadd.f32 v6, v0;
	v1 =	vadd.f32 v2, v1  }
0x44e: {  	v2 =	vld [tilespmem:s21+$0xF180]  }
0x44f: {  	v0 =	vadd.f32 v7, v0;
	v1 =	vadd.f32 v4, v1  }
0x450: {  	v4 =	vld [tilespmem:s21+$0xF200]  }
0x451: {  	[tilespmem:s0+$0x10C00] =	vst v0;
	v0 =	vadd.f32 v3, v1  }
0x452: {  	v1 =	vld [tilespmem:s21+$0xF280]  }
0x453: {  	v0 =	vadd.f32 v2, v0  }
0x454: {  	v2 =	vld [tilespmem:s21+$0xF300]  }
0x455: {  	v0 =	vadd.f32 v4, v0  }
0x456: {  	v3 =	vld [tilespmem:s21+$0xF380]  }
0x457: {  	v0 =	vadd.f32 v1, v0  }
0x458: {  	v1 =	vld [tilespmem:s21+$0xF400]  }
0x459: {  	v0 =	vadd.f32 v2, v0  }
0x45a: {  	v2 =	vld [tilespmem:s21+$0xF480]  }
0x45b: {  	v0 =	vadd.f32 v3, v0  }
0x45c: {  	v3 =	vld [tilespmem:s21+$0xF500]  }
0x45d: {  	v0 =	vadd.f32 v1, v0  }
0x45e: {  	v1 =	vld [tilespmem:s21+$0xF580]  }
0x45f: {  	v0 =	vadd.f32 v2, v0  }
0x460: {  	v2 =	vld [tilespmem:s21+$0xF600]  }
0x461: {  	v0 =	vadd.f32 v3, v0  }
0x462: {  	v3 =	vld [tilespmem:s21+$0xF680]  }
0x463: {  	v0 =	vadd.f32 v1, v0;
	_ =	sdelay $0x1  }
0x464: {  	v0 =	vadd.f32 v2, v0;
	_ =	sdelay $0x1  }
0x465: {  	v0 =	vadd.f32 v3, v0;
	_ =	sdelay $0x1  }
0x466: {  	s25 =	simm.s32 $0x0;
	[tilespmem:s21+$0x10C00] =	vst v0  }
0x467: {  	[hbm4b:s13+s25] =	stream.linear.scatter [tilespmem:s26], [sflag:$0x5], $0x800, $0x38;
	[tilespmem:$0x10C80] =	vst v63  }
0x468: {  	_ =	swait.ge [sflag:s18], $0x800  }
0x469: {  	[sflag:s18] =	ssyncset.done $0x0  }
0x46a: {  	[sflag:s18] =	ssyncadd.s32 $0xFFFFF800  }
0x46b: {  	[hbm4b:s14+s25] =	stream.linear.scatter [tilespmem:s28], [sflag:$0x5], $0x80, $0x38;
	[tilespmem:$0x10C80] =	vst v63  }
0x46c: {  	_ =	swait.ge [sflag:s18], $0x80  }
0x46d: {  	[sflag:s18] =	ssyncset.done $0x0  }
0x46e: {  	[sflag:s18] =	ssyncadd.s32 $0xFFFFFF80  }
0x46f: {  	_ =	swait.ge [sflag:s29], $0x6800  }
0x470: {  	v1 =	vld [tilespmem:$0x1FE50];
	[sflag:s29] =	ssyncset.done $0x0  }
0x471: {  	v2 =	vld [tilespmem:$0x1FE60];
	[sflag:s29] =	ssyncadd.s32 $0xFFFF9800  }
0x472: {  	v3 =	vld [tilespmem:$0x1FE70];
	_ =	swait.ge [sflag:s30], $0xD00  }
0x473: {  	v4 =	vld [tilespmem:$0x1FE80]  }
0x474: {  	v5 =	vld [tilespmem:$0x1FE90]  }
0x475: {  	v6 =	vld [tilespmem:$0x1FEA0]  }
0x476: {  	v7 =	vld [tilespmem:$0x1FE40]  }
0x477: {  	v38 =	vld [tilespmem:$0x1FEC0]  }
0x478: {  	v39 =	vld [tilespmem:$0x1FED0]  }
0x479: {  	v10 =	vld [tilespmem:$0x1FEF0]  }
0x47a: {  	v11 =	vld [tilespmem:$0x1FF10]  }
0x47b: {  	v12 =	vld [tilespmem:$0x1FF30]  }
0x47c: {  	v23 =	vld [tilespmem:$0x1FF60]  }
0x47d: {  	v0 =	vmov s25;
	v26 =	vld [tilespmem:$0x1FF70]  }
0x47e: {  	v0 =	vshll.u32 v0, $0x3;
	v25 =	vld [tilespmem:$0x1FF80]  }
0x47f: {  	v21 =	vld [tilespmem:$0x1FFA0];
	v1 =	vadd.s32 v1, v0  }
0x480: {  	v27 =	vld [tilespmem:$0x1FFB0];
	v2 =	vadd.s32 v2, v0;
	v1 =	vor.u32 v19, v1  }
0x481: {  	v22 =	vld [tilespmem:$0x1FFC0];
	v2 =	vor.u32 v19, v2  }
0x482: {  	v28 =	vld [tilespmem:$0x1FFD0];
	v3 =	vadd.s32 v3, v0  }
0x483: {  	[sflag:s30] =	ssyncset.done $0x0;
	v24 =	vld [tilespmem:$0x1FFE0];
	v3 =	vor.u32 v19, v3  }
0x484: {  	[sflag:s30] =	ssyncadd.s32 $0xFFFFF300;
	v4 =	vadd.s32 v4, v0;
	v29 =	vor.u32 s25, v7;
	v7 =	vld [tilespmem:$0x1FEB0]  }
0x485: {  	v4 =	vor.u32 v19, v4;
	v42 =	vld.idx.msk [tilespmem:v1+s24+$0x0], $0xffff  }
0x486: {  	v5 =	vadd.s32 v5, v0;
	v43 =	vld.idx.msk [tilespmem:v2+s24+$0x0], $0xffff  }
0x487: {  	v5 =	vor.u32 v19, v5;
	v2 =	vld [tilespmem:$0x1FEE0]  }
0x488: {  	v6 =	vadd.s32 v6, v0;
	v44 =	vld.idx.msk [tilespmem:v3+s24+$0x0], $0xffff  }
0x489: {  	v6 =	vor.u32 v19, v6;
	v3 =	vld [tilespmem:$0x1FF00]  }
0x48a: {  	v8 =	vadd.s32 v38, v0;
	v45 =	vld.idx.msk [tilespmem:v4+s24+$0x0], $0xffff  }
0x48b: {  	v9 =	vadd.s32 v39, v0;
	v10 =	vadd.s32 v10, v0;
	v8 =	vor.u32 v19, v8;
	v4 =	vld [tilespmem:$0x1FF20]  }
0x48c: {  	v11 =	vadd.s32 v11, v0;
	v12 =	vadd.s32 v12, v0;
	v9 =	vor.u32 v19, v9;
	v46 =	vld.idx.msk [tilespmem:v5+s24+$0x0], $0xffff  }
0x48d: {  	v40 =	vadd.s32 v26, v0;
	v41 =	vadd.s32 v25, v0;
	v10 =	vor.u32 v19, v10;
	v5 =	vld [tilespmem:$0x1FF40]  }
0x48e: {  	v13 =	vadd.s32 v22, v0;
	v11 =	vor.u32 v19, v11;
	v7 =	vadd.s32 v7, v0;
	v47 =	vld.idx.msk [tilespmem:v6+s24+$0x0], $0xffff  }
0x48f: {  	v51 =	vadd.s32 v28, v0;
	v7 =	vor.u32 v19, v7;
	v6 =	vld [tilespmem:$0x1FF50];
	v2 =	vadd.s32 v2, v0  }
0x490: {  	v53 =	vadd.s32 v24, v0;
	v49 =	vld.idx.msk [tilespmem:v8+s24+$0x0], $0xffff;
	v3 =	vadd.s32 v3, v0;
	v2 =	vor.u32 v19, v2  }
0x491: {  	v12 =	vor.u32 v19, v12;
	v63 =	vor.u32 v19, v53;
	v50 =	vld.idx.msk [tilespmem:v9+s24+$0x0], $0xffff;
	v3 =	vor.u32 v19, v3  }
0x492: {  	v1 =	vshll.u32 v29, $0x3;
	v54 =	vld.idx.msk [tilespmem:v10+s24+$0x0], $0xffff;
	v10 =	vadd.s32 v27, v0;
	v4 =	vadd.s32 v4, v0  }
0x493: {  	v57 =	vld.idx.msk [tilespmem:v11+s24+$0x0], $0xffff;
	v30 =	vunpack.i.u.bf16.f32 v42;
	v5 =	vadd.s32 v5, v0;
	v4 =	vor.u32 v19, v4  }
0x494: {  	v31 =	vunpack.i.u.bf16.f32 v43;
	v6 =	vadd.s32 v6, v0;
	v48 =	vld.idx.msk [tilespmem:v7+s24+$0x0], $0xffff;
	v5 =	vor.u32 v19, v5  }
0x495: {  	v32 =	vunpack.i.u.bf16.f32 v44;
	v7 =	vadd.s32 v23, v0;
	v6 =	vor.u32 v19, v6;
	v52 =	vld.idx.msk [tilespmem:v2+s24+$0x0], $0xffff  }
0x496: {  	v33 =	vunpack.i.u.bf16.f32 v45;
	v34 =	vunpack.i.u.bf16.f32 v46;
	v7 =	vor.u32 v19, v7;
	v55 =	vld.idx.msk [tilespmem:v3+s24+$0x0], $0xffff  }
0x497: {  	v58 =	vld.idx.msk [tilespmem:v12+s24+$0x0], $0xffff;
	v35 =	vunpack.i.u.bf16.f32 v47;
	v37 =	vunpack.i.u.bf16.f32 v49;
	v38 =	vunpack.i.u.bf16.f32 v50  }
0x498: {  	v2 =	vadd.s32 v21, v0;
	v3 =	vor.u32 v19, v40;
	v0 =	vor.u32 v19, v1;
	v59 =	vld.idx.msk [tilespmem:v4+s24+$0x0], $0xffff  }
0x499: {  	v40 =	vunpack.i.u.bf16.f32 v54;
	v1 =	vor.u32 v19, v51;
	v4 =	vor.u32 v19, v41;
	v61 =	vld.idx.msk [tilespmem:v5+s24+$0x0], $0xffff  }
0x49a: {  	v56 =	vor.u32 v19, v2;
	v2 =	vor.u32 v19, v13;
	v36 =	vunpack.i.u.bf16.f32 v48;
	v60 =	vld.idx.msk [tilespmem:v6+s24+$0x0], $0xffff  }
0x49b: {  	s0 =	simm.s32 $0x2;
	v5 =	vor.u32 v19, v10;
	v62 =	vld.idx.msk [tilespmem:v7+s24+$0x0], $0xffff;
	v39 =	vunpack.i.u.bf16.f32 v52;
	v41 =	vunpack.i.u.bf16.f32 v55  }
.LBB2_14:
0x49c: {  	v43 =	vunpack.i.l.bf16.f32 v43;
	v42 =	vunpack.i.l.bf16.f32 v42;
	v45 =	vunpack.i.l.bf16.f32 v45  }
0x49d: {  	v3 =	vld.idx.msk [tilespmem:v3+s24+$0x0], $0xffff;
	v44 =	vunpack.i.l.bf16.f32 v44;
	v47 =	vunpack.i.l.bf16.f32 v47;
	v46 =	vunpack.i.l.bf16.f32 v46  }
0x49e: {  	v4 =	vld.idx.msk [tilespmem:v4+s24+$0x0], $0xffff;
	v49 =	vunpack.i.l.bf16.f32 v49;
	v48 =	vunpack.i.l.bf16.f32 v48;
	v52 =	vunpack.i.l.bf16.f32 v52  }
0x49f: {  	v6 =	vld.idx.msk [tilespmem:v56+s24+$0x0], $0xffff;
	v50 =	vunpack.i.l.bf16.f32 v50;
	v55 =	vunpack.i.l.bf16.f32 v55;
	v54 =	vunpack.i.l.bf16.f32 v54  }
0x4a0: {  	v5 =	vld.idx.msk [tilespmem:v5+s24+$0x0], $0xffff;
	v51 =	vunpack.i.u.bf16.f32 v57;
	v53 =	vunpack.i.u.bf16.f32 v59;
	v56 =	vunpack.i.u.bf16.f32 v58  }
0x4a1: {  	v2 =	vld.idx.msk [tilespmem:v2+s24+$0x0], $0xffff;
	v7 =	vunpack.i.u.bf16.f32 v61;
	v8 =	vunpack.i.u.bf16.f32 v60;
	v9 =	vunpack.i.u.bf16.f32 v62  }
0x4a2: {  	v0 =	vld.idx.msk [tilespmem:v0+s24+$0x0], $0xffff;
	v11 =	vunpack.i.l.bf16.f32 v59;
	v57 =	vunpack.i.l.bf16.f32 v57;
	v14 =	vunpack.i.l.bf16.f32 v61  }
0x4a3: {  	v1 =	vld.idx.msk [tilespmem:v1+s24+$0x0], $0xffff;
	v15 =	vunpack.i.l.bf16.f32 v58;
	v17 =	vunpack.i.l.bf16.f32 v62;
	v18 =	vunpack.i.l.bf16.f32 v60  }
0x4a4: {  	v12 =	vld.idx.msk [tilespmem:v63+s24+$0x0], $0xffff;
	v10 =	vunpack.i.u.bf16.f32 v3;
	v13 =	vunpack.i.u.bf16.f32 v4;
	v16 =	vunpack.i.u.bf16.f32 v6  }
0x4a5: {  	v20 =	vunpack.i.u.bf16.f32 v5;
	v4 =	vunpack.i.l.bf16.f32 v4;
	v3 =	vunpack.i.l.bf16.f32 v3  }
0x4a6: {  	v58 =	vunpack.i.u.bf16.f32 v2;
	v5 =	vunpack.i.l.bf16.f32 v5;
	v6 =	vunpack.i.l.bf16.f32 v6  }
0x4a7: {  	v59 =	vunpack.i.u.bf16.f32 v0;
	v0 =	vunpack.i.l.bf16.f32 v0;
	v2 =	vunpack.i.l.bf16.f32 v2  }
0x4a8: {  	v61 =	vunpack.i.u.bf16.f32 v1;
	v1 =	vunpack.i.l.bf16.f32 v1;
	v60 =	vadd.f32 $0.0e+00, v0  }
0x4a9: {  	v63 =	vunpack.i.u.bf16.f32 v12;
	v12 =	vunpack.i.l.bf16.f32 v12;
	v62 =	vadd.f32 $0.0e+00, v59  }
0x4aa: {  	v0 =	vmul.f32 v0, v0;
	v60 =	vadd.f32 v12, v60;
	v12 =	vmul.f32 v12, v12  }
0x4ab: {  	v59 =	vmul.f32 v59, v59;
	v62 =	vadd.f32 v63, v62;
	v63 =	vmul.f32 v63, v63  }
0x4ac: {  	v0 =	vadd.f32 v12, v0;
	v12 =	vadd.f32 v1, v60;
	v1 =	vmul.f32 v1, v1  }
0x4ad: {  	v59 =	vadd.f32 v63, v59;
	v60 =	vadd.f32 v61, v62;
	v61 =	vmul.f32 v61, v61  }
0x4ae: {  	v0 =	vadd.f32 v1, v0;
	v1 =	vadd.f32 v2, v12;
	v2 =	vmul.f32 v2, v2  }
0x4af: {  	v63 =	vadd.f32 v61, v59;
	v60 =	vadd.f32 v58, v60;
	v58 =	vmul.f32 v58, v58  }
0x4b0: {  	v0 =	vadd.f32 v2, v0;
	v1 =	vadd.f32 v5, v1;
	v2 =	vmul.f32 v5, v5  }
0x4b1: {  	v5 =	vadd.f32 v58, v63;
	v61 =	vadd.f32 v20, v60;
	v20 =	vmul.f32 v20, v20  }
0x4b2: {  	v0 =	vadd.f32 v2, v0;
	v1 =	vadd.f32 v6, v1;
	v2 =	vmul.f32 v6, v6  }
0x4b3: {  	v62 =	vmul.f32 v16, v16;
	v5 =	vadd.f32 v20, v5;
	v6 =	vadd.f32 v16, v61  }
0x4b4: {  	v0 =	vadd.f32 v2, v0;
	v1 =	vadd.f32 v4, v1;
	v2 =	vmul.f32 v4, v4  }
0x4b5: {  	v4 =	vadd.f32 v62, v5;
	v5 =	vadd.f32 v13, v6;
	v6 =	vmul.f32 v13, v13  }
0x4b6: {  	v0 =	vadd.f32 v2, v0;
	v1 =	vadd.f32 v3, v1;
	v2 =	vmul.f32 v3, v3  }
0x4b7: {  	v3 =	vadd.f32 v6, v4;
	v4 =	vadd.f32 v10, v5;
	v5 =	vmul.f32 v10, v10  }
0x4b8: {  	v0 =	vadd.f32 v2, v0;
	v1 =	vadd.f32 v17, v1;
	v2 =	vmul.f32 v17, v17  }
0x4b9: {  	v3 =	vadd.f32 v5, v3;
	v4 =	vadd.f32 v9, v4;
	v5 =	vmul.f32 v9, v9  }
0x4ba: {  	v0 =	vadd.f32 v2, v0;
	v1 =	vadd.f32 v18, v1;
	v2 =	vmul.f32 v18, v18  }
0x4bb: {  	v3 =	vadd.f32 v5, v3;
	v4 =	vadd.f32 v8, v4;
	v5 =	vmul.f32 v8, v8  }
0x4bc: {  	v0 =	vadd.f32 v2, v0;
	v1 =	vadd.f32 v14, v1;
	v2 =	vmul.f32 v14, v14  }
0x4bd: {  	v3 =	vadd.f32 v5, v3;
	v4 =	vadd.f32 v7, v4;
	v5 =	vmul.f32 v7, v7  }
0x4be: {  	v0 =	vadd.f32 v2, v0;
	v1 =	vadd.f32 v15, v1;
	v2 =	vmul.f32 v15, v15  }
0x4bf: {  	v3 =	vadd.f32 v5, v3;
	v4 =	vadd.f32 v56, v4;
	v5 =	vmul.f32 v56, v56  }
0x4c0: {  	v0 =	vadd.f32 v2, v0;
	v1 =	vadd.f32 v11, v1;
	v2 =	vmul.f32 v11, v11  }
0x4c1: {  	v3 =	vadd.f32 v5, v3;
	v4 =	vadd.f32 v53, v4;
	v5 =	vmul.f32 v53, v53  }
0x4c2: {  	v0 =	vadd.f32 v2, v0;
	v1 =	vadd.f32 v57, v1;
	v2 =	vmul.f32 v57, v57  }
0x4c3: {  	v3 =	vadd.f32 v5, v3;
	v4 =	vadd.f32 v51, v4;
	v5 =	vmul.f32 v51, v51  }
0x4c4: {  	v0 =	vadd.f32 v2, v0;
	v1 =	vadd.f32 v55, v1;
	v2 =	vmul.f32 v55, v55  }
0x4c5: {  	v3 =	vadd.f32 v5, v3;
	v4 =	vadd.f32 v41, v4;
	v5 =	vmul.f32 v41, v41  }
0x4c6: {  	v0 =	vadd.f32 v2, v0;
	v1 =	vadd.f32 v54, v1;
	v2 =	vmul.f32 v54, v54  }
0x4c7: {  	v3 =	vadd.f32 v5, v3;
	v4 =	vadd.f32 v40, v4;
	v5 =	vmul.f32 v40, v40  }
0x4c8: {  	v0 =	vadd.f32 v2, v0;
	v1 =	vadd.f32 v52, v1;
	v2 =	vmul.f32 v52, v52  }
0x4c9: {  	v3 =	vadd.f32 v5, v3;
	v4 =	vadd.f32 v39, v4;
	v5 =	vmul.f32 v39, v39  }
0x4ca: {  	v0 =	vadd.f32 v2, v0;
	v1 =	vadd.f32 v50, v1;
	v2 =	vmul.f32 v50, v50  }
0x4cb: {  	v3 =	vadd.f32 v5, v3;
	v4 =	vadd.f32 v38, v4;
	v5 =	vmul.f32 v38, v38  }
0x4cc: {  	v0 =	vadd.f32 v2, v0;
	v1 =	vadd.f32 v49, v1;
	v2 =	vmul.f32 v49, v49  }
0x4cd: {  	v3 =	vadd.f32 v5, v3;
	v4 =	vadd.f32 v37, v4;
	v5 =	vmul.f32 v37, v37  }
0x4ce: {  	v0 =	vadd.f32 v2, v0;
	v1 =	vadd.f32 v48, v1;
	v2 =	vmul.f32 v48, v48  }
0x4cf: {  	v3 =	vadd.f32 v5, v3;
	v4 =	vadd.f32 v36, v4;
	v5 =	vmul.f32 v36, v36  }
0x4d0: {  	v0 =	vadd.f32 v2, v0;
	v1 =	vadd.f32 v47, v1;
	v2 =	vmul.f32 v47, v47  }
0x4d1: {  	v3 =	vadd.f32 v5, v3;
	v4 =	vadd.f32 v35, v4;
	v5 =	vmul.f32 v35, v35  }
0x4d2: {  	v0 =	vadd.f32 v2, v0;
	v1 =	vadd.f32 v46, v1;
	v2 =	vmul.f32 v46, v46  }
0x4d3: {  	v3 =	vadd.f32 v5, v3;
	v4 =	vadd.f32 v34, v4;
	v5 =	vmul.f32 v34, v34  }
0x4d4: {  	v0 =	vadd.f32 v2, v0;
	v1 =	vadd.f32 v45, v1;
	v2 =	vmul.f32 v45, v45  }
0x4d5: {  	v3 =	vadd.f32 v5, v3;
	v4 =	vadd.f32 v33, v4;
	v5 =	vmul.f32 v33, v33  }
0x4d6: {  	v0 =	vadd.f32 v2, v0;
	v1 =	vadd.f32 v44, v1;
	v2 =	vmul.f32 v44, v44  }
0x4d7: {  	v3 =	vadd.f32 v5, v3;
	v4 =	vadd.f32 v32, v4;
	v5 =	vmul.f32 v32, v32  }
0x4d8: {  	v0 =	vadd.f32 v2, v0;
	v1 =	vadd.f32 v43, v1;
	v2 =	vmul.f32 v43, v43  }
0x4d9: {  	v3 =	vadd.f32 v5, v3;
	v4 =	vadd.f32 v31, v4;
	v5 =	vmul.f32 v31, v31  }
0x4da: {  	v0 =	vadd.f32 v2, v0;
	v1 =	vadd.f32 v42, v1  }
0x4db: {  	v2 =	vmul.f32 v42, v42;
	v3 =	vadd.f32 v5, v3;
	v5 =	vmul.f32 v30, v30  }
0x4dc: {  	v4 =	vadd.f32 v30, v4  }
0x4dd: {  	v0 =	vadd.f32 v2, v0;
	v1 =	vmul.f32 v1, v1;
	v3 =	vadd.f32 v5, v3;
	v5 =	vld [tilespmem:$0x1FF90]  }
0x4de: {  	v4 =	vmul.f32 v4, v4  }
0x4df: {  	v0 =	vsub.f32 v1, v0;
	v1 =	vld [tilespmem:$0x1FFF0]  }
0x4e0: {  	v3 =	vsub.f32 v4, v3;
	v4 =	vld [tilespmem:$0x1FE50]  }
0x4e1: {  	v7 =	vld [tilespmem:$0x1FE70];
	v2 =	vshll.u32 v29, $0x4  }
0x4e2: {  	v37 =	vld [tilespmem:$0x1FED0];
	v5 =	vor.u32 v5, v2  }
0x4e3: {  	v6 =	vmov s0;
	v38 =	vld [tilespmem:$0x1FEF0]  }
0x4e4: {  	v40 =	vld [tilespmem:$0x1FF30];
	v1 =	vor.u32 v1, v2;
	v2 =	vshll.u32 v6, $0x3  }
0x4e5: {  	v39 =	vld [tilespmem:$0x1FF10];
	v0 =	vmul.f32 $5.000000000e-01, v0;
	v4 =	vadd.s32 v4, v2  }
0x4e6: {  	v6 =	vld [tilespmem:$0x1FE60];
	v4 =	vor.u32 v19, v4  }
0x4e7: {  	v3 =	vmul.f32 $5.000000000e-01, v3;
	v7 =	vadd.s32 v7, v2;
	v9 =	vadd.s32 v37, v2;
	[tilespmem:v5+s26+$0x0] =	vst.idx.msk $0xffff, v0;
	v0 =	vld [tilespmem:$0x1FE80]  }
0x4e8: {  	v10 =	vadd.s32 v38, v2;
	v9 =	vor.u32 v19, v9;
	v5 =	vor.u32 v19, v7;
	v7 =	vld [tilespmem:$0x1FE40]  }
0x4e9: {  	v10 =	vor.u32 v19, v10;
	[tilespmem:v1+s26+$0x0] =	vst.idx.msk $0xffff, v3;
	v1 =	vld [tilespmem:$0x1FE90]  }
0x4ea: {  	v3 =	vld [tilespmem:$0x1FEA0]  }
0x4eb: {  	v42 =	vld.idx.msk [tilespmem:v4+s24+$0x0], $0xffff  }
0x4ec: {  	v6 =	vadd.s32 v6, v2;
	v4 =	vld [tilespmem:$0x1FEC0]  }
0x4ed: {  	v6 =	vor.u32 v19, v6;
	v50 =	vld.idx.msk [tilespmem:v9+s24+$0x0], $0xffff  }
0x4ee: {  	v54 =	vld.idx.msk [tilespmem:v10+s24+$0x0], $0xffff;
	v0 =	vadd.s32 v0, v2  }
0x4ef: {  	v29 =	vor.u32 s0, v7;
	v7 =	vld [tilespmem:$0x1FEB0];
	v0 =	vor.u32 v19, v0  }
0x4f0: {  	v44 =	vld.idx.msk [tilespmem:v5+s24+$0x0], $0xffff;
	v1 =	vadd.s32 v1, v2  }
0x4f1: {  	v5 =	vld [tilespmem:$0x1FF00];
	v1 =	vor.u32 v19, v1  }
0x4f2: {  	v3 =	vadd.s32 v3, v2;
	v43 =	vld.idx.msk [tilespmem:v6+s24+$0x0], $0xffff  }
0x4f3: {  	v3 =	vor.u32 v19, v3;
	v6 =	vld [tilespmem:$0x1FEE0]  }
0x4f4: {  	v45 =	vld.idx.msk [tilespmem:v0+s24+$0x0], $0xffff  }
0x4f5: {  	v11 =	vadd.s32 v39, v2;
	v12 =	vadd.s32 v40, v2;
	v41 =	vadd.s32 v25, v2;
	v0 =	vld [tilespmem:$0x1FF20]  }
0x4f6: {  	v51 =	vadd.s32 v28, v2;
	v11 =	vor.u32 v19, v11;
	v7 =	vadd.s32 v7, v2;
	v46 =	vld.idx.msk [tilespmem:v1+s24+$0x0], $0xffff  }
0x4f7: {  	v53 =	vadd.s32 v24, v2;
	v4 =	vadd.s32 v4, v2;
	v7 =	vor.u32 v19, v7;
	v1 =	vld [tilespmem:$0x1FF40]  }
0x4f8: {  	v12 =	vor.u32 v19, v12;
	v4 =	vor.u32 v19, v4;
	v5 =	vadd.s32 v5, v2;
	v47 =	vld.idx.msk [tilespmem:v3+s24+$0x0], $0xffff  }
0x4f9: {  	v10 =	vadd.s32 v27, v2;
	v5 =	vor.u32 v19, v5;
	v6 =	vadd.s32 v6, v2;
	v3 =	vld [tilespmem:$0x1FF50]  }
0x4fa: {  	v63 =	vshll.u32 v29, $0x3;
	v30 =	vunpack.i.u.bf16.f32 v42;
	v6 =	vor.u32 v19, v6  }
0x4fb: {  	v57 =	vld.idx.msk [tilespmem:v11+s24+$0x0], $0xffff;
	v38 =	vunpack.i.u.bf16.f32 v50;
	v40 =	vunpack.i.u.bf16.f32 v54;
	v0 =	vadd.s32 v0, v2  }
0x4fc: {  	v32 =	vunpack.i.u.bf16.f32 v44;
	v48 =	vld.idx.msk [tilespmem:v7+s24+$0x0], $0xffff;
	v7 =	vadd.s32 v23, v2;
	v0 =	vor.u32 v19, v0  }
0x4fd: {  	v31 =	vunpack.i.u.bf16.f32 v43;
	v49 =	vld.idx.msk [tilespmem:v4+s24+$0x0], $0xffff;
	v7 =	vor.u32 v19, v7;
	v1 =	vadd.s32 v1, v2  }
0x4fe: {  	v4 =	vadd.s32 v26, v2;
	v55 =	vld.idx.msk [tilespmem:v5+s24+$0x0], $0xffff;
	v3 =	vadd.s32 v3, v2;
	v1 =	vor.u32 v19, v1  }
0x4ff: {  	p0 =	sne.s32 s0, $0x7E;
	v33 =	vunpack.i.u.bf16.f32 v45;
	v5 =	vadd.s32 v22, v2;
	v52 =	vld.idx.msk [tilespmem:v6+s24+$0x0], $0xffff;
	v13 =	vor.u32 v19, v3  }
.Ltmp6:
0x500: {  	v58 =	vld.idx.msk [tilespmem:v12+s24+$0x0], $0xffff;
	v34 =	vunpack.i.u.bf16.f32 v46;
	v35 =	vunpack.i.u.bf16.f32 v47;
	v6 =	vadd.s32 v21, v2;
	(pc) =	sbr.rel @p0 .LBB2_14-.Ltmp6, $4  }
0x501: {  	v3 =	vor.u32 v19, v4;
	v4 =	vor.u32 v19, v41;
	v2 =	vor.u32 v19, v5;
	v59 =	vld.idx.msk [tilespmem:v0+s24+$0x0], $0xffff  }
0x502: {  	v5 =	vor.u32 v19, v10;
	v37 =	vunpack.i.u.bf16.f32 v49;
	v56 =	vor.u32 v19, v6;
	v62 =	vld.idx.msk [tilespmem:v7+s24+$0x0], $0xffff  }
0x503: {  	v36 =	vunpack.i.u.bf16.f32 v48;
	v41 =	vunpack.i.u.bf16.f32 v55;
	v0 =	vor.u32 v19, v63;
	v61 =	vld.idx.msk [tilespmem:v1+s24+$0x0], $0xffff  }
0x504: {  	s0 =	sadd.s32 $0x2, s0;
	v63 =	vor.u32 v19, v53;
	v39 =	vunpack.i.u.bf16.f32 v52;
	v60 =	vld.idx.msk [tilespmem:v13+s24+$0x0], $0xffff;
	v1 =	vor.u32 v19, v51  }
0x505: {  	_ =	sdelay $0x2  }
0x506: {  	v6 =	vunpack.i.u.bf16.f32 v57;
	v43 =	vunpack.i.l.bf16.f32 v43;
	v42 =	vunpack.i.l.bf16.f32 v42  }
0x507: {  	v3 =	vld.idx.msk [tilespmem:v3+s24+$0x0], $0xffff;
	v45 =	vunpack.i.l.bf16.f32 v45;
	v44 =	vunpack.i.l.bf16.f32 v44;
	v8 =	vunpack.i.u.bf16.f32 v58  }
0x508: {  	v4 =	vld.idx.msk [tilespmem:v4+s24+$0x0], $0xffff;
	v47 =	vunpack.i.l.bf16.f32 v47;
	v46 =	vunpack.i.l.bf16.f32 v46;
	v49 =	vunpack.i.l.bf16.f32 v49  }
0x509: {  	v9 =	vld.idx.msk [tilespmem:v56+s24+$0x0], $0xffff;
	v48 =	vunpack.i.l.bf16.f32 v48;
	v12 =	vunpack.i.l.bf16.f32 v52;
	v50 =	vunpack.i.l.bf16.f32 v50  }
0x50a: {  	v5 =	vld.idx.msk [tilespmem:v5+s24+$0x0], $0xffff;
	v14 =	vunpack.i.l.bf16.f32 v55;
	v15 =	vunpack.i.l.bf16.f32 v54;
	v18 =	vunpack.i.l.bf16.f32 v57  }
0x50b: {  	v2 =	vld.idx.msk [tilespmem:v2+s24+$0x0], $0xffff;
	v52 =	vunpack.i.l.bf16.f32 v58;
	v7 =	vunpack.i.u.bf16.f32 v59;
	v17 =	vunpack.i.l.bf16.f32 v59  }
0x50c: {  	v0 =	vld.idx.msk [tilespmem:v0+s24+$0x0], $0xffff;
	v13 =	vunpack.i.u.bf16.f32 v62;
	v55 =	vunpack.i.l.bf16.f32 v62;
	v10 =	vunpack.i.u.bf16.f32 v61  }
0x50d: {  	v1 =	vld.idx.msk [tilespmem:v1+s24+$0x0], $0xffff;
	v51 =	vunpack.i.l.bf16.f32 v61;
	v11 =	vunpack.i.u.bf16.f32 v60;
	v56 =	vunpack.i.l.bf16.f32 v60  }
0x50e: {  	v53 =	vld.idx.msk [tilespmem:v63+s24+$0x0], $0xffff;
	v16 =	vunpack.i.u.bf16.f32 v3;
	v20 =	vunpack.i.u.bf16.f32 v4;
	v54 =	vunpack.i.u.bf16.f32 v9  }
0x50f: {  	v57 =	vunpack.i.u.bf16.f32 v5;
	v4 =	vunpack.i.l.bf16.f32 v4;
	v3 =	vunpack.i.l.bf16.f32 v3  }
0x510: {  	v58 =	vunpack.i.u.bf16.f32 v2;
	v5 =	vunpack.i.l.bf16.f32 v5;
	v9 =	vunpack.i.l.bf16.f32 v9  }
0x511: {  	v28 =	vunpack.i.u.bf16.f32 v0;
	v0 =	vunpack.i.l.bf16.f32 v0;
	v2 =	vunpack.i.l.bf16.f32 v2  }
0x512: {  	v22 =	vunpack.i.u.bf16.f32 v1;
	v1 =	vunpack.i.l.bf16.f32 v1;
	v21 =	vadd.f32 $0.0e+00, v0  }
0x513: {  	v63 =	vunpack.i.u.bf16.f32 v53;
	v53 =	vunpack.i.l.bf16.f32 v53;
	v23 =	vadd.f32 $0.0e+00, v28  }
0x514: {  	v0 =	vmul.f32 v0, v0;
	v60 =	vadd.f32 v53, v21;
	v53 =	vmul.f32 v53, v53  }
0x515: {  	v59 =	vmul.f32 v28, v28;
	v62 =	vadd.f32 v63, v23;
	v63 =	vmul.f32 v63, v63  }
0x516: {  	v0 =	vadd.f32 v53, v0;
	v24 =	vadd.f32 v1, v60;
	v1 =	vmul.f32 v1, v1  }
0x517: {  	v61 =	vmul.f32 v22, v22;
	v59 =	vadd.f32 v63, v59;
	v25 =	vadd.f32 v22, v62  }
0x518: {  	v0 =	vadd.f32 v1, v0;
	v1 =	vadd.f32 v2, v24;
	v2 =	vmul.f32 v2, v2  }
0x519: {  	v26 =	vadd.f32 v61, v59;
	v27 =	vadd.f32 v58, v25;
	v58 =	vmul.f32 v58, v58  }
0x51a: {  	v0 =	vadd.f32 v2, v0;
	v1 =	vadd.f32 v5, v1;
	v2 =	vmul.f32 v5, v5  }
0x51b: {  	v5 =	vadd.f32 v58, v26;
	v28 =	vadd.f32 v57, v27;
	v57 =	vmul.f32 v57, v57  }
0x51c: {  	v0 =	vadd.f32 v2, v0;
	v1 =	vadd.f32 v9, v1;
	v2 =	vmul.f32 v9, v9  }
0x51d: {  	v60 =	vmul.f32 v54, v54;
	v5 =	vadd.f32 v57, v5;
	v59 =	vadd.f32 v54, v28  }
0x51e: {  	v0 =	vadd.f32 v2, v0;
	v1 =	vadd.f32 v4, v1;
	v2 =	vmul.f32 v4, v4  }
0x51f: {  	v61 =	vmul.f32 v20, v20;
	v4 =	vadd.f32 v60, v5;
	v5 =	vadd.f32 v20, v59  }
0x520: {  	v0 =	vadd.f32 v2, v0;
	v1 =	vadd.f32 v3, v1;
	v2 =	vmul.f32 v3, v3  }
0x521: {  	v3 =	vadd.f32 v61, v4;
	v4 =	vadd.f32 v16, v5;
	v5 =	vmul.f32 v16, v16  }
0x522: {  	v0 =	vadd.f32 v2, v0;
	v1 =	vadd.f32 v55, v1;
	v2 =	vmul.f32 v55, v55  }
0x523: {  	v3 =	vadd.f32 v5, v3;
	v4 =	vadd.f32 v13, v4;
	v5 =	vmul.f32 v13, v13  }
0x524: {  	v0 =	vadd.f32 v2, v0;
	v1 =	vadd.f32 v56, v1;
	v2 =	vmul.f32 v56, v56  }
0x525: {  	v3 =	vadd.f32 v5, v3;
	v4 =	vadd.f32 v11, v4;
	v5 =	vmul.f32 v11, v11  }
0x526: {  	v0 =	vadd.f32 v2, v0;
	v1 =	vadd.f32 v51, v1;
	v2 =	vmul.f32 v51, v51  }
0x527: {  	v3 =	vadd.f32 v5, v3;
	v4 =	vadd.f32 v10, v4;
	v5 =	vmul.f32 v10, v10  }
0x528: {  	v0 =	vadd.f32 v2, v0;
	v1 =	vadd.f32 v52, v1;
	v2 =	vmul.f32 v52, v52  }
0x529: {  	v3 =	vadd.f32 v5, v3;
	v4 =	vadd.f32 v8, v4;
	v5 =	vmul.f32 v8, v8  }
0x52a: {  	v0 =	vadd.f32 v2, v0;
	v1 =	vadd.f32 v17, v1;
	v2 =	vmul.f32 v17, v17  }
0x52b: {  	v3 =	vadd.f32 v5, v3;
	v4 =	vadd.f32 v7, v4;
	v5 =	vmul.f32 v7, v7  }
0x52c: {  	v0 =	vadd.f32 v2, v0;
	v1 =	vadd.f32 v18, v1;
	v2 =	vmul.f32 v18, v18  }
0x52d: {  	v3 =	vadd.f32 v5, v3;
	v4 =	vadd.f32 v6, v4;
	v5 =	vmul.f32 v6, v6  }
0x52e: {  	v0 =	vadd.f32 v2, v0;
	v1 =	vadd.f32 v14, v1;
	v2 =	vmul.f32 v14, v14  }
0x52f: {  	v3 =	vadd.f32 v5, v3;
	v4 =	vadd.f32 v41, v4;
	v5 =	vmul.f32 v41, v41  }
0x530: {  	v0 =	vadd.f32 v2, v0;
	v1 =	vadd.f32 v15, v1;
	v2 =	vmul.f32 v15, v15  }
0x531: {  	v3 =	vadd.f32 v5, v3;
	v4 =	vadd.f32 v40, v4;
	v5 =	vmul.f32 v40, v40  }
0x532: {  	v0 =	vadd.f32 v2, v0;
	v1 =	vadd.f32 v12, v1;
	v2 =	vmul.f32 v12, v12  }
0x533: {  	v3 =	vadd.f32 v5, v3;
	v4 =	vadd.f32 v39, v4;
	v5 =	vmul.f32 v39, v39  }
0x534: {  	v0 =	vadd.f32 v2, v0;
	v1 =	vadd.f32 v50, v1;
	v2 =	vmul.f32 v50, v50  }
0x535: {  	v3 =	vadd.f32 v5, v3;
	v4 =	vadd.f32 v38, v4;
	v5 =	vmul.f32 v38, v38  }
0x536: {  	v0 =	vadd.f32 v2, v0;
	v1 =	vadd.f32 v49, v1;
	v2 =	vmul.f32 v49, v49  }
0x537: {  	v3 =	vadd.f32 v5, v3;
	v4 =	vadd.f32 v37, v4;
	v5 =	vmul.f32 v37, v37  }
0x538: {  	v0 =	vadd.f32 v2, v0;
	v1 =	vadd.f32 v48, v1;
	v2 =	vmul.f32 v48, v48  }
0x539: {  	v3 =	vadd.f32 v5, v3;
	v4 =	vadd.f32 v36, v4;
	v5 =	vmul.f32 v36, v36  }
0x53a: {  	v0 =	vadd.f32 v2, v0;
	v1 =	vadd.f32 v47, v1;
	v2 =	vmul.f32 v47, v47  }
0x53b: {  	v3 =	vadd.f32 v5, v3;
	v4 =	vadd.f32 v35, v4;
	v5 =	vmul.f32 v35, v35  }
0x53c: {  	v0 =	vadd.f32 v2, v0;
	v1 =	vadd.f32 v46, v1;
	v2 =	vmul.f32 v46, v46  }
0x53d: {  	v3 =	vadd.f32 v5, v3;
	v4 =	vadd.f32 v34, v4;
	v5 =	vmul.f32 v34, v34  }
0x53e: {  	v0 =	vadd.f32 v2, v0;
	v1 =	vadd.f32 v45, v1;
	v2 =	vmul.f32 v45, v45  }
0x53f: {  	v3 =	vadd.f32 v5, v3;
	v4 =	vadd.f32 v33, v4;
	v5 =	vmul.f32 v33, v33  }
0x540: {  	v0 =	vadd.f32 v2, v0;
	v1 =	vadd.f32 v44, v1;
	v2 =	vmul.f32 v44, v44  }
0x541: {  	v3 =	vadd.f32 v5, v3;
	v4 =	vadd.f32 v32, v4;
	v5 =	vmul.f32 v32, v32  }
0x542: {  	v62 =	vld [tilespmem:$0x1FF90];
	v0 =	vadd.f32 v2, v0;
	v1 =	vadd.f32 v43, v1;
	v2 =	vmul.f32 v43, v43  }
0x543: {  	v63 =	vld [tilespmem:$0x1FFF0];
	v3 =	vadd.f32 v5, v3;
	v4 =	vadd.f32 v31, v4;
	v5 =	vmul.f32 v31, v31  }
0x544: {  	v0 =	vadd.f32 v2, v0;
	v1 =	vadd.f32 v42, v1;
	v2 =	vmul.f32 v42, v42  }
0x545: {  	v3 =	vadd.f32 v5, v3;
	v4 =	vadd.f32 v30, v4;
	v5 =	vmul.f32 v30, v30  }
0x546: {  	v0 =	vadd.f32 v2, v0;
	v2 =	vshll.u32 v29, $0x4;
	v1 =	vmul.f32 v1, v1  }
0x547: {  	v3 =	vadd.f32 v5, v3;
	v4 =	vmul.f32 v4, v4;
	v5 =	vor.u32 v62, v2  }
0x548: {  	v0 =	vsub.f32 v1, v0;
	v1 =	vor.u32 v63, v2  }
0x549: {  	v2 =	vsub.f32 v4, v3  }
0x54a: {  	v0 =	vmul.f32 $5.000000000e-01, v0  }
0x54b: {  	v2 =	vmul.f32 $5.000000000e-01, v2  }
0x54c: {  	[tilespmem:v5+s26+$0x0] =	vst.idx.msk $0xffff, v0  }
0x54d: {  	s1 =	simm.s32 $0x0;
	[tilespmem:v1+s26+$0x0] =	vst.idx.msk $0xffff, v2  }
0x54e: {  	v0 =	vld [tilespmem:s1+$0xF700]  }
0x54f: {  	v1 =	vld [tilespmem:s1+$0xF780];
	_ =	sdelay $0x1  }
0x550: {  	v2 =	vld [tilespmem:s1+$0xF800];
	_ =	sdelay $0x1  }
0x551: {  	v3 =	vld [tilespmem:s1+$0xF880]  }
0x552: {  	v0 =	vadd.f32 v1, v0  }
0x553: {  	v1 =	vld [tilespmem:s1+$0xF900]  }
0x554: {  	v0 =	vadd.f32 v2, v0  }
0x555: {  	v2 =	vld [tilespmem:s1+$0xF980]  }
0x556: {  	v0 =	vadd.f32 v3, v0  }
0x557: {  	v3 =	vld [tilespmem:s1+$0xFA00]  }
0x558: {  	v0 =	vadd.f32 v1, v0  }
0x559: {  	v1 =	vld [tilespmem:s1+$0xFA80]  }
0x55a: {  	v0 =	vadd.f32 v2, v0  }
0x55b: {  	v2 =	vld [tilespmem:s1+$0xFB00]  }
0x55c: {  	v0 =	vadd.f32 v3, v0  }
0x55d: {  	v3 =	vld [tilespmem:s1+$0xFB80]  }
0x55e: {  	v0 =	vadd.f32 v1, v0  }
0x55f: {  	v1 =	vld [tilespmem:s1+$0xFC00]  }
0x560: {  	v0 =	vadd.f32 v2, v0  }
0x561: {  	v2 =	vld [tilespmem:s1+$0xFC80]  }
0x562: {  	v0 =	vadd.f32 v3, v0  }
0x563: {  	v3 =	vld [tilespmem:s1+$0xFD00]  }
0x564: {  	s0 =	simm.s32 $0x10;
	v4 =	vld [tilespmem:s1+$0xFD80];
	v0 =	vadd.f32 v1, v0  }
0x565: {  	v5 =	vld [tilespmem:s0+$0xF700]  }
0x566: {  	v1 =	vld [tilespmem:s1+$0xFE00];
	v0 =	vadd.f32 v2, v0  }
0x567: {  	v2 =	vld [tilespmem:s0+$0xF780]  }
0x568: {  	v6 =	vld [tilespmem:s0+$0xF800];
	v0 =	vadd.f32 v3, v0  }
0x569: {  	v3 =	vld [tilespmem:s1+$0xFE80]  }
0x56a: {  	v7 =	vld [tilespmem:s0+$0xF880];
	v0 =	vadd.f32 v4, v0  }
0x56b: {  	v4 =	vld [tilespmem:s1+$0xFF00]  }
0x56c: {  	v2 =	vadd.f32 v2, v5;
	v5 =	vld [tilespmem:s0+$0xF900];
	v0 =	vadd.f32 v1, v0  }
0x56d: {  	v1 =	vld [tilespmem:s1+$0xFF80]  }
0x56e: {  	v2 =	vadd.f32 v6, v2;
	v6 =	vld [tilespmem:s0+$0xF980];
	v0 =	vadd.f32 v3, v0  }
0x56f: {  	v3 =	vld [tilespmem:s1+$0x10000]  }
0x570: {  	v2 =	vadd.f32 v7, v2;
	v7 =	vld [tilespmem:s0+$0xFA00];
	v0 =	vadd.f32 v4, v0  }
0x571: {  	v4 =	vld [tilespmem:s1+$0x10080]  }
0x572: {  	v2 =	vadd.f32 v5, v2;
	v5 =	vld [tilespmem:s0+$0xFA80];
	v0 =	vadd.f32 v1, v0  }
0x573: {  	v1 =	vld [tilespmem:s1+$0x10100]  }
0x574: {  	v2 =	vadd.f32 v6, v2;
	v6 =	vld [tilespmem:s0+$0xFB00];
	v0 =	vadd.f32 v3, v0  }
0x575: {  	v3 =	vld [tilespmem:s1+$0x10180]  }
0x576: {  	v2 =	vadd.f32 v7, v2;
	v7 =	vld [tilespmem:s0+$0xFB80];
	v0 =	vadd.f32 v4, v0  }
0x577: {  	v4 =	vld [tilespmem:s1+$0x10200]  }
0x578: {  	v2 =	vadd.f32 v5, v2;
	v5 =	vld [tilespmem:s0+$0xFC00];
	v0 =	vadd.f32 v1, v0  }
0x579: {  	v1 =	vld [tilespmem:s1+$0x10280]  }
0x57a: {  	v8 =	vld [tilespmem:s0+$0xFC80];
	v2 =	vadd.f32 v6, v2;
	v0 =	vadd.f32 v3, v0  }
0x57b: {  	v6 =	vld [tilespmem:s1+$0x10300]  }
0x57c: {  	v3 =	vld [tilespmem:s0+$0xFD00];
	v7 =	vadd.f32 v7, v2;
	v4 =	vadd.f32 v4, v0  }
0x57d: {  	v2 =	vld [tilespmem:s1+$0x10380]  }
0x57e: {  	v0 =	vld [tilespmem:s0+$0xFE00];
	v5 =	vadd.f32 v5, v7;
	v7 =	vadd.f32 v1, v4  }
0x57f: {  	s21 =	simm.s32 $0x20;
	v4 =	vld [tilespmem:s0+$0xFD80]  }
0x580: {  	s25 =	simm.s32 $0xC0;
	v1 =	vld [tilespmem:s21+$0xF700];
	v5 =	vadd.f32 v8, v5;
	v6 =	vadd.f32 v6, v7  }
.LBB2_16:
0x581: {  	p0 =	sne.s32 s25, $0x1C0;
	v7 =	vld [tilespmem:s21+$0xF780]  }
0x582: {  	v3 =	vadd.f32 v3, v5;
	v5 =	vld [tilespmem:s0+$0xFE80];
	v2 =	vadd.f32 v2, v6  }
0x583: {  	v6 =	vld [tilespmem:s21+$0xF800]  }
0x584: {  	v3 =	vadd.f32 v4, v3;
	v4 =	vld [tilespmem:s0+$0xFF00];
	[tilespmem:s1+$0x10C00] =	vst v2;
	s1 =	smov.u32 s0;
	s0 =	smov.u32 s21  }
0x585: {  	v2 =	vld [tilespmem:s0+$0xF880]  }
0x586: {  	v1 =	vadd.f32 v7, v1;
	v0 =	vadd.f32 v0, v3;
	v3 =	vld [tilespmem:s1+$0xFF80]  }
0x587: {  	v7 =	vld [tilespmem:s0+$0xF900]  }
0x588: {  	v1 =	vadd.f32 v6, v1;
	v0 =	vadd.f32 v5, v0;
	v5 =	vld [tilespmem:s1+$0x10000]  }
0x589: {  	v6 =	vld [tilespmem:s0+$0xF980]  }
0x58a: {  	v1 =	vadd.f32 v2, v1;
	v0 =	vadd.f32 v4, v0;
	v2 =	vld [tilespmem:s1+$0x10080]  }
0x58b: {  	v4 =	vld [tilespmem:s0+$0xFA00]  }
0x58c: {  	v1 =	vadd.f32 v7, v1;
	v0 =	vadd.f32 v3, v0;
	v3 =	vld [tilespmem:s1+$0x10100]  }
0x58d: {  	v7 =	vld [tilespmem:s0+$0xFA80]  }
0x58e: {  	v1 =	vadd.f32 v6, v1;
	v0 =	vadd.f32 v5, v0;
	v5 =	vld [tilespmem:s1+$0x10180]  }
0x58f: {  	v6 =	vld [tilespmem:s0+$0xFB00]  }
0x590: {  	v1 =	vadd.f32 v4, v1;
	v0 =	vadd.f32 v2, v0;
	v2 =	vld [tilespmem:s1+$0x10200]  }
0x591: {  	v4 =	vld [tilespmem:s0+$0xFB80]  }
0x592: {  	v1 =	vadd.f32 v7, v1;
	v0 =	vadd.f32 v3, v0;
	v7 =	vld [tilespmem:s1+$0x10280]  }
0x593: {  	v8 =	vld [tilespmem:s0+$0xFC00]  }
0x594: {  	v1 =	vadd.f32 v6, v1;
	v0 =	vadd.f32 v5, v0;
	v6 =	vld [tilespmem:s1+$0x10300]  }
0x595: {  	v5 =	vld [tilespmem:s0+$0xFC80]  }
.Ltmp7:
0x596: {  	v1 =	vadd.f32 v4, v1;
	v4 =	vadd.f32 v2, v0;
	v2 =	vld [tilespmem:s1+$0x10380];
	(pc) =	sbr.rel @p0 .LBB2_16-.Ltmp7, $4  }
0x597: {  	v3 =	vld [tilespmem:s0+$0xFD00]  }
0x598: {  	v8 =	vadd.f32 v8, v1;
	v0 =	vld [tilespmem:s0+$0xFE00];
	v7 =	vadd.f32 v7, v4  }
0x599: {  	s21 =	sshra.s32 s25, $0x2;
	v4 =	vld [tilespmem:s0+$0xFD80]  }
0x59a: {  	s25 =	sadd.s32 $0x40, s25;
	v1 =	vld [tilespmem:s21+$0xF700];
	v5 =	vadd.f32 v5, v8;
	v6 =	vadd.f32 v6, v7  }
0x59b: {  	v7 =	vld [tilespmem:s21+$0xF780]  }
0x59c: {  	v8 =	vld [tilespmem:s0+$0xFE80];
	v2 =	vadd.f32 v2, v6  }
0x59d: {  	v6 =	vld [tilespmem:s21+$0xF800]  }
0x59e: {  	v9 =	vld [tilespmem:s0+$0xFF00];
	v3 =	vadd.f32 v3, v5;
	[tilespmem:s1+$0x10C00] =	vst v2  }
0x59f: {  	v2 =	vld [tilespmem:s21+$0xF880]  }
0x5a0: {  	v3 =	vadd.f32 v4, v3;
	v1 =	vadd.f32 v7, v1  }
0x5a1: {  	v4 =	vld [tilespmem:s21+$0xF900]  }
0x5a2: {  	v5 =	vld [tilespmem:s21+$0xF980];
	v0 =	vadd.f32 v0, v3;
	v1 =	vadd.f32 v6, v1  }
0x5a3: {  	v3 =	vld [tilespmem:s0+$0xFF80]  }
0x5a4: {  	v0 =	vadd.f32 v8, v0;
	v6 =	vld [tilespmem:s0+$0x10000];
	v1 =	vadd.f32 v2, v1  }
0x5a5: {  	v2 =	vld [tilespmem:s21+$0xFA00]  }
0x5a6: {  	v7 =	vld [tilespmem:s0+$0x10080];
	v0 =	vadd.f32 v9, v0;
	v1 =	vadd.f32 v4, v1  }
0x5a7: {  	v4 =	vld [tilespmem:s21+$0xFA80]  }
0x5a8: {  	v0 =	vadd.f32 v3, v0;
	v3 =	vld [tilespmem:s0+$0x10100];
	v1 =	vadd.f32 v5, v1  }
0x5a9: {  	v5 =	vld [tilespmem:s21+$0xFB00]  }
0x5aa: {  	v0 =	vadd.f32 v6, v0;
	v6 =	vld [tilespmem:s0+$0x10180];
	v1 =	vadd.f32 v2, v1  }
0x5ab: {  	v2 =	vld [tilespmem:s21+$0xFB80]  }
0x5ac: {  	v0 =	vadd.f32 v7, v0;
	v7 =	vld [tilespmem:s0+$0x10200];
	v1 =	vadd.f32 v4, v1  }
0x5ad: {  	v4 =	vld [tilespmem:s21+$0xFC00]  }
0x5ae: {  	v0 =	vadd.f32 v3, v0;
	v3 =	vld [tilespmem:s0+$0x10280];
	v1 =	vadd.f32 v5, v1  }
0x5af: {  	v5 =	vld [tilespmem:s21+$0xFC80]  }
0x5b0: {  	v0 =	vadd.f32 v6, v0;
	v6 =	vld [tilespmem:s0+$0x10300];
	v1 =	vadd.f32 v2, v1  }
0x5b1: {  	v2 =	vld [tilespmem:s21+$0xFD00]  }
0x5b2: {  	v0 =	vadd.f32 v7, v0;
	v7 =	vld [tilespmem:s0+$0x10380];
	v1 =	vadd.f32 v4, v1  }
0x5b3: {  	v4 =	vld [tilespmem:s21+$0xFD80]  }
0x5b4: {  	v0 =	vadd.f32 v3, v0;
	v1 =	vadd.f32 v5, v1  }
0x5b5: {  	v3 =	vld [tilespmem:s21+$0xFE00]  }
0x5b6: {  	v0 =	vadd.f32 v6, v0;
	v1 =	vadd.f32 v2, v1  }
0x5b7: {  	v2 =	vld [tilespmem:s21+$0xFE80]  }
0x5b8: {  	v0 =	vadd.f32 v7, v0;
	v1 =	vadd.f32 v4, v1  }
0x5b9: {  	v4 =	vld [tilespmem:s21+$0xFF00]  }
0x5ba: {  	[tilespmem:s0+$0x10C00] =	vst v0;
	v0 =	vadd.f32 v3, v1  }
0x5bb: {  	v1 =	vld [tilespmem:s21+$0xFF80]  }
0x5bc: {  	v0 =	vadd.f32 v2, v0  }
0x5bd: {  	v2 =	vld [tilespmem:s21+$0x10000]  }
0x5be: {  	v0 =	vadd.f32 v4, v0  }
0x5bf: {  	v3 =	vld [tilespmem:s21+$0x10080]  }
0x5c0: {  	v0 =	vadd.f32 v1, v0  }
0x5c1: {  	v1 =	vld [tilespmem:s21+$0x10100]  }
0x5c2: {  	v0 =	vadd.f32 v2, v0  }
0x5c3: {  	v2 =	vld [tilespmem:s21+$0x10180]  }
0x5c4: {  	v0 =	vadd.f32 v3, v0  }
0x5c5: {  	v3 =	vld [tilespmem:s21+$0x10200]  }
0x5c6: {  	v0 =	vadd.f32 v1, v0  }
0x5c7: {  	v1 =	vld [tilespmem:s21+$0x10280]  }
0x5c8: {  	v0 =	vadd.f32 v2, v0  }
0x5c9: {  	v2 =	vld [tilespmem:s21+$0x10300]  }
0x5ca: {  	v0 =	vadd.f32 v3, v0  }
0x5cb: {  	v3 =	vld [tilespmem:s21+$0x10380]  }
0x5cc: {  	v0 =	vadd.f32 v1, v0;
	_ =	sdelay $0x1  }
0x5cd: {  	v0 =	vadd.f32 v2, v0;
	_ =	sdelay $0x1  }
0x5ce: {  	v0 =	vadd.f32 v3, v0;
	_ =	sdelay $0x1  }
0x5cf: {  	[tilespmem:s21+$0x10C00] =	vst v0  }
0x5d0: {  	[hbm4b:s15+s2] =	stream.linear.scatter [tilespmem:s26], [sflag:$0x5], $0x800, $0x38;
	[tilespmem:$0x10C80] =	vst v63  }
0x5d1: {  	_ =	swait.ge [sflag:s18], $0x800  }
0x5d2: {  	[sflag:s18] =	ssyncset.done $0x0  }
0x5d3: {  	[sflag:s18] =	ssyncadd.s32 $0xFFFFF800  }
0x5d4: {  	[hbm4b:s16+s2] =	stream.linear.scatter [tilespmem:s28], [sflag:$0x5], $0x80, $0x38;
	[tilespmem:$0x10C80] =	vst v63  }
0x5d5: {  	_ =	swait.ge [sflag:s18], $0x80  }
0x5d6: {  	v21 =	vld [tilespmem:$0x1FE40]  }
0x5d7: {  	v2 =	vld [tilespmem:$0x1FE50]  }
0x5d8: {  	v23 =	vld [tilespmem:$0x1FE60]  }
0x5d9: {  	v24 =	vld [tilespmem:$0x1FE70]  }
0x5da: {  	v25 =	vld [tilespmem:$0x1FE80]  }
0x5db: {  	v26 =	vld [tilespmem:$0x1FE90]  }
0x5dc: {  	v27 =	vld [tilespmem:$0x1FEA0]  }
0x5dd: {  	v28 =	vld [tilespmem:$0x1FEB0]  }
0x5de: {  	v7 =	vld [tilespmem:$0x1FEC0]  }
0x5df: {  	v8 =	vld [tilespmem:$0x1FED0]  }
0x5e0: {  	v9 =	vld [tilespmem:$0x1FEE0]  }
0x5e1: {  	v10 =	vld [tilespmem:$0x1FEF0]  }
0x5e2: {  	v11 =	vld [tilespmem:$0x1FF00]  }
0x5e3: {  	v12 =	vld [tilespmem:$0x1FF10]  }
0x5e4: {  	v13 =	vld [tilespmem:$0x1FF20]  }
0x5e5: {  	v14 =	vld [tilespmem:$0x1FF30]  }
0x5e6: {  	v15 =	vld [tilespmem:$0x1FF40]  }
0x5e7: {  	v16 =	vld [tilespmem:$0x1FF50]  }
0x5e8: {  	v17 =	vld [tilespmem:$0x1FF60]  }
0x5e9: {  	s31 =	sadd.s32 $0x1, s31;
	v18 =	vld [tilespmem:$0x1FF70]  }
0x5ea: {  	p0 =	sne.s32 s31, s17;
	v20 =	vld [tilespmem:$0x1FF80]  }
.Ltmp8:
0x5eb: {  	v22 =	vld [tilespmem:$0x1FFA0];
	(pc) =	sbr.rel @p0 .LBB2_1-.Ltmp8, $4  }
0x5ec: {  	v53 =	vld [tilespmem:$0x1FFB0]  }
0x5ed: {  	v57 =	vld [tilespmem:$0x1FFC0]  }
0x5ee: {  	[sflag:s18] =	ssyncset.done $0x0;
	v58 =	vld [tilespmem:$0x1FFD0]  }
0x5ef: {  	v61 =	vld [tilespmem:$0x1FFE0];
	[sflag:s18] =	ssyncadd.s32 $0xFFFFFF80  }
0x5f0: {  	_ =	sfence.sel $0x180000  }
0x5f1: {  	[bflag:$0x0] =	sbarrier.arrive $0xFFFF  }
0x5f2: {  	_ =	strace $0x9000004A  }
0x5f3: {  	s0 =	stileid.u32;
	[bflag:$0x2] =	sbarrier.arrive $0xFFFF  }
0x5f4: {  	p0 =	sne.s32 s0, $0x0;
	s0 =	rddreg [dreg:$0x2]  }
0x5f5: {  	s0 =	sadd.s32 @!p0 $0x100000, s0  }
0x5f6: {  	[sflag:s0] =	ssyncadd.tile.s32 @!p0 $0x1;
	_ =	shalt  }
.Lfunc_end2:
_tile_overlayer_lowered:
.L_overlay_start_2:
0x5f7: {  	(tag) =	ssettag $0x2  }
0x5f8: {  	s0 =	rddreg [dreg:$0x0];
	s2 =	stileid.u32  }
0x5f9: {  	s1 =	rddreg [dreg:$0x1];
	p0 =	sne.s32 s2, $0x0  }
0x5fa: {  	s3 =	rddreg [dreg:$0x2];
	[bflag:$0x3] =	sbarrier.arrive $0xFFFF;
	s2 =	simm.s32 @!p0 $0x1C05  }
0x5fb: {  	[timem:s3], [sflag:s2] =	dma.local @!p0 [hbm:s0], s1  }
0x5fc: {  	s0 =	simm.s32 @!p0 $0x5  }
0x5fd: {  	_ =	swait.ge @!p0 [sflag:s0], s1  }
0x5fe: {  	s1 =	ssub.s32 @!p0 $0x0, s1;
	[sflag:s0] =	ssyncset.done @!p0 $0x0  }
0x5ff: {  	[sflag:s0] =	ssyncadd.s32 @!p0 s1  }
0x600: {  	[bflag:$0x3] =	sbarrier.arrive $0xFFFF  }
0x601: {  	_ =	shalt  }

</sc_bundles>
